<compile_context>
chip_gen: v7x
topology: tpu7x:2x2x1
jax: 0.10.2.dev20260603
libtpu: 0.0.44.dev20260713+nightly
codegen_flags: <defaults>
</compile_context>

<pallas_src>
import functools

import jax
import jax.numpy as jnp
from jax import lax
from jax.experimental import pallas as pl
from jax.experimental.pallas import tpu as pltpu
from jax.experimental.pallas import tpu_sc as plsc

N = 10000
E = 320000
D = 128
NC, NS, L = 2, 16, 16
NW = NC * NS
EPW = E // NW
K1 = 40
K2 = 80
ROWS_T = 624
TAIL = N - NS * ROWS_T
BN = 1000



def _tc1_body(x_ref, w_ref, pe_ref, pr_ref, hx_ref, rle_ref, mx_ref):
    i = pl.program_id(0)
    h = jnp.dot(x_ref[...], w_ref[...], preferred_element_type=jnp.float32)
    t = jnp.dot(h, pe_ref[...], preferred_element_type=jnp.float32)
    hx_ref[...] = jnp.concatenate([h, t], axis=1)
    rle_ref[...] = jnp.dot(h, pr_ref[...], preferred_element_type=jnp.float32)

    @pl.when(i == 0)
    def _():
        mx_ref[...] = jnp.full((1, L), -1e30, jnp.float32)

    mx_ref[...] = jnp.maximum(mx_ref[...], jnp.max(t, axis=0, keepdims=True))


def _tc_project(x, W, Pe, Pr):
    n, d = x.shape
    r = W.shape[1]
    return pl.pallas_call(
        _tc1_body,
        grid=(n // BN,),
        in_specs=[pl.BlockSpec((BN, d), lambda i: (i, 0)),
                  pl.BlockSpec((d, r), lambda i: (0, 0)),
                  pl.BlockSpec((r, L), lambda i: (0, 0)),
                  pl.BlockSpec((r, L), lambda i: (0, 0))],
        out_specs=[pl.BlockSpec((BN, r + L), lambda i: (i, 0)),
                   pl.BlockSpec((BN, L), lambda i: (i, 0)),
                   pl.BlockSpec((1, L), lambda i: (0, 0))],
        out_shape=[jax.ShapeDtypeStruct((n, r + L), jnp.float32),
                   jax.ShapeDtypeStruct((n, L), jnp.float32),
                   jax.ShapeDtypeStruct((1, L), jnp.float32)],
    )(x, W, Pe, Pr)


def _tc2_body(p_ref, w_ref, q_ref, b_ref, pe_ref, pr_ref,
              hx2_ref, rle_ref, mx_ref):
    i = pl.program_id(0)
    acc = p_ref[0] + p_ref[1]
    num = acc[:, :D]
    den = acc[:, D:]
    den128 = jnp.dot(den, q_ref[...], preferred_element_type=jnp.float32)
    x2 = num / (den128 + 1e-9) + b_ref[...]
    x2 = jnp.maximum(x2, 0.0)
    h2 = jnp.dot(x2, w_ref[...], preferred_element_type=jnp.float32)
    t = jnp.dot(h2, pe_ref[...], preferred_element_type=jnp.float32)
    hx2_ref[...] = jnp.concatenate([h2, t], axis=1)
    rle_ref[...] = jnp.dot(h2, pr_ref[...], preferred_element_type=jnp.float32)

    @pl.when(i == 0)
    def _():
        mx_ref[...] = jnp.full((1, L), -1e30, jnp.float32)

    mx_ref[...] = jnp.maximum(mx_ref[...], jnp.max(t, axis=0, keepdims=True))


def _tc_combine_project(outp, W2, Q, b1row, Pe, Pr):
    return pl.pallas_call(
        _tc2_body,
        grid=(N // BN,),
        in_specs=[pl.BlockSpec((NC, BN, D + L), lambda i: (0, i, 0)),
                  pl.BlockSpec((D, L), lambda i: (0, 0)),
                  pl.BlockSpec((L, D), lambda i: (0, 0)),
                  pl.BlockSpec((1, D), lambda i: (0, 0)),
                  pl.BlockSpec((L, L), lambda i: (0, 0)),
                  pl.BlockSpec((L, L), lambda i: (0, 0))],
        out_specs=[pl.BlockSpec((BN, 2 * L), lambda i: (i, 0)),
                   pl.BlockSpec((BN, L), lambda i: (i, 0)),
                   pl.BlockSpec((1, L), lambda i: (0, 0))],
        out_shape=[jax.ShapeDtypeStruct((N, 2 * L), jnp.float32),
                   jax.ShapeDtypeStruct((N, L), jnp.float32),
                   jax.ShapeDtypeStruct((1, L), jnp.float32)],
    )(outp, W2, Q, b1row, Pe, Pr)


def _tc3_body(p_ref, q2_ref, b_ref, o_ref):
    acc = p_ref[0] + p_ref[1]
    num = acc[:, :L]
    den = acc[:, L:]
    den16 = jnp.dot(den, q2_ref[...], preferred_element_type=jnp.float32)
    o_ref[...] = num / (den16 + 1e-9) + b_ref[...]


def _tc_finish(outp, Q2, b2row):
    return pl.pallas_call(
        _tc3_body,
        grid=(N // BN,),
        in_specs=[pl.BlockSpec((NC, BN, 2 * L), lambda i: (0, i, 0)),
                  pl.BlockSpec((L, L), lambda i: (0, 0)),
                  pl.BlockSpec((1, L), lambda i: (0, 0))],
        out_specs=pl.BlockSpec((BN, L), lambda i: (i, 0)),
        out_shape=jax.ShapeDtypeStruct((N, L), jnp.float32),
    )(outp, Q2, b2row)



_BCAST_DNUMS = lax.GatherDimensionNumbers(
    offset_dims=(), collapsed_slice_dims=(0,), start_index_map=(0,))


def _lane_bcast(v, j):
    idx = jnp.full((L, 1), j, jnp.int32)
    return lax.gather(v, idx, _BCAST_DNUMS, (1,),
                      mode=lax.GatherScatterMode.PROMISE_IN_BOUNDS)


def _rot8(v):
    idx = ((lax.iota(jnp.int32, L) + 8) & 15).reshape(L, 1)
    return lax.gather(v, idx, _BCAST_DNUMS, (1,),
                      mode=lax.GatherScatterMode.PROMISE_IN_BOUNDS)


def _make_edge_sweep(R, K, H):
    RC = R // L
    RW = R + L
    NB = EPW // K
    mesh = plsc.VectorSubcoreMesh(core_axis_name="c", subcore_axis_name="s")

    slot_types = (
        pltpu.VMEM((K,), jnp.int32),
        pltpu.VMEM((K, L), jnp.float32),
        pltpu.VMEM((K, RW), jnp.float32),
        pltpu.VMEM((K, RW), jnp.float32),
        pltpu.SemaphoreType.DMA,
        pltpu.SemaphoreType.DMA,
        pltpu.SemaphoreType.DMA,
    )

    @functools.partial(
        pl.kernel,
        out_type=jax.ShapeDtypeStruct((NC, N, RW), jnp.float32),
        mesh=mesh,
        compiler_params=pltpu.CompilerParams(use_tc_tiling_on_sc=False),
        scratch_types=(
            pltpu.VMEM_SHARED((N, RW), jnp.float32),
            pltpu.VMEM((L,), jnp.float32),
            pltpu.VMEM((NB, K), jnp.int32),
        ) + slot_types + slot_types,
    )
    def sweep(src_hbm, dst2_hbm, hx_hbm, rle_hbm, m_hbm,
              out_hbm,
              out_sp, m_v, dst_all, *slot_refs):
        ns = len(slot_types)
        slots = (slot_refs[:ns], slot_refs[ns:])
        cid = lax.axis_index("c")
        tid = lax.axis_index("s")
        wid = cid * NS + tid
        rbase = tid * ROWS_T

        ebase = wid * EPW
        pltpu.sync_copy(dst2_hbm.at[pl.ds(wid * NB, NB)], dst_all)

        zmsg = slots[0][3]

        def zo(i, c):
            for j in range(RW // L):
                zmsg[i, pl.ds(j * L, L)] = jnp.zeros((L,), jnp.float32)
            return c

        lax.fori_loop(0, K, zo, 0, unroll=4)
        for z in range(ROWS_T // K):
            pltpu.sync_copy(zmsg, out_sp.at[pl.ds(rbase + z * K, K)])
        rem = ROWS_T - (ROWS_T // K) * K
        pltpu.sync_copy(zmsg.at[pl.ds(0, rem)],
                        out_sp.at[pl.ds(rbase + ROWS_T - rem, rem)])

        @pl.when(tid == NS - 1)
        def _():
            tb = NS * ROWS_T
            pltpu.sync_copy(zmsg.at[pl.ds(0, TAIL)],
                            out_sp.at[pl.ds(tb, TAIL)])

        pltpu.sync_copy(m_hbm, m_v)
        plsc.subcore_barrier()

        lane = lax.iota(jnp.int32, L)
        headmask = lane < 8
        mx = m_v[...]
        ms = mx + _rot8(mx)
        ms = jnp.where(ms > 0, ms, 0.2 * ms)
        mvec = jnp.where(lane < H, ms, 1e30)

        def prefetch_src(s, b):
            src_v, _, _, _, semi, _, _ = slots[s]
            gb = pl.multiple_of(ebase + b * K, 8)
            pltpu.async_copy(src_hbm.at[pl.ds(gb, K)], src_v, semi)

        def issue_gathers(s, b):
            src_v, rled_v, rows_v, _, semi, semg, _ = slots[s]
            gb = pl.multiple_of(ebase + b * K, 8)
            pltpu.make_async_copy(src_hbm.at[pl.ds(gb, K)], src_v, semi).wait()
            pltpu.async_copy(rle_hbm.at[dst_all.at[b]], rled_v, semg)
            pltpu.async_copy(hx_hbm.at[src_v], rows_v, semg)

        def wait_gathers(s, b):
            src_v, rled_v, rows_v, _, _, semg, _ = slots[s]
            pltpu.make_async_copy(rle_hbm.at[dst_all.at[b]],
                                  rled_v, semg).wait()
            pltpu.make_async_copy(hx_hbm.at[src_v], rows_v, semg).wait()

        def wait_scatters(s, b):
            _, _, _, msg_v, _, _, sems = slots[s]
            pltpu.make_async_copy(msg_v, out_sp.at[dst_all.at[b]], sems).wait()

        def compute_and_scatter(s, b):
            _, rled_v, rows_v, msg_v, _, _, sems = slots[s]

            @plsc.parallel_loop(0, K, unroll=4)
            def _(k):
                e = rows_v[k, pl.ds(R, L)] + rled_v[k, :]
                e = jnp.where(e > 0, e, 0.2 * e)
                wrow = jnp.where(headmask, jnp.exp(e - mvec), 0.0)
                msg_v[k, pl.ds(R, L)] = wrow
                for j in range(RC):
                    msg_v[k, pl.ds(j * L, L)] = (
                        rows_v[k, pl.ds(j * L, L)] * _lane_bcast(wrow, j))

            pltpu.async_copy(msg_v, out_sp.at[dst_all.at[b]], sems, add=True)

        NPAIRS = NB // 2

        prefetch_src(0, 0)
        prefetch_src(1, 1)
        issue_gathers(0, 0)
        issue_gathers(1, 1)

        def pair(p, c):
            wait_gathers(0, 2 * p)

            @pl.when(2 * p + 2 < NB)
            def _():
                prefetch_src(0, 2 * p + 2)

            @pl.when(p > 0)
            def _():
                wait_scatters(0, 2 * p - 2)

            compute_and_scatter(0, 2 * p)

            @pl.when(2 * p + 2 < NB)
            def _():
                issue_gathers(0, 2 * p + 2)

            wait_gathers(1, 2 * p + 1)

            @pl.when(2 * p + 3 < NB)
            def _():
                prefetch_src(1, 2 * p + 3)

            @pl.when(p > 0)
            def _():
                wait_scatters(1, 2 * p - 1)

            compute_and_scatter(1, 2 * p + 1)

            @pl.when(2 * p + 3 < NB)
            def _():
                issue_gathers(1, 2 * p + 3)

            return c

        lax.fori_loop(0, NPAIRS, pair, 0)

        if NB % 2:
            wait_gathers(0, NB - 1)
            wait_scatters(0, NB - 3)
            compute_and_scatter(0, NB - 1)
            wait_scatters(0, NB - 1)
            wait_scatters(1, NB - 2)
        else:
            wait_scatters(0, NB - 2)
            wait_scatters(1, NB - 1)

        plsc.subcore_barrier()
        pltpu.sync_copy(out_sp.at[pl.ds(rbase, ROWS_T)],
                        out_hbm.at[cid, pl.ds(rbase, ROWS_T)])

        @pl.when(tid == NS - 1)
        def _():
            tb = NS * ROWS_T
            pltpu.sync_copy(out_sp.at[pl.ds(tb, TAIL)],
                            out_hbm.at[cid, pl.ds(tb, TAIL)])

    return sweep


_edge_sweep_128 = _make_edge_sweep(D, K1, 8)
_edge_sweep_16 = _make_edge_sweep(L, K2, 1)



def _pack(al, ar):
    H, Fo = al.shape
    eye = jnp.eye(H, 8, dtype=jnp.float32)
    a_el = (al[:, :, None] * eye[:, None, :]).reshape(H * Fo, 8)
    a_er = (ar[:, :, None] * eye[:, None, :]).reshape(H * Fo, 8)
    return (jnp.concatenate([a_el, a_er], 1).astype(jnp.float32),
            jnp.concatenate([a_er, a_el], 1).astype(jnp.float32))


def kernel(feats, edge_index, W1, al1, ar1, b1, W2, al2, ar2, b2):
    pe1, pr1 = _pack(al1, ar1)
    pe2, pr2 = _pack(al2, ar2)
    q = (jnp.eye(L, 8, dtype=jnp.float32)[:, :, None]
         * jnp.ones((1, 1, L), jnp.float32)).reshape(L, D)
    q2 = jnp.zeros((L, L), jnp.float32).at[0, :].set(1.0)

    src = edge_index[0]
    dst = edge_index[1]
    hx1, rle1, mx1 = _tc_project(feats, W1, pe1, pr1)
    out1p = _edge_sweep_128(src, dst.reshape(E // K1, K1), hx1, rle1,
                            mx1.reshape(L))

    hx2, rle2, mx2 = _tc_combine_project(
        out1p, W2, q, b1.reshape(1, D), pe2, pr2)
    out2p = _edge_sweep_16(src, dst.reshape(E // K2, K2), hx2, rle2,
                           mx2.reshape(L))

    return _tc_finish(out2p, q2, b2.reshape(1, L))

# --- scband reference (transcript-rebuilt; emitter-appended) ---
"""Pipeline reference for scband-gat-48258252537960 (READ-ONLY COPY).

The authoritative reference and input builder live on the scoring server;
editing this copy changes nothing except your own understanding.
"""

import jax, jax.numpy as jnp
import numpy as np

N = 10000
E = 320000
D = 128
H1 = 8
F1 = 16
F2 = 16


def setup_inputs(seed: int = 0) -> dict:
    key = jax.random.key(seed)
    ks = jax.random.split(key, 12)
    feats = jax.random.normal(ks[0], (N, D), dtype=jnp.float32)
    edge_index = jax.random.randint(ks[1], (2, E), 0, N, dtype=jnp.int32)
    W1 = jax.random.normal(ks[2], (D, H1 * F1), dtype=jnp.float32) * 0.1
    al1 = jax.random.normal(ks[3], (H1, F1), dtype=jnp.float32) * 0.1
    ar1 = jax.random.normal(ks[4], (H1, F1), dtype=jnp.float32) * 0.1
    b1 = jnp.zeros((H1 * F1,), dtype=jnp.float32)
    W2 = jax.random.normal(ks[5], (H1 * F1, 1 * F2), dtype=jnp.float32) * 0.1
    al2 = jax.random.normal(ks[6], (1, F2), dtype=jnp.float32) * 0.1
    ar2 = jax.random.normal(ks[7], (1, F2), dtype=jnp.float32) * 0.1
    b2 = jnp.zeros((1 * F2,), dtype=jnp.float32)
    return {"feats": feats, "edge_index": edge_index,
            "W1": W1, "al1": al1, "ar1": ar1, "b1": b1,
            "W2": W2, "al2": al2, "ar2": ar2, "b2": b2}


def _gat_layer(x, src, dst, W, al, ar, b, H, Fo):
    # linear projection -> [N, H, Fo]
    h = (x @ W).reshape(-1, H, Fo)
    # per-node attention terms (DGL GATConv style)
    el = (h * al[None, :, :]).sum(-1)  # [N, H]
    er = (h * ar[None, :, :]).sum(-1)  # [N, H]
    # per-edge logits, leaky_relu(negative_slope=0.2)
    e = el[src] + er[dst]  # [E, H]
    e = jnp.where(e > 0, e, 0.2 * e)
    # softmax over incoming edges of each dst node
    m = jax.ops.segment_max(e, dst, num_segments=N)
    m = jnp.where(jnp.isfinite(m), m, 0.0)
    a = jnp.exp(e - m[dst])
    denom = jax.ops.segment_sum(a, dst, num_segments=N)
    alpha = a / (denom[dst] + 1e-9)  # [E, H]
    # weighted message aggregation (scatter-add by dst)
    msg = h[src] * alpha[:, :, None]  # [E, H, Fo]
    out = jax.ops.segment_sum(msg, dst, num_segments=N)  # [N, H, Fo]
    return out + b.reshape(1, H, Fo)


def reference(feats, edge_index, W1, al1, ar1, b1, W2, al2, ar2, b2):
    src = edge_index[0]
    dst = edge_index[1]
    h = _gat_layer(feats, src, dst, W1, al1, ar1, b1, H1, F1)
    h = h.reshape(N, H1 * F1)  # flatten(1)
    h = jax.nn.relu(h)
    out = _gat_layer(h, src, dst, W2, al2, ar2, b2, 1, F2)
    out = out.mean(axis=1)  # mean over single head -> [N, F2]
    return out

if __name__ == "__main__":
    import jax
    _d = setup_inputs()
    print(jax.jit(kernel)(*tuple(_d.values())))

</pallas_src>

<mosaic_0001>
#map = affine_map<(d0, d1) -> (0)>
#map1 = affine_map<(d0, d1) -> (0, 0)>
#map2 = affine_map<(d0, d1) -> (0, 0, 0)>
module attributes {stable_mosaic.version = 14 : i64} {
  func.func @sweep(%arg0: i32, %arg1: i32, %arg2: memref<320000xi32, #tpu.memory_space<hbm>>, %arg3: memref<8000x40xi32, #tpu.memory_space<hbm>>, %arg4: memref<10000x144xf32, #tpu.memory_space<hbm>>, %arg5: memref<10000x16xf32, #tpu.memory_space<hbm>>, %arg6: memref<16xf32, #tpu.memory_space<hbm>>, %arg7: memref<2x10000x144xf32, #tpu.memory_space<hbm>>, %arg8: memref<10000x144xf32, #tpu.memory_space<vmem_shared>>, %arg9: memref<16xf32, #tpu.memory_space<vmem>>, %arg10: memref<250x40xi32, #tpu.memory_space<vmem>>, %arg11: memref<40xi32, #tpu.memory_space<vmem>>, %arg12: memref<40x16xf32, #tpu.memory_space<vmem>>, %arg13: memref<40x144xf32, #tpu.memory_space<vmem>>, %arg14: memref<40x144xf32, #tpu.memory_space<vmem>>, %arg15: memref<!tpu.dma_semaphore, #tpu.memory_space<semaphore_mem>>, %arg16: memref<!tpu.dma_semaphore, #tpu.memory_space<semaphore_mem>>, %arg17: memref<!tpu.dma_semaphore, #tpu.memory_space<semaphore_mem>>, %arg18: memref<40xi32, #tpu.memory_space<vmem>>, %arg19: memref<40x16xf32, #tpu.memory_space<vmem>>, %arg20: memref<40x144xf32, #tpu.memory_space<vmem>>, %arg21: memref<40x144xf32, #tpu.memory_space<vmem>>, %arg22: memref<!tpu.dma_semaphore, #tpu.memory_space<semaphore_mem>>, %arg23: memref<!tpu.dma_semaphore, #tpu.memory_space<semaphore_mem>>, %arg24: memref<!tpu.dma_semaphore, #tpu.memory_space<semaphore_mem>>) attributes {dimension_semantics = [#tpu.dimension_semantics<core_parallel>, #tpu.dimension_semantics<subcore_parallel>], iteration_bounds = array<i64: 2, 16>, scalar_prefetch = 0 : i64, scratch_operands = 17 : i64, tpu.core_type = #tpu.core_type<sc_vector_subcore>, window_params = [{transform_indices = #map}, {transform_indices = #map1}, {transform_indices = #map1}, {transform_indices = #map1}, {transform_indices = #map}, {transform_indices = #map2}]} {
    %mul3A = arith.constant 16 : i32
    %mul3A_0 = arith.muli %arg0, %mul3A : i32
    %add3A = arith.addi %mul3A_0, %arg1 : i32
    %mul3A_1 = arith.constant 624 : i32
    %mul3A_2 = arith.muli %arg1, %mul3A_1 : i32
    %mul3A_3 = arith.constant 10000 : i32
    %mul3A_4 = arith.muli %add3A, %mul3A_3 : i32
    %mul3A_5 = arith.constant 250 : i32
    %mul3A_6 = arith.muli %add3A, %mul3A_5 : i32
    "tpu.region"() ({
      %run_scoped3A = tpu.sem_alloc : memref<!tpu.dma_semaphore, #tpu.memory_space<semaphore_mem>>
      %dma_start3A_131 = arith.constant 0 : i32
      %dma_start3A_132 = tpu.memref_slice %arg3[%mul3A_6, %dma_start3A_131] : memref<8000x40xi32, #tpu.memory_space<hbm>> -> memref<250x40xi32, #tpu.memory_space<hbm>>
      %dma_start3A_133 = arith.constant 0 : i32
      %dma_start3A_134 = tpu.memref_slice %arg3[%mul3A_6, %dma_start3A_133] : memref<8000x40xi32, #tpu.memory_space<hbm>> -> memref<250x40xi32, #tpu.memory_space<hbm>>
      tpu.enqueue_dma source(%dma_start3A_134 : memref<250x40xi32, #tpu.memory_space<hbm>>) target(%arg10 : memref<250x40xi32, #tpu.memory_space<vmem>>) target_semaphore(%run_scoped3A : memref<!tpu.dma_semaphore, #tpu.memory_space<semaphore_mem>>)
      %dma_wait3A_135 = arith.constant 0 : i32
      %dma_wait3A_136 = tpu.memref_slice %arg3[%mul3A_6, %dma_wait3A_135] : memref<8000x40xi32, #tpu.memory_space<hbm>> -> memref<250x40xi32, #tpu.memory_space<hbm>>
      %dma_wait3A_137 = arith.constant 0 : i32
      %dma_wait3A_138 = tpu.memref_slice %arg3[%mul3A_6, %dma_wait3A_137] : memref<8000x40xi32, #tpu.memory_space<hbm>> -> memref<250x40xi32, #tpu.memory_space<hbm>>
      tpu.wait_dma2 semaphore(%run_scoped3A : memref<!tpu.dma_semaphore, #tpu.memory_space<semaphore_mem>>) src(%dma_wait3A_138 : memref<250x40xi32, #tpu.memory_space<hbm>>) dst(%arg10 : memref<250x40xi32, #tpu.memory_space<vmem>>)
      tpu.yield
    }) : () -> ()
    %scan3A = arith.constant 0 : i32
    %scan3A_7 = arith.constant 0 : i32
    %scan3A_8 = arith.constant 40 : i32
    %scan3A_9 = arith.addi %scan3A_7, %scan3A_8 : i32
    %scan3A_10 = arith.constant 4 : i32
    scf.for %scan3A_131 = %scan3A_7 to %scan3A_9 step %scan3A_10  : i32 {
      %broadcast_in_dim3A_132 = arith.constant 0.000000e+00 : f32
      %broadcast_in_dim3A_133 = vector.broadcast %broadcast_in_dim3A_132 : f32 to vector<16xf32>
      %swap3A = arith.index_cast %scan3A_131 : i32 to index
      %swap3A_134 = arith.constant 0 : index
      %swap3A_135 = tpu.vector_load %arg14[%swap3A, %swap3A_134] {strides = array<i32>} : memref<40x144xf32, #tpu.memory_space<vmem>>, vector<1x16xf32>,
      %swap3A_136 = vector.shape_cast %swap3A_135 : vector<1x16xf32> to vector<16xf32>
      %swap3A_137 = vector.shape_cast %broadcast_in_dim3A_133 : vector<16xf32> to vector<1x16xf32>
      tpu.vector_store %arg14[%swap3A, %swap3A_134], %swap3A_137 {strides = array<i32>} : memref<40x144xf32, #tpu.memory_space<vmem>>, vector<1x16xf32>,
      %broadcast_in_dim3A_138 = arith.constant 0.000000e+00 : f32
      %broadcast_in_dim3A_139 = vector.broadcast %broadcast_in_dim3A_138 : f32 to vector<16xf32>
      %swap3A_140 = arith.index_cast %scan3A_131 : i32 to index
      %swap3A_141 = arith.constant 16 : index
      %swap3A_142 = tpu.vector_load %arg14[%swap3A_140, %swap3A_141] {strides = array<i32>} : memref<40x144xf32, #tpu.memory_space<vmem>>, vector<1x16xf32>,
      %swap3A_143 = vector.shape_cast %swap3A_142 : vector<1x16xf32> to vector<16xf32>
      %swap3A_144 = vector.shape_cast %broadcast_in_dim3A_139 : vector<16xf32> to vector<1x16xf32>
      tpu.vector_store %arg14[%swap3A_140, %swap3A_141], %swap3A_144 {strides = array<i32>} : memref<40x144xf32, #tpu.memory_space<vmem>>, vector<1x16xf32>,
      %broadcast_in_dim3A_145 = arith.constant 0.000000e+00 : f32
      %broadcast_in_dim3A_146 = vector.broadcast %broadcast_in_dim3A_145 : f32 to vector<16xf32>
      %swap3A_147 = arith.index_cast %scan3A_131 : i32 to index
      %swap3A_148 = arith.constant 32 : index
      %swap3A_149 = tpu.vector_load %arg14[%swap3A_147, %swap3A_148] {strides = array<i32>} : memref<40x144xf32, #tpu.memory_space<vmem>>, vector<1x16xf32>,
      %swap3A_150 = vector.shape_cast %swap3A_149 : vector<1x16xf32> to vector<16xf32>
      %swap3A_151 = vector.shape_cast %broadcast_in_dim3A_146 : vector<16xf32> to vector<1x16xf32>
      tpu.vector_store %arg14[%swap3A_147, %swap3A_148], %swap3A_151 {strides = array<i32>} : memref<40x144xf32, #tpu.memory_space<vmem>>, vector<1x16xf32>,
      %broadcast_in_dim3A_152 = arith.constant 0.000000e+00 : f32
      %broadcast_in_dim3A_153 = vector.broadcast %broadcast_in_dim3A_152 : f32 to vector<16xf32>
      %swap3A_154 = arith.index_cast %scan3A_131 : i32 to index
      %swap3A_155 = arith.constant 48 : index
      %swap3A_156 = tpu.vector_load %arg14[%swap3A_154, %swap3A_155] {strides = array<i32>} : memref<40x144xf32, #tpu.memory_space<vmem>>, vector<1x16xf32>,
      %swap3A_157 = vector.shape_cast %swap3A_156 : vector<1x16xf32> to vector<16xf32>
      %swap3A_158 = vector.shape_cast %broadcast_in_dim3A_153 : vector<16xf32> to vector<1x16xf32>
      tpu.vector_store %arg14[%swap3A_154, %swap3A_155], %swap3A_158 {strides = array<i32>} : memref<40x144xf32, #tpu.memory_space<vmem>>, vector<1x16xf32>,
      %broadcast_in_dim3A_159 = arith.constant 0.000000e+00 : f32
      %broadcast_in_dim3A_160 = vector.broadcast %broadcast_in_dim3A_159 : f32 to vector<16xf32>
      %swap3A_161 = arith.index_cast %scan3A_131 : i32 to index
      %swap3A_162 = arith.constant 64 : index
      %swap3A_163 = tpu.vector_load %arg14[%swap3A_161, %swap3A_162] {strides = array<i32>} : memref<40x144xf32, #tpu.memory_space<vmem>>, vector<1x16xf32>,
      %swap3A_164 = vector.shape_cast %swap3A_163 : vector<1x16xf32> to vector<16xf32>
      %swap3A_165 = vector.shape_cast %broadcast_in_dim3A_160 : vector<16xf32> to vector<1x16xf32>
      tpu.vector_store %arg14[%swap3A_161, %swap3A_162], %swap3A_165 {strides = array<i32>} : memref<40x144xf32, #tpu.memory_space<vmem>>, vector<1x16xf32>,
      %broadcast_in_dim3A_166 = arith.constant 0.000000e+00 : f32
      %broadcast_in_dim3A_167 = vector.broadcast %broadcast_in_dim3A_166 : f32 to vector<16xf32>
      %swap3A_168 = arith.index_cast %scan3A_131 : i32 to index
      %swap3A_169 = arith.constant 80 : index
      %swap3A_170 = tpu.vector_load %arg14[%swap3A_168, %swap3A_169] {strides = array<i32>} : memref<40x144xf32, #tpu.memory_space<vmem>>, vector<1x16xf32>,
      %swap3A_171 = vector.shape_cast %swap3A_170 : vector<1x16xf32> to vector<16xf32>
      %swap3A_172 = vector.shape_cast %broadcast_in_dim3A_167 : vector<16xf32> to vector<1x16xf32>
      tpu.vector_store %arg14[%swap3A_168, %swap3A_169], %swap3A_172 {strides = array<i32>} : memref<40x144xf32, #tpu.memory_space<vmem>>, vector<1x16xf32>,
      %broadcast_in_dim3A_173 = arith.constant 0.000000e+00 : f32
      %broadcast_in_dim3A_174 = vector.broadcast %broadcast_in_dim3A_173 : f32 to vector<16xf32>
      %swap3A_175 = arith.index_cast %scan3A_131 : i32 to index
      %swap3A_176 = arith.constant 96 : index
      %swap3A_177 = tpu.vector_load %arg14[%swap3A_175, %swap3A_176] {strides = array<i32>} : memref<40x144xf32, #tpu.memory_space<vmem>>, vector<1x16xf32>,
      %swap3A_178 = vector.shape_cast %swap3A_177 : vector<1x16xf32> to vector<16xf32>
      %swap3A_179 = vector.shape_cast %broadcast_in_dim3A_174 : vector<16xf32> to vector<1x16xf32>
      tpu.vector_store %arg14[%swap3A_175, %swap3A_176], %swap3A_179 {strides = array<i32>} : memref<40x144xf32, #tpu.memory_space<vmem>>, vector<1x16xf32>,
      %broadcast_in_dim3A_180 = arith.constant 0.000000e+00 : f32
      %broadcast_in_dim3A_181 = vector.broadcast %broadcast_in_dim3A_180 : f32 to vector<16xf32>
      %swap3A_182 = arith.index_cast %scan3A_131 : i32 to index
      %swap3A_183 = arith.constant 112 : index
      %swap3A_184 = tpu.vector_load %arg14[%swap3A_182, %swap3A_183] {strides = array<i32>} : memref<40x144xf32, #tpu.memory_space<vmem>>, vector<1x16xf32>,
      %swap3A_185 = vector.shape_cast %swap3A_184 : vector<1x16xf32> to vector<16xf32>
      %swap3A_186 = vector.shape_cast %broadcast_in_dim3A_181 : vector<16xf32> to vector<1x16xf32>
      tpu.vector_store %arg14[%swap3A_182, %swap3A_183], %swap3A_186 {strides = array<i32>} : memref<40x144xf32, #tpu.memory_space<vmem>>, vector<1x16xf32>,
      %broadcast_in_dim3A_187 = arith.constant 0.000000e+00 : f32
      %broadcast_in_dim3A_188 = vector.broadcast %broadcast_in_dim3A_187 : f32 to vector<16xf32>
      %swap3A_189 = arith.index_cast %scan3A_131 : i32 to index
      %swap3A_190 = arith.constant 128 : index
      %swap3A_191 = tpu.vector_load %arg14[%swap3A_189, %swap3A_190] {strides = array<i32>} : memref<40x144xf32, #tpu.memory_space<vmem>>, vector<1x16xf32>,
      %swap3A_192 = vector.shape_cast %swap3A_191 : vector<1x16xf32> to vector<16xf32>
      %swap3A_193 = vector.shape_cast %broadcast_in_dim3A_188 : vector<16xf32> to vector<1x16xf32>
      tpu.vector_store %arg14[%swap3A_189, %swap3A_190], %swap3A_193 {strides = array<i32>} : memref<40x144xf32, #tpu.memory_space<vmem>>, vector<1x16xf32>,
      %scan3A_194 = arith.constant 1 : i32
      %scan3A_195 = arith.addi %scan3A_131, %scan3A_194 : i32
      %broadcast_in_dim3A_196 = arith.constant 0.000000e+00 : f32
      %broadcast_in_dim3A_197 = vector.broadcast %broadcast_in_dim3A_196 : f32 to vector<16xf32>
      %swap3A_198 = arith.index_cast %scan3A_195 : i32 to index
      %swap3A_199 = arith.constant 0 : index
      %swap3A_200 = tpu.vector_load %arg14[%swap3A_198, %swap3A_199] {strides = array<i32>} : memref<40x144xf32, #tpu.memory_space<vmem>>, vector<1x16xf32>,
      %swap3A_201 = vector.shape_cast %swap3A_200 : vector<1x16xf32> to vector<16xf32>
      %swap3A_202 = vector.shape_cast %broadcast_in_dim3A_197 : vector<16xf32> to vector<1x16xf32>
      tpu.vector_store %arg14[%swap3A_198, %swap3A_199], %swap3A_202 {strides = array<i32>} : memref<40x144xf32, #tpu.memory_space<vmem>>, vector<1x16xf32>,
      %broadcast_in_dim3A_203 = arith.constant 0.000000e+00 : f32
      %broadcast_in_dim3A_204 = vector.broadcast %broadcast_in_dim3A_203 : f32 to vector<16xf32>
      %swap3A_205 = arith.index_cast %scan3A_195 : i32 to index
      %swap3A_206 = arith.constant 16 : index
      %swap3A_207 = tpu.vector_load %arg14[%swap3A_205, %swap3A_206] {strides = array<i32>} : memref<40x144xf32, #tpu.memory_space<vmem>>, vector<1x16xf32>,
      %swap3A_208 = vector.shape_cast %swap3A_207 : vector<1x16xf32> to vector<16xf32>
      %swap3A_209 = vector.shape_cast %broadcast_in_dim3A_204 : vector<16xf32> to vector<1x16xf32>
      tpu.vector_store %arg14[%swap3A_205, %swap3A_206], %swap3A_209 {strides = array<i32>} : memref<40x144xf32, #tpu.memory_space<vmem>>, vector<1x16xf32>,
      %broadcast_in_dim3A_210 = arith.constant 0.000000e+00 : f32
      %broadcast_in_dim3A_211 = vector.broadcast %broadcast_in_dim3A_210 : f32 to vector<16xf32>
      %swap3A_212 = arith.index_cast %scan3A_195 : i32 to index
      %swap3A_213 = arith.constant 32 : index
      %swap3A_214 = tpu.vector_load %arg14[%swap3A_212, %swap3A_213] {strides = array<i32>} : memref<40x144xf32, #tpu.memory_space<vmem>>, vector<1x16xf32>,
      %swap3A_215 = vector.shape_cast %swap3A_214 : vector<1x16xf32> to vector<16xf32>
      %swap3A_216 = vector.shape_cast %broadcast_in_dim3A_211 : vector<16xf32> to vector<1x16xf32>
      tpu.vector_store %arg14[%swap3A_212, %swap3A_213], %swap3A_216 {strides = array<i32>} : memref<40x144xf32, #tpu.memory_space<vmem>>, vector<1x16xf32>,
      %broadcast_in_dim3A_217 = arith.constant 0.000000e+00 : f32
      %broadcast_in_dim3A_218 = vector.broadcast %broadcast_in_dim3A_217 : f32 to vector<16xf32>
      %swap3A_219 = arith.index_cast %scan3A_195 : i32 to index
      %swap3A_220 = arith.constant 48 : index
      %swap3A_221 = tpu.vector_load %arg14[%swap3A_219, %swap3A_220] {strides = array<i32>} : memref<40x144xf32, #tpu.memory_space<vmem>>, vector<1x16xf32>,
      %swap3A_222 = vector.shape_cast %swap3A_221 : vector<1x16xf32> to vector<16xf32>
      %swap3A_223 = vector.shape_cast %broadcast_in_dim3A_218 : vector<16xf32> to vector<1x16xf32>
      tpu.vector_store %arg14[%swap3A_219, %swap3A_220], %swap3A_223 {strides = array<i32>} : memref<40x144xf32, #tpu.memory_space<vmem>>, vector<1x16xf32>,
      %broadcast_in_dim3A_224 = arith.constant 0.000000e+00 : f32
      %broadcast_in_dim3A_225 = vector.broadcast %broadcast_in_dim3A_224 : f32 to vector<16xf32>
      %swap3A_226 = arith.index_cast %scan3A_195 : i32 to index
      %swap3A_227 = arith.constant 64 : index
      %swap3A_228 = tpu.vector_load %arg14[%swap3A_226, %swap3A_227] {strides = array<i32>} : memref<40x144xf32, #tpu.memory_space<vmem>>, vector<1x16xf32>,
      %swap3A_229 = vector.shape_cast %swap3A_228 : vector<1x16xf32> to vector<16xf32>
      %swap3A_230 = vector.shape_cast %broadcast_in_dim3A_225 : vector<16xf32> to vector<1x16xf32>
      tpu.vector_store %arg14[%swap3A_226, %swap3A_227], %swap3A_230 {strides = array<i32>} : memref<40x144xf32, #tpu.memory_space<vmem>>, vector<1x16xf32>,
      %broadcast_in_dim3A_231 = arith.constant 0.000000e+00 : f32
      %broadcast_in_dim3A_232 = vector.broadcast %broadcast_in_dim3A_231 : f32 to vector<16xf32>
      %swap3A_233 = arith.index_cast %scan3A_195 : i32 to index
      %swap3A_234 = arith.constant 80 : index
      %swap3A_235 = tpu.vector_load %arg14[%swap3A_233, %swap3A_234] {strides = array<i32>} : memref<40x144xf32, #tpu.memory_space<vmem>>, vector<1x16xf32>,
      %swap3A_236 = vector.shape_cast %swap3A_235 : vector<1x16xf32> to vector<16xf32>
      %swap3A_237 = vector.shape_cast %broadcast_in_dim3A_232 : vector<16xf32> to vector<1x16xf32>
      tpu.vector_store %arg14[%swap3A_233, %swap3A_234], %swap3A_237 {strides = array<i32>} : memref<40x144xf32, #tpu.memory_space<vmem>>, vector<1x16xf32>,
      %broadcast_in_dim3A_238 = arith.constant 0.000000e+00 : f32
      %broadcast_in_dim3A_239 = vector.broadcast %broadcast_in_dim3A_238 : f32 to vector<16xf32>
      %swap3A_240 = arith.index_cast %scan3A_195 : i32 to index
      %swap3A_241 = arith.constant 96 : index
      %swap3A_242 = tpu.vector_load %arg14[%swap3A_240, %swap3A_241] {strides = array<i32>} : memref<40x144xf32, #tpu.memory_space<vmem>>, vector<1x16xf32>,
      %swap3A_243 = vector.shape_cast %swap3A_242 : vector<1x16xf32> to vector<16xf32>
      %swap3A_244 = vector.shape_cast %broadcast_in_dim3A_239 : vector<16xf32> to vector<1x16xf32>
      tpu.vector_store %arg14[%swap3A_240, %swap3A_241], %swap3A_244 {strides = array<i32>} : memref<40x144xf32, #tpu.memory_space<vmem>>, vector<1x16xf32>,
      %broadcast_in_dim3A_245 = arith.constant 0.000000e+00 : f32
      %broadcast_in_dim3A_246 = vector.broadcast %broadcast_in_dim3A_245 : f32 to vector<16xf32>
      %swap3A_247 = arith.index_cast %scan3A_195 : i32 to index
      %swap3A_248 = arith.constant 112 : index
      %swap3A_249 = tpu.vector_load %arg14[%swap3A_247, %swap3A_248] {strides = array<i32>} : memref<40x144xf32, #tpu.memory_space<vmem>>, vector<1x16xf32>,
      %swap3A_250 = vector.shape_cast %swap3A_249 : vector<1x16xf32> to vector<16xf32>
      %swap3A_251 = vector.shape_cast %broadcast_in_dim3A_246 : vector<16xf32> to vector<1x16xf32>
      tpu.vector_store %arg14[%swap3A_247, %swap3A_248], %swap3A_251 {strides = array<i32>} : memref<40x144xf32, #tpu.memory_space<vmem>>, vector<1x16xf32>,
      %broadcast_in_dim3A_252 = arith.constant 0.000000e+00 : f32
      %broadcast_in_dim3A_253 = vector.broadcast %broadcast_in_dim3A_252 : f32 to vector<16xf32>
      %swap3A_254 = arith.index_cast %scan3A_195 : i32 to index
      %swap3A_255 = arith.constant 128 : index
      %swap3A_256 = tpu.vector_load %arg14[%swap3A_254, %swap3A_255] {strides = array<i32>} : memref<40x144xf32, #tpu.memory_space<vmem>>, vector<1x16xf32>,
      %swap3A_257 = vector.shape_cast %swap3A_256 : vector<1x16xf32> to vector<16xf32>
      %swap3A_258 = vector.shape_cast %broadcast_in_dim3A_253 : vector<16xf32> to vector<1x16xf32>
      tpu.vector_store %arg14[%swap3A_254, %swap3A_255], %swap3A_258 {strides = array<i32>} : memref<40x144xf32, #tpu.memory_space<vmem>>, vector<1x16xf32>,
      %scan3A_259 = arith.constant 2 : i32
      %scan3A_260 = arith.addi %scan3A_131, %scan3A_259 : i32
      %broadcast_in_dim3A_261 = arith.constant 0.000000e+00 : f32
      %broadcast_in_dim3A_262 = vector.broadcast %broadcast_in_dim3A_261 : f32 to vector<16xf32>
      %swap3A_263 = arith.index_cast %scan3A_260 : i32 to index
      %swap3A_264 = arith.constant 0 : index
      %swap3A_265 = tpu.vector_load %arg14[%swap3A_263, %swap3A_264] {strides = array<i32>} : memref<40x144xf32, #tpu.memory_space<vmem>>, vector<1x16xf32>,
      %swap3A_266 = vector.shape_cast %swap3A_265 : vector<1x16xf32> to vector<16xf32>
      %swap3A_267 = vector.shape_cast %broadcast_in_dim3A_262 : vector<16xf32> to vector<1x16xf32>
      tpu.vector_store %arg14[%swap3A_263, %swap3A_264], %swap3A_267 {strides = array<i32>} : memref<40x144xf32, #tpu.memory_space<vmem>>, vector<1x16xf32>,
      %broadcast_in_dim3A_268 = arith.constant 0.000000e+00 : f32
      %broadcast_in_dim3A_269 = vector.broadcast %broadcast_in_dim3A_268 : f32 to vector<16xf32>
      %swap3A_270 = arith.index_cast %scan3A_260 : i32 to index
      %swap3A_271 = arith.constant 16 : index
      %swap3A_272 = tpu.vector_load %arg14[%swap3A_270, %swap3A_271] {strides = array<i32>} : memref<40x144xf32, #tpu.memory_space<vmem>>, vector<1x16xf32>,
      %swap3A_273 = vector.shape_cast %swap3A_272 : vector<1x16xf32> to vector<16xf32>
      %swap3A_274 = vector.shape_cast %broadcast_in_dim3A_269 : vector<16xf32> to vector<1x16xf32>
      tpu.vector_store %arg14[%swap3A_270, %swap3A_271], %swap3A_274 {strides = array<i32>} : memref<40x144xf32, #tpu.memory_space<vmem>>, vector<1x16xf32>,
      %broadcast_in_dim3A_275 = arith.constant 0.000000e+00 : f32
      %broadcast_in_dim3A_276 = vector.broadcast %broadcast_in_dim3A_275 : f32 to vector<16xf32>
      %swap3A_277 = arith.index_cast %scan3A_260 : i32 to index
      %swap3A_278 = arith.constant 32 : index
      %swap3A_279 = tpu.vector_load %arg14[%swap3A_277, %swap3A_278] {strides = array<i32>} : memref<40x144xf32, #tpu.memory_space<vmem>>, vector<1x16xf32>,
      %swap3A_280 = vector.shape_cast %swap3A_279 : vector<1x16xf32> to vector<16xf32>
      %swap3A_281 = vector.shape_cast %broadcast_in_dim3A_276 : vector<16xf32> to vector<1x16xf32>
      tpu.vector_store %arg14[%swap3A_277, %swap3A_278], %swap3A_281 {strides = array<i32>} : memref<40x144xf32, #tpu.memory_space<vmem>>, vector<1x16xf32>,
      %broadcast_in_dim3A_282 = arith.constant 0.000000e+00 : f32
      %broadcast_in_dim3A_283 = vector.broadcast %broadcast_in_dim3A_282 : f32 to vector<16xf32>
      %swap3A_284 = arith.index_cast %scan3A_260 : i32 to index
      %swap3A_285 = arith.constant 48 : index
      %swap3A_286 = tpu.vector_load %arg14[%swap3A_284, %swap3A_285] {strides = array<i32>} : memref<40x144xf32, #tpu.memory_space<vmem>>, vector<1x16xf32>,
      %swap3A_287 = vector.shape_cast %swap3A_286 : vector<1x16xf32> to vector<16xf32>
      %swap3A_288 = vector.shape_cast %broadcast_in_dim3A_283 : vector<16xf32> to vector<1x16xf32>
      tpu.vector_store %arg14[%swap3A_284, %swap3A_285], %swap3A_288 {strides = array<i32>} : memref<40x144xf32, #tpu.memory_space<vmem>>, vector<1x16xf32>,
      %broadcast_in_dim3A_289 = arith.constant 0.000000e+00 : f32
      %broadcast_in_dim3A_290 = vector.broadcast %broadcast_in_dim3A_289 : f32 to vector<16xf32>
      %swap3A_291 = arith.index_cast %scan3A_260 : i32 to index
      %swap3A_292 = arith.constant 64 : index
      %swap3A_293 = tpu.vector_load %arg14[%swap3A_291, %swap3A_292] {strides = array<i32>} : memref<40x144xf32, #tpu.memory_space<vmem>>, vector<1x16xf32>,
      %swap3A_294 = vector.shape_cast %swap3A_293 : vector<1x16xf32> to vector<16xf32>
      %swap3A_295 = vector.shape_cast %broadcast_in_dim3A_290 : vector<16xf32> to vector<1x16xf32>
      tpu.vector_store %arg14[%swap3A_291, %swap3A_292], %swap3A_295 {strides = array<i32>} : memref<40x144xf32, #tpu.memory_space<vmem>>, vector<1x16xf32>,
      %broadcast_in_dim3A_296 = arith.constant 0.000000e+00 : f32
      %broadcast_in_dim3A_297 = vector.broadcast %broadcast_in_dim3A_296 : f32 to vector<16xf32>
      %swap3A_298 = arith.index_cast %scan3A_260 : i32 to index
      %swap3A_299 = arith.constant 80 : index
      %swap3A_300 = tpu.vector_load %arg14[%swap3A_298, %swap3A_299] {strides = array<i32>} : memref<40x144xf32, #tpu.memory_space<vmem>>, vector<1x16xf32>,
      %swap3A_301 = vector.shape_cast %swap3A_300 : vector<1x16xf32> to vector<16xf32>
      %swap3A_302 = vector.shape_cast %broadcast_in_dim3A_297 : vector<16xf32> to vector<1x16xf32>
      tpu.vector_store %arg14[%swap3A_298, %swap3A_299], %swap3A_302 {strides = array<i32>} : memref<40x144xf32, #tpu.memory_space<vmem>>, vector<1x16xf32>,
      %broadcast_in_dim3A_303 = arith.constant 0.000000e+00 : f32
      %broadcast_in_dim3A_304 = vector.broadcast %broadcast_in_dim3A_303 : f32 to vector<16xf32>
      %swap3A_305 = arith.index_cast %scan3A_260 : i32 to index
      %swap3A_306 = arith.constant 96 : index
      %swap3A_307 = tpu.vector_load %arg14[%swap3A_305, %swap3A_306] {strides = array<i32>} : memref<40x144xf32, #tpu.memory_space<vmem>>, vector<1x16xf32>,
      %swap3A_308 = vector.shape_cast %swap3A_307 : vector<1x16xf32> to vector<16xf32>
      %swap3A_309 = vector.shape_cast %broadcast_in_dim3A_304 : vector<16xf32> to vector<1x16xf32>
      tpu.vector_store %arg14[%swap3A_305, %swap3A_306], %swap3A_309 {strides = array<i32>} : memref<40x144xf32, #tpu.memory_space<vmem>>, vector<1x16xf32>,
      %broadcast_in_dim3A_310 = arith.constant 0.000000e+00 : f32
      %broadcast_in_dim3A_311 = vector.broadcast %broadcast_in_dim3A_310 : f32 to vector<16xf32>
      %swap3A_312 = arith.index_cast %scan3A_260 : i32 to index
      %swap3A_313 = arith.constant 112 : index
      %swap3A_314 = tpu.vector_load %arg14[%swap3A_312, %swap3A_313] {strides = array<i32>} : memref<40x144xf32, #tpu.memory_space<vmem>>, vector<1x16xf32>,
      %swap3A_315 = vector.shape_cast %swap3A_314 : vector<1x16xf32> to vector<16xf32>
      %swap3A_316 = vector.shape_cast %broadcast_in_dim3A_311 : vector<16xf32> to vector<1x16xf32>
      tpu.vector_store %arg14[%swap3A_312, %swap3A_313], %swap3A_316 {strides = array<i32>} : memref<40x144xf32, #tpu.memory_space<vmem>>, vector<1x16xf32>,
      %broadcast_in_dim3A_317 = arith.constant 0.000000e+00 : f32
      %broadcast_in_dim3A_318 = vector.broadcast %broadcast_in_dim3A_317 : f32 to vector<16xf32>
      %swap3A_319 = arith.index_cast %scan3A_260 : i32 to index
      %swap3A_320 = arith.constant 128 : index
      %swap3A_321 = tpu.vector_load %arg14[%swap3A_319, %swap3A_320] {strides = array<i32>} : memref<40x144xf32, #tpu.memory_space<vmem>>, vector<1x16xf32>,
      %swap3A_322 = vector.shape_cast %swap3A_321 : vector<1x16xf32> to vector<16xf32>
      %swap3A_323 = vector.shape_cast %broadcast_in_dim3A_318 : vector<16xf32> to vector<1x16xf32>
      tpu.vector_store %arg14[%swap3A_319, %swap3A_320], %swap3A_323 {strides = array<i32>} : memref<40x144xf32, #tpu.memory_space<vmem>>, vector<1x16xf32>,
      %scan3A_324 = arith.constant 3 : i32
      %scan3A_325 = arith.addi %scan3A_131, %scan3A_324 : i32
      %broadcast_in_dim3A_326 = arith.constant 0.000000e+00 : f32
      %broadcast_in_dim3A_327 = vector.broadcast %broadcast_in_dim3A_326 : f32 to vector<16xf32>
      %swap3A_328 = arith.index_cast %scan3A_325 : i32 to index
      %swap3A_329 = arith.constant 0 : index
      %swap3A_330 = tpu.vector_load %arg14[%swap3A_328, %swap3A_329] {strides = array<i32>} : memref<40x144xf32, #tpu.memory_space<vmem>>, vector<1x16xf32>,
      %swap3A_331 = vector.shape_cast %swap3A_330 : vector<1x16xf32> to vector<16xf32>
      %swap3A_332 = vector.shape_cast %broadcast_in_dim3A_327 : vector<16xf32> to vector<1x16xf32>
      tpu.vector_store %arg14[%swap3A_328, %swap3A_329], %swap3A_332 {strides = array<i32>} : memref<40x144xf32, #tpu.memory_space<vmem>>, vector<1x16xf32>,
      %broadcast_in_dim3A_333 = arith.constant 0.000000e+00 : f32
      %broadcast_in_dim3A_334 = vector.broadcast %broadcast_in_dim3A_333 : f32 to vector<16xf32>
      %swap3A_335 = arith.index_cast %scan3A_325 : i32 to index
      %swap3A_336 = arith.constant 16 : index
      %swap3A_337 = tpu.vector_load %arg14[%swap3A_335, %swap3A_336] {strides = array<i32>} : memref<40x144xf32, #tpu.memory_space<vmem>>, vector<1x16xf32>,
      %swap3A_338 = vector.shape_cast %swap3A_337 : vector<1x16xf32> to vector<16xf32>
      %swap3A_339 = vector.shape_cast %broadcast_in_dim3A_334 : vector<16xf32> to vector<1x16xf32>
      tpu.vector_store %arg14[%swap3A_335, %swap3A_336], %swap3A_339 {strides = array<i32>} : memref<40x144xf32, #tpu.memory_space<vmem>>, vector<1x16xf32>,
      %broadcast_in_dim3A_340 = arith.constant 0.000000e+00 : f32
      %broadcast_in_dim3A_341 = vector.broadcast %broadcast_in_dim3A_340 : f32 to vector<16xf32>
      %swap3A_342 = arith.index_cast %scan3A_325 : i32 to index
      %swap3A_343 = arith.constant 32 : index
      %swap3A_344 = tpu.vector_load %arg14[%swap3A_342, %swap3A_343] {strides = array<i32>} : memref<40x144xf32, #tpu.memory_space<vmem>>, vector<1x16xf32>,
      %swap3A_345 = vector.shape_cast %swap3A_344 : vector<1x16xf32> to vector<16xf32>
      %swap3A_346 = vector.shape_cast %broadcast_in_dim3A_341 : vector<16xf32> to vector<1x16xf32>
      tpu.vector_store %arg14[%swap3A_342, %swap3A_343], %swap3A_346 {strides = array<i32>} : memref<40x144xf32, #tpu.memory_space<vmem>>, vector<1x16xf32>,
      %broadcast_in_dim3A_347 = arith.constant 0.000000e+00 : f32
      %broadcast_in_dim3A_348 = vector.broadcast %broadcast_in_dim3A_347 : f32 to vector<16xf32>
      %swap3A_349 = arith.index_cast %scan3A_325 : i32 to index
      %swap3A_350 = arith.constant 48 : index
      %swap3A_351 = tpu.vector_load %arg14[%swap3A_349, %swap3A_350] {strides = array<i32>} : memref<40x144xf32, #tpu.memory_space<vmem>>, vector<1x16xf32>,
      %swap3A_352 = vector.shape_cast %swap3A_351 : vector<1x16xf32> to vector<16xf32>
      %swap3A_353 = vector.shape_cast %broadcast_in_dim3A_348 : vector<16xf32> to vector<1x16xf32>
      tpu.vector_store %arg14[%swap3A_349, %swap3A_350], %swap3A_353 {strides = array<i32>} : memref<40x144xf32, #tpu.memory_space<vmem>>, vector<1x16xf32>,
      %broadcast_in_dim3A_354 = arith.constant 0.000000e+00 : f32
      %broadcast_in_dim3A_355 = vector.broadcast %broadcast_in_dim3A_354 : f32 to vector<16xf32>
      %swap3A_356 = arith.index_cast %scan3A_325 : i32 to index
      %swap3A_357 = arith.constant 64 : index
      %swap3A_358 = tpu.vector_load %arg14[%swap3A_356, %swap3A_357] {strides = array<i32>} : memref<40x144xf32, #tpu.memory_space<vmem>>, vector<1x16xf32>,
      %swap3A_359 = vector.shape_cast %swap3A_358 : vector<1x16xf32> to vector<16xf32>
      %swap3A_360 = vector.shape_cast %broadcast_in_dim3A_355 : vector<16xf32> to vector<1x16xf32>
      tpu.vector_store %arg14[%swap3A_356, %swap3A_357], %swap3A_360 {strides = array<i32>} : memref<40x144xf32, #tpu.memory_space<vmem>>, vector<1x16xf32>,
      %broadcast_in_dim3A_361 = arith.constant 0.000000e+00 : f32
      %broadcast_in_dim3A_362 = vector.broadcast %broadcast_in_dim3A_361 : f32 to vector<16xf32>
      %swap3A_363 = arith.index_cast %scan3A_325 : i32 to index
      %swap3A_364 = arith.constant 80 : index
      %swap3A_365 = tpu.vector_load %arg14[%swap3A_363, %swap3A_364] {strides = array<i32>} : memref<40x144xf32, #tpu.memory_space<vmem>>, vector<1x16xf32>,
      %swap3A_366 = vector.shape_cast %swap3A_365 : vector<1x16xf32> to vector<16xf32>
      %swap3A_367 = vector.shape_cast %broadcast_in_dim3A_362 : vector<16xf32> to vector<1x16xf32>
      tpu.vector_store %arg14[%swap3A_363, %swap3A_364], %swap3A_367 {strides = array<i32>} : memref<40x144xf32, #tpu.memory_space<vmem>>, vector<1x16xf32>,
      %broadcast_in_dim3A_368 = arith.constant 0.000000e+00 : f32
      %broadcast_in_dim3A_369 = vector.broadcast %broadcast_in_dim3A_368 : f32 to vector<16xf32>
      %swap3A_370 = arith.index_cast %scan3A_325 : i32 to index
      %swap3A_371 = arith.constant 96 : index
      %swap3A_372 = tpu.vector_load %arg14[%swap3A_370, %swap3A_371] {strides = array<i32>} : memref<40x144xf32, #tpu.memory_space<vmem>>, vector<1x16xf32>,
      %swap3A_373 = vector.shape_cast %swap3A_372 : vector<1x16xf32> to vector<16xf32>
      %swap3A_374 = vector.shape_cast %broadcast_in_dim3A_369 : vector<16xf32> to vector<1x16xf32>
      tpu.vector_store %arg14[%swap3A_370, %swap3A_371], %swap3A_374 {strides = array<i32>} : memref<40x144xf32, #tpu.memory_space<vmem>>, vector<1x16xf32>,
      %broadcast_in_dim3A_375 = arith.constant 0.000000e+00 : f32
      %broadcast_in_dim3A_376 = vector.broadcast %broadcast_in_dim3A_375 : f32 to vector<16xf32>
      %swap3A_377 = arith.index_cast %scan3A_325 : i32 to index
      %swap3A_378 = arith.constant 112 : index
      %swap3A_379 = tpu.vector_load %arg14[%swap3A_377, %swap3A_378] {strides = array<i32>} : memref<40x144xf32, #tpu.memory_space<vmem>>, vector<1x16xf32>,
      %swap3A_380 = vector.shape_cast %swap3A_379 : vector<1x16xf32> to vector<16xf32>
      %swap3A_381 = vector.shape_cast %broadcast_in_dim3A_376 : vector<16xf32> to vector<1x16xf32>
      tpu.vector_store %arg14[%swap3A_377, %swap3A_378], %swap3A_381 {strides = array<i32>} : memref<40x144xf32, #tpu.memory_space<vmem>>, vector<1x16xf32>,
      %broadcast_in_dim3A_382 = arith.constant 0.000000e+00 : f32
      %broadcast_in_dim3A_383 = vector.broadcast %broadcast_in_dim3A_382 : f32 to vector<16xf32>
      %swap3A_384 = arith.index_cast %scan3A_325 : i32 to index
      %swap3A_385 = arith.constant 128 : index
      %swap3A_386 = tpu.vector_load %arg14[%swap3A_384, %swap3A_385] {strides = array<i32>} : memref<40x144xf32, #tpu.memory_space<vmem>>, vector<1x16xf32>,
      %swap3A_387 = vector.shape_cast %swap3A_386 : vector<1x16xf32> to vector<16xf32>
      %swap3A_388 = vector.shape_cast %broadcast_in_dim3A_383 : vector<16xf32> to vector<1x16xf32>
      tpu.vector_store %arg14[%swap3A_384, %swap3A_385], %swap3A_388 {strides = array<i32>} : memref<40x144xf32, #tpu.memory_space<vmem>>, vector<1x16xf32>,
    }
    %scan3A_11 = arith.constant 40 : i32
    %add3A_12 = arith.constant 0 : i32
    %add3A_13 = arith.addi %mul3A_2, %add3A_12 : i32
    "tpu.region"() ({
      %run_scoped3A = tpu.sem_alloc : memref<!tpu.dma_semaphore, #tpu.memory_space<semaphore_mem>>
      %dma_start3A_131 = arith.constant 0 : i32
      %dma_start3A_132 = tpu.memref_slice %arg8[%add3A_13, %dma_start3A_131] : memref<10000x144xf32, #tpu.memory_space<vmem_shared>> -> memref<40x144xf32, #tpu.memory_space<vmem_shared>>
      %dma_start3A_133 = arith.constant 0 : i32
      %dma_start3A_134 = tpu.memref_slice %arg8[%add3A_13, %dma_start3A_133] : memref<10000x144xf32, #tpu.memory_space<vmem_shared>> -> memref<40x144xf32, #tpu.memory_space<vmem_shared>>
      tpu.enqueue_dma source(%arg14 : memref<40x144xf32, #tpu.memory_space<vmem>>) target(%dma_start3A_134 : memref<40x144xf32, #tpu.memory_space<vmem_shared>>) target_semaphore(%run_scoped3A : memref<!tpu.dma_semaphore, #tpu.memory_space<semaphore_mem>>)
      %dma_wait3A_135 = arith.constant 0 : i32
      %dma_wait3A_136 = tpu.memref_slice %arg8[%add3A_13, %dma_wait3A_135] : memref<10000x144xf32, #tpu.memory_space<vmem_shared>> -> memref<40x144xf32, #tpu.memory_space<vmem_shared>>
      %dma_wait3A_137 = arith.constant 0 : i32
      %dma_wait3A_138 = tpu.memref_slice %arg8[%add3A_13, %dma_wait3A_137] : memref<10000x144xf32, #tpu.memory_space<vmem_shared>> -> memref<40x144xf32, #tpu.memory_space<vmem_shared>>
      tpu.wait_dma2 semaphore(%run_scoped3A : memref<!tpu.dma_semaphore, #tpu.memory_space<semaphore_mem>>) src(%arg14 : memref<40x144xf32, #tpu.memory_space<vmem>>) dst(%dma_wait3A_138 : memref<40x144xf32, #tpu.memory_space<vmem_shared>>)
      tpu.yield
    }) : () -> ()
    %add3A_14 = arith.constant 40 : i32
    %add3A_15 = arith.addi %mul3A_2, %add3A_14 : i32
    "tpu.region"() ({
      %run_scoped3A = tpu.sem_alloc : memref<!tpu.dma_semaphore, #tpu.memory_space<semaphore_mem>>
      %dma_start3A_131 = arith.constant 0 : i32
      %dma_start3A_132 = tpu.memref_slice %arg8[%add3A_15, %dma_start3A_131] : memref<10000x144xf32, #tpu.memory_space<vmem_shared>> -> memref<40x144xf32, #tpu.memory_space<vmem_shared>>
      %dma_start3A_133 = arith.constant 0 : i32
      %dma_start3A_134 = tpu.memref_slice %arg8[%add3A_15, %dma_start3A_133] : memref<10000x144xf32, #tpu.memory_space<vmem_shared>> -> memref<40x144xf32, #tpu.memory_space<vmem_shared>>
      tpu.enqueue_dma source(%arg14 : memref<40x144xf32, #tpu.memory_space<vmem>>) target(%dma_start3A_134 : memref<40x144xf32, #tpu.memory_space<vmem_shared>>) target_semaphore(%run_scoped3A : memref<!tpu.dma_semaphore, #tpu.memory_space<semaphore_mem>>)
      %dma_wait3A_135 = arith.constant 0 : i32
      %dma_wait3A_136 = tpu.memref_slice %arg8[%add3A_15, %dma_wait3A_135] : memref<10000x144xf32, #tpu.memory_space<vmem_shared>> -> memref<40x144xf32, #tpu.memory_space<vmem_shared>>
      %dma_wait3A_137 = arith.constant 0 : i32
      %dma_wait3A_138 = tpu.memref_slice %arg8[%add3A_15, %dma_wait3A_137] : memref<10000x144xf32, #tpu.memory_space<vmem_shared>> -> memref<40x144xf32, #tpu.memory_space<vmem_shared>>
      tpu.wait_dma2 semaphore(%run_scoped3A : memref<!tpu.dma_semaphore, #tpu.memory_space<semaphore_mem>>) src(%arg14 : memref<40x144xf32, #tpu.memory_space<vmem>>) dst(%dma_wait3A_138 : memref<40x144xf32, #tpu.memory_space<vmem_shared>>)
      tpu.yield
    }) : () -> ()
    %add3A_16 = arith.constant 80 : i32
    %add3A_17 = arith.addi %mul3A_2, %add3A_16 : i32
    "tpu.region"() ({
      %run_scoped3A = tpu.sem_alloc : memref<!tpu.dma_semaphore, #tpu.memory_space<semaphore_mem>>
      %dma_start3A_131 = arith.constant 0 : i32
      %dma_start3A_132 = tpu.memref_slice %arg8[%add3A_17, %dma_start3A_131] : memref<10000x144xf32, #tpu.memory_space<vmem_shared>> -> memref<40x144xf32, #tpu.memory_space<vmem_shared>>
      %dma_start3A_133 = arith.constant 0 : i32
      %dma_start3A_134 = tpu.memref_slice %arg8[%add3A_17, %dma_start3A_133] : memref<10000x144xf32, #tpu.memory_space<vmem_shared>> -> memref<40x144xf32, #tpu.memory_space<vmem_shared>>
      tpu.enqueue_dma source(%arg14 : memref<40x144xf32, #tpu.memory_space<vmem>>) target(%dma_start3A_134 : memref<40x144xf32, #tpu.memory_space<vmem_shared>>) target_semaphore(%run_scoped3A : memref<!tpu.dma_semaphore, #tpu.memory_space<semaphore_mem>>)
      %dma_wait3A_135 = arith.constant 0 : i32
      %dma_wait3A_136 = tpu.memref_slice %arg8[%add3A_17, %dma_wait3A_135] : memref<10000x144xf32, #tpu.memory_space<vmem_shared>> -> memref<40x144xf32, #tpu.memory_space<vmem_shared>>
      %dma_wait3A_137 = arith.constant 0 : i32
      %dma_wait3A_138 = tpu.memref_slice %arg8[%add3A_17, %dma_wait3A_137] : memref<10000x144xf32, #tpu.memory_space<vmem_shared>> -> memref<40x144xf32, #tpu.memory_space<vmem_shared>>
      tpu.wait_dma2 semaphore(%run_scoped3A : memref<!tpu.dma_semaphore, #tpu.memory_space<semaphore_mem>>) src(%arg14 : memref<40x144xf32, #tpu.memory_space<vmem>>) dst(%dma_wait3A_138 : memref<40x144xf32, #tpu.memory_space<vmem_shared>>)
      tpu.yield
    }) : () -> ()
    %add3A_18 = arith.constant 120 : i32
    %add3A_19 = arith.addi %mul3A_2, %add3A_18 : i32
    "tpu.region"() ({
      %run_scoped3A = tpu.sem_alloc : memref<!tpu.dma_semaphore, #tpu.memory_space<semaphore_mem>>
      %dma_start3A_131 = arith.constant 0 : i32
      %dma_start3A_132 = tpu.memref_slice %arg8[%add3A_19, %dma_start3A_131] : memref<10000x144xf32, #tpu.memory_space<vmem_shared>> -> memref<40x144xf32, #tpu.memory_space<vmem_shared>>
      %dma_start3A_133 = arith.constant 0 : i32
      %dma_start3A_134 = tpu.memref_slice %arg8[%add3A_19, %dma_start3A_133] : memref<10000x144xf32, #tpu.memory_space<vmem_shared>> -> memref<40x144xf32, #tpu.memory_space<vmem_shared>>
      tpu.enqueue_dma source(%arg14 : memref<40x144xf32, #tpu.memory_space<vmem>>) target(%dma_start3A_134 : memref<40x144xf32, #tpu.memory_space<vmem_shared>>) target_semaphore(%run_scoped3A : memref<!tpu.dma_semaphore, #tpu.memory_space<semaphore_mem>>)
      %dma_wait3A_135 = arith.constant 0 : i32
      %dma_wait3A_136 = tpu.memref_slice %arg8[%add3A_19, %dma_wait3A_135] : memref<10000x144xf32, #tpu.memory_space<vmem_shared>> -> memref<40x144xf32, #tpu.memory_space<vmem_shared>>
      %dma_wait3A_137 = arith.constant 0 : i32
      %dma_wait3A_138 = tpu.memref_slice %arg8[%add3A_19, %dma_wait3A_137] : memref<10000x144xf32, #tpu.memory_space<vmem_shared>> -> memref<40x144xf32, #tpu.memory_space<vmem_shared>>
      tpu.wait_dma2 semaphore(%run_scoped3A : memref<!tpu.dma_semaphore, #tpu.memory_space<semaphore_mem>>) src(%arg14 : memref<40x144xf32, #tpu.memory_space<vmem>>) dst(%dma_wait3A_138 : memref<40x144xf32, #tpu.memory_space<vmem_shared>>)
      tpu.yield
    }) : () -> ()
    %add3A_20 = arith.constant 160 : i32
    %add3A_21 = arith.addi %mul3A_2, %add3A_20 : i32
    "tpu.region"() ({
      %run_scoped3A = tpu.sem_alloc : memref<!tpu.dma_semaphore, #tpu.memory_space<semaphore_mem>>
      %dma_start3A_131 = arith.constant 0 : i32
      %dma_start3A_132 = tpu.memref_slice %arg8[%add3A_21, %dma_start3A_131] : memref<10000x144xf32, #tpu.memory_space<vmem_shared>> -> memref<40x144xf32, #tpu.memory_space<vmem_shared>>
      %dma_start3A_133 = arith.constant 0 : i32
      %dma_start3A_134 = tpu.memref_slice %arg8[%add3A_21, %dma_start3A_133] : memref<10000x144xf32, #tpu.memory_space<vmem_shared>> -> memref<40x144xf32, #tpu.memory_space<vmem_shared>>
      tpu.enqueue_dma source(%arg14 : memref<40x144xf32, #tpu.memory_space<vmem>>) target(%dma_start3A_134 : memref<40x144xf32, #tpu.memory_space<vmem_shared>>) target_semaphore(%run_scoped3A : memref<!tpu.dma_semaphore, #tpu.memory_space<semaphore_mem>>)
      %dma_wait3A_135 = arith.constant 0 : i32
      %dma_wait3A_136 = tpu.memref_slice %arg8[%add3A_21, %dma_wait3A_135] : memref<10000x144xf32, #tpu.memory_space<vmem_shared>> -> memref<40x144xf32, #tpu.memory_space<vmem_shared>>
      %dma_wait3A_137 = arith.constant 0 : i32
      %dma_wait3A_138 = tpu.memref_slice %arg8[%add3A_21, %dma_wait3A_137] : memref<10000x144xf32, #tpu.memory_space<vmem_shared>> -> memref<40x144xf32, #tpu.memory_space<vmem_shared>>
      tpu.wait_dma2 semaphore(%run_scoped3A : memref<!tpu.dma_semaphore, #tpu.memory_space<semaphore_mem>>) src(%arg14 : memref<40x144xf32, #tpu.memory_space<vmem>>) dst(%dma_wait3A_138 : memref<40x144xf32, #tpu.memory_space<vmem_shared>>)
      tpu.yield
    }) : () -> ()
    %add3A_22 = arith.constant 200 : i32
    %add3A_23 = arith.addi %mul3A_2, %add3A_22 : i32
    "tpu.region"() ({
      %run_scoped3A = tpu.sem_alloc : memref<!tpu.dma_semaphore, #tpu.memory_space<semaphore_mem>>
      %dma_start3A_131 = arith.constant 0 : i32
      %dma_start3A_132 = tpu.memref_slice %arg8[%add3A_23, %dma_start3A_131] : memref<10000x144xf32, #tpu.memory_space<vmem_shared>> -> memref<40x144xf32, #tpu.memory_space<vmem_shared>>
      %dma_start3A_133 = arith.constant 0 : i32
      %dma_start3A_134 = tpu.memref_slice %arg8[%add3A_23, %dma_start3A_133] : memref<10000x144xf32, #tpu.memory_space<vmem_shared>> -> memref<40x144xf32, #tpu.memory_space<vmem_shared>>
      tpu.enqueue_dma source(%arg14 : memref<40x144xf32, #tpu.memory_space<vmem>>) target(%dma_start3A_134 : memref<40x144xf32, #tpu.memory_space<vmem_shared>>) target_semaphore(%run_scoped3A : memref<!tpu.dma_semaphore, #tpu.memory_space<semaphore_mem>>)
      %dma_wait3A_135 = arith.constant 0 : i32
      %dma_wait3A_136 = tpu.memref_slice %arg8[%add3A_23, %dma_wait3A_135] : memref<10000x144xf32, #tpu.memory_space<vmem_shared>> -> memref<40x144xf32, #tpu.memory_space<vmem_shared>>
      %dma_wait3A_137 = arith.constant 0 : i32
      %dma_wait3A_138 = tpu.memref_slice %arg8[%add3A_23, %dma_wait3A_137] : memref<10000x144xf32, #tpu.memory_space<vmem_shared>> -> memref<40x144xf32, #tpu.memory_space<vmem_shared>>
      tpu.wait_dma2 semaphore(%run_scoped3A : memref<!tpu.dma_semaphore, #tpu.memory_space<semaphore_mem>>) src(%arg14 : memref<40x144xf32, #tpu.memory_space<vmem>>) dst(%dma_wait3A_138 : memref<40x144xf32, #tpu.memory_space<vmem_shared>>)
      tpu.yield
    }) : () -> ()
    %add3A_24 = arith.constant 240 : i32
    %add3A_25 = arith.addi %mul3A_2, %add3A_24 : i32
    "tpu.region"() ({
      %run_scoped3A = tpu.sem_alloc : memref<!tpu.dma_semaphore, #tpu.memory_space<semaphore_mem>>
      %dma_start3A_131 = arith.constant 0 : i32
      %dma_start3A_132 = tpu.memref_slice %arg8[%add3A_25, %dma_start3A_131] : memref<10000x144xf32, #tpu.memory_space<vmem_shared>> -> memref<40x144xf32, #tpu.memory_space<vmem_shared>>
      %dma_start3A_133 = arith.constant 0 : i32
      %dma_start3A_134 = tpu.memref_slice %arg8[%add3A_25, %dma_start3A_133] : memref<10000x144xf32, #tpu.memory_space<vmem_shared>> -> memref<40x144xf32, #tpu.memory_space<vmem_shared>>
      tpu.enqueue_dma source(%arg14 : memref<40x144xf32, #tpu.memory_space<vmem>>) target(%dma_start3A_134 : memref<40x144xf32, #tpu.memory_space<vmem_shared>>) target_semaphore(%run_scoped3A : memref<!tpu.dma_semaphore, #tpu.memory_space<semaphore_mem>>)
      %dma_wait3A_135 = arith.constant 0 : i32
      %dma_wait3A_136 = tpu.memref_slice %arg8[%add3A_25, %dma_wait3A_135] : memref<10000x144xf32, #tpu.memory_space<vmem_shared>> -> memref<40x144xf32, #tpu.memory_space<vmem_shared>>
      %dma_wait3A_137 = arith.constant 0 : i32
      %dma_wait3A_138 = tpu.memref_slice %arg8[%add3A_25, %dma_wait3A_137] : memref<10000x144xf32, #tpu.memory_space<vmem_shared>> -> memref<40x144xf32, #tpu.memory_space<vmem_shared>>
      tpu.wait_dma2 semaphore(%run_scoped3A : memref<!tpu.dma_semaphore, #tpu.memory_space<semaphore_mem>>) src(%arg14 : memref<40x144xf32, #tpu.memory_space<vmem>>) dst(%dma_wait3A_138 : memref<40x144xf32, #tpu.memory_space<vmem_shared>>)
      tpu.yield
    }) : () -> ()
    %add3A_26 = arith.constant 280 : i32
    %add3A_27 = arith.addi %mul3A_2, %add3A_26 : i32
    "tpu.region"() ({
      %run_scoped3A = tpu.sem_alloc : memref<!tpu.dma_semaphore, #tpu.memory_space<semaphore_mem>>
      %dma_start3A_131 = arith.constant 0 : i32
      %dma_start3A_132 = tpu.memref_slice %arg8[%add3A_27, %dma_start3A_131] : memref<10000x144xf32, #tpu.memory_space<vmem_shared>> -> memref<40x144xf32, #tpu.memory_space<vmem_shared>>
      %dma_start3A_133 = arith.constant 0 : i32
      %dma_start3A_134 = tpu.memref_slice %arg8[%add3A_27, %dma_start3A_133] : memref<10000x144xf32, #tpu.memory_space<vmem_shared>> -> memref<40x144xf32, #tpu.memory_space<vmem_shared>>
      tpu.enqueue_dma source(%arg14 : memref<40x144xf32, #tpu.memory_space<vmem>>) target(%dma_start3A_134 : memref<40x144xf32, #tpu.memory_space<vmem_shared>>) target_semaphore(%run_scoped3A : memref<!tpu.dma_semaphore, #tpu.memory_space<semaphore_mem>>)
      %dma_wait3A_135 = arith.constant 0 : i32
      %dma_wait3A_136 = tpu.memref_slice %arg8[%add3A_27, %dma_wait3A_135] : memref<10000x144xf32, #tpu.memory_space<vmem_shared>> -> memref<40x144xf32, #tpu.memory_space<vmem_shared>>
      %dma_wait3A_137 = arith.constant 0 : i32
      %dma_wait3A_138 = tpu.memref_slice %arg8[%add3A_27, %dma_wait3A_137] : memref<10000x144xf32, #tpu.memory_space<vmem_shared>> -> memref<40x144xf32, #tpu.memory_space<vmem_shared>>
      tpu.wait_dma2 semaphore(%run_scoped3A : memref<!tpu.dma_semaphore, #tpu.memory_space<semaphore_mem>>) src(%arg14 : memref<40x144xf32, #tpu.memory_space<vmem>>) dst(%dma_wait3A_138 : memref<40x144xf32, #tpu.memory_space<vmem_shared>>)
      tpu.yield
    }) : () -> ()
    %add3A_28 = arith.constant 320 : i32
    %add3A_29 = arith.addi %mul3A_2, %add3A_28 : i32
    "tpu.region"() ({
      %run_scoped3A = tpu.sem_alloc : memref<!tpu.dma_semaphore, #tpu.memory_space<semaphore_mem>>
      %dma_start3A_131 = arith.constant 0 : i32
      %dma_start3A_132 = tpu.memref_slice %arg8[%add3A_29, %dma_start3A_131] : memref<10000x144xf32, #tpu.memory_space<vmem_shared>> -> memref<40x144xf32, #tpu.memory_space<vmem_shared>>
      %dma_start3A_133 = arith.constant 0 : i32
      %dma_start3A_134 = tpu.memref_slice %arg8[%add3A_29, %dma_start3A_133] : memref<10000x144xf32, #tpu.memory_space<vmem_shared>> -> memref<40x144xf32, #tpu.memory_space<vmem_shared>>
      tpu.enqueue_dma source(%arg14 : memref<40x144xf32, #tpu.memory_space<vmem>>) target(%dma_start3A_134 : memref<40x144xf32, #tpu.memory_space<vmem_shared>>) target_semaphore(%run_scoped3A : memref<!tpu.dma_semaphore, #tpu.memory_space<semaphore_mem>>)
      %dma_wait3A_135 = arith.constant 0 : i32
      %dma_wait3A_136 = tpu.memref_slice %arg8[%add3A_29, %dma_wait3A_135] : memref<10000x144xf32, #tpu.memory_space<vmem_shared>> -> memref<40x144xf32, #tpu.memory_space<vmem_shared>>
      %dma_wait3A_137 = arith.constant 0 : i32
      %dma_wait3A_138 = tpu.memref_slice %arg8[%add3A_29, %dma_wait3A_137] : memref<10000x144xf32, #tpu.memory_space<vmem_shared>> -> memref<40x144xf32, #tpu.memory_space<vmem_shared>>
      tpu.wait_dma2 semaphore(%run_scoped3A : memref<!tpu.dma_semaphore, #tpu.memory_space<semaphore_mem>>) src(%arg14 : memref<40x144xf32, #tpu.memory_space<vmem>>) dst(%dma_wait3A_138 : memref<40x144xf32, #tpu.memory_space<vmem_shared>>)
      tpu.yield
    }) : () -> ()
    %add3A_30 = arith.constant 360 : i32
    %add3A_31 = arith.addi %mul3A_2, %add3A_30 : i32
    "tpu.region"() ({
      %run_scoped3A = tpu.sem_alloc : memref<!tpu.dma_semaphore, #tpu.memory_space<semaphore_mem>>
      %dma_start3A_131 = arith.constant 0 : i32
      %dma_start3A_132 = tpu.memref_slice %arg8[%add3A_31, %dma_start3A_131] : memref<10000x144xf32, #tpu.memory_space<vmem_shared>> -> memref<40x144xf32, #tpu.memory_space<vmem_shared>>
      %dma_start3A_133 = arith.constant 0 : i32
      %dma_start3A_134 = tpu.memref_slice %arg8[%add3A_31, %dma_start3A_133] : memref<10000x144xf32, #tpu.memory_space<vmem_shared>> -> memref<40x144xf32, #tpu.memory_space<vmem_shared>>
      tpu.enqueue_dma source(%arg14 : memref<40x144xf32, #tpu.memory_space<vmem>>) target(%dma_start3A_134 : memref<40x144xf32, #tpu.memory_space<vmem_shared>>) target_semaphore(%run_scoped3A : memref<!tpu.dma_semaphore, #tpu.memory_space<semaphore_mem>>)
      %dma_wait3A_135 = arith.constant 0 : i32
      %dma_wait3A_136 = tpu.memref_slice %arg8[%add3A_31, %dma_wait3A_135] : memref<10000x144xf32, #tpu.memory_space<vmem_shared>> -> memref<40x144xf32, #tpu.memory_space<vmem_shared>>
      %dma_wait3A_137 = arith.constant 0 : i32
      %dma_wait3A_138 = tpu.memref_slice %arg8[%add3A_31, %dma_wait3A_137] : memref<10000x144xf32, #tpu.memory_space<vmem_shared>> -> memref<40x144xf32, #tpu.memory_space<vmem_shared>>
      tpu.wait_dma2 semaphore(%run_scoped3A : memref<!tpu.dma_semaphore, #tpu.memory_space<semaphore_mem>>) src(%arg14 : memref<40x144xf32, #tpu.memory_space<vmem>>) dst(%dma_wait3A_138 : memref<40x144xf32, #tpu.memory_space<vmem_shared>>)
      tpu.yield
    }) : () -> ()
    %add3A_32 = arith.constant 400 : i32
    %add3A_33 = arith.addi %mul3A_2, %add3A_32 : i32
    "tpu.region"() ({
      %run_scoped3A = tpu.sem_alloc : memref<!tpu.dma_semaphore, #tpu.memory_space<semaphore_mem>>
      %dma_start3A_131 = arith.constant 0 : i32
      %dma_start3A_132 = tpu.memref_slice %arg8[%add3A_33, %dma_start3A_131] : memref<10000x144xf32, #tpu.memory_space<vmem_shared>> -> memref<40x144xf32, #tpu.memory_space<vmem_shared>>
      %dma_start3A_133 = arith.constant 0 : i32
      %dma_start3A_134 = tpu.memref_slice %arg8[%add3A_33, %dma_start3A_133] : memref<10000x144xf32, #tpu.memory_space<vmem_shared>> -> memref<40x144xf32, #tpu.memory_space<vmem_shared>>
      tpu.enqueue_dma source(%arg14 : memref<40x144xf32, #tpu.memory_space<vmem>>) target(%dma_start3A_134 : memref<40x144xf32, #tpu.memory_space<vmem_shared>>) target_semaphore(%run_scoped3A : memref<!tpu.dma_semaphore, #tpu.memory_space<semaphore_mem>>)
      %dma_wait3A_135 = arith.constant 0 : i32
      %dma_wait3A_136 = tpu.memref_slice %arg8[%add3A_33, %dma_wait3A_135] : memref<10000x144xf32, #tpu.memory_space<vmem_shared>> -> memref<40x144xf32, #tpu.memory_space<vmem_shared>>
      %dma_wait3A_137 = arith.constant 0 : i32
      %dma_wait3A_138 = tpu.memref_slice %arg8[%add3A_33, %dma_wait3A_137] : memref<10000x144xf32, #tpu.memory_space<vmem_shared>> -> memref<40x144xf32, #tpu.memory_space<vmem_shared>>
      tpu.wait_dma2 semaphore(%run_scoped3A : memref<!tpu.dma_semaphore, #tpu.memory_space<semaphore_mem>>) src(%arg14 : memref<40x144xf32, #tpu.memory_space<vmem>>) dst(%dma_wait3A_138 : memref<40x144xf32, #tpu.memory_space<vmem_shared>>)
      tpu.yield
    }) : () -> ()
    %add3A_34 = arith.constant 440 : i32
    %add3A_35 = arith.addi %mul3A_2, %add3A_34 : i32
    "tpu.region"() ({
      %run_scoped3A = tpu.sem_alloc : memref<!tpu.dma_semaphore, #tpu.memory_space<semaphore_mem>>
      %dma_start3A_131 = arith.constant 0 : i32
      %dma_start3A_132 = tpu.memref_slice %arg8[%add3A_35, %dma_start3A_131] : memref<10000x144xf32, #tpu.memory_space<vmem_shared>> -> memref<40x144xf32, #tpu.memory_space<vmem_shared>>
      %dma_start3A_133 = arith.constant 0 : i32
      %dma_start3A_134 = tpu.memref_slice %arg8[%add3A_35, %dma_start3A_133] : memref<10000x144xf32, #tpu.memory_space<vmem_shared>> -> memref<40x144xf32, #tpu.memory_space<vmem_shared>>
      tpu.enqueue_dma source(%arg14 : memref<40x144xf32, #tpu.memory_space<vmem>>) target(%dma_start3A_134 : memref<40x144xf32, #tpu.memory_space<vmem_shared>>) target_semaphore(%run_scoped3A : memref<!tpu.dma_semaphore, #tpu.memory_space<semaphore_mem>>)
      %dma_wait3A_135 = arith.constant 0 : i32
      %dma_wait3A_136 = tpu.memref_slice %arg8[%add3A_35, %dma_wait3A_135] : memref<10000x144xf32, #tpu.memory_space<vmem_shared>> -> memref<40x144xf32, #tpu.memory_space<vmem_shared>>
      %dma_wait3A_137 = arith.constant 0 : i32
      %dma_wait3A_138 = tpu.memref_slice %arg8[%add3A_35, %dma_wait3A_137] : memref<10000x144xf32, #tpu.memory_space<vmem_shared>> -> memref<40x144xf32, #tpu.memory_space<vmem_shared>>
      tpu.wait_dma2 semaphore(%run_scoped3A : memref<!tpu.dma_semaphore, #tpu.memory_space<semaphore_mem>>) src(%arg14 : memref<40x144xf32, #tpu.memory_space<vmem>>) dst(%dma_wait3A_138 : memref<40x144xf32, #tpu.memory_space<vmem_shared>>)
      tpu.yield
    }) : () -> ()
    %add3A_36 = arith.constant 480 : i32
    %add3A_37 = arith.addi %mul3A_2, %add3A_36 : i32
    "tpu.region"() ({
      %run_scoped3A = tpu.sem_alloc : memref<!tpu.dma_semaphore, #tpu.memory_space<semaphore_mem>>
      %dma_start3A_131 = arith.constant 0 : i32
      %dma_start3A_132 = tpu.memref_slice %arg8[%add3A_37, %dma_start3A_131] : memref<10000x144xf32, #tpu.memory_space<vmem_shared>> -> memref<40x144xf32, #tpu.memory_space<vmem_shared>>
      %dma_start3A_133 = arith.constant 0 : i32
      %dma_start3A_134 = tpu.memref_slice %arg8[%add3A_37, %dma_start3A_133] : memref<10000x144xf32, #tpu.memory_space<vmem_shared>> -> memref<40x144xf32, #tpu.memory_space<vmem_shared>>
      tpu.enqueue_dma source(%arg14 : memref<40x144xf32, #tpu.memory_space<vmem>>) target(%dma_start3A_134 : memref<40x144xf32, #tpu.memory_space<vmem_shared>>) target_semaphore(%run_scoped3A : memref<!tpu.dma_semaphore, #tpu.memory_space<semaphore_mem>>)
      %dma_wait3A_135 = arith.constant 0 : i32
      %dma_wait3A_136 = tpu.memref_slice %arg8[%add3A_37, %dma_wait3A_135] : memref<10000x144xf32, #tpu.memory_space<vmem_shared>> -> memref<40x144xf32, #tpu.memory_space<vmem_shared>>
      %dma_wait3A_137 = arith.constant 0 : i32
      %dma_wait3A_138 = tpu.memref_slice %arg8[%add3A_37, %dma_wait3A_137] : memref<10000x144xf32, #tpu.memory_space<vmem_shared>> -> memref<40x144xf32, #tpu.memory_space<vmem_shared>>
      tpu.wait_dma2 semaphore(%run_scoped3A : memref<!tpu.dma_semaphore, #tpu.memory_space<semaphore_mem>>) src(%arg14 : memref<40x144xf32, #tpu.memory_space<vmem>>) dst(%dma_wait3A_138 : memref<40x144xf32, #tpu.memory_space<vmem_shared>>)
      tpu.yield
    }) : () -> ()
    %add3A_38 = arith.constant 520 : i32
    %add3A_39 = arith.addi %mul3A_2, %add3A_38 : i32
    "tpu.region"() ({
      %run_scoped3A = tpu.sem_alloc : memref<!tpu.dma_semaphore, #tpu.memory_space<semaphore_mem>>
      %dma_start3A_131 = arith.constant 0 : i32
      %dma_start3A_132 = tpu.memref_slice %arg8[%add3A_39, %dma_start3A_131] : memref<10000x144xf32, #tpu.memory_space<vmem_shared>> -> memref<40x144xf32, #tpu.memory_space<vmem_shared>>
      %dma_start3A_133 = arith.constant 0 : i32
      %dma_start3A_134 = tpu.memref_slice %arg8[%add3A_39, %dma_start3A_133] : memref<10000x144xf32, #tpu.memory_space<vmem_shared>> -> memref<40x144xf32, #tpu.memory_space<vmem_shared>>
      tpu.enqueue_dma source(%arg14 : memref<40x144xf32, #tpu.memory_space<vmem>>) target(%dma_start3A_134 : memref<40x144xf32, #tpu.memory_space<vmem_shared>>) target_semaphore(%run_scoped3A : memref<!tpu.dma_semaphore, #tpu.memory_space<semaphore_mem>>)
      %dma_wait3A_135 = arith.constant 0 : i32
      %dma_wait3A_136 = tpu.memref_slice %arg8[%add3A_39, %dma_wait3A_135] : memref<10000x144xf32, #tpu.memory_space<vmem_shared>> -> memref<40x144xf32, #tpu.memory_space<vmem_shared>>
      %dma_wait3A_137 = arith.constant 0 : i32
      %dma_wait3A_138 = tpu.memref_slice %arg8[%add3A_39, %dma_wait3A_137] : memref<10000x144xf32, #tpu.memory_space<vmem_shared>> -> memref<40x144xf32, #tpu.memory_space<vmem_shared>>
      tpu.wait_dma2 semaphore(%run_scoped3A : memref<!tpu.dma_semaphore, #tpu.memory_space<semaphore_mem>>) src(%arg14 : memref<40x144xf32, #tpu.memory_space<vmem>>) dst(%dma_wait3A_138 : memref<40x144xf32, #tpu.memory_space<vmem_shared>>)
      tpu.yield
    }) : () -> ()
    %add3A_40 = arith.constant 560 : i32
    %add3A_41 = arith.addi %mul3A_2, %add3A_40 : i32
    "tpu.region"() ({
      %run_scoped3A = tpu.sem_alloc : memref<!tpu.dma_semaphore, #tpu.memory_space<semaphore_mem>>
      %dma_start3A_131 = arith.constant 0 : i32
      %dma_start3A_132 = tpu.memref_slice %arg8[%add3A_41, %dma_start3A_131] : memref<10000x144xf32, #tpu.memory_space<vmem_shared>> -> memref<40x144xf32, #tpu.memory_space<vmem_shared>>
      %dma_start3A_133 = arith.constant 0 : i32
      %dma_start3A_134 = tpu.memref_slice %arg8[%add3A_41, %dma_start3A_133] : memref<10000x144xf32, #tpu.memory_space<vmem_shared>> -> memref<40x144xf32, #tpu.memory_space<vmem_shared>>
      tpu.enqueue_dma source(%arg14 : memref<40x144xf32, #tpu.memory_space<vmem>>) target(%dma_start3A_134 : memref<40x144xf32, #tpu.memory_space<vmem_shared>>) target_semaphore(%run_scoped3A : memref<!tpu.dma_semaphore, #tpu.memory_space<semaphore_mem>>)
      %dma_wait3A_135 = arith.constant 0 : i32
      %dma_wait3A_136 = tpu.memref_slice %arg8[%add3A_41, %dma_wait3A_135] : memref<10000x144xf32, #tpu.memory_space<vmem_shared>> -> memref<40x144xf32, #tpu.memory_space<vmem_shared>>
      %dma_wait3A_137 = arith.constant 0 : i32
      %dma_wait3A_138 = tpu.memref_slice %arg8[%add3A_41, %dma_wait3A_137] : memref<10000x144xf32, #tpu.memory_space<vmem_shared>> -> memref<40x144xf32, #tpu.memory_space<vmem_shared>>
      tpu.wait_dma2 semaphore(%run_scoped3A : memref<!tpu.dma_semaphore, #tpu.memory_space<semaphore_mem>>) src(%arg14 : memref<40x144xf32, #tpu.memory_space<vmem>>) dst(%dma_wait3A_138 : memref<40x144xf32, #tpu.memory_space<vmem_shared>>)
      tpu.yield
    }) : () -> ()
    %add3A_42 = arith.constant 624 : i32
    %add3A_43 = arith.addi %mul3A_2, %add3A_42 : i32
    %sub3A = arith.constant 24 : i32
    %sub3A_44 = arith.subi %add3A_43, %sub3A : i32
    "tpu.region"() ({
      %run_scoped3A = tpu.sem_alloc : memref<!tpu.dma_semaphore, #tpu.memory_space<semaphore_mem>>
      %dma_start3A_131 = arith.constant 0 : i32
      %dma_start3A_132 = arith.constant 0 : i32
      %dma_start3A_133 = tpu.memref_slice %arg14[%dma_start3A_131, %dma_start3A_132] : memref<40x144xf32, #tpu.memory_space<vmem>> -> memref<24x144xf32, #tpu.memory_space<vmem>>
      %dma_start3A_134 = arith.constant 0 : i32
      %dma_start3A_135 = tpu.memref_slice %arg8[%sub3A_44, %dma_start3A_134] : memref<10000x144xf32, #tpu.memory_space<vmem_shared>> -> memref<24x144xf32, #tpu.memory_space<vmem_shared>>
      %dma_start3A_136 = arith.constant 0 : i32
      %dma_start3A_137 = tpu.memref_slice %arg8[%sub3A_44, %dma_start3A_136] : memref<10000x144xf32, #tpu.memory_space<vmem_shared>> -> memref<24x144xf32, #tpu.memory_space<vmem_shared>>
      %dma_start3A_138 = arith.constant 0 : i32
      %dma_start3A_139 = arith.constant 0 : i32
      %dma_start3A_140 = tpu.memref_slice %arg14[%dma_start3A_138, %dma_start3A_139] : memref<40x144xf32, #tpu.memory_space<vmem>> -> memref<24x144xf32, #tpu.memory_space<vmem>>
      tpu.enqueue_dma source(%dma_start3A_140 : memref<24x144xf32, #tpu.memory_space<vmem>>) target(%dma_start3A_137 : memref<24x144xf32, #tpu.memory_space<vmem_shared>>) target_semaphore(%run_scoped3A : memref<!tpu.dma_semaphore, #tpu.memory_space<semaphore_mem>>)
      %dma_wait3A_141 = arith.constant 0 : i32
      %dma_wait3A_142 = arith.constant 0 : i32
      %dma_wait3A_143 = tpu.memref_slice %arg14[%dma_wait3A_141, %dma_wait3A_142] : memref<40x144xf32, #tpu.memory_space<vmem>> -> memref<24x144xf32, #tpu.memory_space<vmem>>
      %dma_wait3A_144 = arith.constant 0 : i32
      %dma_wait3A_145 = tpu.memref_slice %arg8[%sub3A_44, %dma_wait3A_144] : memref<10000x144xf32, #tpu.memory_space<vmem_shared>> -> memref<24x144xf32, #tpu.memory_space<vmem_shared>>
      %dma_wait3A_146 = arith.constant 0 : i32
      %dma_wait3A_147 = tpu.memref_slice %arg8[%sub3A_44, %dma_wait3A_146] : memref<10000x144xf32, #tpu.memory_space<vmem_shared>> -> memref<24x144xf32, #tpu.memory_space<vmem_shared>>
      %dma_wait3A_148 = arith.constant 0 : i32
      %dma_wait3A_149 = arith.constant 0 : i32
      %dma_wait3A_150 = tpu.memref_slice %arg14[%dma_wait3A_148, %dma_wait3A_149] : memref<40x144xf32, #tpu.memory_space<vmem>> -> memref<24x144xf32, #tpu.memory_space<vmem>>
      tpu.wait_dma2 semaphore(%run_scoped3A : memref<!tpu.dma_semaphore, #tpu.memory_space<semaphore_mem>>) src(%dma_wait3A_150 : memref<24x144xf32, #tpu.memory_space<vmem>>) dst(%dma_wait3A_147 : memref<24x144xf32, #tpu.memory_space<vmem_shared>>)
      tpu.yield
    }) : () -> ()
    %eq3A = arith.constant 15 : i32
    %eq3A_45 = arith.cmpi eq, %arg1, %eq3A : i32
    %convert_element_type3A = arith.extui %eq3A_45 : i1 to i32
    %cond3A = arith.constant 0 : i32
    %cond3A_46 = arith.cmpi ne, %convert_element_type3A, %cond3A : i32
    scf.if %cond3A_46 {
      "tpu.region"() ({
        %run_scoped3A = tpu.sem_alloc : memref<!tpu.dma_semaphore, #tpu.memory_space<semaphore_mem>>
        %dma_start3A_131 = arith.constant 0 : i32
        %dma_start3A_132 = arith.constant 0 : i32
        %dma_start3A_133 = tpu.memref_slice %arg14[%dma_start3A_131, %dma_start3A_132] : memref<40x144xf32, #tpu.memory_space<vmem>> -> memref<16x144xf32, #tpu.memory_space<vmem>>
        %dma_start3A_134 = arith.constant 9984 : i32
        %dma_start3A_135 = arith.constant 0 : i32
        %dma_start3A_136 = tpu.memref_slice %arg8[%dma_start3A_134, %dma_start3A_135] : memref<10000x144xf32, #tpu.memory_space<vmem_shared>> -> memref<16x144xf32, #tpu.memory_space<vmem_shared>>
        %dma_start3A_137 = arith.constant 9984 : i32
        %dma_start3A_138 = arith.constant 0 : i32
        %dma_start3A_139 = tpu.memref_slice %arg8[%dma_start3A_137, %dma_start3A_138] : memref<10000x144xf32, #tpu.memory_space<vmem_shared>> -> memref<16x144xf32, #tpu.memory_space<vmem_shared>>
        %dma_start3A_140 = arith.constant 0 : i32
        %dma_start3A_141 = arith.constant 0 : i32
        %dma_start3A_142 = tpu.memref_slice %arg14[%dma_start3A_140, %dma_start3A_141] : memref<40x144xf32, #tpu.memory_space<vmem>> -> memref<16x144xf32, #tpu.memory_space<vmem>>
        tpu.enqueue_dma source(%dma_start3A_142 : memref<16x144xf32, #tpu.memory_space<vmem>>) target(%dma_start3A_139 : memref<16x144xf32, #tpu.memory_space<vmem_shared>>) target_semaphore(%run_scoped3A : memref<!tpu.dma_semaphore, #tpu.memory_space<semaphore_mem>>)
        %dma_wait3A_143 = arith.constant 0 : i32
        %dma_wait3A_144 = arith.constant 0 : i32
        %dma_wait3A_145 = tpu.memref_slice %arg14[%dma_wait3A_143, %dma_wait3A_144] : memref<40x144xf32, #tpu.memory_space<vmem>> -> memref<16x144xf32, #tpu.memory_space<vmem>>
        %dma_wait3A_146 = arith.constant 9984 : i32
        %dma_wait3A_147 = arith.constant 0 : i32
        %dma_wait3A_148 = tpu.memref_slice %arg8[%dma_wait3A_146, %dma_wait3A_147] : memref<10000x144xf32, #tpu.memory_space<vmem_shared>> -> memref<16x144xf32, #tpu.memory_space<vmem_shared>>
        %dma_wait3A_149 = arith.constant 9984 : i32
        %dma_wait3A_150 = arith.constant 0 : i32
        %dma_wait3A_151 = tpu.memref_slice %arg8[%dma_wait3A_149, %dma_wait3A_150] : memref<10000x144xf32, #tpu.memory_space<vmem_shared>> -> memref<16x144xf32, #tpu.memory_space<vmem_shared>>
        %dma_wait3A_152 = arith.constant 0 : i32
        %dma_wait3A_153 = arith.constant 0 : i32
        %dma_wait3A_154 = tpu.memref_slice %arg14[%dma_wait3A_152, %dma_wait3A_153] : memref<40x144xf32, #tpu.memory_space<vmem>> -> memref<16x144xf32, #tpu.memory_space<vmem>>
        tpu.wait_dma2 semaphore(%run_scoped3A : memref<!tpu.dma_semaphore, #tpu.memory_space<semaphore_mem>>) src(%dma_wait3A_154 : memref<16x144xf32, #tpu.memory_space<vmem>>) dst(%dma_wait3A_151 : memref<16x144xf32, #tpu.memory_space<vmem_shared>>)
        tpu.yield
      }) : () -> ()
    } else {
    }
    "tpu.region"() ({
      %run_scoped3A = tpu.sem_alloc : memref<!tpu.dma_semaphore, #tpu.memory_space<semaphore_mem>>
      tpu.enqueue_dma source(%arg6 : memref<16xf32, #tpu.memory_space<hbm>>) target(%arg9 : memref<16xf32, #tpu.memory_space<vmem>>) target_semaphore(%run_scoped3A : memref<!tpu.dma_semaphore, #tpu.memory_space<semaphore_mem>>)
      tpu.wait_dma2 semaphore(%run_scoped3A : memref<!tpu.dma_semaphore, #tpu.memory_space<semaphore_mem>>) src(%arg6 : memref<16xf32, #tpu.memory_space<hbm>>) dst(%arg9 : memref<16xf32, #tpu.memory_space<vmem>>)
      tpu.yield
    }) : () -> ()
    %barrier3A = arith.constant 0 : index
    tpu.barrier barrier_id(%barrier3A)
    %iota3A = tpu.iota {dimensions = array<i32: 0>} : vector<16xi32>
    %lt3A = arith.constant 8 : i32
    %lt3A_47 = vector.broadcast %lt3A : i32 to vector<16xi32>
    %lt3A_48 = arith.cmpi slt, %iota3A, %lt3A_47 : vector<16xi32>
    %get3A = arith.constant 0 : index
    %get3A_49 = tpu.vector_load %arg9[%get3A] {strides = array<i32>} : memref<16xf32, #tpu.memory_space<vmem>>, vector<16xf32>,
    %get3A_50 = vector.shape_cast %get3A_49 : vector<16xf32> to vector<16xf32>
    %iota3A_51 = tpu.iota {dimensions = array<i32: 0>} : vector<16xi32>
    %add3A_52 = arith.constant 8 : i32
    %add3A_53 = vector.broadcast %add3A_52 : i32 to vector<16xi32>
    %add3A_54 = arith.addi %iota3A_51, %add3A_53 : vector<16xi32>
    %and3A = arith.constant 15 : i32
    %and3A_55 = vector.broadcast %and3A : i32 to vector<16xi32>
    %and3A_56 = arith.andi %add3A_54, %and3A_55 : vector<16xi32>
    %reshape3A = vector.shape_cast %and3A_56 : vector<16xi32> to vector<16x1xi32>
    %gather3A = vector.shape_cast %reshape3A : vector<16x1xi32> to vector<16xi32>
    %gather3A_57 = tpu.dynamic_gather %get3A_50[%gather3A] in [0] : vector<16xf32>, vector<16xi32> -> vector<16xf32>
    %add3A_58 = arith.addf %get3A_50, %gather3A_57 : vector<16xf32>
    %gt3A = arith.constant 0.000000e+00 : f32
    %gt3A_59 = vector.broadcast %gt3A : f32 to vector<16xf32>
    %gt3A_60 = arith.cmpf ogt, %add3A_58, %gt3A_59 : vector<16xf32>
    %mul3A_61 = arith.constant 2.000000e-01 : f32
    %mul3A_62 = vector.broadcast %mul3A_61 : f32 to vector<16xf32>
    %mul3A_63 = arith.mulf %mul3A_62, %add3A_58 : vector<16xf32>
    %select_n3A = arith.select %gt3A_60, %add3A_58, %mul3A_63 : vector<16xi1>, vector<16xf32>
    %lt3A_64 = arith.constant 8 : i32
    %lt3A_65 = vector.broadcast %lt3A_64 : i32 to vector<16xi32>
    %lt3A_66 = arith.cmpi slt, %iota3A, %lt3A_65 : vector<16xi32>
    %jit3A = arith.constant 1.000000e+30 : f32
    %broadcast_in_dim3A = vector.broadcast %jit3A : f32 to vector<16xf32>
    %select_n3A_67 = arith.select %lt3A_66, %select_n3A, %broadcast_in_dim3A : vector<16xi1>, vector<16xf32>
    %add3A_68 = arith.constant 0 : i32
    %add3A_69 = arith.addi %mul3A_4, %add3A_68 : i32
    %multiple_of3A = tpu.assume_multiple %add3A_69, 8 : i32
    %dma_start3A = tpu.memref_slice %arg2[%multiple_of3A] : memref<320000xi32, #tpu.memory_space<hbm>> -> memref<40xi32, #tpu.memory_space<hbm>>
    %dma_start3A_70 = tpu.memref_slice %arg2[%multiple_of3A] : memref<320000xi32, #tpu.memory_space<hbm>> -> memref<40xi32, #tpu.memory_space<hbm>>
    tpu.enqueue_dma source(%dma_start3A_70 : memref<40xi32, #tpu.memory_space<hbm>>) target(%arg11 : memref<40xi32, #tpu.memory_space<vmem>>) target_semaphore(%arg15 : memref<!tpu.dma_semaphore, #tpu.memory_space<semaphore_mem>>)
    %add3A_71 = arith.constant 40 : i32
    %add3A_72 = arith.addi %mul3A_4, %add3A_71 : i32
    %multiple_of3A_73 = tpu.assume_multiple %add3A_72, 8 : i32
    %dma_start3A_74 = tpu.memref_slice %arg2[%multiple_of3A_73] : memref<320000xi32, #tpu.memory_space<hbm>> -> memref<40xi32, #tpu.memory_space<hbm>>
    %dma_start3A_75 = tpu.memref_slice %arg2[%multiple_of3A_73] : memref<320000xi32, #tpu.memory_space<hbm>> -> memref<40xi32, #tpu.memory_space<hbm>>
    tpu.enqueue_dma source(%dma_start3A_75 : memref<40xi32, #tpu.memory_space<hbm>>) target(%arg18 : memref<40xi32, #tpu.memory_space<vmem>>) target_semaphore(%arg22 : memref<!tpu.dma_semaphore, #tpu.memory_space<semaphore_mem>>)
    %add3A_76 = arith.constant 0 : i32
    %add3A_77 = arith.addi %mul3A_4, %add3A_76 : i32
    %multiple_of3A_78 = tpu.assume_multiple %add3A_77, 8 : i32
    %dma_wait3A = tpu.memref_slice %arg2[%multiple_of3A_78] : memref<320000xi32, #tpu.memory_space<hbm>> -> memref<40xi32, #tpu.memory_space<hbm>>
    %dma_wait3A_79 = tpu.memref_slice %arg2[%multiple_of3A_78] : memref<320000xi32, #tpu.memory_space<hbm>> -> memref<40xi32, #tpu.memory_space<hbm>>
    tpu.wait_dma2 semaphore(%arg15 : memref<!tpu.dma_semaphore, #tpu.memory_space<semaphore_mem>>) src(%dma_wait3A_79 : memref<40xi32, #tpu.memory_space<hbm>>) dst(%arg11 : memref<40xi32, #tpu.memory_space<vmem>>)
    %dma_start3A_80 = arith.constant 0 : i32
    %dma_start3A_81 = arith.constant 0 : i32
    %dma_start3A_82 = tpu.memref_slice %arg10[%dma_start3A_80, %dma_start3A_81] : memref<250x40xi32, #tpu.memory_space<vmem>> -> memref<1x40xi32, #tpu.memory_space<vmem>>
    %dma_start3A_83 = tpu.memref_squeeze %dma_start3A_82 : memref<1x40xi32, #tpu.memory_space<vmem>> -> memref<40xi32, #tpu.memory_space<vmem>>
    %dma_start3A_84 = arith.constant 0 : i32
    %dma_start3A_85 = arith.constant 0 : i32
    %dma_start3A_86 = tpu.memref_slice %arg5[%dma_start3A_84, %dma_start3A_85] : memref<10000x16xf32, #tpu.memory_space<hbm>> -> memref<10000x16xf32, #tpu.memory_space<hbm>>
    tpu.enqueue_indirect_dma source(%dma_start3A_86 : memref<10000x16xf32, #tpu.memory_space<hbm>>) target(%arg12 : memref<40x16xf32, #tpu.memory_space<vmem>>) offsets(%dma_start3A_83 : memref<40xi32, #tpu.memory_space<vmem>>) semaphore(%arg16 : memref<!tpu.dma_semaphore, #tpu.memory_space<semaphore_mem>>)
    %dma_start3A_87 = arith.constant 0 : i32
    %dma_start3A_88 = arith.constant 0 : i32
    %dma_start3A_89 = tpu.memref_slice %arg4[%dma_start3A_87, %dma_start3A_88] : memref<10000x144xf32, #tpu.memory_space<hbm>> -> memref<10000x144xf32, #tpu.memory_space<hbm>>
    tpu.enqueue_indirect_dma source(%dma_start3A_89 : memref<10000x144xf32, #tpu.memory_space<hbm>>) target(%arg13 : memref<40x144xf32, #tpu.memory_space<vmem>>) offsets(%arg11 : memref<40xi32, #tpu.memory_space<vmem>>) semaphore(%arg16 : memref<!tpu.dma_semaphore, #tpu.memory_space<semaphore_mem>>)
    %add3A_90 = arith.constant 40 : i32
    %add3A_91 = arith.addi %mul3A_4, %add3A_90 : i32
    %multiple_of3A_92 = tpu.assume_multiple %add3A_91, 8 : i32
    %dma_wait3A_93 = tpu.memref_slice %arg2[%multiple_of3A_92] : memref<320000xi32, #tpu.memory_space<hbm>> -> memref<40xi32, #tpu.memory_space<hbm>>
    %dma_wait3A_94 = tpu.memref_slice %arg2[%multiple_of3A_92] : memref<320000xi32, #tpu.memory_space<hbm>> -> memref<40xi32, #tpu.memory_space<hbm>>
    tpu.wait_dma2 semaphore(%arg22 : memref<!tpu.dma_semaphore, #tpu.memory_space<semaphore_mem>>) src(%dma_wait3A_94 : memref<40xi32, #tpu.memory_space<hbm>>) dst(%arg18 : memref<40xi32, #tpu.memory_space<vmem>>)
    %dma_start3A_95 = arith.constant 1 : i32
    %dma_start3A_96 = arith.constant 0 : i32
    %dma_start3A_97 = tpu.memref_slice %arg10[%dma_start3A_95, %dma_start3A_96] : memref<250x40xi32, #tpu.memory_space<vmem>> -> memref<1x40xi32, #tpu.memory_space<vmem>>
    %dma_start3A_98 = tpu.memref_squeeze %dma_start3A_97 : memref<1x40xi32, #tpu.memory_space<vmem>> -> memref<40xi32, #tpu.memory_space<vmem>>
    %dma_start3A_99 = arith.constant 0 : i32
    %dma_start3A_100 = arith.constant 0 : i32
    %dma_start3A_101 = tpu.memref_slice %arg5[%dma_start3A_99, %dma_start3A_100] : memref<10000x16xf32, #tpu.memory_space<hbm>> -> memref<10000x16xf32, #tpu.memory_space<hbm>>
    tpu.enqueue_indirect_dma source(%dma_start3A_101 : memref<10000x16xf32, #tpu.memory_space<hbm>>) target(%arg19 : memref<40x16xf32, #tpu.memory_space<vmem>>) offsets(%dma_start3A_98 : memref<40xi32, #tpu.memory_space<vmem>>) semaphore(%arg23 : memref<!tpu.dma_semaphore, #tpu.memory_space<semaphore_mem>>)
    %dma_start3A_102 = arith.constant 0 : i32
    %dma_start3A_103 = arith.constant 0 : i32
    %dma_start3A_104 = tpu.memref_slice %arg4[%dma_start3A_102, %dma_start3A_103] : memref<10000x144xf32, #tpu.memory_space<hbm>> -> memref<10000x144xf32, #tpu.memory_space<hbm>>
    tpu.enqueue_indirect_dma source(%dma_start3A_104 : memref<10000x144xf32, #tpu.memory_space<hbm>>) target(%arg20 : memref<40x144xf32, #tpu.memory_space<vmem>>) offsets(%arg18 : memref<40xi32, #tpu.memory_space<vmem>>) semaphore(%arg23 : memref<!tpu.dma_semaphore, #tpu.memory_space<semaphore_mem>>)
    %scan3A_105 = arith.constant 0 : i32
    %scan3A_106 = arith.constant 0 : i32
    %scan3A_107 = arith.constant 125 : i32
    %scan3A_108 = arith.addi %scan3A_106, %scan3A_107 : i32
    %scan3A_109 = arith.constant 1 : i32
    scf.for %scan3A_131 = %scan3A_106 to %scan3A_108 step %scan3A_109  : i32 {
      %mul3A_132 = arith.constant 2 : i32
      %mul3A_133 = arith.muli %mul3A_132, %scan3A_131 : i32
      %dma_wait3A_134 = arith.constant 0 : i32
      %dma_wait3A_135 = tpu.memref_slice %arg10[%mul3A_133, %dma_wait3A_134] : memref<250x40xi32, #tpu.memory_space<vmem>> -> memref<1x40xi32, #tpu.memory_space<vmem>>
      %dma_wait3A_136 = tpu.memref_squeeze %dma_wait3A_135 : memref<1x40xi32, #tpu.memory_space<vmem>> -> memref<40xi32, #tpu.memory_space<vmem>>
      %dma_wait3A_137 = arith.constant 0 : i32
      %dma_wait3A_138 = arith.constant 0 : i32
      %dma_wait3A_139 = tpu.memref_slice %arg5[%dma_wait3A_137, %dma_wait3A_138] : memref<10000x16xf32, #tpu.memory_space<hbm>> -> memref<10000x16xf32, #tpu.memory_space<hbm>>
      tpu.wait_indirect_dma semaphore(%arg16 : memref<!tpu.dma_semaphore, #tpu.memory_space<semaphore_mem>>) src(%dma_wait3A_139 : memref<10000x16xf32, #tpu.memory_space<hbm>>) dst(%arg12 : memref<40x16xf32, #tpu.memory_space<vmem>>)
      %dma_wait3A_140 = arith.constant 0 : i32
      %dma_wait3A_141 = arith.constant 0 : i32
      %dma_wait3A_142 = tpu.memref_slice %arg4[%dma_wait3A_140, %dma_wait3A_141] : memref<10000x144xf32, #tpu.memory_space<hbm>> -> memref<10000x144xf32, #tpu.memory_space<hbm>>
      tpu.wait_indirect_dma semaphore(%arg16 : memref<!tpu.dma_semaphore, #tpu.memory_space<semaphore_mem>>) src(%dma_wait3A_142 : memref<10000x144xf32, #tpu.memory_space<hbm>>) dst(%arg13 : memref<40x144xf32, #tpu.memory_space<vmem>>)
      %mul3A_143 = arith.constant 2 : i32
      %mul3A_144 = arith.muli %mul3A_143, %scan3A_131 : i32
      %add3A_145 = arith.constant 2 : i32
      %add3A_146 = arith.addi %mul3A_144, %add3A_145 : i32
      %lt3A_147 = arith.constant 250 : i32
      %lt3A_148 = arith.cmpi slt, %add3A_146, %lt3A_147 : i32
      %convert_element_type3A_149 = arith.extui %lt3A_148 : i1 to i32
      %cond3A_150 = arith.constant 0 : i32
      %cond3A_151 = arith.cmpi ne, %convert_element_type3A_149, %cond3A_150 : i32
      scf.if %cond3A_151 {
        %mul3A_225 = arith.constant 2 : i32
        %mul3A_226 = arith.muli %mul3A_225, %scan3A_131 : i32
        %add3A_227 = arith.constant 2 : i32
        %add3A_228 = arith.addi %mul3A_226, %add3A_227 : i32
        %mul3A_229 = arith.constant 40 : i32
        %mul3A_230 = arith.muli %add3A_228, %mul3A_229 : i32
        %add3A_231 = arith.addi %mul3A_4, %mul3A_230 : i32
        %multiple_of3A_232 = tpu.assume_multiple %add3A_231, 8 : i32
        %dma_start3A_233 = tpu.memref_slice %arg2[%multiple_of3A_232] : memref<320000xi32, #tpu.memory_space<hbm>> -> memref<40xi32, #tpu.memory_space<hbm>>
        %dma_start3A_234 = tpu.memref_slice %arg2[%multiple_of3A_232] : memref<320000xi32, #tpu.memory_space<hbm>> -> memref<40xi32, #tpu.memory_space<hbm>>
        tpu.enqueue_dma source(%dma_start3A_234 : memref<40xi32, #tpu.memory_space<hbm>>) target(%arg11 : memref<40xi32, #tpu.memory_space<vmem>>) target_semaphore(%arg15 : memref<!tpu.dma_semaphore, #tpu.memory_space<semaphore_mem>>)
      } else {
      }
      %gt3A_152 = arith.constant 0 : i32
      %gt3A_153 = arith.cmpi sgt, %scan3A_131, %gt3A_152 : i32
      %convert_element_type3A_154 = arith.extui %gt3A_153 : i1 to i32
      %cond3A_155 = arith.constant 0 : i32
      %cond3A_156 = arith.cmpi ne, %convert_element_type3A_154, %cond3A_155 : i32
      scf.if %cond3A_156 {
        %mul3A_225 = arith.constant 2 : i32
        %mul3A_226 = arith.muli %mul3A_225, %scan3A_131 : i32
        %sub3A_227 = arith.constant 2 : i32
        %sub3A_228 = arith.subi %mul3A_226, %sub3A_227 : i32
        %dma_wait3A_229 = arith.constant 0 : i32
        %dma_wait3A_230 = tpu.memref_slice %arg10[%sub3A_228, %dma_wait3A_229] : memref<250x40xi32, #tpu.memory_space<vmem>> -> memref<1x40xi32, #tpu.memory_space<vmem>>
        %dma_wait3A_231 = tpu.memref_squeeze %dma_wait3A_230 : memref<1x40xi32, #tpu.memory_space<vmem>> -> memref<40xi32, #tpu.memory_space<vmem>>
        %dma_wait3A_232 = arith.constant 0 : i32
        %dma_wait3A_233 = arith.constant 0 : i32
        %dma_wait3A_234 = tpu.memref_slice %arg8[%dma_wait3A_232, %dma_wait3A_233] : memref<10000x144xf32, #tpu.memory_space<vmem_shared>> -> memref<10000x144xf32, #tpu.memory_space<vmem_shared>>
        tpu.wait_indirect_dma semaphore(%arg17 : memref<!tpu.dma_semaphore, #tpu.memory_space<semaphore_mem>>) src(%arg14 : memref<40x144xf32, #tpu.memory_space<vmem>>) dst(%dma_wait3A_234 : memref<10000x144xf32, #tpu.memory_space<vmem_shared>>)
      } else {
      }
      %mul3A_157 = arith.constant 2 : i32
      %mul3A_158 = arith.muli %mul3A_157, %scan3A_131 : i32
      %parallel_loop3A = arith.constant 0 : i32
      %parallel_loop3A_159 = arith.constant 40 : i32
      %parallel_loop3A_160 = arith.constant 1 : i32
      scf.for %parallel_loop3A_225 = %parallel_loop3A to %parallel_loop3A_159 step %parallel_loop3A_160  : i32 {
        %parallel_loop3A_226 = arith.index_cast %parallel_loop3A_225 : i32 to index
        %parallel_loop3A_227 = arith.constant 128 : index
        %parallel_loop3A_228 = tpu.vector_load %arg13[%parallel_loop3A_226, %parallel_loop3A_227] {strides = array<i32>} : memref<40x144xf32, #tpu.memory_space<vmem>>, vector<1x16xf32>,
        %parallel_loop3A_229 = vector.shape_cast %parallel_loop3A_228 : vector<1x16xf32> to vector<16xf32>
        %parallel_loop3A_230 = arith.index_cast %parallel_loop3A_225 : i32 to index
        %parallel_loop3A_231 = arith.constant 0 : index
        %parallel_loop3A_232 = tpu.vector_load %arg12[%parallel_loop3A_230, %parallel_loop3A_231] {strides = array<i32>} : memref<40x16xf32, #tpu.memory_space<vmem>>, vector<1x16xf32>,
        %parallel_loop3A_233 = vector.shape_cast %parallel_loop3A_232 : vector<1x16xf32> to vector<16xf32>
        %parallel_loop3A_234 = arith.addf %parallel_loop3A_229, %parallel_loop3A_233 : vector<16xf32>
        %parallel_loop3A_235 = arith.constant 0.000000e+00 : f32
        %parallel_loop3A_236 = vector.broadcast %parallel_loop3A_235 : f32 to vector<16xf32>
        %parallel_loop3A_237 = arith.cmpf ogt, %parallel_loop3A_234, %parallel_loop3A_236 : vector<16xf32>
        %parallel_loop3A_238 = arith.constant 2.000000e-01 : f32
        %parallel_loop3A_239 = vector.broadcast %parallel_loop3A_238 : f32 to vector<16xf32>
        %parallel_loop3A_240 = arith.mulf %parallel_loop3A_239, %parallel_loop3A_234 : vector<16xf32>
        %parallel_loop3A_241 = arith.select %parallel_loop3A_237, %parallel_loop3A_234, %parallel_loop3A_240 : vector<16xi1>, vector<16xf32>
        %parallel_loop3A_242 = arith.subf %parallel_loop3A_241, %select_n3A_67 : vector<16xf32>
        %parallel_loop3A_243 = math.exp %parallel_loop3A_242 : vector<16xf32>
        %parallel_loop3A_244 = arith.constant 0.000000e+00 : f32
        %parallel_loop3A_245 = vector.broadcast %parallel_loop3A_244 : f32 to vector<16xf32>
        %parallel_loop3A_246 = arith.select %lt3A_48, %parallel_loop3A_243, %parallel_loop3A_245 : vector<16xi1>, vector<16xf32>
        %parallel_loop3A_247 = arith.index_cast %parallel_loop3A_225 : i32 to index
        %parallel_loop3A_248 = arith.constant 128 : index
        %parallel_loop3A_249 = tpu.vector_load %arg14[%parallel_loop3A_247, %parallel_loop3A_248] {strides = array<i32>} : memref<40x144xf32, #tpu.memory_space<vmem>>, vector<1x16xf32>,
        %parallel_loop3A_250 = vector.shape_cast %parallel_loop3A_249 : vector<1x16xf32> to vector<16xf32>
        %parallel_loop3A_251 = vector.shape_cast %parallel_loop3A_246 : vector<16xf32> to vector<1x16xf32>
        tpu.vector_store %arg14[%parallel_loop3A_247, %parallel_loop3A_248], %parallel_loop3A_251 {strides = array<i32>} : memref<40x144xf32, #tpu.memory_space<vmem>>, vector<1x16xf32>,
        %parallel_loop3A_252 = arith.index_cast %parallel_loop3A_225 : i32 to index
        %parallel_loop3A_253 = arith.constant 0 : index
        %parallel_loop3A_254 = tpu.vector_load %arg13[%parallel_loop3A_252, %parallel_loop3A_253] {strides = array<i32>} : memref<40x144xf32, #tpu.memory_space<vmem>>, vector<1x16xf32>,
        %parallel_loop3A_255 = vector.shape_cast %parallel_loop3A_254 : vector<1x16xf32> to vector<16xf32>
        %parallel_loop3A_256 = arith.constant 0 : i32
        %parallel_loop3A_257 = vector.broadcast %parallel_loop3A_256 : i32 to vector<16x1xi32>
        %parallel_loop3A_258 = vector.shape_cast %parallel_loop3A_257 : vector<16x1xi32> to vector<16xi32>
        %parallel_loop3A_259 = tpu.dynamic_gather %parallel_loop3A_246[%parallel_loop3A_258] in [0] : vector<16xf32>, vector<16xi32> -> vector<16xf32>
        %parallel_loop3A_260 = arith.mulf %parallel_loop3A_255, %parallel_loop3A_259 : vector<16xf32>
        %parallel_loop3A_261 = arith.index_cast %parallel_loop3A_225 : i32 to index
        %parallel_loop3A_262 = arith.constant 0 : index
        %parallel_loop3A_263 = tpu.vector_load %arg14[%parallel_loop3A_261, %parallel_loop3A_262] {strides = array<i32>} : memref<40x144xf32, #tpu.memory_space<vmem>>, vector<1x16xf32>,
        %parallel_loop3A_264 = vector.shape_cast %parallel_loop3A_263 : vector<1x16xf32> to vector<16xf32>
        %parallel_loop3A_265 = vector.shape_cast %parallel_loop3A_260 : vector<16xf32> to vector<1x16xf32>
        tpu.vector_store %arg14[%parallel_loop3A_261, %parallel_loop3A_262], %parallel_loop3A_265 {strides = array<i32>} : memref<40x144xf32, #tpu.memory_space<vmem>>, vector<1x16xf32>,
        %parallel_loop3A_266 = arith.index_cast %parallel_loop3A_225 : i32 to index
        %parallel_loop3A_267 = arith.constant 16 : index
        %parallel_loop3A_268 = tpu.vector_load %arg13[%parallel_loop3A_266, %parallel_loop3A_267] {strides = array<i32>} : memref<40x144xf32, #tpu.memory_space<vmem>>, vector<1x16xf32>,
        %parallel_loop3A_269 = vector.shape_cast %parallel_loop3A_268 : vector<1x16xf32> to vector<16xf32>
        %parallel_loop3A_270 = arith.constant 1 : i32
        %parallel_loop3A_271 = vector.broadcast %parallel_loop3A_270 : i32 to vector<16x1xi32>
        %parallel_loop3A_272 = vector.shape_cast %parallel_loop3A_271 : vector<16x1xi32> to vector<16xi32>
        %parallel_loop3A_273 = tpu.dynamic_gather %parallel_loop3A_246[%parallel_loop3A_272] in [0] : vector<16xf32>, vector<16xi32> -> vector<16xf32>
        %parallel_loop3A_274 = arith.mulf %parallel_loop3A_269, %parallel_loop3A_273 : vector<16xf32>
        %parallel_loop3A_275 = arith.index_cast %parallel_loop3A_225 : i32 to index
        %parallel_loop3A_276 = arith.constant 16 : index
        %parallel_loop3A_277 = tpu.vector_load %arg14[%parallel_loop3A_275, %parallel_loop3A_276] {strides = array<i32>} : memref<40x144xf32, #tpu.memory_space<vmem>>, vector<1x16xf32>,
        %parallel_loop3A_278 = vector.shape_cast %parallel_loop3A_277 : vector<1x16xf32> to vector<16xf32>
        %parallel_loop3A_279 = vector.shape_cast %parallel_loop3A_274 : vector<16xf32> to vector<1x16xf32>
        tpu.vector_store %arg14[%parallel_loop3A_275, %parallel_loop3A_276], %parallel_loop3A_279 {strides = array<i32>} : memref<40x144xf32, #tpu.memory_space<vmem>>, vector<1x16xf32>,
        %parallel_loop3A_280 = arith.index_cast %parallel_loop3A_225 : i32 to index
        %parallel_loop3A_281 = arith.constant 32 : index
        %parallel_loop3A_282 = tpu.vector_load %arg13[%parallel_loop3A_280, %parallel_loop3A_281] {strides = array<i32>} : memref<40x144xf32, #tpu.memory_space<vmem>>, vector<1x16xf32>,
        %parallel_loop3A_283 = vector.shape_cast %parallel_loop3A_282 : vector<1x16xf32> to vector<16xf32>
        %parallel_loop3A_284 = arith.constant 2 : i32
        %parallel_loop3A_285 = vector.broadcast %parallel_loop3A_284 : i32 to vector<16x1xi32>
        %parallel_loop3A_286 = vector.shape_cast %parallel_loop3A_285 : vector<16x1xi32> to vector<16xi32>
        %parallel_loop3A_287 = tpu.dynamic_gather %parallel_loop3A_246[%parallel_loop3A_286] in [0] : vector<16xf32>, vector<16xi32> -> vector<16xf32>
        %parallel_loop3A_288 = arith.mulf %parallel_loop3A_283, %parallel_loop3A_287 : vector<16xf32>
        %parallel_loop3A_289 = arith.index_cast %parallel_loop3A_225 : i32 to index
        %parallel_loop3A_290 = arith.constant 32 : index
        %parallel_loop3A_291 = tpu.vector_load %arg14[%parallel_loop3A_289, %parallel_loop3A_290] {strides = array<i32>} : memref<40x144xf32, #tpu.memory_space<vmem>>, vector<1x16xf32>,
        %parallel_loop3A_292 = vector.shape_cast %parallel_loop3A_291 : vector<1x16xf32> to vector<16xf32>
        %parallel_loop3A_293 = vector.shape_cast %parallel_loop3A_288 : vector<16xf32> to vector<1x16xf32>
        tpu.vector_store %arg14[%parallel_loop3A_289, %parallel_loop3A_290], %parallel_loop3A_293 {strides = array<i32>} : memref<40x144xf32, #tpu.memory_space<vmem>>, vector<1x16xf32>,
        %parallel_loop3A_294 = arith.index_cast %parallel_loop3A_225 : i32 to index
        %parallel_loop3A_295 = arith.constant 48 : index
        %parallel_loop3A_296 = tpu.vector_load %arg13[%parallel_loop3A_294, %parallel_loop3A_295] {strides = array<i32>} : memref<40x144xf32, #tpu.memory_space<vmem>>, vector<1x16xf32>,
        %parallel_loop3A_297 = vector.shape_cast %parallel_loop3A_296 : vector<1x16xf32> to vector<16xf32>
        %parallel_loop3A_298 = arith.constant 3 : i32
        %parallel_loop3A_299 = vector.broadcast %parallel_loop3A_298 : i32 to vector<16x1xi32>
        %parallel_loop3A_300 = vector.shape_cast %parallel_loop3A_299 : vector<16x1xi32> to vector<16xi32>
        %parallel_loop3A_301 = tpu.dynamic_gather %parallel_loop3A_246[%parallel_loop3A_300] in [0] : vector<16xf32>, vector<16xi32> -> vector<16xf32>
        %parallel_loop3A_302 = arith.mulf %parallel_loop3A_297, %parallel_loop3A_301 : vector<16xf32>
        %parallel_loop3A_303 = arith.index_cast %parallel_loop3A_225 : i32 to index
        %parallel_loop3A_304 = arith.constant 48 : index
        %parallel_loop3A_305 = tpu.vector_load %arg14[%parallel_loop3A_303, %parallel_loop3A_304] {strides = array<i32>} : memref<40x144xf32, #tpu.memory_space<vmem>>, vector<1x16xf32>,
        %parallel_loop3A_306 = vector.shape_cast %parallel_loop3A_305 : vector<1x16xf32> to vector<16xf32>
        %parallel_loop3A_307 = vector.shape_cast %parallel_loop3A_302 : vector<16xf32> to vector<1x16xf32>
        tpu.vector_store %arg14[%parallel_loop3A_303, %parallel_loop3A_304], %parallel_loop3A_307 {strides = array<i32>} : memref<40x144xf32, #tpu.memory_space<vmem>>, vector<1x16xf32>,
        %parallel_loop3A_308 = arith.index_cast %parallel_loop3A_225 : i32 to index
        %parallel_loop3A_309 = arith.constant 64 : index
        %parallel_loop3A_310 = tpu.vector_load %arg13[%parallel_loop3A_308, %parallel_loop3A_309] {strides = array<i32>} : memref<40x144xf32, #tpu.memory_space<vmem>>, vector<1x16xf32>,
        %parallel_loop3A_311 = vector.shape_cast %parallel_loop3A_310 : vector<1x16xf32> to vector<16xf32>
        %parallel_loop3A_312 = arith.constant 4 : i32
        %parallel_loop3A_313 = vector.broadcast %parallel_loop3A_312 : i32 to vector<16x1xi32>
        %parallel_loop3A_314 = vector.shape_cast %parallel_loop3A_313 : vector<16x1xi32> to vector<16xi32>
        %parallel_loop3A_315 = tpu.dynamic_gather %parallel_loop3A_246[%parallel_loop3A_314] in [0] : vector<16xf32>, vector<16xi32> -> vector<16xf32>
        %parallel_loop3A_316 = arith.mulf %parallel_loop3A_311, %parallel_loop3A_315 : vector<16xf32>
        %parallel_loop3A_317 = arith.index_cast %parallel_loop3A_225 : i32 to index
        %parallel_loop3A_318 = arith.constant 64 : index
        %parallel_loop3A_319 = tpu.vector_load %arg14[%parallel_loop3A_317, %parallel_loop3A_318] {strides = array<i32>} : memref<40x144xf32, #tpu.memory_space<vmem>>, vector<1x16xf32>,
        %parallel_loop3A_320 = vector.shape_cast %parallel_loop3A_319 : vector<1x16xf32> to vector<16xf32>
        %parallel_loop3A_321 = vector.shape_cast %parallel_loop3A_316 : vector<16xf32> to vector<1x16xf32>
        tpu.vector_store %arg14[%parallel_loop3A_317, %parallel_loop3A_318], %parallel_loop3A_321 {strides = array<i32>} : memref<40x144xf32, #tpu.memory_space<vmem>>, vector<1x16xf32>,
        %parallel_loop3A_322 = arith.index_cast %parallel_loop3A_225 : i32 to index
        %parallel_loop3A_323 = arith.constant 80 : index
        %parallel_loop3A_324 = tpu.vector_load %arg13[%parallel_loop3A_322, %parallel_loop3A_323] {strides = array<i32>} : memref<40x144xf32, #tpu.memory_space<vmem>>, vector<1x16xf32>,
        %parallel_loop3A_325 = vector.shape_cast %parallel_loop3A_324 : vector<1x16xf32> to vector<16xf32>
        %parallel_loop3A_326 = arith.constant 5 : i32
        %parallel_loop3A_327 = vector.broadcast %parallel_loop3A_326 : i32 to vector<16x1xi32>
        %parallel_loop3A_328 = vector.shape_cast %parallel_loop3A_327 : vector<16x1xi32> to vector<16xi32>
        %parallel_loop3A_329 = tpu.dynamic_gather %parallel_loop3A_246[%parallel_loop3A_328] in [0] : vector<16xf32>, vector<16xi32> -> vector<16xf32>
        %parallel_loop3A_330 = arith.mulf %parallel_loop3A_325, %parallel_loop3A_329 : vector<16xf32>
        %parallel_loop3A_331 = arith.index_cast %parallel_loop3A_225 : i32 to index
        %parallel_loop3A_332 = arith.constant 80 : index
        %parallel_loop3A_333 = tpu.vector_load %arg14[%parallel_loop3A_331, %parallel_loop3A_332] {strides = array<i32>} : memref<40x144xf32, #tpu.memory_space<vmem>>, vector<1x16xf32>,
        %parallel_loop3A_334 = vector.shape_cast %parallel_loop3A_333 : vector<1x16xf32> to vector<16xf32>
        %parallel_loop3A_335 = vector.shape_cast %parallel_loop3A_330 : vector<16xf32> to vector<1x16xf32>
        tpu.vector_store %arg14[%parallel_loop3A_331, %parallel_loop3A_332], %parallel_loop3A_335 {strides = array<i32>} : memref<40x144xf32, #tpu.memory_space<vmem>>, vector<1x16xf32>,
        %parallel_loop3A_336 = arith.index_cast %parallel_loop3A_225 : i32 to index
        %parallel_loop3A_337 = arith.constant 96 : index
        %parallel_loop3A_338 = tpu.vector_load %arg13[%parallel_loop3A_336, %parallel_loop3A_337] {strides = array<i32>} : memref<40x144xf32, #tpu.memory_space<vmem>>, vector<1x16xf32>,
        %parallel_loop3A_339 = vector.shape_cast %parallel_loop3A_338 : vector<1x16xf32> to vector<16xf32>
        %parallel_loop3A_340 = arith.constant 6 : i32
        %parallel_loop3A_341 = vector.broadcast %parallel_loop3A_340 : i32 to vector<16x1xi32>
        %parallel_loop3A_342 = vector.shape_cast %parallel_loop3A_341 : vector<16x1xi32> to vector<16xi32>
        %parallel_loop3A_343 = tpu.dynamic_gather %parallel_loop3A_246[%parallel_loop3A_342] in [0] : vector<16xf32>, vector<16xi32> -> vector<16xf32>
        %parallel_loop3A_344 = arith.mulf %parallel_loop3A_339, %parallel_loop3A_343 : vector<16xf32>
        %parallel_loop3A_345 = arith.index_cast %parallel_loop3A_225 : i32 to index
        %parallel_loop3A_346 = arith.constant 96 : index
        %parallel_loop3A_347 = tpu.vector_load %arg14[%parallel_loop3A_345, %parallel_loop3A_346] {strides = array<i32>} : memref<40x144xf32, #tpu.memory_space<vmem>>, vector<1x16xf32>,
        %parallel_loop3A_348 = vector.shape_cast %parallel_loop3A_347 : vector<1x16xf32> to vector<16xf32>
        %parallel_loop3A_349 = vector.shape_cast %parallel_loop3A_344 : vector<16xf32> to vector<1x16xf32>
        tpu.vector_store %arg14[%parallel_loop3A_345, %parallel_loop3A_346], %parallel_loop3A_349 {strides = array<i32>} : memref<40x144xf32, #tpu.memory_space<vmem>>, vector<1x16xf32>,
        %parallel_loop3A_350 = arith.index_cast %parallel_loop3A_225 : i32 to index
        %parallel_loop3A_351 = arith.constant 112 : index
        %parallel_loop3A_352 = tpu.vector_load %arg13[%parallel_loop3A_350, %parallel_loop3A_351] {strides = array<i32>} : memref<40x144xf32, #tpu.memory_space<vmem>>, vector<1x16xf32>,
        %parallel_loop3A_353 = vector.shape_cast %parallel_loop3A_352 : vector<1x16xf32> to vector<16xf32>
        %parallel_loop3A_354 = arith.constant 7 : i32
        %parallel_loop3A_355 = vector.broadcast %parallel_loop3A_354 : i32 to vector<16x1xi32>
        %parallel_loop3A_356 = vector.shape_cast %parallel_loop3A_355 : vector<16x1xi32> to vector<16xi32>
        %parallel_loop3A_357 = tpu.dynamic_gather %parallel_loop3A_246[%parallel_loop3A_356] in [0] : vector<16xf32>, vector<16xi32> -> vector<16xf32>
        %parallel_loop3A_358 = arith.mulf %parallel_loop3A_353, %parallel_loop3A_357 : vector<16xf32>
        %parallel_loop3A_359 = arith.index_cast %parallel_loop3A_225 : i32 to index
        %parallel_loop3A_360 = arith.constant 112 : index
        %parallel_loop3A_361 = tpu.vector_load %arg14[%parallel_loop3A_359, %parallel_loop3A_360] {strides = array<i32>} : memref<40x144xf32, #tpu.memory_space<vmem>>, vector<1x16xf32>,
        %parallel_loop3A_362 = vector.shape_cast %parallel_loop3A_361 : vector<1x16xf32> to vector<16xf32>
        %parallel_loop3A_363 = vector.shape_cast %parallel_loop3A_358 : vector<16xf32> to vector<1x16xf32>
        tpu.vector_store %arg14[%parallel_loop3A_359, %parallel_loop3A_360], %parallel_loop3A_363 {strides = array<i32>} : memref<40x144xf32, #tpu.memory_space<vmem>>, vector<1x16xf32>,
      } {sc.loop_unroll_factor = 4 : i64, sc.parallel_access}
      %dma_start3A_161 = arith.constant 0 : i32
      %dma_start3A_162 = tpu.memref_slice %arg10[%mul3A_158, %dma_start3A_161] : memref<250x40xi32, #tpu.memory_space<vmem>> -> memref<1x40xi32, #tpu.memory_space<vmem>>
      %dma_start3A_163 = tpu.memref_squeeze %dma_start3A_162 : memref<1x40xi32, #tpu.memory_space<vmem>> -> memref<40xi32, #tpu.memory_space<vmem>>
      %dma_start3A_164 = arith.constant 0 : i32
      %dma_start3A_165 = arith.constant 0 : i32
      %dma_start3A_166 = tpu.memref_slice %arg8[%dma_start3A_164, %dma_start3A_165] : memref<10000x144xf32, #tpu.memory_space<vmem_shared>> -> memref<10000x144xf32, #tpu.memory_space<vmem_shared>>
      tpu.enqueue_indirect_dma source(%arg14 : memref<40x144xf32, #tpu.memory_space<vmem>>) target(%dma_start3A_166 : memref<10000x144xf32, #tpu.memory_space<vmem_shared>>) offsets(%dma_start3A_163 : memref<40xi32, #tpu.memory_space<vmem>>) semaphore(%arg17 : memref<!tpu.dma_semaphore, #tpu.memory_space<semaphore_mem>>) {add = true}
      %mul3A_167 = arith.constant 2 : i32
      %mul3A_168 = arith.muli %mul3A_167, %scan3A_131 : i32
      %add3A_169 = arith.constant 2 : i32
      %add3A_170 = arith.addi %mul3A_168, %add3A_169 : i32
      %lt3A_171 = arith.constant 250 : i32
      %lt3A_172 = arith.cmpi slt, %add3A_170, %lt3A_171 : i32
      %convert_element_type3A_173 = arith.extui %lt3A_172 : i1 to i32
      %cond3A_174 = arith.constant 0 : i32
      %cond3A_175 = arith.cmpi ne, %convert_element_type3A_173, %cond3A_174 : i32
      scf.if %cond3A_175 {
        %mul3A_225 = arith.constant 2 : i32
        %mul3A_226 = arith.muli %mul3A_225, %scan3A_131 : i32
        %add3A_227 = arith.constant 2 : i32
        %add3A_228 = arith.addi %mul3A_226, %add3A_227 : i32
        %mul3A_229 = arith.constant 40 : i32
        %mul3A_230 = arith.muli %add3A_228, %mul3A_229 : i32
        %add3A_231 = arith.addi %mul3A_4, %mul3A_230 : i32
        %multiple_of3A_232 = tpu.assume_multiple %add3A_231, 8 : i32
        %dma_wait3A_233 = tpu.memref_slice %arg2[%multiple_of3A_232] : memref<320000xi32, #tpu.memory_space<hbm>> -> memref<40xi32, #tpu.memory_space<hbm>>
        %dma_wait3A_234 = tpu.memref_slice %arg2[%multiple_of3A_232] : memref<320000xi32, #tpu.memory_space<hbm>> -> memref<40xi32, #tpu.memory_space<hbm>>
        tpu.wait_dma2 semaphore(%arg15 : memref<!tpu.dma_semaphore, #tpu.memory_space<semaphore_mem>>) src(%dma_wait3A_234 : memref<40xi32, #tpu.memory_space<hbm>>) dst(%arg11 : memref<40xi32, #tpu.memory_space<vmem>>)
        %dma_start3A_235 = arith.constant 0 : i32
        %dma_start3A_236 = tpu.memref_slice %arg10[%add3A_228, %dma_start3A_235] : memref<250x40xi32, #tpu.memory_space<vmem>> -> memref<1x40xi32, #tpu.memory_space<vmem>>
        %dma_start3A_237 = tpu.memref_squeeze %dma_start3A_236 : memref<1x40xi32, #tpu.memory_space<vmem>> -> memref<40xi32, #tpu.memory_space<vmem>>
        %dma_start3A_238 = arith.constant 0 : i32
        %dma_start3A_239 = arith.constant 0 : i32
        %dma_start3A_240 = tpu.memref_slice %arg5[%dma_start3A_238, %dma_start3A_239] : memref<10000x16xf32, #tpu.memory_space<hbm>> -> memref<10000x16xf32, #tpu.memory_space<hbm>>
        tpu.enqueue_indirect_dma source(%dma_start3A_240 : memref<10000x16xf32, #tpu.memory_space<hbm>>) target(%arg12 : memref<40x16xf32, #tpu.memory_space<vmem>>) offsets(%dma_start3A_237 : memref<40xi32, #tpu.memory_space<vmem>>) semaphore(%arg16 : memref<!tpu.dma_semaphore, #tpu.memory_space<semaphore_mem>>)
        %dma_start3A_241 = arith.constant 0 : i32
        %dma_start3A_242 = arith.constant 0 : i32
        %dma_start3A_243 = tpu.memref_slice %arg4[%dma_start3A_241, %dma_start3A_242] : memref<10000x144xf32, #tpu.memory_space<hbm>> -> memref<10000x144xf32, #tpu.memory_space<hbm>>
        tpu.enqueue_indirect_dma source(%dma_start3A_243 : memref<10000x144xf32, #tpu.memory_space<hbm>>) target(%arg13 : memref<40x144xf32, #tpu.memory_space<vmem>>) offsets(%arg11 : memref<40xi32, #tpu.memory_space<vmem>>) semaphore(%arg16 : memref<!tpu.dma_semaphore, #tpu.memory_space<semaphore_mem>>)
      } else {
      }
      %mul3A_176 = arith.constant 2 : i32
      %mul3A_177 = arith.muli %mul3A_176, %scan3A_131 : i32
      %add3A_178 = arith.constant 1 : i32
      %add3A_179 = arith.addi %mul3A_177, %add3A_178 : i32
      %dma_wait3A_180 = arith.constant 0 : i32
      %dma_wait3A_181 = tpu.memref_slice %arg10[%add3A_179, %dma_wait3A_180] : memref<250x40xi32, #tpu.memory_space<vmem>> -> memref<1x40xi32, #tpu.memory_space<vmem>>
      %dma_wait3A_182 = tpu.memref_squeeze %dma_wait3A_181 : memref<1x40xi32, #tpu.memory_space<vmem>> -> memref<40xi32, #tpu.memory_space<vmem>>
      %dma_wait3A_183 = arith.constant 0 : i32
      %dma_wait3A_184 = arith.constant 0 : i32
      %dma_wait3A_185 = tpu.memref_slice %arg5[%dma_wait3A_183, %dma_wait3A_184] : memref<10000x16xf32, #tpu.memory_space<hbm>> -> memref<10000x16xf32, #tpu.memory_space<hbm>>
      tpu.wait_indirect_dma semaphore(%arg23 : memref<!tpu.dma_semaphore, #tpu.memory_space<semaphore_mem>>) src(%dma_wait3A_185 : memref<10000x16xf32, #tpu.memory_space<hbm>>) dst(%arg19 : memref<40x16xf32, #tpu.memory_space<vmem>>)
      %dma_wait3A_186 = arith.constant 0 : i32
      %dma_wait3A_187 = arith.constant 0 : i32
      %dma_wait3A_188 = tpu.memref_slice %arg4[%dma_wait3A_186, %dma_wait3A_187] : memref<10000x144xf32, #tpu.memory_space<hbm>> -> memref<10000x144xf32, #tpu.memory_space<hbm>>
      tpu.wait_indirect_dma semaphore(%arg23 : memref<!tpu.dma_semaphore, #tpu.memory_space<semaphore_mem>>) src(%dma_wait3A_188 : memref<10000x144xf32, #tpu.memory_space<hbm>>) dst(%arg20 : memref<40x144xf32, #tpu.memory_space<vmem>>)
      %mul3A_189 = arith.constant 2 : i32
      %mul3A_190 = arith.muli %mul3A_189, %scan3A_131 : i32
      %add3A_191 = arith.constant 3 : i32
      %add3A_192 = arith.addi %mul3A_190, %add3A_191 : i32
      %lt3A_193 = arith.constant 250 : i32
      %lt3A_194 = arith.cmpi slt, %add3A_192, %lt3A_193 : i32
      %convert_element_type3A_195 = arith.extui %lt3A_194 : i1 to i32
      %cond3A_196 = arith.constant 0 : i32
      %cond3A_197 = arith.cmpi ne, %convert_element_type3A_195, %cond3A_196 : i32
      scf.if %cond3A_197 {
        %mul3A_225 = arith.constant 2 : i32
        %mul3A_226 = arith.muli %mul3A_225, %scan3A_131 : i32
        %add3A_227 = arith.constant 3 : i32
        %add3A_228 = arith.addi %mul3A_226, %add3A_227 : i32
        %mul3A_229 = arith.constant 40 : i32
        %mul3A_230 = arith.muli %add3A_228, %mul3A_229 : i32
        %add3A_231 = arith.addi %mul3A_4, %mul3A_230 : i32
        %multiple_of3A_232 = tpu.assume_multiple %add3A_231, 8 : i32
        %dma_start3A_233 = tpu.memref_slice %arg2[%multiple_of3A_232] : memref<320000xi32, #tpu.memory_space<hbm>> -> memref<40xi32, #tpu.memory_space<hbm>>
        %dma_start3A_234 = tpu.memref_slice %arg2[%multiple_of3A_232] : memref<320000xi32, #tpu.memory_space<hbm>> -> memref<40xi32, #tpu.memory_space<hbm>>
        tpu.enqueue_dma source(%dma_start3A_234 : memref<40xi32, #tpu.memory_space<hbm>>) target(%arg18 : memref<40xi32, #tpu.memory_space<vmem>>) target_semaphore(%arg22 : memref<!tpu.dma_semaphore, #tpu.memory_space<semaphore_mem>>)
      } else {
      }
      %gt3A_198 = arith.constant 0 : i32
      %gt3A_199 = arith.cmpi sgt, %scan3A_131, %gt3A_198 : i32
      %convert_element_type3A_200 = arith.extui %gt3A_199 : i1 to i32
      %cond3A_201 = arith.constant 0 : i32
      %cond3A_202 = arith.cmpi ne, %convert_element_type3A_200, %cond3A_201 : i32
      scf.if %cond3A_202 {
        %mul3A_225 = arith.constant 2 : i32
        %mul3A_226 = arith.muli %mul3A_225, %scan3A_131 : i32
        %sub3A_227 = arith.constant 1 : i32
        %sub3A_228 = arith.subi %mul3A_226, %sub3A_227 : i32
        %dma_wait3A_229 = arith.constant 0 : i32
        %dma_wait3A_230 = tpu.memref_slice %arg10[%sub3A_228, %dma_wait3A_229] : memref<250x40xi32, #tpu.memory_space<vmem>> -> memref<1x40xi32, #tpu.memory_space<vmem>>
        %dma_wait3A_231 = tpu.memref_squeeze %dma_wait3A_230 : memref<1x40xi32, #tpu.memory_space<vmem>> -> memref<40xi32, #tpu.memory_space<vmem>>
        %dma_wait3A_232 = arith.constant 0 : i32
        %dma_wait3A_233 = arith.constant 0 : i32
        %dma_wait3A_234 = tpu.memref_slice %arg8[%dma_wait3A_232, %dma_wait3A_233] : memref<10000x144xf32, #tpu.memory_space<vmem_shared>> -> memref<10000x144xf32, #tpu.memory_space<vmem_shared>>
        tpu.wait_indirect_dma semaphore(%arg24 : memref<!tpu.dma_semaphore, #tpu.memory_space<semaphore_mem>>) src(%arg21 : memref<40x144xf32, #tpu.memory_space<vmem>>) dst(%dma_wait3A_234 : memref<10000x144xf32, #tpu.memory_space<vmem_shared>>)
      } else {
      }
      %mul3A_203 = arith.constant 2 : i32
      %mul3A_204 = arith.muli %mul3A_203, %scan3A_131 : i32
      %add3A_205 = arith.constant 1 : i32
      %add3A_206 = arith.addi %mul3A_204, %add3A_205 : i32
      %parallel_loop3A_207 = arith.constant 0 : i32
      %parallel_loop3A_208 = arith.constant 40 : i32
      %parallel_loop3A_209 = arith.constant 1 : i32
      scf.for %parallel_loop3A_225 = %parallel_loop3A_207 to %parallel_loop3A_208 step %parallel_loop3A_209  : i32 {
        %parallel_loop3A_226 = arith.index_cast %parallel_loop3A_225 : i32 to index
        %parallel_loop3A_227 = arith.constant 128 : index
        %parallel_loop3A_228 = tpu.vector_load %arg20[%parallel_loop3A_226, %parallel_loop3A_227] {strides = array<i32>} : memref<40x144xf32, #tpu.memory_space<vmem>>, vector<1x16xf32>,
        %parallel_loop3A_229 = vector.shape_cast %parallel_loop3A_228 : vector<1x16xf32> to vector<16xf32>
        %parallel_loop3A_230 = arith.index_cast %parallel_loop3A_225 : i32 to index
        %parallel_loop3A_231 = arith.constant 0 : index
        %parallel_loop3A_232 = tpu.vector_load %arg19[%parallel_loop3A_230, %parallel_loop3A_231] {strides = array<i32>} : memref<40x16xf32, #tpu.memory_space<vmem>>, vector<1x16xf32>,
        %parallel_loop3A_233 = vector.shape_cast %parallel_loop3A_232 : vector<1x16xf32> to vector<16xf32>
        %parallel_loop3A_234 = arith.addf %parallel_loop3A_229, %parallel_loop3A_233 : vector<16xf32>
        %parallel_loop3A_235 = arith.constant 0.000000e+00 : f32
        %parallel_loop3A_236 = vector.broadcast %parallel_loop3A_235 : f32 to vector<16xf32>
        %parallel_loop3A_237 = arith.cmpf ogt, %parallel_loop3A_234, %parallel_loop3A_236 : vector<16xf32>
        %parallel_loop3A_238 = arith.constant 2.000000e-01 : f32
        %parallel_loop3A_239 = vector.broadcast %parallel_loop3A_238 : f32 to vector<16xf32>
        %parallel_loop3A_240 = arith.mulf %parallel_loop3A_239, %parallel_loop3A_234 : vector<16xf32>
        %parallel_loop3A_241 = arith.select %parallel_loop3A_237, %parallel_loop3A_234, %parallel_loop3A_240 : vector<16xi1>, vector<16xf32>
        %parallel_loop3A_242 = arith.subf %parallel_loop3A_241, %select_n3A_67 : vector<16xf32>
        %parallel_loop3A_243 = math.exp %parallel_loop3A_242 : vector<16xf32>
        %parallel_loop3A_244 = arith.constant 0.000000e+00 : f32
        %parallel_loop3A_245 = vector.broadcast %parallel_loop3A_244 : f32 to vector<16xf32>
        %parallel_loop3A_246 = arith.select %lt3A_48, %parallel_loop3A_243, %parallel_loop3A_245 : vector<16xi1>, vector<16xf32>
        %parallel_loop3A_247 = arith.index_cast %parallel_loop3A_225 : i32 to index
        %parallel_loop3A_248 = arith.constant 128 : index
        %parallel_loop3A_249 = tpu.vector_load %arg21[%parallel_loop3A_247, %parallel_loop3A_248] {strides = array<i32>} : memref<40x144xf32, #tpu.memory_space<vmem>>, vector<1x16xf32>,
        %parallel_loop3A_250 = vector.shape_cast %parallel_loop3A_249 : vector<1x16xf32> to vector<16xf32>
        %parallel_loop3A_251 = vector.shape_cast %parallel_loop3A_246 : vector<16xf32> to vector<1x16xf32>
        tpu.vector_store %arg21[%parallel_loop3A_247, %parallel_loop3A_248], %parallel_loop3A_251 {strides = array<i32>} : memref<40x144xf32, #tpu.memory_space<vmem>>, vector<1x16xf32>,
        %parallel_loop3A_252 = arith.index_cast %parallel_loop3A_225 : i32 to index
        %parallel_loop3A_253 = arith.constant 0 : index
        %parallel_loop3A_254 = tpu.vector_load %arg20[%parallel_loop3A_252, %parallel_loop3A_253] {strides = array<i32>} : memref<40x144xf32, #tpu.memory_space<vmem>>, vector<1x16xf32>,
        %parallel_loop3A_255 = vector.shape_cast %parallel_loop3A_254 : vector<1x16xf32> to vector<16xf32>
        %parallel_loop3A_256 = arith.constant 0 : i32
        %parallel_loop3A_257 = vector.broadcast %parallel_loop3A_256 : i32 to vector<16x1xi32>
        %parallel_loop3A_258 = vector.shape_cast %parallel_loop3A_257 : vector<16x1xi32> to vector<16xi32>
        %parallel_loop3A_259 = tpu.dynamic_gather %parallel_loop3A_246[%parallel_loop3A_258] in [0] : vector<16xf32>, vector<16xi32> -> vector<16xf32>
        %parallel_loop3A_260 = arith.mulf %parallel_loop3A_255, %parallel_loop3A_259 : vector<16xf32>
        %parallel_loop3A_261 = arith.index_cast %parallel_loop3A_225 : i32 to index
        %parallel_loop3A_262 = arith.constant 0 : index
        %parallel_loop3A_263 = tpu.vector_load %arg21[%parallel_loop3A_261, %parallel_loop3A_262] {strides = array<i32>} : memref<40x144xf32, #tpu.memory_space<vmem>>, vector<1x16xf32>,
        %parallel_loop3A_264 = vector.shape_cast %parallel_loop3A_263 : vector<1x16xf32> to vector<16xf32>
        %parallel_loop3A_265 = vector.shape_cast %parallel_loop3A_260 : vector<16xf32> to vector<1x16xf32>
        tpu.vector_store %arg21[%parallel_loop3A_261, %parallel_loop3A_262], %parallel_loop3A_265 {strides = array<i32>} : memref<40x144xf32, #tpu.memory_space<vmem>>, vector<1x16xf32>,
        %parallel_loop3A_266 = arith.index_cast %parallel_loop3A_225 : i32 to index
        %parallel_loop3A_267 = arith.constant 16 : index
        %parallel_loop3A_268 = tpu.vector_load %arg20[%parallel_loop3A_266, %parallel_loop3A_267] {strides = array<i32>} : memref<40x144xf32, #tpu.memory_space<vmem>>, vector<1x16xf32>,
        %parallel_loop3A_269 = vector.shape_cast %parallel_loop3A_268 : vector<1x16xf32> to vector<16xf32>
        %parallel_loop3A_270 = arith.constant 1 : i32
        %parallel_loop3A_271 = vector.broadcast %parallel_loop3A_270 : i32 to vector<16x1xi32>
        %parallel_loop3A_272 = vector.shape_cast %parallel_loop3A_271 : vector<16x1xi32> to vector<16xi32>
        %parallel_loop3A_273 = tpu.dynamic_gather %parallel_loop3A_246[%parallel_loop3A_272] in [0] : vector<16xf32>, vector<16xi32> -> vector<16xf32>
        %parallel_loop3A_274 = arith.mulf %parallel_loop3A_269, %parallel_loop3A_273 : vector<16xf32>
        %parallel_loop3A_275 = arith.index_cast %parallel_loop3A_225 : i32 to index
        %parallel_loop3A_276 = arith.constant 16 : index
        %parallel_loop3A_277 = tpu.vector_load %arg21[%parallel_loop3A_275, %parallel_loop3A_276] {strides = array<i32>} : memref<40x144xf32, #tpu.memory_space<vmem>>, vector<1x16xf32>,
        %parallel_loop3A_278 = vector.shape_cast %parallel_loop3A_277 : vector<1x16xf32> to vector<16xf32>
        %parallel_loop3A_279 = vector.shape_cast %parallel_loop3A_274 : vector<16xf32> to vector<1x16xf32>
        tpu.vector_store %arg21[%parallel_loop3A_275, %parallel_loop3A_276], %parallel_loop3A_279 {strides = array<i32>} : memref<40x144xf32, #tpu.memory_space<vmem>>, vector<1x16xf32>,
        %parallel_loop3A_280 = arith.index_cast %parallel_loop3A_225 : i32 to index
        %parallel_loop3A_281 = arith.constant 32 : index
        %parallel_loop3A_282 = tpu.vector_load %arg20[%parallel_loop3A_280, %parallel_loop3A_281] {strides = array<i32>} : memref<40x144xf32, #tpu.memory_space<vmem>>, vector<1x16xf32>,
        %parallel_loop3A_283 = vector.shape_cast %parallel_loop3A_282 : vector<1x16xf32> to vector<16xf32>
        %parallel_loop3A_284 = arith.constant 2 : i32
        %parallel_loop3A_285 = vector.broadcast %parallel_loop3A_284 : i32 to vector<16x1xi32>
        %parallel_loop3A_286 = vector.shape_cast %parallel_loop3A_285 : vector<16x1xi32> to vector<16xi32>
        %parallel_loop3A_287 = tpu.dynamic_gather %parallel_loop3A_246[%parallel_loop3A_286] in [0] : vector<16xf32>, vector<16xi32> -> vector<16xf32>
        %parallel_loop3A_288 = arith.mulf %parallel_loop3A_283, %parallel_loop3A_287 : vector<16xf32>
        %parallel_loop3A_289 = arith.index_cast %parallel_loop3A_225 : i32 to index
        %parallel_loop3A_290 = arith.constant 32 : index
        %parallel_loop3A_291 = tpu.vector_load %arg21[%parallel_loop3A_289, %parallel_loop3A_290] {strides = array<i32>} : memref<40x144xf32, #tpu.memory_space<vmem>>, vector<1x16xf32>,
        %parallel_loop3A_292 = vector.shape_cast %parallel_loop3A_291 : vector<1x16xf32> to vector<16xf32>
        %parallel_loop3A_293 = vector.shape_cast %parallel_loop3A_288 : vector<16xf32> to vector<1x16xf32>
        tpu.vector_store %arg21[%parallel_loop3A_289, %parallel_loop3A_290], %parallel_loop3A_293 {strides = array<i32>} : memref<40x144xf32, #tpu.memory_space<vmem>>, vector<1x16xf32>,
        %parallel_loop3A_294 = arith.index_cast %parallel_loop3A_225 : i32 to index
        %parallel_loop3A_295 = arith.constant 48 : index
        %parallel_loop3A_296 = tpu.vector_load %arg20[%parallel_loop3A_294, %parallel_loop3A_295] {strides = array<i32>} : memref<40x144xf32, #tpu.memory_space<vmem>>, vector<1x16xf32>,
        %parallel_loop3A_297 = vector.shape_cast %parallel_loop3A_296 : vector<1x16xf32> to vector<16xf32>
        %parallel_loop3A_298 = arith.constant 3 : i32
        %parallel_loop3A_299 = vector.broadcast %parallel_loop3A_298 : i32 to vector<16x1xi32>
        %parallel_loop3A_300 = vector.shape_cast %parallel_loop3A_299 : vector<16x1xi32> to vector<16xi32>
        %parallel_loop3A_301 = tpu.dynamic_gather %parallel_loop3A_246[%parallel_loop3A_300] in [0] : vector<16xf32>, vector<16xi32> -> vector<16xf32>
        %parallel_loop3A_302 = arith.mulf %parallel_loop3A_297, %parallel_loop3A_301 : vector<16xf32>
        %parallel_loop3A_303 = arith.index_cast %parallel_loop3A_225 : i32 to index
        %parallel_loop3A_304 = arith.constant 48 : index
        %parallel_loop3A_305 = tpu.vector_load %arg21[%parallel_loop3A_303, %parallel_loop3A_304] {strides = array<i32>} : memref<40x144xf32, #tpu.memory_space<vmem>>, vector<1x16xf32>,
        %parallel_loop3A_306 = vector.shape_cast %parallel_loop3A_305 : vector<1x16xf32> to vector<16xf32>
        %parallel_loop3A_307 = vector.shape_cast %parallel_loop3A_302 : vector<16xf32> to vector<1x16xf32>
        tpu.vector_store %arg21[%parallel_loop3A_303, %parallel_loop3A_304], %parallel_loop3A_307 {strides = array<i32>} : memref<40x144xf32, #tpu.memory_space<vmem>>, vector<1x16xf32>,
        %parallel_loop3A_308 = arith.index_cast %parallel_loop3A_225 : i32 to index
        %parallel_loop3A_309 = arith.constant 64 : index
        %parallel_loop3A_310 = tpu.vector_load %arg20[%parallel_loop3A_308, %parallel_loop3A_309] {strides = array<i32>} : memref<40x144xf32, #tpu.memory_space<vmem>>, vector<1x16xf32>,
        %parallel_loop3A_311 = vector.shape_cast %parallel_loop3A_310 : vector<1x16xf32> to vector<16xf32>
        %parallel_loop3A_312 = arith.constant 4 : i32
        %parallel_loop3A_313 = vector.broadcast %parallel_loop3A_312 : i32 to vector<16x1xi32>
        %parallel_loop3A_314 = vector.shape_cast %parallel_loop3A_313 : vector<16x1xi32> to vector<16xi32>
        %parallel_loop3A_315 = tpu.dynamic_gather %parallel_loop3A_246[%parallel_loop3A_314] in [0] : vector<16xf32>, vector<16xi32> -> vector<16xf32>
        %parallel_loop3A_316 = arith.mulf %parallel_loop3A_311, %parallel_loop3A_315 : vector<16xf32>
        %parallel_loop3A_317 = arith.index_cast %parallel_loop3A_225 : i32 to index
        %parallel_loop3A_318 = arith.constant 64 : index
        %parallel_loop3A_319 = tpu.vector_load %arg21[%parallel_loop3A_317, %parallel_loop3A_318] {strides = array<i32>} : memref<40x144xf32, #tpu.memory_space<vmem>>, vector<1x16xf32>,
        %parallel_loop3A_320 = vector.shape_cast %parallel_loop3A_319 : vector<1x16xf32> to vector<16xf32>
        %parallel_loop3A_321 = vector.shape_cast %parallel_loop3A_316 : vector<16xf32> to vector<1x16xf32>
        tpu.vector_store %arg21[%parallel_loop3A_317, %parallel_loop3A_318], %parallel_loop3A_321 {strides = array<i32>} : memref<40x144xf32, #tpu.memory_space<vmem>>, vector<1x16xf32>,
        %parallel_loop3A_322 = arith.index_cast %parallel_loop3A_225 : i32 to index
        %parallel_loop3A_323 = arith.constant 80 : index
        %parallel_loop3A_324 = tpu.vector_load %arg20[%parallel_loop3A_322, %parallel_loop3A_323] {strides = array<i32>} : memref<40x144xf32, #tpu.memory_space<vmem>>, vector<1x16xf32>,
        %parallel_loop3A_325 = vector.shape_cast %parallel_loop3A_324 : vector<1x16xf32> to vector<16xf32>
        %parallel_loop3A_326 = arith.constant 5 : i32
        %parallel_loop3A_327 = vector.broadcast %parallel_loop3A_326 : i32 to vector<16x1xi32>
        %parallel_loop3A_328 = vector.shape_cast %parallel_loop3A_327 : vector<16x1xi32> to vector<16xi32>
        %parallel_loop3A_329 = tpu.dynamic_gather %parallel_loop3A_246[%parallel_loop3A_328] in [0] : vector<16xf32>, vector<16xi32> -> vector<16xf32>
        %parallel_loop3A_330 = arith.mulf %parallel_loop3A_325, %parallel_loop3A_329 : vector<16xf32>
        %parallel_loop3A_331 = arith.index_cast %parallel_loop3A_225 : i32 to index
        %parallel_loop3A_332 = arith.constant 80 : index
        %parallel_loop3A_333 = tpu.vector_load %arg21[%parallel_loop3A_331, %parallel_loop3A_332] {strides = array<i32>} : memref<40x144xf32, #tpu.memory_space<vmem>>, vector<1x16xf32>,
        %parallel_loop3A_334 = vector.shape_cast %parallel_loop3A_333 : vector<1x16xf32> to vector<16xf32>
        %parallel_loop3A_335 = vector.shape_cast %parallel_loop3A_330 : vector<16xf32> to vector<1x16xf32>
        tpu.vector_store %arg21[%parallel_loop3A_331, %parallel_loop3A_332], %parallel_loop3A_335 {strides = array<i32>} : memref<40x144xf32, #tpu.memory_space<vmem>>, vector<1x16xf32>,
        %parallel_loop3A_336 = arith.index_cast %parallel_loop3A_225 : i32 to index
        %parallel_loop3A_337 = arith.constant 96 : index
        %parallel_loop3A_338 = tpu.vector_load %arg20[%parallel_loop3A_336, %parallel_loop3A_337] {strides = array<i32>} : memref<40x144xf32, #tpu.memory_space<vmem>>, vector<1x16xf32>,
        %parallel_loop3A_339 = vector.shape_cast %parallel_loop3A_338 : vector<1x16xf32> to vector<16xf32>
        %parallel_loop3A_340 = arith.constant 6 : i32
        %parallel_loop3A_341 = vector.broadcast %parallel_loop3A_340 : i32 to vector<16x1xi32>
        %parallel_loop3A_342 = vector.shape_cast %parallel_loop3A_341 : vector<16x1xi32> to vector<16xi32>
        %parallel_loop3A_343 = tpu.dynamic_gather %parallel_loop3A_246[%parallel_loop3A_342] in [0] : vector<16xf32>, vector<16xi32> -> vector<16xf32>
        %parallel_loop3A_344 = arith.mulf %parallel_loop3A_339, %parallel_loop3A_343 : vector<16xf32>
        %parallel_loop3A_345 = arith.index_cast %parallel_loop3A_225 : i32 to index
        %parallel_loop3A_346 = arith.constant 96 : index
        %parallel_loop3A_347 = tpu.vector_load %arg21[%parallel_loop3A_345, %parallel_loop3A_346] {strides = array<i32>} : memref<40x144xf32, #tpu.memory_space<vmem>>, vector<1x16xf32>,
        %parallel_loop3A_348 = vector.shape_cast %parallel_loop3A_347 : vector<1x16xf32> to vector<16xf32>
        %parallel_loop3A_349 = vector.shape_cast %parallel_loop3A_344 : vector<16xf32> to vector<1x16xf32>
        tpu.vector_store %arg21[%parallel_loop3A_345, %parallel_loop3A_346], %parallel_loop3A_349 {strides = array<i32>} : memref<40x144xf32, #tpu.memory_space<vmem>>, vector<1x16xf32>,
        %parallel_loop3A_350 = arith.index_cast %parallel_loop3A_225 : i32 to index
        %parallel_loop3A_351 = arith.constant 112 : index
        %parallel_loop3A_352 = tpu.vector_load %arg20[%parallel_loop3A_350, %parallel_loop3A_351] {strides = array<i32>} : memref<40x144xf32, #tpu.memory_space<vmem>>, vector<1x16xf32>,
        %parallel_loop3A_353 = vector.shape_cast %parallel_loop3A_352 : vector<1x16xf32> to vector<16xf32>
        %parallel_loop3A_354 = arith.constant 7 : i32
        %parallel_loop3A_355 = vector.broadcast %parallel_loop3A_354 : i32 to vector<16x1xi32>
        %parallel_loop3A_356 = vector.shape_cast %parallel_loop3A_355 : vector<16x1xi32> to vector<16xi32>
        %parallel_loop3A_357 = tpu.dynamic_gather %parallel_loop3A_246[%parallel_loop3A_356] in [0] : vector<16xf32>, vector<16xi32> -> vector<16xf32>
        %parallel_loop3A_358 = arith.mulf %parallel_loop3A_353, %parallel_loop3A_357 : vector<16xf32>
        %parallel_loop3A_359 = arith.index_cast %parallel_loop3A_225 : i32 to index
        %parallel_loop3A_360 = arith.constant 112 : index
        %parallel_loop3A_361 = tpu.vector_load %arg21[%parallel_loop3A_359, %parallel_loop3A_360] {strides = array<i32>} : memref<40x144xf32, #tpu.memory_space<vmem>>, vector<1x16xf32>,
        %parallel_loop3A_362 = vector.shape_cast %parallel_loop3A_361 : vector<1x16xf32> to vector<16xf32>
        %parallel_loop3A_363 = vector.shape_cast %parallel_loop3A_358 : vector<16xf32> to vector<1x16xf32>
        tpu.vector_store %arg21[%parallel_loop3A_359, %parallel_loop3A_360], %parallel_loop3A_363 {strides = array<i32>} : memref<40x144xf32, #tpu.memory_space<vmem>>, vector<1x16xf32>,
      } {sc.loop_unroll_factor = 4 : i64, sc.parallel_access}
      %dma_start3A_210 = arith.constant 0 : i32
      %dma_start3A_211 = tpu.memref_slice %arg10[%add3A_206, %dma_start3A_210] : memref<250x40xi32, #tpu.memory_space<vmem>> -> memref<1x40xi32, #tpu.memory_space<vmem>>
      %dma_start3A_212 = tpu.memref_squeeze %dma_start3A_211 : memref<1x40xi32, #tpu.memory_space<vmem>> -> memref<40xi32, #tpu.memory_space<vmem>>
      %dma_start3A_213 = arith.constant 0 : i32
      %dma_start3A_214 = arith.constant 0 : i32
      %dma_start3A_215 = tpu.memref_slice %arg8[%dma_start3A_213, %dma_start3A_214] : memref<10000x144xf32, #tpu.memory_space<vmem_shared>> -> memref<10000x144xf32, #tpu.memory_space<vmem_shared>>
      tpu.enqueue_indirect_dma source(%arg21 : memref<40x144xf32, #tpu.memory_space<vmem>>) target(%dma_start3A_215 : memref<10000x144xf32, #tpu.memory_space<vmem_shared>>) offsets(%dma_start3A_212 : memref<40xi32, #tpu.memory_space<vmem>>) semaphore(%arg24 : memref<!tpu.dma_semaphore, #tpu.memory_space<semaphore_mem>>) {add = true}
      %mul3A_216 = arith.constant 2 : i32
      %mul3A_217 = arith.muli %mul3A_216, %scan3A_131 : i32
      %add3A_218 = arith.constant 3 : i32
      %add3A_219 = arith.addi %mul3A_217, %add3A_218 : i32
      %lt3A_220 = arith.constant 250 : i32
      %lt3A_221 = arith.cmpi slt, %add3A_219, %lt3A_220 : i32
      %convert_element_type3A_222 = arith.extui %lt3A_221 : i1 to i32
      %cond3A_223 = arith.constant 0 : i32
      %cond3A_224 = arith.cmpi ne, %convert_element_type3A_222, %cond3A_223 : i32
      scf.if %cond3A_224 {
        %mul3A_225 = arith.constant 2 : i32
        %mul3A_226 = arith.muli %mul3A_225, %scan3A_131 : i32
        %add3A_227 = arith.constant 3 : i32
        %add3A_228 = arith.addi %mul3A_226, %add3A_227 : i32
        %mul3A_229 = arith.constant 40 : i32
        %mul3A_230 = arith.muli %add3A_228, %mul3A_229 : i32
        %add3A_231 = arith.addi %mul3A_4, %mul3A_230 : i32
        %multiple_of3A_232 = tpu.assume_multiple %add3A_231, 8 : i32
        %dma_wait3A_233 = tpu.memref_slice %arg2[%multiple_of3A_232] : memref<320000xi32, #tpu.memory_space<hbm>> -> memref<40xi32, #tpu.memory_space<hbm>>
        %dma_wait3A_234 = tpu.memref_slice %arg2[%multiple_of3A_232] : memref<320000xi32, #tpu.memory_space<hbm>> -> memref<40xi32, #tpu.memory_space<hbm>>
        tpu.wait_dma2 semaphore(%arg22 : memref<!tpu.dma_semaphore, #tpu.memory_space<semaphore_mem>>) src(%dma_wait3A_234 : memref<40xi32, #tpu.memory_space<hbm>>) dst(%arg18 : memref<40xi32, #tpu.memory_space<vmem>>)
        %dma_start3A_235 = arith.constant 0 : i32
        %dma_start3A_236 = tpu.memref_slice %arg10[%add3A_228, %dma_start3A_235] : memref<250x40xi32, #tpu.memory_space<vmem>> -> memref<1x40xi32, #tpu.memory_space<vmem>>
        %dma_start3A_237 = tpu.memref_squeeze %dma_start3A_236 : memref<1x40xi32, #tpu.memory_space<vmem>> -> memref<40xi32, #tpu.memory_space<vmem>>
        %dma_start3A_238 = arith.constant 0 : i32
        %dma_start3A_239 = arith.constant 0 : i32
        %dma_start3A_240 = tpu.memref_slice %arg5[%dma_start3A_238, %dma_start3A_239] : memref<10000x16xf32, #tpu.memory_space<hbm>> -> memref<10000x16xf32, #tpu.memory_space<hbm>>
        tpu.enqueue_indirect_dma source(%dma_start3A_240 : memref<10000x16xf32, #tpu.memory_space<hbm>>) target(%arg19 : memref<40x16xf32, #tpu.memory_space<vmem>>) offsets(%dma_start3A_237 : memref<40xi32, #tpu.memory_space<vmem>>) semaphore(%arg23 : memref<!tpu.dma_semaphore, #tpu.memory_space<semaphore_mem>>)
        %dma_start3A_241 = arith.constant 0 : i32
        %dma_start3A_242 = arith.constant 0 : i32
        %dma_start3A_243 = tpu.memref_slice %arg4[%dma_start3A_241, %dma_start3A_242] : memref<10000x144xf32, #tpu.memory_space<hbm>> -> memref<10000x144xf32, #tpu.memory_space<hbm>>
        tpu.enqueue_indirect_dma source(%dma_start3A_243 : memref<10000x144xf32, #tpu.memory_space<hbm>>) target(%arg20 : memref<40x144xf32, #tpu.memory_space<vmem>>) offsets(%arg18 : memref<40xi32, #tpu.memory_space<vmem>>) semaphore(%arg23 : memref<!tpu.dma_semaphore, #tpu.memory_space<semaphore_mem>>)
      } else {
      }
    }
    %scan3A_110 = arith.constant 125 : i32
    %dma_wait3A_111 = arith.constant 248 : i32
    %dma_wait3A_112 = arith.constant 0 : i32
    %dma_wait3A_113 = tpu.memref_slice %arg10[%dma_wait3A_111, %dma_wait3A_112] : memref<250x40xi32, #tpu.memory_space<vmem>> -> memref<1x40xi32, #tpu.memory_space<vmem>>
    %dma_wait3A_114 = tpu.memref_squeeze %dma_wait3A_113 : memref<1x40xi32, #tpu.memory_space<vmem>> -> memref<40xi32, #tpu.memory_space<vmem>>
    %dma_wait3A_115 = arith.constant 0 : i32
    %dma_wait3A_116 = arith.constant 0 : i32
    %dma_wait3A_117 = tpu.memref_slice %arg8[%dma_wait3A_115, %dma_wait3A_116] : memref<10000x144xf32, #tpu.memory_space<vmem_shared>> -> memref<10000x144xf32, #tpu.memory_space<vmem_shared>>
    tpu.wait_indirect_dma semaphore(%arg17 : memref<!tpu.dma_semaphore, #tpu.memory_space<semaphore_mem>>) src(%arg14 : memref<40x144xf32, #tpu.memory_space<vmem>>) dst(%dma_wait3A_117 : memref<10000x144xf32, #tpu.memory_space<vmem_shared>>)
    %dma_wait3A_118 = arith.constant 249 : i32
    %dma_wait3A_119 = arith.constant 0 : i32
    %dma_wait3A_120 = tpu.memref_slice %arg10[%dma_wait3A_118, %dma_wait3A_119] : memref<250x40xi32, #tpu.memory_space<vmem>> -> memref<1x40xi32, #tpu.memory_space<vmem>>
    %dma_wait3A_121 = tpu.memref_squeeze %dma_wait3A_120 : memref<1x40xi32, #tpu.memory_space<vmem>> -> memref<40xi32, #tpu.memory_space<vmem>>
    %dma_wait3A_122 = arith.constant 0 : i32
    %dma_wait3A_123 = arith.constant 0 : i32
    %dma_wait3A_124 = tpu.memref_slice %arg8[%dma_wait3A_122, %dma_wait3A_123] : memref<10000x144xf32, #tpu.memory_space<vmem_shared>> -> memref<10000x144xf32, #tpu.memory_space<vmem_shared>>
    tpu.wait_indirect_dma semaphore(%arg24 : memref<!tpu.dma_semaphore, #tpu.memory_space<semaphore_mem>>) src(%arg21 : memref<40x144xf32, #tpu.memory_space<vmem>>) dst(%dma_wait3A_124 : memref<10000x144xf32, #tpu.memory_space<vmem_shared>>)
    %barrier3A_125 = arith.constant 0 : index
    tpu.barrier barrier_id(%barrier3A_125)
    "tpu.region"() ({
      %run_scoped3A = tpu.sem_alloc : memref<!tpu.dma_semaphore, #tpu.memory_space<semaphore_mem>>
      %dma_start3A_131 = arith.constant 0 : i32
      %dma_start3A_132 = tpu.memref_slice %arg7[%arg0, %mul3A_2, %dma_start3A_131] : memref<2x10000x144xf32, #tpu.memory_space<hbm>> -> memref<1x624x144xf32, #tpu.memory_space<hbm>>
      %dma_start3A_133 = tpu.memref_squeeze %dma_start3A_132 : memref<1x624x144xf32, #tpu.memory_space<hbm>> -> memref<624x144xf32, #tpu.memory_space<hbm>>
      %dma_start3A_134 = arith.constant 0 : i32
      %dma_start3A_135 = tpu.memref_slice %arg8[%mul3A_2, %dma_start3A_134] : memref<10000x144xf32, #tpu.memory_space<vmem_shared>> -> memref<624x144xf32, #tpu.memory_space<vmem_shared>>
      tpu.enqueue_dma source(%dma_start3A_135 : memref<624x144xf32, #tpu.memory_space<vmem_shared>>) target(%dma_start3A_133 : memref<624x144xf32, #tpu.memory_space<hbm>>) target_semaphore(%run_scoped3A : memref<!tpu.dma_semaphore, #tpu.memory_space<semaphore_mem>>)
      %dma_wait3A_136 = arith.constant 0 : i32
      %dma_wait3A_137 = tpu.memref_slice %arg7[%arg0, %mul3A_2, %dma_wait3A_136] : memref<2x10000x144xf32, #tpu.memory_space<hbm>> -> memref<1x624x144xf32, #tpu.memory_space<hbm>>
      %dma_wait3A_138 = tpu.memref_squeeze %dma_wait3A_137 : memref<1x624x144xf32, #tpu.memory_space<hbm>> -> memref<624x144xf32, #tpu.memory_space<hbm>>
      %dma_wait3A_139 = arith.constant 0 : i32
      %dma_wait3A_140 = tpu.memref_slice %arg8[%mul3A_2, %dma_wait3A_139] : memref<10000x144xf32, #tpu.memory_space<vmem_shared>> -> memref<624x144xf32, #tpu.memory_space<vmem_shared>>
      tpu.wait_dma2 semaphore(%run_scoped3A : memref<!tpu.dma_semaphore, #tpu.memory_space<semaphore_mem>>) src(%dma_wait3A_140 : memref<624x144xf32, #tpu.memory_space<vmem_shared>>) dst(%dma_wait3A_138 : memref<624x144xf32, #tpu.memory_space<hbm>>)
      tpu.yield
    }) : () -> ()
    %eq3A_126 = arith.constant 15 : i32
    %eq3A_127 = arith.cmpi eq, %arg1, %eq3A_126 : i32
    %convert_element_type3A_128 = arith.extui %eq3A_127 : i1 to i32
    %cond3A_129 = arith.constant 0 : i32
    %cond3A_130 = arith.cmpi ne, %convert_element_type3A_128, %cond3A_129 : i32
    scf.if %cond3A_130 {
      "tpu.region"() ({
        %run_scoped3A = tpu.sem_alloc : memref<!tpu.dma_semaphore, #tpu.memory_space<semaphore_mem>>
        %dma_start3A_131 = arith.constant 9984 : i32
        %dma_start3A_132 = arith.constant 0 : i32
        %dma_start3A_133 = tpu.memref_slice %arg7[%arg0, %dma_start3A_131, %dma_start3A_132] : memref<2x10000x144xf32, #tpu.memory_space<hbm>> -> memref<1x16x144xf32, #tpu.memory_space<hbm>>
        %dma_start3A_134 = tpu.memref_squeeze %dma_start3A_133 : memref<1x16x144xf32, #tpu.memory_space<hbm>> -> memref<16x144xf32, #tpu.memory_space<hbm>>
        %dma_start3A_135 = arith.constant 9984 : i32
        %dma_start3A_136 = arith.constant 0 : i32
        %dma_start3A_137 = tpu.memref_slice %arg8[%dma_start3A_135, %dma_start3A_136] : memref<10000x144xf32, #tpu.memory_space<vmem_shared>> -> memref<16x144xf32, #tpu.memory_space<vmem_shared>>
        tpu.enqueue_dma source(%dma_start3A_137 : memref<16x144xf32, #tpu.memory_space<vmem_shared>>) target(%dma_start3A_134 : memref<16x144xf32, #tpu.memory_space<hbm>>) target_semaphore(%run_scoped3A : memref<!tpu.dma_semaphore, #tpu.memory_space<semaphore_mem>>)
        %dma_wait3A_138 = arith.constant 9984 : i32
        %dma_wait3A_139 = arith.constant 0 : i32
        %dma_wait3A_140 = tpu.memref_slice %arg7[%arg0, %dma_wait3A_138, %dma_wait3A_139] : memref<2x10000x144xf32, #tpu.memory_space<hbm>> -> memref<1x16x144xf32, #tpu.memory_space<hbm>>
        %dma_wait3A_141 = tpu.memref_squeeze %dma_wait3A_140 : memref<1x16x144xf32, #tpu.memory_space<hbm>> -> memref<16x144xf32, #tpu.memory_space<hbm>>
        %dma_wait3A_142 = arith.constant 9984 : i32
        %dma_wait3A_143 = arith.constant 0 : i32
        %dma_wait3A_144 = tpu.memref_slice %arg8[%dma_wait3A_142, %dma_wait3A_143] : memref<10000x144xf32, #tpu.memory_space<vmem_shared>> -> memref<16x144xf32, #tpu.memory_space<vmem_shared>>
        tpu.wait_dma2 semaphore(%run_scoped3A : memref<!tpu.dma_semaphore, #tpu.memory_space<semaphore_mem>>) src(%dma_wait3A_144 : memref<16x144xf32, #tpu.memory_space<vmem_shared>>) dst(%dma_wait3A_141 : memref<16x144xf32, #tpu.memory_space<hbm>>)
        tpu.yield
      }) : () -> ()
    } else {
    }
    return
  }
}

#map = affine_map<(d0, d1) -> (0)>
#map1 = affine_map<(d0, d1) -> (0, 0)>
#map2 = affine_map<(d0, d1) -> (0, 0, 0)>
module attributes {stable_mosaic.version = 14 : i64} {
  func.func @sweep(%arg0: i32, %arg1: i32, %arg2: memref<320000xi32, #tpu.memory_space<hbm>>, %arg3: memref<4000x80xi32, #tpu.memory_space<hbm>>, %arg4: memref<10000x32xf32, #tpu.memory_space<hbm>>, %arg5: memref<10000x16xf32, #tpu.memory_space<hbm>>, %arg6: memref<16xf32, #tpu.memory_space<hbm>>, %arg7: memref<2x10000x32xf32, #tpu.memory_space<hbm>>, %arg8: memref<10000x32xf32, #tpu.memory_space<vmem_shared>>, %arg9: memref<16xf32, #tpu.memory_space<vmem>>, %arg10: memref<125x80xi32, #tpu.memory_space<vmem>>, %arg11: memref<80xi32, #tpu.memory_space<vmem>>, %arg12: memref<80x16xf32, #tpu.memory_space<vmem>>, %arg13: memref<80x32xf32, #tpu.memory_space<vmem>>, %arg14: memref<80x32xf32, #tpu.memory_space<vmem>>, %arg15: memref<!tpu.dma_semaphore, #tpu.memory_space<semaphore_mem>>, %arg16: memref<!tpu.dma_semaphore, #tpu.memory_space<semaphore_mem>>, %arg17: memref<!tpu.dma_semaphore, #tpu.memory_space<semaphore_mem>>, %arg18: memref<80xi32, #tpu.memory_space<vmem>>, %arg19: memref<80x16xf32, #tpu.memory_space<vmem>>, %arg20: memref<80x32xf32, #tpu.memory_space<vmem>>, %arg21: memref<80x32xf32, #tpu.memory_space<vmem>>, %arg22: memref<!tpu.dma_semaphore, #tpu.memory_space<semaphore_mem>>, %arg23: memref<!tpu.dma_semaphore, #tpu.memory_space<semaphore_mem>>, %arg24: memref<!tpu.dma_semaphore, #tpu.memory_space<semaphore_mem>>) attributes {dimension_semantics = [#tpu.dimension_semantics<core_parallel>, #tpu.dimension_semantics<subcore_parallel>], iteration_bounds = array<i64: 2, 16>, scalar_prefetch = 0 : i64, scratch_operands = 17 : i64, tpu.core_type = #tpu.core_type<sc_vector_subcore>, window_params = [{transform_indices = #map}, {transform_indices = #map1}, {transform_indices = #map1}, {transform_indices = #map1}, {transform_indices = #map}, {transform_indices = #map2}]} {
    %mul3A = arith.constant 16 : i32
    %mul3A_0 = arith.muli %arg0, %mul3A : i32
    %add3A = arith.addi %mul3A_0, %arg1 : i32
    %mul3A_1 = arith.constant 624 : i32
    %mul3A_2 = arith.muli %arg1, %mul3A_1 : i32
    %mul3A_3 = arith.constant 10000 : i32
    %mul3A_4 = arith.muli %add3A, %mul3A_3 : i32
    %mul3A_5 = arith.constant 125 : i32
    %mul3A_6 = arith.muli %add3A, %mul3A_5 : i32
    "tpu.region"() ({
      %run_scoped3A = tpu.sem_alloc : memref<!tpu.dma_semaphore, #tpu.memory_space<semaphore_mem>>
      %dma_start3A_141 = arith.constant 0 : i32
      %dma_start3A_142 = tpu.memref_slice %arg3[%mul3A_6, %dma_start3A_141] : memref<4000x80xi32, #tpu.memory_space<hbm>> -> memref<125x80xi32, #tpu.memory_space<hbm>>
      %dma_start3A_143 = arith.constant 0 : i32
      %dma_start3A_144 = tpu.memref_slice %arg3[%mul3A_6, %dma_start3A_143] : memref<4000x80xi32, #tpu.memory_space<hbm>> -> memref<125x80xi32, #tpu.memory_space<hbm>>
      tpu.enqueue_dma source(%dma_start3A_144 : memref<125x80xi32, #tpu.memory_space<hbm>>) target(%arg10 : memref<125x80xi32, #tpu.memory_space<vmem>>) target_semaphore(%run_scoped3A : memref<!tpu.dma_semaphore, #tpu.memory_space<semaphore_mem>>)
      %dma_wait3A_145 = arith.constant 0 : i32
      %dma_wait3A_146 = tpu.memref_slice %arg3[%mul3A_6, %dma_wait3A_145] : memref<4000x80xi32, #tpu.memory_space<hbm>> -> memref<125x80xi32, #tpu.memory_space<hbm>>
      %dma_wait3A_147 = arith.constant 0 : i32
      %dma_wait3A_148 = tpu.memref_slice %arg3[%mul3A_6, %dma_wait3A_147] : memref<4000x80xi32, #tpu.memory_space<hbm>> -> memref<125x80xi32, #tpu.memory_space<hbm>>
      tpu.wait_dma2 semaphore(%run_scoped3A : memref<!tpu.dma_semaphore, #tpu.memory_space<semaphore_mem>>) src(%dma_wait3A_148 : memref<125x80xi32, #tpu.memory_space<hbm>>) dst(%arg10 : memref<125x80xi32, #tpu.memory_space<vmem>>)
      tpu.yield
    }) : () -> ()
    %scan3A = arith.constant 0 : i32
    %scan3A_7 = arith.constant 0 : i32
    %scan3A_8 = arith.constant 80 : i32
    %scan3A_9 = arith.addi %scan3A_7, %scan3A_8 : i32
    %scan3A_10 = arith.constant 4 : i32
    scf.for %scan3A_141 = %scan3A_7 to %scan3A_9 step %scan3A_10  : i32 {
      %broadcast_in_dim3A_142 = arith.constant 0.000000e+00 : f32
      %broadcast_in_dim3A_143 = vector.broadcast %broadcast_in_dim3A_142 : f32 to vector<16xf32>
      %swap3A = arith.index_cast %scan3A_141 : i32 to index
      %swap3A_144 = arith.constant 0 : index
      %swap3A_145 = tpu.vector_load %arg14[%swap3A, %swap3A_144] {strides = array<i32>} : memref<80x32xf32, #tpu.memory_space<vmem>>, vector<1x16xf32>,
      %swap3A_146 = vector.shape_cast %swap3A_145 : vector<1x16xf32> to vector<16xf32>
      %swap3A_147 = vector.shape_cast %broadcast_in_dim3A_143 : vector<16xf32> to vector<1x16xf32>
      tpu.vector_store %arg14[%swap3A, %swap3A_144], %swap3A_147 {strides = array<i32>} : memref<80x32xf32, #tpu.memory_space<vmem>>, vector<1x16xf32>,
      %broadcast_in_dim3A_148 = arith.constant 0.000000e+00 : f32
      %broadcast_in_dim3A_149 = vector.broadcast %broadcast_in_dim3A_148 : f32 to vector<16xf32>
      %swap3A_150 = arith.index_cast %scan3A_141 : i32 to index
      %swap3A_151 = arith.constant 16 : index
      %swap3A_152 = tpu.vector_load %arg14[%swap3A_150, %swap3A_151] {strides = array<i32>} : memref<80x32xf32, #tpu.memory_space<vmem>>, vector<1x16xf32>,
      %swap3A_153 = vector.shape_cast %swap3A_152 : vector<1x16xf32> to vector<16xf32>
      %swap3A_154 = vector.shape_cast %broadcast_in_dim3A_149 : vector<16xf32> to vector<1x16xf32>
      tpu.vector_store %arg14[%swap3A_150, %swap3A_151], %swap3A_154 {strides = array<i32>} : memref<80x32xf32, #tpu.memory_space<vmem>>, vector<1x16xf32>,
      %scan3A_155 = arith.constant 1 : i32
      %scan3A_156 = arith.addi %scan3A_141, %scan3A_155 : i32
      %broadcast_in_dim3A_157 = arith.constant 0.000000e+00 : f32
      %broadcast_in_dim3A_158 = vector.broadcast %broadcast_in_dim3A_157 : f32 to vector<16xf32>
      %swap3A_159 = arith.index_cast %scan3A_156 : i32 to index
      %swap3A_160 = arith.constant 0 : index
      %swap3A_161 = tpu.vector_load %arg14[%swap3A_159, %swap3A_160] {strides = array<i32>} : memref<80x32xf32, #tpu.memory_space<vmem>>, vector<1x16xf32>,
      %swap3A_162 = vector.shape_cast %swap3A_161 : vector<1x16xf32> to vector<16xf32>
      %swap3A_163 = vector.shape_cast %broadcast_in_dim3A_158 : vector<16xf32> to vector<1x16xf32>
      tpu.vector_store %arg14[%swap3A_159, %swap3A_160], %swap3A_163 {strides = array<i32>} : memref<80x32xf32, #tpu.memory_space<vmem>>, vector<1x16xf32>,
      %broadcast_in_dim3A_164 = arith.constant 0.000000e+00 : f32
      %broadcast_in_dim3A_165 = vector.broadcast %broadcast_in_dim3A_164 : f32 to vector<16xf32>
      %swap3A_166 = arith.index_cast %scan3A_156 : i32 to index
      %swap3A_167 = arith.constant 16 : index
      %swap3A_168 = tpu.vector_load %arg14[%swap3A_166, %swap3A_167] {strides = array<i32>} : memref<80x32xf32, #tpu.memory_space<vmem>>, vector<1x16xf32>,
      %swap3A_169 = vector.shape_cast %swap3A_168 : vector<1x16xf32> to vector<16xf32>
      %swap3A_170 = vector.shape_cast %broadcast_in_dim3A_165 : vector<16xf32> to vector<1x16xf32>
      tpu.vector_store %arg14[%swap3A_166, %swap3A_167], %swap3A_170 {strides = array<i32>} : memref<80x32xf32, #tpu.memory_space<vmem>>, vector<1x16xf32>,
      %scan3A_171 = arith.constant 2 : i32
      %scan3A_172 = arith.addi %scan3A_141, %scan3A_171 : i32
      %broadcast_in_dim3A_173 = arith.constant 0.000000e+00 : f32
      %broadcast_in_dim3A_174 = vector.broadcast %broadcast_in_dim3A_173 : f32 to vector<16xf32>
      %swap3A_175 = arith.index_cast %scan3A_172 : i32 to index
      %swap3A_176 = arith.constant 0 : index
      %swap3A_177 = tpu.vector_load %arg14[%swap3A_175, %swap3A_176] {strides = array<i32>} : memref<80x32xf32, #tpu.memory_space<vmem>>, vector<1x16xf32>,
      %swap3A_178 = vector.shape_cast %swap3A_177 : vector<1x16xf32> to vector<16xf32>
      %swap3A_179 = vector.shape_cast %broadcast_in_dim3A_174 : vector<16xf32> to vector<1x16xf32>
      tpu.vector_store %arg14[%swap3A_175, %swap3A_176], %swap3A_179 {strides = array<i32>} : memref<80x32xf32, #tpu.memory_space<vmem>>, vector<1x16xf32>,
      %broadcast_in_dim3A_180 = arith.constant 0.000000e+00 : f32
      %broadcast_in_dim3A_181 = vector.broadcast %broadcast_in_dim3A_180 : f32 to vector<16xf32>
      %swap3A_182 = arith.index_cast %scan3A_172 : i32 to index
      %swap3A_183 = arith.constant 16 : index
      %swap3A_184 = tpu.vector_load %arg14[%swap3A_182, %swap3A_183] {strides = array<i32>} : memref<80x32xf32, #tpu.memory_space<vmem>>, vector<1x16xf32>,
      %swap3A_185 = vector.shape_cast %swap3A_184 : vector<1x16xf32> to vector<16xf32>
      %swap3A_186 = vector.shape_cast %broadcast_in_dim3A_181 : vector<16xf32> to vector<1x16xf32>
      tpu.vector_store %arg14[%swap3A_182, %swap3A_183], %swap3A_186 {strides = array<i32>} : memref<80x32xf32, #tpu.memory_space<vmem>>, vector<1x16xf32>,
      %scan3A_187 = arith.constant 3 : i32
      %scan3A_188 = arith.addi %scan3A_141, %scan3A_187 : i32
      %broadcast_in_dim3A_189 = arith.constant 0.000000e+00 : f32
      %broadcast_in_dim3A_190 = vector.broadcast %broadcast_in_dim3A_189 : f32 to vector<16xf32>
      %swap3A_191 = arith.index_cast %scan3A_188 : i32 to index
      %swap3A_192 = arith.constant 0 : index
      %swap3A_193 = tpu.vector_load %arg14[%swap3A_191, %swap3A_192] {strides = array<i32>} : memref<80x32xf32, #tpu.memory_space<vmem>>, vector<1x16xf32>,
      %swap3A_194 = vector.shape_cast %swap3A_193 : vector<1x16xf32> to vector<16xf32>
      %swap3A_195 = vector.shape_cast %broadcast_in_dim3A_190 : vector<16xf32> to vector<1x16xf32>
      tpu.vector_store %arg14[%swap3A_191, %swap3A_192], %swap3A_195 {strides = array<i32>} : memref<80x32xf32, #tpu.memory_space<vmem>>, vector<1x16xf32>,
      %broadcast_in_dim3A_196 = arith.constant 0.000000e+00 : f32
      %broadcast_in_dim3A_197 = vector.broadcast %broadcast_in_dim3A_196 : f32 to vector<16xf32>
      %swap3A_198 = arith.index_cast %scan3A_188 : i32 to index
      %swap3A_199 = arith.constant 16 : index
      %swap3A_200 = tpu.vector_load %arg14[%swap3A_198, %swap3A_199] {strides = array<i32>} : memref<80x32xf32, #tpu.memory_space<vmem>>, vector<1x16xf32>,
      %swap3A_201 = vector.shape_cast %swap3A_200 : vector<1x16xf32> to vector<16xf32>
      %swap3A_202 = vector.shape_cast %broadcast_in_dim3A_197 : vector<16xf32> to vector<1x16xf32>
      tpu.vector_store %arg14[%swap3A_198, %swap3A_199], %swap3A_202 {strides = array<i32>} : memref<80x32xf32, #tpu.memory_space<vmem>>, vector<1x16xf32>,
    }
    %scan3A_11 = arith.constant 80 : i32
    %add3A_12 = arith.constant 0 : i32
    %add3A_13 = arith.addi %mul3A_2, %add3A_12 : i32
    "tpu.region"() ({
      %run_scoped3A = tpu.sem_alloc : memref<!tpu.dma_semaphore, #tpu.memory_space<semaphore_mem>>
      %dma_start3A_141 = arith.constant 0 : i32
      %dma_start3A_142 = tpu.memref_slice %arg8[%add3A_13, %dma_start3A_141] : memref<10000x32xf32, #tpu.memory_space<vmem_shared>> -> memref<80x32xf32, #tpu.memory_space<vmem_shared>>
      %dma_start3A_143 = arith.constant 0 : i32
      %dma_start3A_144 = tpu.memref_slice %arg8[%add3A_13, %dma_start3A_143] : memref<10000x32xf32, #tpu.memory_space<vmem_shared>> -> memref<80x32xf32, #tpu.memory_space<vmem_shared>>
      tpu.enqueue_dma source(%arg14 : memref<80x32xf32, #tpu.memory_space<vmem>>) target(%dma_start3A_144 : memref<80x32xf32, #tpu.memory_space<vmem_shared>>) target_semaphore(%run_scoped3A : memref<!tpu.dma_semaphore, #tpu.memory_space<semaphore_mem>>)
      %dma_wait3A_145 = arith.constant 0 : i32
      %dma_wait3A_146 = tpu.memref_slice %arg8[%add3A_13, %dma_wait3A_145] : memref<10000x32xf32, #tpu.memory_space<vmem_shared>> -> memref<80x32xf32, #tpu.memory_space<vmem_shared>>
      %dma_wait3A_147 = arith.constant 0 : i32
      %dma_wait3A_148 = tpu.memref_slice %arg8[%add3A_13, %dma_wait3A_147] : memref<10000x32xf32, #tpu.memory_space<vmem_shared>> -> memref<80x32xf32, #tpu.memory_space<vmem_shared>>
      tpu.wait_dma2 semaphore(%run_scoped3A : memref<!tpu.dma_semaphore, #tpu.memory_space<semaphore_mem>>) src(%arg14 : memref<80x32xf32, #tpu.memory_space<vmem>>) dst(%dma_wait3A_148 : memref<80x32xf32, #tpu.memory_space<vmem_shared>>)
      tpu.yield
    }) : () -> ()
    %add3A_14 = arith.constant 80 : i32
    %add3A_15 = arith.addi %mul3A_2, %add3A_14 : i32
    "tpu.region"() ({
      %run_scoped3A = tpu.sem_alloc : memref<!tpu.dma_semaphore, #tpu.memory_space<semaphore_mem>>
      %dma_start3A_141 = arith.constant 0 : i32
      %dma_start3A_142 = tpu.memref_slice %arg8[%add3A_15, %dma_start3A_141] : memref<10000x32xf32, #tpu.memory_space<vmem_shared>> -> memref<80x32xf32, #tpu.memory_space<vmem_shared>>
      %dma_start3A_143 = arith.constant 0 : i32
      %dma_start3A_144 = tpu.memref_slice %arg8[%add3A_15, %dma_start3A_143] : memref<10000x32xf32, #tpu.memory_space<vmem_shared>> -> memref<80x32xf32, #tpu.memory_space<vmem_shared>>
      tpu.enqueue_dma source(%arg14 : memref<80x32xf32, #tpu.memory_space<vmem>>) target(%dma_start3A_144 : memref<80x32xf32, #tpu.memory_space<vmem_shared>>) target_semaphore(%run_scoped3A : memref<!tpu.dma_semaphore, #tpu.memory_space<semaphore_mem>>)
      %dma_wait3A_145 = arith.constant 0 : i32
      %dma_wait3A_146 = tpu.memref_slice %arg8[%add3A_15, %dma_wait3A_145] : memref<10000x32xf32, #tpu.memory_space<vmem_shared>> -> memref<80x32xf32, #tpu.memory_space<vmem_shared>>
      %dma_wait3A_147 = arith.constant 0 : i32
      %dma_wait3A_148 = tpu.memref_slice %arg8[%add3A_15, %dma_wait3A_147] : memref<10000x32xf32, #tpu.memory_space<vmem_shared>> -> memref<80x32xf32, #tpu.memory_space<vmem_shared>>
      tpu.wait_dma2 semaphore(%run_scoped3A : memref<!tpu.dma_semaphore, #tpu.memory_space<semaphore_mem>>) src(%arg14 : memref<80x32xf32, #tpu.memory_space<vmem>>) dst(%dma_wait3A_148 : memref<80x32xf32, #tpu.memory_space<vmem_shared>>)
      tpu.yield
    }) : () -> ()
    %add3A_16 = arith.constant 160 : i32
    %add3A_17 = arith.addi %mul3A_2, %add3A_16 : i32
    "tpu.region"() ({
      %run_scoped3A = tpu.sem_alloc : memref<!tpu.dma_semaphore, #tpu.memory_space<semaphore_mem>>
      %dma_start3A_141 = arith.constant 0 : i32
      %dma_start3A_142 = tpu.memref_slice %arg8[%add3A_17, %dma_start3A_141] : memref<10000x32xf32, #tpu.memory_space<vmem_shared>> -> memref<80x32xf32, #tpu.memory_space<vmem_shared>>
      %dma_start3A_143 = arith.constant 0 : i32
      %dma_start3A_144 = tpu.memref_slice %arg8[%add3A_17, %dma_start3A_143] : memref<10000x32xf32, #tpu.memory_space<vmem_shared>> -> memref<80x32xf32, #tpu.memory_space<vmem_shared>>
      tpu.enqueue_dma source(%arg14 : memref<80x32xf32, #tpu.memory_space<vmem>>) target(%dma_start3A_144 : memref<80x32xf32, #tpu.memory_space<vmem_shared>>) target_semaphore(%run_scoped3A : memref<!tpu.dma_semaphore, #tpu.memory_space<semaphore_mem>>)
      %dma_wait3A_145 = arith.constant 0 : i32
      %dma_wait3A_146 = tpu.memref_slice %arg8[%add3A_17, %dma_wait3A_145] : memref<10000x32xf32, #tpu.memory_space<vmem_shared>> -> memref<80x32xf32, #tpu.memory_space<vmem_shared>>
      %dma_wait3A_147 = arith.constant 0 : i32
      %dma_wait3A_148 = tpu.memref_slice %arg8[%add3A_17, %dma_wait3A_147] : memref<10000x32xf32, #tpu.memory_space<vmem_shared>> -> memref<80x32xf32, #tpu.memory_space<vmem_shared>>
      tpu.wait_dma2 semaphore(%run_scoped3A : memref<!tpu.dma_semaphore, #tpu.memory_space<semaphore_mem>>) src(%arg14 : memref<80x32xf32, #tpu.memory_space<vmem>>) dst(%dma_wait3A_148 : memref<80x32xf32, #tpu.memory_space<vmem_shared>>)
      tpu.yield
    }) : () -> ()
    %add3A_18 = arith.constant 240 : i32
    %add3A_19 = arith.addi %mul3A_2, %add3A_18 : i32
    "tpu.region"() ({
      %run_scoped3A = tpu.sem_alloc : memref<!tpu.dma_semaphore, #tpu.memory_space<semaphore_mem>>
      %dma_start3A_141 = arith.constant 0 : i32
      %dma_start3A_142 = tpu.memref_slice %arg8[%add3A_19, %dma_start3A_141] : memref<10000x32xf32, #tpu.memory_space<vmem_shared>> -> memref<80x32xf32, #tpu.memory_space<vmem_shared>>
      %dma_start3A_143 = arith.constant 0 : i32
      %dma_start3A_144 = tpu.memref_slice %arg8[%add3A_19, %dma_start3A_143] : memref<10000x32xf32, #tpu.memory_space<vmem_shared>> -> memref<80x32xf32, #tpu.memory_space<vmem_shared>>
      tpu.enqueue_dma source(%arg14 : memref<80x32xf32, #tpu.memory_space<vmem>>) target(%dma_start3A_144 : memref<80x32xf32, #tpu.memory_space<vmem_shared>>) target_semaphore(%run_scoped3A : memref<!tpu.dma_semaphore, #tpu.memory_space<semaphore_mem>>)
      %dma_wait3A_145 = arith.constant 0 : i32
      %dma_wait3A_146 = tpu.memref_slice %arg8[%add3A_19, %dma_wait3A_145] : memref<10000x32xf32, #tpu.memory_space<vmem_shared>> -> memref<80x32xf32, #tpu.memory_space<vmem_shared>>
      %dma_wait3A_147 = arith.constant 0 : i32
      %dma_wait3A_148 = tpu.memref_slice %arg8[%add3A_19, %dma_wait3A_147] : memref<10000x32xf32, #tpu.memory_space<vmem_shared>> -> memref<80x32xf32, #tpu.memory_space<vmem_shared>>
      tpu.wait_dma2 semaphore(%run_scoped3A : memref<!tpu.dma_semaphore, #tpu.memory_space<semaphore_mem>>) src(%arg14 : memref<80x32xf32, #tpu.memory_space<vmem>>) dst(%dma_wait3A_148 : memref<80x32xf32, #tpu.memory_space<vmem_shared>>)
      tpu.yield
    }) : () -> ()
    %add3A_20 = arith.constant 320 : i32
    %add3A_21 = arith.addi %mul3A_2, %add3A_20 : i32
    "tpu.region"() ({
      %run_scoped3A = tpu.sem_alloc : memref<!tpu.dma_semaphore, #tpu.memory_space<semaphore_mem>>
      %dma_start3A_141 = arith.constant 0 : i32
      %dma_start3A_142 = tpu.memref_slice %arg8[%add3A_21, %dma_start3A_141] : memref<10000x32xf32, #tpu.memory_space<vmem_shared>> -> memref<80x32xf32, #tpu.memory_space<vmem_shared>>
      %dma_start3A_143 = arith.constant 0 : i32
      %dma_start3A_144 = tpu.memref_slice %arg8[%add3A_21, %dma_start3A_143] : memref<10000x32xf32, #tpu.memory_space<vmem_shared>> -> memref<80x32xf32, #tpu.memory_space<vmem_shared>>
      tpu.enqueue_dma source(%arg14 : memref<80x32xf32, #tpu.memory_space<vmem>>) target(%dma_start3A_144 : memref<80x32xf32, #tpu.memory_space<vmem_shared>>) target_semaphore(%run_scoped3A : memref<!tpu.dma_semaphore, #tpu.memory_space<semaphore_mem>>)
      %dma_wait3A_145 = arith.constant 0 : i32
      %dma_wait3A_146 = tpu.memref_slice %arg8[%add3A_21, %dma_wait3A_145] : memref<10000x32xf32, #tpu.memory_space<vmem_shared>> -> memref<80x32xf32, #tpu.memory_space<vmem_shared>>
      %dma_wait3A_147 = arith.constant 0 : i32
      %dma_wait3A_148 = tpu.memref_slice %arg8[%add3A_21, %dma_wait3A_147] : memref<10000x32xf32, #tpu.memory_space<vmem_shared>> -> memref<80x32xf32, #tpu.memory_space<vmem_shared>>
      tpu.wait_dma2 semaphore(%run_scoped3A : memref<!tpu.dma_semaphore, #tpu.memory_space<semaphore_mem>>) src(%arg14 : memref<80x32xf32, #tpu.memory_space<vmem>>) dst(%dma_wait3A_148 : memref<80x32xf32, #tpu.memory_space<vmem_shared>>)
      tpu.yield
    }) : () -> ()
    %add3A_22 = arith.constant 400 : i32
    %add3A_23 = arith.addi %mul3A_2, %add3A_22 : i32
    "tpu.region"() ({
      %run_scoped3A = tpu.sem_alloc : memref<!tpu.dma_semaphore, #tpu.memory_space<semaphore_mem>>
      %dma_start3A_141 = arith.constant 0 : i32
      %dma_start3A_142 = tpu.memref_slice %arg8[%add3A_23, %dma_start3A_141] : memref<10000x32xf32, #tpu.memory_space<vmem_shared>> -> memref<80x32xf32, #tpu.memory_space<vmem_shared>>
      %dma_start3A_143 = arith.constant 0 : i32
      %dma_start3A_144 = tpu.memref_slice %arg8[%add3A_23, %dma_start3A_143] : memref<10000x32xf32, #tpu.memory_space<vmem_shared>> -> memref<80x32xf32, #tpu.memory_space<vmem_shared>>
      tpu.enqueue_dma source(%arg14 : memref<80x32xf32, #tpu.memory_space<vmem>>) target(%dma_start3A_144 : memref<80x32xf32, #tpu.memory_space<vmem_shared>>) target_semaphore(%run_scoped3A : memref<!tpu.dma_semaphore, #tpu.memory_space<semaphore_mem>>)
      %dma_wait3A_145 = arith.constant 0 : i32
      %dma_wait3A_146 = tpu.memref_slice %arg8[%add3A_23, %dma_wait3A_145] : memref<10000x32xf32, #tpu.memory_space<vmem_shared>> -> memref<80x32xf32, #tpu.memory_space<vmem_shared>>
      %dma_wait3A_147 = arith.constant 0 : i32
      %dma_wait3A_148 = tpu.memref_slice %arg8[%add3A_23, %dma_wait3A_147] : memref<10000x32xf32, #tpu.memory_space<vmem_shared>> -> memref<80x32xf32, #tpu.memory_space<vmem_shared>>
      tpu.wait_dma2 semaphore(%run_scoped3A : memref<!tpu.dma_semaphore, #tpu.memory_space<semaphore_mem>>) src(%arg14 : memref<80x32xf32, #tpu.memory_space<vmem>>) dst(%dma_wait3A_148 : memref<80x32xf32, #tpu.memory_space<vmem_shared>>)
      tpu.yield
    }) : () -> ()
    %add3A_24 = arith.constant 480 : i32
    %add3A_25 = arith.addi %mul3A_2, %add3A_24 : i32
    "tpu.region"() ({
      %run_scoped3A = tpu.sem_alloc : memref<!tpu.dma_semaphore, #tpu.memory_space<semaphore_mem>>
      %dma_start3A_141 = arith.constant 0 : i32
      %dma_start3A_142 = tpu.memref_slice %arg8[%add3A_25, %dma_start3A_141] : memref<10000x32xf32, #tpu.memory_space<vmem_shared>> -> memref<80x32xf32, #tpu.memory_space<vmem_shared>>
      %dma_start3A_143 = arith.constant 0 : i32
      %dma_start3A_144 = tpu.memref_slice %arg8[%add3A_25, %dma_start3A_143] : memref<10000x32xf32, #tpu.memory_space<vmem_shared>> -> memref<80x32xf32, #tpu.memory_space<vmem_shared>>
      tpu.enqueue_dma source(%arg14 : memref<80x32xf32, #tpu.memory_space<vmem>>) target(%dma_start3A_144 : memref<80x32xf32, #tpu.memory_space<vmem_shared>>) target_semaphore(%run_scoped3A : memref<!tpu.dma_semaphore, #tpu.memory_space<semaphore_mem>>)
      %dma_wait3A_145 = arith.constant 0 : i32
      %dma_wait3A_146 = tpu.memref_slice %arg8[%add3A_25, %dma_wait3A_145] : memref<10000x32xf32, #tpu.memory_space<vmem_shared>> -> memref<80x32xf32, #tpu.memory_space<vmem_shared>>
      %dma_wait3A_147 = arith.constant 0 : i32
      %dma_wait3A_148 = tpu.memref_slice %arg8[%add3A_25, %dma_wait3A_147] : memref<10000x32xf32, #tpu.memory_space<vmem_shared>> -> memref<80x32xf32, #tpu.memory_space<vmem_shared>>
      tpu.wait_dma2 semaphore(%run_scoped3A : memref<!tpu.dma_semaphore, #tpu.memory_space<semaphore_mem>>) src(%arg14 : memref<80x32xf32, #tpu.memory_space<vmem>>) dst(%dma_wait3A_148 : memref<80x32xf32, #tpu.memory_space<vmem_shared>>)
      tpu.yield
    }) : () -> ()
    %add3A_26 = arith.constant 624 : i32
    %add3A_27 = arith.addi %mul3A_2, %add3A_26 : i32
    %sub3A = arith.constant 64 : i32
    %sub3A_28 = arith.subi %add3A_27, %sub3A : i32
    "tpu.region"() ({
      %run_scoped3A = tpu.sem_alloc : memref<!tpu.dma_semaphore, #tpu.memory_space<semaphore_mem>>
      %dma_start3A_141 = arith.constant 0 : i32
      %dma_start3A_142 = arith.constant 0 : i32
      %dma_start3A_143 = tpu.memref_slice %arg14[%dma_start3A_141, %dma_start3A_142] : memref<80x32xf32, #tpu.memory_space<vmem>> -> memref<64x32xf32, #tpu.memory_space<vmem>>
      %dma_start3A_144 = arith.constant 0 : i32
      %dma_start3A_145 = tpu.memref_slice %arg8[%sub3A_28, %dma_start3A_144] : memref<10000x32xf32, #tpu.memory_space<vmem_shared>> -> memref<64x32xf32, #tpu.memory_space<vmem_shared>>
      %dma_start3A_146 = arith.constant 0 : i32
      %dma_start3A_147 = tpu.memref_slice %arg8[%sub3A_28, %dma_start3A_146] : memref<10000x32xf32, #tpu.memory_space<vmem_shared>> -> memref<64x32xf32, #tpu.memory_space<vmem_shared>>
      %dma_start3A_148 = arith.constant 0 : i32
      %dma_start3A_149 = arith.constant 0 : i32
      %dma_start3A_150 = tpu.memref_slice %arg14[%dma_start3A_148, %dma_start3A_149] : memref<80x32xf32, #tpu.memory_space<vmem>> -> memref<64x32xf32, #tpu.memory_space<vmem>>
      tpu.enqueue_dma source(%dma_start3A_150 : memref<64x32xf32, #tpu.memory_space<vmem>>) target(%dma_start3A_147 : memref<64x32xf32, #tpu.memory_space<vmem_shared>>) target_semaphore(%run_scoped3A : memref<!tpu.dma_semaphore, #tpu.memory_space<semaphore_mem>>)
      %dma_wait3A_151 = arith.constant 0 : i32
      %dma_wait3A_152 = arith.constant 0 : i32
      %dma_wait3A_153 = tpu.memref_slice %arg14[%dma_wait3A_151, %dma_wait3A_152] : memref<80x32xf32, #tpu.memory_space<vmem>> -> memref<64x32xf32, #tpu.memory_space<vmem>>
      %dma_wait3A_154 = arith.constant 0 : i32
      %dma_wait3A_155 = tpu.memref_slice %arg8[%sub3A_28, %dma_wait3A_154] : memref<10000x32xf32, #tpu.memory_space<vmem_shared>> -> memref<64x32xf32, #tpu.memory_space<vmem_shared>>
      %dma_wait3A_156 = arith.constant 0 : i32
      %dma_wait3A_157 = tpu.memref_slice %arg8[%sub3A_28, %dma_wait3A_156] : memref<10000x32xf32, #tpu.memory_space<vmem_shared>> -> memref<64x32xf32, #tpu.memory_space<vmem_shared>>
      %dma_wait3A_158 = arith.constant 0 : i32
      %dma_wait3A_159 = arith.constant 0 : i32
      %dma_wait3A_160 = tpu.memref_slice %arg14[%dma_wait3A_158, %dma_wait3A_159] : memref<80x32xf32, #tpu.memory_space<vmem>> -> memref<64x32xf32, #tpu.memory_space<vmem>>
      tpu.wait_dma2 semaphore(%run_scoped3A : memref<!tpu.dma_semaphore, #tpu.memory_space<semaphore_mem>>) src(%dma_wait3A_160 : memref<64x32xf32, #tpu.memory_space<vmem>>) dst(%dma_wait3A_157 : memref<64x32xf32, #tpu.memory_space<vmem_shared>>)
      tpu.yield
    }) : () -> ()
    %eq3A = arith.constant 15 : i32
    %eq3A_29 = arith.cmpi eq, %arg1, %eq3A : i32
    %convert_element_type3A = arith.extui %eq3A_29 : i1 to i32
    %cond3A = arith.constant 0 : i32
    %cond3A_30 = arith.cmpi ne, %convert_element_type3A, %cond3A : i32
    scf.if %cond3A_30 {
      "tpu.region"() ({
        %run_scoped3A = tpu.sem_alloc : memref<!tpu.dma_semaphore, #tpu.memory_space<semaphore_mem>>
        %dma_start3A_141 = arith.constant 0 : i32
        %dma_start3A_142 = arith.constant 0 : i32
        %dma_start3A_143 = tpu.memref_slice %arg14[%dma_start3A_141, %dma_start3A_142] : memref<80x32xf32, #tpu.memory_space<vmem>> -> memref<16x32xf32, #tpu.memory_space<vmem>>
        %dma_start3A_144 = arith.constant 9984 : i32
        %dma_start3A_145 = arith.constant 0 : i32
        %dma_start3A_146 = tpu.memref_slice %arg8[%dma_start3A_144, %dma_start3A_145] : memref<10000x32xf32, #tpu.memory_space<vmem_shared>> -> memref<16x32xf32, #tpu.memory_space<vmem_shared>>
        %dma_start3A_147 = arith.constant 9984 : i32
        %dma_start3A_148 = arith.constant 0 : i32
        %dma_start3A_149 = tpu.memref_slice %arg8[%dma_start3A_147, %dma_start3A_148] : memref<10000x32xf32, #tpu.memory_space<vmem_shared>> -> memref<16x32xf32, #tpu.memory_space<vmem_shared>>
        %dma_start3A_150 = arith.constant 0 : i32
        %dma_start3A_151 = arith.constant 0 : i32
        %dma_start3A_152 = tpu.memref_slice %arg14[%dma_start3A_150, %dma_start3A_151] : memref<80x32xf32, #tpu.memory_space<vmem>> -> memref<16x32xf32, #tpu.memory_space<vmem>>
        tpu.enqueue_dma source(%dma_start3A_152 : memref<16x32xf32, #tpu.memory_space<vmem>>) target(%dma_start3A_149 : memref<16x32xf32, #tpu.memory_space<vmem_shared>>) target_semaphore(%run_scoped3A : memref<!tpu.dma_semaphore, #tpu.memory_space<semaphore_mem>>)
        %dma_wait3A_153 = arith.constant 0 : i32
        %dma_wait3A_154 = arith.constant 0 : i32
        %dma_wait3A_155 = tpu.memref_slice %arg14[%dma_wait3A_153, %dma_wait3A_154] : memref<80x32xf32, #tpu.memory_space<vmem>> -> memref<16x32xf32, #tpu.memory_space<vmem>>
        %dma_wait3A_156 = arith.constant 9984 : i32
        %dma_wait3A_157 = arith.constant 0 : i32
        %dma_wait3A_158 = tpu.memref_slice %arg8[%dma_wait3A_156, %dma_wait3A_157] : memref<10000x32xf32, #tpu.memory_space<vmem_shared>> -> memref<16x32xf32, #tpu.memory_space<vmem_shared>>
        %dma_wait3A_159 = arith.constant 9984 : i32
        %dma_wait3A_160 = arith.constant 0 : i32
        %dma_wait3A_161 = tpu.memref_slice %arg8[%dma_wait3A_159, %dma_wait3A_160] : memref<10000x32xf32, #tpu.memory_space<vmem_shared>> -> memref<16x32xf32, #tpu.memory_space<vmem_shared>>
        %dma_wait3A_162 = arith.constant 0 : i32
        %dma_wait3A_163 = arith.constant 0 : i32
        %dma_wait3A_164 = tpu.memref_slice %arg14[%dma_wait3A_162, %dma_wait3A_163] : memref<80x32xf32, #tpu.memory_space<vmem>> -> memref<16x32xf32, #tpu.memory_space<vmem>>
        tpu.wait_dma2 semaphore(%run_scoped3A : memref<!tpu.dma_semaphore, #tpu.memory_space<semaphore_mem>>) src(%dma_wait3A_164 : memref<16x32xf32, #tpu.memory_space<vmem>>) dst(%dma_wait3A_161 : memref<16x32xf32, #tpu.memory_space<vmem_shared>>)
        tpu.yield
      }) : () -> ()
    } else {
    }
    "tpu.region"() ({
      %run_scoped3A = tpu.sem_alloc : memref<!tpu.dma_semaphore, #tpu.memory_space<semaphore_mem>>
      tpu.enqueue_dma source(%arg6 : memref<16xf32, #tpu.memory_space<hbm>>) target(%arg9 : memref<16xf32, #tpu.memory_space<vmem>>) target_semaphore(%run_scoped3A : memref<!tpu.dma_semaphore, #tpu.memory_space<semaphore_mem>>)
      tpu.wait_dma2 semaphore(%run_scoped3A : memref<!tpu.dma_semaphore, #tpu.memory_space<semaphore_mem>>) src(%arg6 : memref<16xf32, #tpu.memory_space<hbm>>) dst(%arg9 : memref<16xf32, #tpu.memory_space<vmem>>)
      tpu.yield
    }) : () -> ()
    %barrier3A = arith.constant 0 : index
    tpu.barrier barrier_id(%barrier3A)
    %iota3A = tpu.iota {dimensions = array<i32: 0>} : vector<16xi32>
    %lt3A = arith.constant 8 : i32
    %lt3A_31 = vector.broadcast %lt3A : i32 to vector<16xi32>
    %lt3A_32 = arith.cmpi slt, %iota3A, %lt3A_31 : vector<16xi32>
    %get3A = arith.constant 0 : index
    %get3A_33 = tpu.vector_load %arg9[%get3A] {strides = array<i32>} : memref<16xf32, #tpu.memory_space<vmem>>, vector<16xf32>,
    %get3A_34 = vector.shape_cast %get3A_33 : vector<16xf32> to vector<16xf32>
    %iota3A_35 = tpu.iota {dimensions = array<i32: 0>} : vector<16xi32>
    %add3A_36 = arith.constant 8 : i32
    %add3A_37 = vector.broadcast %add3A_36 : i32 to vector<16xi32>
    %add3A_38 = arith.addi %iota3A_35, %add3A_37 : vector<16xi32>
    %and3A = arith.constant 15 : i32
    %and3A_39 = vector.broadcast %and3A : i32 to vector<16xi32>
    %and3A_40 = arith.andi %add3A_38, %and3A_39 : vector<16xi32>
    %reshape3A = vector.shape_cast %and3A_40 : vector<16xi32> to vector<16x1xi32>
    %gather3A = vector.shape_cast %reshape3A : vector<16x1xi32> to vector<16xi32>
    %gather3A_41 = tpu.dynamic_gather %get3A_34[%gather3A] in [0] : vector<16xf32>, vector<16xi32> -> vector<16xf32>
    %add3A_42 = arith.addf %get3A_34, %gather3A_41 : vector<16xf32>
    %gt3A = arith.constant 0.000000e+00 : f32
    %gt3A_43 = vector.broadcast %gt3A : f32 to vector<16xf32>
    %gt3A_44 = arith.cmpf ogt, %add3A_42, %gt3A_43 : vector<16xf32>
    %mul3A_45 = arith.constant 2.000000e-01 : f32
    %mul3A_46 = vector.broadcast %mul3A_45 : f32 to vector<16xf32>
    %mul3A_47 = arith.mulf %mul3A_46, %add3A_42 : vector<16xf32>
    %select_n3A = arith.select %gt3A_44, %add3A_42, %mul3A_47 : vector<16xi1>, vector<16xf32>
    %lt3A_48 = arith.constant 1 : i32
    %lt3A_49 = vector.broadcast %lt3A_48 : i32 to vector<16xi32>
    %lt3A_50 = arith.cmpi slt, %iota3A, %lt3A_49 : vector<16xi32>
    %jit3A = arith.constant 1.000000e+30 : f32
    %broadcast_in_dim3A = vector.broadcast %jit3A : f32 to vector<16xf32>
    %select_n3A_51 = arith.select %lt3A_50, %select_n3A, %broadcast_in_dim3A : vector<16xi1>, vector<16xf32>
    %add3A_52 = arith.constant 0 : i32
    %add3A_53 = arith.addi %mul3A_4, %add3A_52 : i32
    %multiple_of3A = tpu.assume_multiple %add3A_53, 8 : i32
    %dma_start3A = tpu.memref_slice %arg2[%multiple_of3A] : memref<320000xi32, #tpu.memory_space<hbm>> -> memref<80xi32, #tpu.memory_space<hbm>>
    %dma_start3A_54 = tpu.memref_slice %arg2[%multiple_of3A] : memref<320000xi32, #tpu.memory_space<hbm>> -> memref<80xi32, #tpu.memory_space<hbm>>
    tpu.enqueue_dma source(%dma_start3A_54 : memref<80xi32, #tpu.memory_space<hbm>>) target(%arg11 : memref<80xi32, #tpu.memory_space<vmem>>) target_semaphore(%arg15 : memref<!tpu.dma_semaphore, #tpu.memory_space<semaphore_mem>>)
    %add3A_55 = arith.constant 80 : i32
    %add3A_56 = arith.addi %mul3A_4, %add3A_55 : i32
    %multiple_of3A_57 = tpu.assume_multiple %add3A_56, 8 : i32
    %dma_start3A_58 = tpu.memref_slice %arg2[%multiple_of3A_57] : memref<320000xi32, #tpu.memory_space<hbm>> -> memref<80xi32, #tpu.memory_space<hbm>>
    %dma_start3A_59 = tpu.memref_slice %arg2[%multiple_of3A_57] : memref<320000xi32, #tpu.memory_space<hbm>> -> memref<80xi32, #tpu.memory_space<hbm>>
    tpu.enqueue_dma source(%dma_start3A_59 : memref<80xi32, #tpu.memory_space<hbm>>) target(%arg18 : memref<80xi32, #tpu.memory_space<vmem>>) target_semaphore(%arg22 : memref<!tpu.dma_semaphore, #tpu.memory_space<semaphore_mem>>)
    %add3A_60 = arith.constant 0 : i32
    %add3A_61 = arith.addi %mul3A_4, %add3A_60 : i32
    %multiple_of3A_62 = tpu.assume_multiple %add3A_61, 8 : i32
    %dma_wait3A = tpu.memref_slice %arg2[%multiple_of3A_62] : memref<320000xi32, #tpu.memory_space<hbm>> -> memref<80xi32, #tpu.memory_space<hbm>>
    %dma_wait3A_63 = tpu.memref_slice %arg2[%multiple_of3A_62] : memref<320000xi32, #tpu.memory_space<hbm>> -> memref<80xi32, #tpu.memory_space<hbm>>
    tpu.wait_dma2 semaphore(%arg15 : memref<!tpu.dma_semaphore, #tpu.memory_space<semaphore_mem>>) src(%dma_wait3A_63 : memref<80xi32, #tpu.memory_space<hbm>>) dst(%arg11 : memref<80xi32, #tpu.memory_space<vmem>>)
    %dma_start3A_64 = arith.constant 0 : i32
    %dma_start3A_65 = arith.constant 0 : i32
    %dma_start3A_66 = tpu.memref_slice %arg10[%dma_start3A_64, %dma_start3A_65] : memref<125x80xi32, #tpu.memory_space<vmem>> -> memref<1x80xi32, #tpu.memory_space<vmem>>
    %dma_start3A_67 = tpu.memref_squeeze %dma_start3A_66 : memref<1x80xi32, #tpu.memory_space<vmem>> -> memref<80xi32, #tpu.memory_space<vmem>>
    %dma_start3A_68 = arith.constant 0 : i32
    %dma_start3A_69 = arith.constant 0 : i32
    %dma_start3A_70 = tpu.memref_slice %arg5[%dma_start3A_68, %dma_start3A_69] : memref<10000x16xf32, #tpu.memory_space<hbm>> -> memref<10000x16xf32, #tpu.memory_space<hbm>>
    tpu.enqueue_indirect_dma source(%dma_start3A_70 : memref<10000x16xf32, #tpu.memory_space<hbm>>) target(%arg12 : memref<80x16xf32, #tpu.memory_space<vmem>>) offsets(%dma_start3A_67 : memref<80xi32, #tpu.memory_space<vmem>>) semaphore(%arg16 : memref<!tpu.dma_semaphore, #tpu.memory_space<semaphore_mem>>)
    %dma_start3A_71 = arith.constant 0 : i32
    %dma_start3A_72 = arith.constant 0 : i32
    %dma_start3A_73 = tpu.memref_slice %arg4[%dma_start3A_71, %dma_start3A_72] : memref<10000x32xf32, #tpu.memory_space<hbm>> -> memref<10000x32xf32, #tpu.memory_space<hbm>>
    tpu.enqueue_indirect_dma source(%dma_start3A_73 : memref<10000x32xf32, #tpu.memory_space<hbm>>) target(%arg13 : memref<80x32xf32, #tpu.memory_space<vmem>>) offsets(%arg11 : memref<80xi32, #tpu.memory_space<vmem>>) semaphore(%arg16 : memref<!tpu.dma_semaphore, #tpu.memory_space<semaphore_mem>>)
    %add3A_74 = arith.constant 80 : i32
    %add3A_75 = arith.addi %mul3A_4, %add3A_74 : i32
    %multiple_of3A_76 = tpu.assume_multiple %add3A_75, 8 : i32
    %dma_wait3A_77 = tpu.memref_slice %arg2[%multiple_of3A_76] : memref<320000xi32, #tpu.memory_space<hbm>> -> memref<80xi32, #tpu.memory_space<hbm>>
    %dma_wait3A_78 = tpu.memref_slice %arg2[%multiple_of3A_76] : memref<320000xi32, #tpu.memory_space<hbm>> -> memref<80xi32, #tpu.memory_space<hbm>>
    tpu.wait_dma2 semaphore(%arg22 : memref<!tpu.dma_semaphore, #tpu.memory_space<semaphore_mem>>) src(%dma_wait3A_78 : memref<80xi32, #tpu.memory_space<hbm>>) dst(%arg18 : memref<80xi32, #tpu.memory_space<vmem>>)
    %dma_start3A_79 = arith.constant 1 : i32
    %dma_start3A_80 = arith.constant 0 : i32
    %dma_start3A_81 = tpu.memref_slice %arg10[%dma_start3A_79, %dma_start3A_80] : memref<125x80xi32, #tpu.memory_space<vmem>> -> memref<1x80xi32, #tpu.memory_space<vmem>>
    %dma_start3A_82 = tpu.memref_squeeze %dma_start3A_81 : memref<1x80xi32, #tpu.memory_space<vmem>> -> memref<80xi32, #tpu.memory_space<vmem>>
    %dma_start3A_83 = arith.constant 0 : i32
    %dma_start3A_84 = arith.constant 0 : i32
    %dma_start3A_85 = tpu.memref_slice %arg5[%dma_start3A_83, %dma_start3A_84] : memref<10000x16xf32, #tpu.memory_space<hbm>> -> memref<10000x16xf32, #tpu.memory_space<hbm>>
    tpu.enqueue_indirect_dma source(%dma_start3A_85 : memref<10000x16xf32, #tpu.memory_space<hbm>>) target(%arg19 : memref<80x16xf32, #tpu.memory_space<vmem>>) offsets(%dma_start3A_82 : memref<80xi32, #tpu.memory_space<vmem>>) semaphore(%arg23 : memref<!tpu.dma_semaphore, #tpu.memory_space<semaphore_mem>>)
    %dma_start3A_86 = arith.constant 0 : i32
    %dma_start3A_87 = arith.constant 0 : i32
    %dma_start3A_88 = tpu.memref_slice %arg4[%dma_start3A_86, %dma_start3A_87] : memref<10000x32xf32, #tpu.memory_space<hbm>> -> memref<10000x32xf32, #tpu.memory_space<hbm>>
    tpu.enqueue_indirect_dma source(%dma_start3A_88 : memref<10000x32xf32, #tpu.memory_space<hbm>>) target(%arg20 : memref<80x32xf32, #tpu.memory_space<vmem>>) offsets(%arg18 : memref<80xi32, #tpu.memory_space<vmem>>) semaphore(%arg23 : memref<!tpu.dma_semaphore, #tpu.memory_space<semaphore_mem>>)
    %scan3A_89 = arith.constant 0 : i32
    %scan3A_90 = arith.constant 0 : i32
    %scan3A_91 = arith.constant 62 : i32
    %scan3A_92 = arith.addi %scan3A_90, %scan3A_91 : i32
    %scan3A_93 = arith.constant 1 : i32
    scf.for %scan3A_141 = %scan3A_90 to %scan3A_92 step %scan3A_93  : i32 {
      %mul3A_142 = arith.constant 2 : i32
      %mul3A_143 = arith.muli %mul3A_142, %scan3A_141 : i32
      %dma_wait3A_144 = arith.constant 0 : i32
      %dma_wait3A_145 = tpu.memref_slice %arg10[%mul3A_143, %dma_wait3A_144] : memref<125x80xi32, #tpu.memory_space<vmem>> -> memref<1x80xi32, #tpu.memory_space<vmem>>
      %dma_wait3A_146 = tpu.memref_squeeze %dma_wait3A_145 : memref<1x80xi32, #tpu.memory_space<vmem>> -> memref<80xi32, #tpu.memory_space<vmem>>
      %dma_wait3A_147 = arith.constant 0 : i32
      %dma_wait3A_148 = arith.constant 0 : i32
      %dma_wait3A_149 = tpu.memref_slice %arg5[%dma_wait3A_147, %dma_wait3A_148] : memref<10000x16xf32, #tpu.memory_space<hbm>> -> memref<10000x16xf32, #tpu.memory_space<hbm>>
      tpu.wait_indirect_dma semaphore(%arg16 : memref<!tpu.dma_semaphore, #tpu.memory_space<semaphore_mem>>) src(%dma_wait3A_149 : memref<10000x16xf32, #tpu.memory_space<hbm>>) dst(%arg12 : memref<80x16xf32, #tpu.memory_space<vmem>>)
      %dma_wait3A_150 = arith.constant 0 : i32
      %dma_wait3A_151 = arith.constant 0 : i32
      %dma_wait3A_152 = tpu.memref_slice %arg4[%dma_wait3A_150, %dma_wait3A_151] : memref<10000x32xf32, #tpu.memory_space<hbm>> -> memref<10000x32xf32, #tpu.memory_space<hbm>>
      tpu.wait_indirect_dma semaphore(%arg16 : memref<!tpu.dma_semaphore, #tpu.memory_space<semaphore_mem>>) src(%dma_wait3A_152 : memref<10000x32xf32, #tpu.memory_space<hbm>>) dst(%arg13 : memref<80x32xf32, #tpu.memory_space<vmem>>)
      %mul3A_153 = arith.constant 2 : i32
      %mul3A_154 = arith.muli %mul3A_153, %scan3A_141 : i32
      %add3A_155 = arith.constant 2 : i32
      %add3A_156 = arith.addi %mul3A_154, %add3A_155 : i32
      %lt3A_157 = arith.constant 125 : i32
      %lt3A_158 = arith.cmpi slt, %add3A_156, %lt3A_157 : i32
      %convert_element_type3A_159 = arith.extui %lt3A_158 : i1 to i32
      %cond3A_160 = arith.constant 0 : i32
      %cond3A_161 = arith.cmpi ne, %convert_element_type3A_159, %cond3A_160 : i32
      scf.if %cond3A_161 {
        %mul3A_236 = arith.constant 2 : i32
        %mul3A_237 = arith.muli %mul3A_236, %scan3A_141 : i32
        %add3A_238 = arith.constant 2 : i32
        %add3A_239 = arith.addi %mul3A_237, %add3A_238 : i32
        %mul3A_240 = arith.constant 80 : i32
        %mul3A_241 = arith.muli %add3A_239, %mul3A_240 : i32
        %add3A_242 = arith.addi %mul3A_4, %mul3A_241 : i32
        %multiple_of3A_243 = tpu.assume_multiple %add3A_242, 8 : i32
        %dma_start3A_244 = tpu.memref_slice %arg2[%multiple_of3A_243] : memref<320000xi32, #tpu.memory_space<hbm>> -> memref<80xi32, #tpu.memory_space<hbm>>
        %dma_start3A_245 = tpu.memref_slice %arg2[%multiple_of3A_243] : memref<320000xi32, #tpu.memory_space<hbm>> -> memref<80xi32, #tpu.memory_space<hbm>>
        tpu.enqueue_dma source(%dma_start3A_245 : memref<80xi32, #tpu.memory_space<hbm>>) target(%arg11 : memref<80xi32, #tpu.memory_space<vmem>>) target_semaphore(%arg15 : memref<!tpu.dma_semaphore, #tpu.memory_space<semaphore_mem>>)
      } else {
      }
      %gt3A_162 = arith.constant 0 : i32
      %gt3A_163 = arith.cmpi sgt, %scan3A_141, %gt3A_162 : i32
      %convert_element_type3A_164 = arith.extui %gt3A_163 : i1 to i32
      %cond3A_165 = arith.constant 0 : i32
      %cond3A_166 = arith.cmpi ne, %convert_element_type3A_164, %cond3A_165 : i32
      scf.if %cond3A_166 {
        %mul3A_236 = arith.constant 2 : i32
        %mul3A_237 = arith.muli %mul3A_236, %scan3A_141 : i32
        %sub3A_238 = arith.constant 2 : i32
        %sub3A_239 = arith.subi %mul3A_237, %sub3A_238 : i32
        %dma_wait3A_240 = arith.constant 0 : i32
        %dma_wait3A_241 = tpu.memref_slice %arg10[%sub3A_239, %dma_wait3A_240] : memref<125x80xi32, #tpu.memory_space<vmem>> -> memref<1x80xi32, #tpu.memory_space<vmem>>
        %dma_wait3A_242 = tpu.memref_squeeze %dma_wait3A_241 : memref<1x80xi32, #tpu.memory_space<vmem>> -> memref<80xi32, #tpu.memory_space<vmem>>
        %dma_wait3A_243 = arith.constant 0 : i32
        %dma_wait3A_244 = arith.constant 0 : i32
        %dma_wait3A_245 = tpu.memref_slice %arg8[%dma_wait3A_243, %dma_wait3A_244] : memref<10000x32xf32, #tpu.memory_space<vmem_shared>> -> memref<10000x32xf32, #tpu.memory_space<vmem_shared>>
        tpu.wait_indirect_dma semaphore(%arg17 : memref<!tpu.dma_semaphore, #tpu.memory_space<semaphore_mem>>) src(%arg14 : memref<80x32xf32, #tpu.memory_space<vmem>>) dst(%dma_wait3A_245 : memref<10000x32xf32, #tpu.memory_space<vmem_shared>>)
      } else {
      }
      %mul3A_167 = arith.constant 2 : i32
      %mul3A_168 = arith.muli %mul3A_167, %scan3A_141 : i32
      %parallel_loop3A_169 = arith.constant 0 : i32
      %parallel_loop3A_170 = arith.constant 80 : i32
      %parallel_loop3A_171 = arith.constant 1 : i32
      scf.for %parallel_loop3A_236 = %parallel_loop3A_169 to %parallel_loop3A_170 step %parallel_loop3A_171  : i32 {
        %parallel_loop3A_237 = arith.index_cast %parallel_loop3A_236 : i32 to index
        %parallel_loop3A_238 = arith.constant 16 : index
        %parallel_loop3A_239 = tpu.vector_load %arg13[%parallel_loop3A_237, %parallel_loop3A_238] {strides = array<i32>} : memref<80x32xf32, #tpu.memory_space<vmem>>, vector<1x16xf32>,
        %parallel_loop3A_240 = vector.shape_cast %parallel_loop3A_239 : vector<1x16xf32> to vector<16xf32>
        %parallel_loop3A_241 = arith.index_cast %parallel_loop3A_236 : i32 to index
        %parallel_loop3A_242 = arith.constant 0 : index
        %parallel_loop3A_243 = tpu.vector_load %arg12[%parallel_loop3A_241, %parallel_loop3A_242] {strides = array<i32>} : memref<80x16xf32, #tpu.memory_space<vmem>>, vector<1x16xf32>,
        %parallel_loop3A_244 = vector.shape_cast %parallel_loop3A_243 : vector<1x16xf32> to vector<16xf32>
        %parallel_loop3A_245 = arith.addf %parallel_loop3A_240, %parallel_loop3A_244 : vector<16xf32>
        %parallel_loop3A_246 = arith.constant 0.000000e+00 : f32
        %parallel_loop3A_247 = vector.broadcast %parallel_loop3A_246 : f32 to vector<16xf32>
        %parallel_loop3A_248 = arith.cmpf ogt, %parallel_loop3A_245, %parallel_loop3A_247 : vector<16xf32>
        %parallel_loop3A_249 = arith.constant 2.000000e-01 : f32
        %parallel_loop3A_250 = vector.broadcast %parallel_loop3A_249 : f32 to vector<16xf32>
        %parallel_loop3A_251 = arith.mulf %parallel_loop3A_250, %parallel_loop3A_245 : vector<16xf32>
        %parallel_loop3A_252 = arith.select %parallel_loop3A_248, %parallel_loop3A_245, %parallel_loop3A_251 : vector<16xi1>, vector<16xf32>
        %parallel_loop3A_253 = arith.subf %parallel_loop3A_252, %select_n3A_51 : vector<16xf32>
        %parallel_loop3A_254 = math.exp %parallel_loop3A_253 : vector<16xf32>
        %parallel_loop3A_255 = arith.constant 0.000000e+00 : f32
        %parallel_loop3A_256 = vector.broadcast %parallel_loop3A_255 : f32 to vector<16xf32>
        %parallel_loop3A_257 = arith.select %lt3A_32, %parallel_loop3A_254, %parallel_loop3A_256 : vector<16xi1>, vector<16xf32>
        %parallel_loop3A_258 = arith.index_cast %parallel_loop3A_236 : i32 to index
        %parallel_loop3A_259 = arith.constant 16 : index
        %parallel_loop3A_260 = tpu.vector_load %arg14[%parallel_loop3A_258, %parallel_loop3A_259] {strides = array<i32>} : memref<80x32xf32, #tpu.memory_space<vmem>>, vector<1x16xf32>,
        %parallel_loop3A_261 = vector.shape_cast %parallel_loop3A_260 : vector<1x16xf32> to vector<16xf32>
        %parallel_loop3A_262 = vector.shape_cast %parallel_loop3A_257 : vector<16xf32> to vector<1x16xf32>
        tpu.vector_store %arg14[%parallel_loop3A_258, %parallel_loop3A_259], %parallel_loop3A_262 {strides = array<i32>} : memref<80x32xf32, #tpu.memory_space<vmem>>, vector<1x16xf32>,
        %parallel_loop3A_263 = arith.index_cast %parallel_loop3A_236 : i32 to index
        %parallel_loop3A_264 = arith.constant 0 : index
        %parallel_loop3A_265 = tpu.vector_load %arg13[%parallel_loop3A_263, %parallel_loop3A_264] {strides = array<i32>} : memref<80x32xf32, #tpu.memory_space<vmem>>, vector<1x16xf32>,
        %parallel_loop3A_266 = vector.shape_cast %parallel_loop3A_265 : vector<1x16xf32> to vector<16xf32>
        %parallel_loop3A_267 = arith.constant 0 : i32
        %parallel_loop3A_268 = vector.broadcast %parallel_loop3A_267 : i32 to vector<16x1xi32>
        %parallel_loop3A_269 = vector.shape_cast %parallel_loop3A_268 : vector<16x1xi32> to vector<16xi32>
        %parallel_loop3A_270 = tpu.dynamic_gather %parallel_loop3A_257[%parallel_loop3A_269] in [0] : vector<16xf32>, vector<16xi32> -> vector<16xf32>
        %parallel_loop3A_271 = arith.mulf %parallel_loop3A_266, %parallel_loop3A_270 : vector<16xf32>
        %parallel_loop3A_272 = arith.index_cast %parallel_loop3A_236 : i32 to index
        %parallel_loop3A_273 = arith.constant 0 : index
        %parallel_loop3A_274 = tpu.vector_load %arg14[%parallel_loop3A_272, %parallel_loop3A_273] {strides = array<i32>} : memref<80x32xf32, #tpu.memory_space<vmem>>, vector<1x16xf32>,
        %parallel_loop3A_275 = vector.shape_cast %parallel_loop3A_274 : vector<1x16xf32> to vector<16xf32>
        %parallel_loop3A_276 = vector.shape_cast %parallel_loop3A_271 : vector<16xf32> to vector<1x16xf32>
        tpu.vector_store %arg14[%parallel_loop3A_272, %parallel_loop3A_273], %parallel_loop3A_276 {strides = array<i32>} : memref<80x32xf32, #tpu.memory_space<vmem>>, vector<1x16xf32>,
      } {sc.loop_unroll_factor = 4 : i64, sc.parallel_access}
      %dma_start3A_172 = arith.constant 0 : i32
      %dma_start3A_173 = tpu.memref_slice %arg10[%mul3A_168, %dma_start3A_172] : memref<125x80xi32, #tpu.memory_space<vmem>> -> memref<1x80xi32, #tpu.memory_space<vmem>>
      %dma_start3A_174 = tpu.memref_squeeze %dma_start3A_173 : memref<1x80xi32, #tpu.memory_space<vmem>> -> memref<80xi32, #tpu.memory_space<vmem>>
      %dma_start3A_175 = arith.constant 0 : i32
      %dma_start3A_176 = arith.constant 0 : i32
      %dma_start3A_177 = tpu.memref_slice %arg8[%dma_start3A_175, %dma_start3A_176] : memref<10000x32xf32, #tpu.memory_space<vmem_shared>> -> memref<10000x32xf32, #tpu.memory_space<vmem_shared>>
      tpu.enqueue_indirect_dma source(%arg14 : memref<80x32xf32, #tpu.memory_space<vmem>>) target(%dma_start3A_177 : memref<10000x32xf32, #tpu.memory_space<vmem_shared>>) offsets(%dma_start3A_174 : memref<80xi32, #tpu.memory_space<vmem>>) semaphore(%arg17 : memref<!tpu.dma_semaphore, #tpu.memory_space<semaphore_mem>>) {add = true}
      %mul3A_178 = arith.constant 2 : i32
      %mul3A_179 = arith.muli %mul3A_178, %scan3A_141 : i32
      %add3A_180 = arith.constant 2 : i32
      %add3A_181 = arith.addi %mul3A_179, %add3A_180 : i32
      %lt3A_182 = arith.constant 125 : i32
      %lt3A_183 = arith.cmpi slt, %add3A_181, %lt3A_182 : i32
      %convert_element_type3A_184 = arith.extui %lt3A_183 : i1 to i32
      %cond3A_185 = arith.constant 0 : i32
      %cond3A_186 = arith.cmpi ne, %convert_element_type3A_184, %cond3A_185 : i32
      scf.if %cond3A_186 {
        %mul3A_236 = arith.constant 2 : i32
        %mul3A_237 = arith.muli %mul3A_236, %scan3A_141 : i32
        %add3A_238 = arith.constant 2 : i32
        %add3A_239 = arith.addi %mul3A_237, %add3A_238 : i32
        %mul3A_240 = arith.constant 80 : i32
        %mul3A_241 = arith.muli %add3A_239, %mul3A_240 : i32
        %add3A_242 = arith.addi %mul3A_4, %mul3A_241 : i32
        %multiple_of3A_243 = tpu.assume_multiple %add3A_242, 8 : i32
        %dma_wait3A_244 = tpu.memref_slice %arg2[%multiple_of3A_243] : memref<320000xi32, #tpu.memory_space<hbm>> -> memref<80xi32, #tpu.memory_space<hbm>>
        %dma_wait3A_245 = tpu.memref_slice %arg2[%multiple_of3A_243] : memref<320000xi32, #tpu.memory_space<hbm>> -> memref<80xi32, #tpu.memory_space<hbm>>
        tpu.wait_dma2 semaphore(%arg15 : memref<!tpu.dma_semaphore, #tpu.memory_space<semaphore_mem>>) src(%dma_wait3A_245 : memref<80xi32, #tpu.memory_space<hbm>>) dst(%arg11 : memref<80xi32, #tpu.memory_space<vmem>>)
        %dma_start3A_246 = arith.constant 0 : i32
        %dma_start3A_247 = tpu.memref_slice %arg10[%add3A_239, %dma_start3A_246] : memref<125x80xi32, #tpu.memory_space<vmem>> -> memref<1x80xi32, #tpu.memory_space<vmem>>
        %dma_start3A_248 = tpu.memref_squeeze %dma_start3A_247 : memref<1x80xi32, #tpu.memory_space<vmem>> -> memref<80xi32, #tpu.memory_space<vmem>>
        %dma_start3A_249 = arith.constant 0 : i32
        %dma_start3A_250 = arith.constant 0 : i32
        %dma_start3A_251 = tpu.memref_slice %arg5[%dma_start3A_249, %dma_start3A_250] : memref<10000x16xf32, #tpu.memory_space<hbm>> -> memref<10000x16xf32, #tpu.memory_space<hbm>>
        tpu.enqueue_indirect_dma source(%dma_start3A_251 : memref<10000x16xf32, #tpu.memory_space<hbm>>) target(%arg12 : memref<80x16xf32, #tpu.memory_space<vmem>>) offsets(%dma_start3A_248 : memref<80xi32, #tpu.memory_space<vmem>>) semaphore(%arg16 : memref<!tpu.dma_semaphore, #tpu.memory_space<semaphore_mem>>)
        %dma_start3A_252 = arith.constant 0 : i32
        %dma_start3A_253 = arith.constant 0 : i32
        %dma_start3A_254 = tpu.memref_slice %arg4[%dma_start3A_252, %dma_start3A_253] : memref<10000x32xf32, #tpu.memory_space<hbm>> -> memref<10000x32xf32, #tpu.memory_space<hbm>>
        tpu.enqueue_indirect_dma source(%dma_start3A_254 : memref<10000x32xf32, #tpu.memory_space<hbm>>) target(%arg13 : memref<80x32xf32, #tpu.memory_space<vmem>>) offsets(%arg11 : memref<80xi32, #tpu.memory_space<vmem>>) semaphore(%arg16 : memref<!tpu.dma_semaphore, #tpu.memory_space<semaphore_mem>>)
      } else {
      }
      %mul3A_187 = arith.constant 2 : i32
      %mul3A_188 = arith.muli %mul3A_187, %scan3A_141 : i32
      %add3A_189 = arith.constant 1 : i32
      %add3A_190 = arith.addi %mul3A_188, %add3A_189 : i32
      %dma_wait3A_191 = arith.constant 0 : i32
      %dma_wait3A_192 = tpu.memref_slice %arg10[%add3A_190, %dma_wait3A_191] : memref<125x80xi32, #tpu.memory_space<vmem>> -> memref<1x80xi32, #tpu.memory_space<vmem>>
      %dma_wait3A_193 = tpu.memref_squeeze %dma_wait3A_192 : memref<1x80xi32, #tpu.memory_space<vmem>> -> memref<80xi32, #tpu.memory_space<vmem>>
      %dma_wait3A_194 = arith.constant 0 : i32
      %dma_wait3A_195 = arith.constant 0 : i32
      %dma_wait3A_196 = tpu.memref_slice %arg5[%dma_wait3A_194, %dma_wait3A_195] : memref<10000x16xf32, #tpu.memory_space<hbm>> -> memref<10000x16xf32, #tpu.memory_space<hbm>>
      tpu.wait_indirect_dma semaphore(%arg23 : memref<!tpu.dma_semaphore, #tpu.memory_space<semaphore_mem>>) src(%dma_wait3A_196 : memref<10000x16xf32, #tpu.memory_space<hbm>>) dst(%arg19 : memref<80x16xf32, #tpu.memory_space<vmem>>)
      %dma_wait3A_197 = arith.constant 0 : i32
      %dma_wait3A_198 = arith.constant 0 : i32
      %dma_wait3A_199 = tpu.memref_slice %arg4[%dma_wait3A_197, %dma_wait3A_198] : memref<10000x32xf32, #tpu.memory_space<hbm>> -> memref<10000x32xf32, #tpu.memory_space<hbm>>
      tpu.wait_indirect_dma semaphore(%arg23 : memref<!tpu.dma_semaphore, #tpu.memory_space<semaphore_mem>>) src(%dma_wait3A_199 : memref<10000x32xf32, #tpu.memory_space<hbm>>) dst(%arg20 : memref<80x32xf32, #tpu.memory_space<vmem>>)
      %mul3A_200 = arith.constant 2 : i32
      %mul3A_201 = arith.muli %mul3A_200, %scan3A_141 : i32
      %add3A_202 = arith.constant 3 : i32
      %add3A_203 = arith.addi %mul3A_201, %add3A_202 : i32
      %lt3A_204 = arith.constant 125 : i32
      %lt3A_205 = arith.cmpi slt, %add3A_203, %lt3A_204 : i32
      %convert_element_type3A_206 = arith.extui %lt3A_205 : i1 to i32
      %cond3A_207 = arith.constant 0 : i32
      %cond3A_208 = arith.cmpi ne, %convert_element_type3A_206, %cond3A_207 : i32
      scf.if %cond3A_208 {
        %mul3A_236 = arith.constant 2 : i32
        %mul3A_237 = arith.muli %mul3A_236, %scan3A_141 : i32
        %add3A_238 = arith.constant 3 : i32
        %add3A_239 = arith.addi %mul3A_237, %add3A_238 : i32
        %mul3A_240 = arith.constant 80 : i32
        %mul3A_241 = arith.muli %add3A_239, %mul3A_240 : i32
        %add3A_242 = arith.addi %mul3A_4, %mul3A_241 : i32
        %multiple_of3A_243 = tpu.assume_multiple %add3A_242, 8 : i32
        %dma_start3A_244 = tpu.memref_slice %arg2[%multiple_of3A_243] : memref<320000xi32, #tpu.memory_space<hbm>> -> memref<80xi32, #tpu.memory_space<hbm>>
        %dma_start3A_245 = tpu.memref_slice %arg2[%multiple_of3A_243] : memref<320000xi32, #tpu.memory_space<hbm>> -> memref<80xi32, #tpu.memory_space<hbm>>
        tpu.enqueue_dma source(%dma_start3A_245 : memref<80xi32, #tpu.memory_space<hbm>>) target(%arg18 : memref<80xi32, #tpu.memory_space<vmem>>) target_semaphore(%arg22 : memref<!tpu.dma_semaphore, #tpu.memory_space<semaphore_mem>>)
      } else {
      }
      %gt3A_209 = arith.constant 0 : i32
      %gt3A_210 = arith.cmpi sgt, %scan3A_141, %gt3A_209 : i32
      %convert_element_type3A_211 = arith.extui %gt3A_210 : i1 to i32
      %cond3A_212 = arith.constant 0 : i32
      %cond3A_213 = arith.cmpi ne, %convert_element_type3A_211, %cond3A_212 : i32
      scf.if %cond3A_213 {
        %mul3A_236 = arith.constant 2 : i32
        %mul3A_237 = arith.muli %mul3A_236, %scan3A_141 : i32
        %sub3A_238 = arith.constant 1 : i32
        %sub3A_239 = arith.subi %mul3A_237, %sub3A_238 : i32
        %dma_wait3A_240 = arith.constant 0 : i32
        %dma_wait3A_241 = tpu.memref_slice %arg10[%sub3A_239, %dma_wait3A_240] : memref<125x80xi32, #tpu.memory_space<vmem>> -> memref<1x80xi32, #tpu.memory_space<vmem>>
        %dma_wait3A_242 = tpu.memref_squeeze %dma_wait3A_241 : memref<1x80xi32, #tpu.memory_space<vmem>> -> memref<80xi32, #tpu.memory_space<vmem>>
        %dma_wait3A_243 = arith.constant 0 : i32
        %dma_wait3A_244 = arith.constant 0 : i32
        %dma_wait3A_245 = tpu.memref_slice %arg8[%dma_wait3A_243, %dma_wait3A_244] : memref<10000x32xf32, #tpu.memory_space<vmem_shared>> -> memref<10000x32xf32, #tpu.memory_space<vmem_shared>>
        tpu.wait_indirect_dma semaphore(%arg24 : memref<!tpu.dma_semaphore, #tpu.memory_space<semaphore_mem>>) src(%arg21 : memref<80x32xf32, #tpu.memory_space<vmem>>) dst(%dma_wait3A_245 : memref<10000x32xf32, #tpu.memory_space<vmem_shared>>)
      } else {
      }
      %mul3A_214 = arith.constant 2 : i32
      %mul3A_215 = arith.muli %mul3A_214, %scan3A_141 : i32
      %add3A_216 = arith.constant 1 : i32
      %add3A_217 = arith.addi %mul3A_215, %add3A_216 : i32
      %parallel_loop3A_218 = arith.constant 0 : i32
      %parallel_loop3A_219 = arith.constant 80 : i32
      %parallel_loop3A_220 = arith.constant 1 : i32
      scf.for %parallel_loop3A_236 = %parallel_loop3A_218 to %parallel_loop3A_219 step %parallel_loop3A_220  : i32 {
        %parallel_loop3A_237 = arith.index_cast %parallel_loop3A_236 : i32 to index
        %parallel_loop3A_238 = arith.constant 16 : index
        %parallel_loop3A_239 = tpu.vector_load %arg20[%parallel_loop3A_237, %parallel_loop3A_238] {strides = array<i32>} : memref<80x32xf32, #tpu.memory_space<vmem>>, vector<1x16xf32>,
        %parallel_loop3A_240 = vector.shape_cast %parallel_loop3A_239 : vector<1x16xf32> to vector<16xf32>
        %parallel_loop3A_241 = arith.index_cast %parallel_loop3A_236 : i32 to index
        %parallel_loop3A_242 = arith.constant 0 : index
        %parallel_loop3A_243 = tpu.vector_load %arg19[%parallel_loop3A_241, %parallel_loop3A_242] {strides = array<i32>} : memref<80x16xf32, #tpu.memory_space<vmem>>, vector<1x16xf32>,
        %parallel_loop3A_244 = vector.shape_cast %parallel_loop3A_243 : vector<1x16xf32> to vector<16xf32>
        %parallel_loop3A_245 = arith.addf %parallel_loop3A_240, %parallel_loop3A_244 : vector<16xf32>
        %parallel_loop3A_246 = arith.constant 0.000000e+00 : f32
        %parallel_loop3A_247 = vector.broadcast %parallel_loop3A_246 : f32 to vector<16xf32>
        %parallel_loop3A_248 = arith.cmpf ogt, %parallel_loop3A_245, %parallel_loop3A_247 : vector<16xf32>
        %parallel_loop3A_249 = arith.constant 2.000000e-01 : f32
        %parallel_loop3A_250 = vector.broadcast %parallel_loop3A_249 : f32 to vector<16xf32>
        %parallel_loop3A_251 = arith.mulf %parallel_loop3A_250, %parallel_loop3A_245 : vector<16xf32>
        %parallel_loop3A_252 = arith.select %parallel_loop3A_248, %parallel_loop3A_245, %parallel_loop3A_251 : vector<16xi1>, vector<16xf32>
        %parallel_loop3A_253 = arith.subf %parallel_loop3A_252, %select_n3A_51 : vector<16xf32>
        %parallel_loop3A_254 = math.exp %parallel_loop3A_253 : vector<16xf32>
        %parallel_loop3A_255 = arith.constant 0.000000e+00 : f32
        %parallel_loop3A_256 = vector.broadcast %parallel_loop3A_255 : f32 to vector<16xf32>
        %parallel_loop3A_257 = arith.select %lt3A_32, %parallel_loop3A_254, %parallel_loop3A_256 : vector<16xi1>, vector<16xf32>
        %parallel_loop3A_258 = arith.index_cast %parallel_loop3A_236 : i32 to index
        %parallel_loop3A_259 = arith.constant 16 : index
        %parallel_loop3A_260 = tpu.vector_load %arg21[%parallel_loop3A_258, %parallel_loop3A_259] {strides = array<i32>} : memref<80x32xf32, #tpu.memory_space<vmem>>, vector<1x16xf32>,
        %parallel_loop3A_261 = vector.shape_cast %parallel_loop3A_260 : vector<1x16xf32> to vector<16xf32>
        %parallel_loop3A_262 = vector.shape_cast %parallel_loop3A_257 : vector<16xf32> to vector<1x16xf32>
        tpu.vector_store %arg21[%parallel_loop3A_258, %parallel_loop3A_259], %parallel_loop3A_262 {strides = array<i32>} : memref<80x32xf32, #tpu.memory_space<vmem>>, vector<1x16xf32>,
        %parallel_loop3A_263 = arith.index_cast %parallel_loop3A_236 : i32 to index
        %parallel_loop3A_264 = arith.constant 0 : index
        %parallel_loop3A_265 = tpu.vector_load %arg20[%parallel_loop3A_263, %parallel_loop3A_264] {strides = array<i32>} : memref<80x32xf32, #tpu.memory_space<vmem>>, vector<1x16xf32>,
        %parallel_loop3A_266 = vector.shape_cast %parallel_loop3A_265 : vector<1x16xf32> to vector<16xf32>
        %parallel_loop3A_267 = arith.constant 0 : i32
        %parallel_loop3A_268 = vector.broadcast %parallel_loop3A_267 : i32 to vector<16x1xi32>
        %parallel_loop3A_269 = vector.shape_cast %parallel_loop3A_268 : vector<16x1xi32> to vector<16xi32>
        %parallel_loop3A_270 = tpu.dynamic_gather %parallel_loop3A_257[%parallel_loop3A_269] in [0] : vector<16xf32>, vector<16xi32> -> vector<16xf32>
        %parallel_loop3A_271 = arith.mulf %parallel_loop3A_266, %parallel_loop3A_270 : vector<16xf32>
        %parallel_loop3A_272 = arith.index_cast %parallel_loop3A_236 : i32 to index
        %parallel_loop3A_273 = arith.constant 0 : index
        %parallel_loop3A_274 = tpu.vector_load %arg21[%parallel_loop3A_272, %parallel_loop3A_273] {strides = array<i32>} : memref<80x32xf32, #tpu.memory_space<vmem>>, vector<1x16xf32>,
        %parallel_loop3A_275 = vector.shape_cast %parallel_loop3A_274 : vector<1x16xf32> to vector<16xf32>
        %parallel_loop3A_276 = vector.shape_cast %parallel_loop3A_271 : vector<16xf32> to vector<1x16xf32>
        tpu.vector_store %arg21[%parallel_loop3A_272, %parallel_loop3A_273], %parallel_loop3A_276 {strides = array<i32>} : memref<80x32xf32, #tpu.memory_space<vmem>>, vector<1x16xf32>,
      } {sc.loop_unroll_factor = 4 : i64, sc.parallel_access}
      %dma_start3A_221 = arith.constant 0 : i32
      %dma_start3A_222 = tpu.memref_slice %arg10[%add3A_217, %dma_start3A_221] : memref<125x80xi32, #tpu.memory_space<vmem>> -> memref<1x80xi32, #tpu.memory_space<vmem>>
      %dma_start3A_223 = tpu.memref_squeeze %dma_start3A_222 : memref<1x80xi32, #tpu.memory_space<vmem>> -> memref<80xi32, #tpu.memory_space<vmem>>
      %dma_start3A_224 = arith.constant 0 : i32
      %dma_start3A_225 = arith.constant 0 : i32
      %dma_start3A_226 = tpu.memref_slice %arg8[%dma_start3A_224, %dma_start3A_225] : memref<10000x32xf32, #tpu.memory_space<vmem_shared>> -> memref<10000x32xf32, #tpu.memory_space<vmem_shared>>
      tpu.enqueue_indirect_dma source(%arg21 : memref<80x32xf32, #tpu.memory_space<vmem>>) target(%dma_start3A_226 : memref<10000x32xf32, #tpu.memory_space<vmem_shared>>) offsets(%dma_start3A_223 : memref<80xi32, #tpu.memory_space<vmem>>) semaphore(%arg24 : memref<!tpu.dma_semaphore, #tpu.memory_space<semaphore_mem>>) {add = true}
      %mul3A_227 = arith.constant 2 : i32
      %mul3A_228 = arith.muli %mul3A_227, %scan3A_141 : i32
      %add3A_229 = arith.constant 3 : i32
      %add3A_230 = arith.addi %mul3A_228, %add3A_229 : i32
      %lt3A_231 = arith.constant 125 : i32
      %lt3A_232 = arith.cmpi slt, %add3A_230, %lt3A_231 : i32
      %convert_element_type3A_233 = arith.extui %lt3A_232 : i1 to i32
      %cond3A_234 = arith.constant 0 : i32
      %cond3A_235 = arith.cmpi ne, %convert_element_type3A_233, %cond3A_234 : i32
      scf.if %cond3A_235 {
        %mul3A_236 = arith.constant 2 : i32
        %mul3A_237 = arith.muli %mul3A_236, %scan3A_141 : i32
        %add3A_238 = arith.constant 3 : i32
        %add3A_239 = arith.addi %mul3A_237, %add3A_238 : i32
        %mul3A_240 = arith.constant 80 : i32
        %mul3A_241 = arith.muli %add3A_239, %mul3A_240 : i32
        %add3A_242 = arith.addi %mul3A_4, %mul3A_241 : i32
        %multiple_of3A_243 = tpu.assume_multiple %add3A_242, 8 : i32
        %dma_wait3A_244 = tpu.memref_slice %arg2[%multiple_of3A_243] : memref<320000xi32, #tpu.memory_space<hbm>> -> memref<80xi32, #tpu.memory_space<hbm>>
        %dma_wait3A_245 = tpu.memref_slice %arg2[%multiple_of3A_243] : memref<320000xi32, #tpu.memory_space<hbm>> -> memref<80xi32, #tpu.memory_space<hbm>>
        tpu.wait_dma2 semaphore(%arg22 : memref<!tpu.dma_semaphore, #tpu.memory_space<semaphore_mem>>) src(%dma_wait3A_245 : memref<80xi32, #tpu.memory_space<hbm>>) dst(%arg18 : memref<80xi32, #tpu.memory_space<vmem>>)
        %dma_start3A_246 = arith.constant 0 : i32
        %dma_start3A_247 = tpu.memref_slice %arg10[%add3A_239, %dma_start3A_246] : memref<125x80xi32, #tpu.memory_space<vmem>> -> memref<1x80xi32, #tpu.memory_space<vmem>>
        %dma_start3A_248 = tpu.memref_squeeze %dma_start3A_247 : memref<1x80xi32, #tpu.memory_space<vmem>> -> memref<80xi32, #tpu.memory_space<vmem>>
        %dma_start3A_249 = arith.constant 0 : i32
        %dma_start3A_250 = arith.constant 0 : i32
        %dma_start3A_251 = tpu.memref_slice %arg5[%dma_start3A_249, %dma_start3A_250] : memref<10000x16xf32, #tpu.memory_space<hbm>> -> memref<10000x16xf32, #tpu.memory_space<hbm>>
        tpu.enqueue_indirect_dma source(%dma_start3A_251 : memref<10000x16xf32, #tpu.memory_space<hbm>>) target(%arg19 : memref<80x16xf32, #tpu.memory_space<vmem>>) offsets(%dma_start3A_248 : memref<80xi32, #tpu.memory_space<vmem>>) semaphore(%arg23 : memref<!tpu.dma_semaphore, #tpu.memory_space<semaphore_mem>>)
        %dma_start3A_252 = arith.constant 0 : i32
        %dma_start3A_253 = arith.constant 0 : i32
        %dma_start3A_254 = tpu.memref_slice %arg4[%dma_start3A_252, %dma_start3A_253] : memref<10000x32xf32, #tpu.memory_space<hbm>> -> memref<10000x32xf32, #tpu.memory_space<hbm>>
        tpu.enqueue_indirect_dma source(%dma_start3A_254 : memref<10000x32xf32, #tpu.memory_space<hbm>>) target(%arg20 : memref<80x32xf32, #tpu.memory_space<vmem>>) offsets(%arg18 : memref<80xi32, #tpu.memory_space<vmem>>) semaphore(%arg23 : memref<!tpu.dma_semaphore, #tpu.memory_space<semaphore_mem>>)
      } else {
      }
    }
    %scan3A_94 = arith.constant 62 : i32
    %dma_wait3A_95 = arith.constant 124 : i32
    %dma_wait3A_96 = arith.constant 0 : i32
    %dma_wait3A_97 = tpu.memref_slice %arg10[%dma_wait3A_95, %dma_wait3A_96] : memref<125x80xi32, #tpu.memory_space<vmem>> -> memref<1x80xi32, #tpu.memory_space<vmem>>
    %dma_wait3A_98 = tpu.memref_squeeze %dma_wait3A_97 : memref<1x80xi32, #tpu.memory_space<vmem>> -> memref<80xi32, #tpu.memory_space<vmem>>
    %dma_wait3A_99 = arith.constant 0 : i32
    %dma_wait3A_100 = arith.constant 0 : i32
    %dma_wait3A_101 = tpu.memref_slice %arg5[%dma_wait3A_99, %dma_wait3A_100] : memref<10000x16xf32, #tpu.memory_space<hbm>> -> memref<10000x16xf32, #tpu.memory_space<hbm>>
    tpu.wait_indirect_dma semaphore(%arg16 : memref<!tpu.dma_semaphore, #tpu.memory_space<semaphore_mem>>) src(%dma_wait3A_101 : memref<10000x16xf32, #tpu.memory_space<hbm>>) dst(%arg12 : memref<80x16xf32, #tpu.memory_space<vmem>>)
    %dma_wait3A_102 = arith.constant 0 : i32
    %dma_wait3A_103 = arith.constant 0 : i32
    %dma_wait3A_104 = tpu.memref_slice %arg4[%dma_wait3A_102, %dma_wait3A_103] : memref<10000x32xf32, #tpu.memory_space<hbm>> -> memref<10000x32xf32, #tpu.memory_space<hbm>>
    tpu.wait_indirect_dma semaphore(%arg16 : memref<!tpu.dma_semaphore, #tpu.memory_space<semaphore_mem>>) src(%dma_wait3A_104 : memref<10000x32xf32, #tpu.memory_space<hbm>>) dst(%arg13 : memref<80x32xf32, #tpu.memory_space<vmem>>)
    %dma_wait3A_105 = arith.constant 122 : i32
    %dma_wait3A_106 = arith.constant 0 : i32
    %dma_wait3A_107 = tpu.memref_slice %arg10[%dma_wait3A_105, %dma_wait3A_106] : memref<125x80xi32, #tpu.memory_space<vmem>> -> memref<1x80xi32, #tpu.memory_space<vmem>>
    %dma_wait3A_108 = tpu.memref_squeeze %dma_wait3A_107 : memref<1x80xi32, #tpu.memory_space<vmem>> -> memref<80xi32, #tpu.memory_space<vmem>>
    %dma_wait3A_109 = arith.constant 0 : i32
    %dma_wait3A_110 = arith.constant 0 : i32
    %dma_wait3A_111 = tpu.memref_slice %arg8[%dma_wait3A_109, %dma_wait3A_110] : memref<10000x32xf32, #tpu.memory_space<vmem_shared>> -> memref<10000x32xf32, #tpu.memory_space<vmem_shared>>
    tpu.wait_indirect_dma semaphore(%arg17 : memref<!tpu.dma_semaphore, #tpu.memory_space<semaphore_mem>>) src(%arg14 : memref<80x32xf32, #tpu.memory_space<vmem>>) dst(%dma_wait3A_111 : memref<10000x32xf32, #tpu.memory_space<vmem_shared>>)
    %parallel_loop3A = arith.constant 0 : i32
    %parallel_loop3A_112 = arith.constant 80 : i32
    %parallel_loop3A_113 = arith.constant 1 : i32
    scf.for %parallel_loop3A_141 = %parallel_loop3A to %parallel_loop3A_112 step %parallel_loop3A_113  : i32 {
      %parallel_loop3A_142 = arith.index_cast %parallel_loop3A_141 : i32 to index
      %parallel_loop3A_143 = arith.constant 16 : index
      %parallel_loop3A_144 = tpu.vector_load %arg13[%parallel_loop3A_142, %parallel_loop3A_143] {strides = array<i32>} : memref<80x32xf32, #tpu.memory_space<vmem>>, vector<1x16xf32>,
      %parallel_loop3A_145 = vector.shape_cast %parallel_loop3A_144 : vector<1x16xf32> to vector<16xf32>
      %parallel_loop3A_146 = arith.index_cast %parallel_loop3A_141 : i32 to index
      %parallel_loop3A_147 = arith.constant 0 : index
      %parallel_loop3A_148 = tpu.vector_load %arg12[%parallel_loop3A_146, %parallel_loop3A_147] {strides = array<i32>} : memref<80x16xf32, #tpu.memory_space<vmem>>, vector<1x16xf32>,
      %parallel_loop3A_149 = vector.shape_cast %parallel_loop3A_148 : vector<1x16xf32> to vector<16xf32>
      %parallel_loop3A_150 = arith.addf %parallel_loop3A_145, %parallel_loop3A_149 : vector<16xf32>
      %parallel_loop3A_151 = arith.constant 0.000000e+00 : f32
      %parallel_loop3A_152 = vector.broadcast %parallel_loop3A_151 : f32 to vector<16xf32>
      %parallel_loop3A_153 = arith.cmpf ogt, %parallel_loop3A_150, %parallel_loop3A_152 : vector<16xf32>
      %parallel_loop3A_154 = arith.constant 2.000000e-01 : f32
      %parallel_loop3A_155 = vector.broadcast %parallel_loop3A_154 : f32 to vector<16xf32>
      %parallel_loop3A_156 = arith.mulf %parallel_loop3A_155, %parallel_loop3A_150 : vector<16xf32>
      %parallel_loop3A_157 = arith.select %parallel_loop3A_153, %parallel_loop3A_150, %parallel_loop3A_156 : vector<16xi1>, vector<16xf32>
      %parallel_loop3A_158 = arith.subf %parallel_loop3A_157, %select_n3A_51 : vector<16xf32>
      %parallel_loop3A_159 = math.exp %parallel_loop3A_158 : vector<16xf32>
      %parallel_loop3A_160 = arith.constant 0.000000e+00 : f32
      %parallel_loop3A_161 = vector.broadcast %parallel_loop3A_160 : f32 to vector<16xf32>
      %parallel_loop3A_162 = arith.select %lt3A_32, %parallel_loop3A_159, %parallel_loop3A_161 : vector<16xi1>, vector<16xf32>
      %parallel_loop3A_163 = arith.index_cast %parallel_loop3A_141 : i32 to index
      %parallel_loop3A_164 = arith.constant 16 : index
      %parallel_loop3A_165 = tpu.vector_load %arg14[%parallel_loop3A_163, %parallel_loop3A_164] {strides = array<i32>} : memref<80x32xf32, #tpu.memory_space<vmem>>, vector<1x16xf32>,
      %parallel_loop3A_166 = vector.shape_cast %parallel_loop3A_165 : vector<1x16xf32> to vector<16xf32>
      %parallel_loop3A_167 = vector.shape_cast %parallel_loop3A_162 : vector<16xf32> to vector<1x16xf32>
      tpu.vector_store %arg14[%parallel_loop3A_163, %parallel_loop3A_164], %parallel_loop3A_167 {strides = array<i32>} : memref<80x32xf32, #tpu.memory_space<vmem>>, vector<1x16xf32>,
      %parallel_loop3A_168 = arith.index_cast %parallel_loop3A_141 : i32 to index
      %parallel_loop3A_169 = arith.constant 0 : index
      %parallel_loop3A_170 = tpu.vector_load %arg13[%parallel_loop3A_168, %parallel_loop3A_169] {strides = array<i32>} : memref<80x32xf32, #tpu.memory_space<vmem>>, vector<1x16xf32>,
      %parallel_loop3A_171 = vector.shape_cast %parallel_loop3A_170 : vector<1x16xf32> to vector<16xf32>
      %parallel_loop3A_172 = arith.constant 0 : i32
      %parallel_loop3A_173 = vector.broadcast %parallel_loop3A_172 : i32 to vector<16x1xi32>
      %parallel_loop3A_174 = vector.shape_cast %parallel_loop3A_173 : vector<16x1xi32> to vector<16xi32>
      %parallel_loop3A_175 = tpu.dynamic_gather %parallel_loop3A_162[%parallel_loop3A_174] in [0] : vector<16xf32>, vector<16xi32> -> vector<16xf32>
      %parallel_loop3A_176 = arith.mulf %parallel_loop3A_171, %parallel_loop3A_175 : vector<16xf32>
      %parallel_loop3A_177 = arith.index_cast %parallel_loop3A_141 : i32 to index
      %parallel_loop3A_178 = arith.constant 0 : index
      %parallel_loop3A_179 = tpu.vector_load %arg14[%parallel_loop3A_177, %parallel_loop3A_178] {strides = array<i32>} : memref<80x32xf32, #tpu.memory_space<vmem>>, vector<1x16xf32>,
      %parallel_loop3A_180 = vector.shape_cast %parallel_loop3A_179 : vector<1x16xf32> to vector<16xf32>
      %parallel_loop3A_181 = vector.shape_cast %parallel_loop3A_176 : vector<16xf32> to vector<1x16xf32>
      tpu.vector_store %arg14[%parallel_loop3A_177, %parallel_loop3A_178], %parallel_loop3A_181 {strides = array<i32>} : memref<80x32xf32, #tpu.memory_space<vmem>>, vector<1x16xf32>,
    } {sc.loop_unroll_factor = 4 : i64, sc.parallel_access}
    %dma_start3A_114 = arith.constant 124 : i32
    %dma_start3A_115 = arith.constant 0 : i32
    %dma_start3A_116 = tpu.memref_slice %arg10[%dma_start3A_114, %dma_start3A_115] : memref<125x80xi32, #tpu.memory_space<vmem>> -> memref<1x80xi32, #tpu.memory_space<vmem>>
    %dma_start3A_117 = tpu.memref_squeeze %dma_start3A_116 : memref<1x80xi32, #tpu.memory_space<vmem>> -> memref<80xi32, #tpu.memory_space<vmem>>
    %dma_start3A_118 = arith.constant 0 : i32
    %dma_start3A_119 = arith.constant 0 : i32
    %dma_start3A_120 = tpu.memref_slice %arg8[%dma_start3A_118, %dma_start3A_119] : memref<10000x32xf32, #tpu.memory_space<vmem_shared>> -> memref<10000x32xf32, #tpu.memory_space<vmem_shared>>
    tpu.enqueue_indirect_dma source(%arg14 : memref<80x32xf32, #tpu.memory_space<vmem>>) target(%dma_start3A_120 : memref<10000x32xf32, #tpu.memory_space<vmem_shared>>) offsets(%dma_start3A_117 : memref<80xi32, #tpu.memory_space<vmem>>) semaphore(%arg17 : memref<!tpu.dma_semaphore, #tpu.memory_space<semaphore_mem>>) {add = true}
    %dma_wait3A_121 = arith.constant 124 : i32
    %dma_wait3A_122 = arith.constant 0 : i32
    %dma_wait3A_123 = tpu.memref_slice %arg10[%dma_wait3A_121, %dma_wait3A_122] : memref<125x80xi32, #tpu.memory_space<vmem>> -> memref<1x80xi32, #tpu.memory_space<vmem>>
    %dma_wait3A_124 = tpu.memref_squeeze %dma_wait3A_123 : memref<1x80xi32, #tpu.memory_space<vmem>> -> memref<80xi32, #tpu.memory_space<vmem>>
    %dma_wait3A_125 = arith.constant 0 : i32
    %dma_wait3A_126 = arith.constant 0 : i32
    %dma_wait3A_127 = tpu.memref_slice %arg8[%dma_wait3A_125, %dma_wait3A_126] : memref<10000x32xf32, #tpu.memory_space<vmem_shared>> -> memref<10000x32xf32, #tpu.memory_space<vmem_shared>>
    tpu.wait_indirect_dma semaphore(%arg17 : memref<!tpu.dma_semaphore, #tpu.memory_space<semaphore_mem>>) src(%arg14 : memref<80x32xf32, #tpu.memory_space<vmem>>) dst(%dma_wait3A_127 : memref<10000x32xf32, #tpu.memory_space<vmem_shared>>)
    %dma_wait3A_128 = arith.constant 123 : i32
    %dma_wait3A_129 = arith.constant 0 : i32
    %dma_wait3A_130 = tpu.memref_slice %arg10[%dma_wait3A_128, %dma_wait3A_129] : memref<125x80xi32, #tpu.memory_space<vmem>> -> memref<1x80xi32, #tpu.memory_space<vmem>>
    %dma_wait3A_131 = tpu.memref_squeeze %dma_wait3A_130 : memref<1x80xi32, #tpu.memory_space<vmem>> -> memref<80xi32, #tpu.memory_space<vmem>>
    %dma_wait3A_132 = arith.constant 0 : i32
    %dma_wait3A_133 = arith.constant 0 : i32
    %dma_wait3A_134 = tpu.memref_slice %arg8[%dma_wait3A_132, %dma_wait3A_133] : memref<10000x32xf32, #tpu.memory_space<vmem_shared>> -> memref<10000x32xf32, #tpu.memory_space<vmem_shared>>
    tpu.wait_indirect_dma semaphore(%arg24 : memref<!tpu.dma_semaphore, #tpu.memory_space<semaphore_mem>>) src(%arg21 : memref<80x32xf32, #tpu.memory_space<vmem>>) dst(%dma_wait3A_134 : memref<10000x32xf32, #tpu.memory_space<vmem_shared>>)
    %barrier3A_135 = arith.constant 0 : index
    tpu.barrier barrier_id(%barrier3A_135)
    "tpu.region"() ({
      %run_scoped3A = tpu.sem_alloc : memref<!tpu.dma_semaphore, #tpu.memory_space<semaphore_mem>>
      %dma_start3A_141 = arith.constant 0 : i32
      %dma_start3A_142 = tpu.memref_slice %arg7[%arg0, %mul3A_2, %dma_start3A_141] : memref<2x10000x32xf32, #tpu.memory_space<hbm>> -> memref<1x624x32xf32, #tpu.memory_space<hbm>>
      %dma_start3A_143 = tpu.memref_squeeze %dma_start3A_142 : memref<1x624x32xf32, #tpu.memory_space<hbm>> -> memref<624x32xf32, #tpu.memory_space<hbm>>
      %dma_start3A_144 = arith.constant 0 : i32
      %dma_start3A_145 = tpu.memref_slice %arg8[%mul3A_2, %dma_start3A_144] : memref<10000x32xf32, #tpu.memory_space<vmem_shared>> -> memref<624x32xf32, #tpu.memory_space<vmem_shared>>
      tpu.enqueue_dma source(%dma_start3A_145 : memref<624x32xf32, #tpu.memory_space<vmem_shared>>) target(%dma_start3A_143 : memref<624x32xf32, #tpu.memory_space<hbm>>) target_semaphore(%run_scoped3A : memref<!tpu.dma_semaphore, #tpu.memory_space<semaphore_mem>>)
      %dma_wait3A_146 = arith.constant 0 : i32
      %dma_wait3A_147 = tpu.memref_slice %arg7[%arg0, %mul3A_2, %dma_wait3A_146] : memref<2x10000x32xf32, #tpu.memory_space<hbm>> -> memref<1x624x32xf32, #tpu.memory_space<hbm>>
      %dma_wait3A_148 = tpu.memref_squeeze %dma_wait3A_147 : memref<1x624x32xf32, #tpu.memory_space<hbm>> -> memref<624x32xf32, #tpu.memory_space<hbm>>
      %dma_wait3A_149 = arith.constant 0 : i32
      %dma_wait3A_150 = tpu.memref_slice %arg8[%mul3A_2, %dma_wait3A_149] : memref<10000x32xf32, #tpu.memory_space<vmem_shared>> -> memref<624x32xf32, #tpu.memory_space<vmem_shared>>
      tpu.wait_dma2 semaphore(%run_scoped3A : memref<!tpu.dma_semaphore, #tpu.memory_space<semaphore_mem>>) src(%dma_wait3A_150 : memref<624x32xf32, #tpu.memory_space<vmem_shared>>) dst(%dma_wait3A_148 : memref<624x32xf32, #tpu.memory_space<hbm>>)
      tpu.yield
    }) : () -> ()
    %eq3A_136 = arith.constant 15 : i32
    %eq3A_137 = arith.cmpi eq, %arg1, %eq3A_136 : i32
    %convert_element_type3A_138 = arith.extui %eq3A_137 : i1 to i32
    %cond3A_139 = arith.constant 0 : i32
    %cond3A_140 = arith.cmpi ne, %convert_element_type3A_138, %cond3A_139 : i32
    scf.if %cond3A_140 {
      "tpu.region"() ({
        %run_scoped3A = tpu.sem_alloc : memref<!tpu.dma_semaphore, #tpu.memory_space<semaphore_mem>>
        %dma_start3A_141 = arith.constant 9984 : i32
        %dma_start3A_142 = arith.constant 0 : i32
        %dma_start3A_143 = tpu.memref_slice %arg7[%arg0, %dma_start3A_141, %dma_start3A_142] : memref<2x10000x32xf32, #tpu.memory_space<hbm>> -> memref<1x16x32xf32, #tpu.memory_space<hbm>>
        %dma_start3A_144 = tpu.memref_squeeze %dma_start3A_143 : memref<1x16x32xf32, #tpu.memory_space<hbm>> -> memref<16x32xf32, #tpu.memory_space<hbm>>
        %dma_start3A_145 = arith.constant 9984 : i32
        %dma_start3A_146 = arith.constant 0 : i32
        %dma_start3A_147 = tpu.memref_slice %arg8[%dma_start3A_145, %dma_start3A_146] : memref<10000x32xf32, #tpu.memory_space<vmem_shared>> -> memref<16x32xf32, #tpu.memory_space<vmem_shared>>
        tpu.enqueue_dma source(%dma_start3A_147 : memref<16x32xf32, #tpu.memory_space<vmem_shared>>) target(%dma_start3A_144 : memref<16x32xf32, #tpu.memory_space<hbm>>) target_semaphore(%run_scoped3A : memref<!tpu.dma_semaphore, #tpu.memory_space<semaphore_mem>>)
        %dma_wait3A_148 = arith.constant 9984 : i32
        %dma_wait3A_149 = arith.constant 0 : i32
        %dma_wait3A_150 = tpu.memref_slice %arg7[%arg0, %dma_wait3A_148, %dma_wait3A_149] : memref<2x10000x32xf32, #tpu.memory_space<hbm>> -> memref<1x16x32xf32, #tpu.memory_space<hbm>>
        %dma_wait3A_151 = tpu.memref_squeeze %dma_wait3A_150 : memref<1x16x32xf32, #tpu.memory_space<hbm>> -> memref<16x32xf32, #tpu.memory_space<hbm>>
        %dma_wait3A_152 = arith.constant 9984 : i32
        %dma_wait3A_153 = arith.constant 0 : i32
        %dma_wait3A_154 = tpu.memref_slice %arg8[%dma_wait3A_152, %dma_wait3A_153] : memref<10000x32xf32, #tpu.memory_space<vmem_shared>> -> memref<16x32xf32, #tpu.memory_space<vmem_shared>>
        tpu.wait_dma2 semaphore(%run_scoped3A : memref<!tpu.dma_semaphore, #tpu.memory_space<semaphore_mem>>) src(%dma_wait3A_154 : memref<16x32xf32, #tpu.memory_space<vmem_shared>>) dst(%dma_wait3A_151 : memref<16x32xf32, #tpu.memory_space<hbm>>)
        tpu.yield
      }) : () -> ()
    } else {
    }
    return
  }
}

module attributes {stable_mosaic.version = 14 : i64} {
  func.func @_tc1_body(%arg0: i32, %arg1: memref<1000x128xf32, #tpu.memory_space<vmem>>, %arg2: memref<128x128xf32, #tpu.memory_space<vmem>>, %arg3: memref<128x16xf32, #tpu.memory_space<vmem>>, %arg4: memref<128x16xf32, #tpu.memory_space<vmem>>, %arg5: memref<1000x144xf32, #tpu.memory_space<vmem>>, %arg6: memref<1000x16xf32, #tpu.memory_space<vmem>>, %arg7: memref<1x16xf32, #tpu.memory_space<vmem>>) attributes {dimension_semantics = [#tpu.dimension_semantics<arbitrary>], iteration_bounds = array<i64: 10>, scalar_prefetch = 0 : i64, scratch_operands = 0 : i64, tpu.core_type = #tpu.core_type<tc>, window_params = [{transform_indices = @transform_0, window_bounds = array<i64: 1000, 128>}, {pipeline_mode = #tpu.pipeline_mode<synchronous>, transform_indices = @transform_1, window_bounds = array<i64: 128, 128>}, {pipeline_mode = #tpu.pipeline_mode<synchronous>, transform_indices = @transform_2, window_bounds = array<i64: 128, 16>}, {pipeline_mode = #tpu.pipeline_mode<synchronous>, transform_indices = @transform_3, window_bounds = array<i64: 128, 16>}, {transform_indices = @transform_4, window_bounds = array<i64: 1000, 144>}, {transform_indices = @transform_5, window_bounds = array<i64: 1000, 16>}, {pipeline_mode = #tpu.pipeline_mode<synchronous>, transform_indices = @transform_6, window_bounds = array<i64: 1, 16>}]} {
    %get3A = arith.constant 0 : index
    %get3A_0 = arith.constant 0 : index
    %get3A_1 = vector.load %arg1[%get3A, %get3A_0] : memref<1000x128xf32, #tpu.memory_space<vmem>>, vector<1000x128xf32>
    %get3A_2 = arith.constant 0 : index
    %get3A_3 = arith.constant 0 : index
    %get3A_4 = vector.load %arg2[%get3A_2, %get3A_3] : memref<128x128xf32, #tpu.memory_space<vmem>>, vector<128x128xf32>
    %dot_general3A = arith.constant dense<0.000000e+00> : vector<1000x128xf32>
    %dot_general3A_5 = tpu.matmul %get3A_1, %get3A_4, %dot_general3A {dimension_numbers = #tpu.dot_dimension_numbers<[1], [0], [0], [1], [0, 0, 1, 1], [], []>, transpose_lhs_hint = false} : vector<1000x128xf32>, vector<128x128xf32>, vector<1000x128xf32> -> vector<1000x128xf32>
    %get3A_6 = arith.constant 0 : index
    %get3A_7 = arith.constant 0 : index
    %get3A_8 = vector.load %arg3[%get3A_6, %get3A_7] : memref<128x16xf32, #tpu.memory_space<vmem>>, vector<128x16xf32>
    %dot_general3A_9 = arith.constant dense<0.000000e+00> : vector<1000x16xf32>
    %dot_general3A_10 = tpu.matmul %dot_general3A_5, %get3A_8, %dot_general3A_9 {dimension_numbers = #tpu.dot_dimension_numbers<[1], [0], [0], [1], [0, 0, 1, 1], [], []>, transpose_lhs_hint = false} : vector<1000x128xf32>, vector<128x16xf32>, vector<1000x16xf32> -> vector<1000x16xf32>
    %concatenate3A = tpu.concatenate %dot_general3A_5, %dot_general3A_10 in 1 : vector<1000x128xf32>, vector<1000x16xf32> -> vector<1000x144xf32>
    %swap3A = arith.constant 0 : index
    %swap3A_11 = arith.constant 0 : index
    %swap3A_12 = vector.load %arg5[%swap3A, %swap3A_11] : memref<1000x144xf32, #tpu.memory_space<vmem>>, vector<1000x144xf32>
    tpu.vector_store %arg5[%swap3A, %swap3A_11], %concatenate3A {strides = array<i32>} : memref<1000x144xf32, #tpu.memory_space<vmem>>, vector<1000x144xf32>,
    %get3A_13 = arith.constant 0 : index
    %get3A_14 = arith.constant 0 : index
    %get3A_15 = vector.load %arg4[%get3A_13, %get3A_14] : memref<128x16xf32, #tpu.memory_space<vmem>>, vector<128x16xf32>
    %dot_general3A_16 = arith.constant dense<0.000000e+00> : vector<1000x16xf32>
    %dot_general3A_17 = tpu.matmul %dot_general3A_5, %get3A_15, %dot_general3A_16 {dimension_numbers = #tpu.dot_dimension_numbers<[1], [0], [0], [1], [0, 0, 1, 1], [], []>, transpose_lhs_hint = false} : vector<1000x128xf32>, vector<128x16xf32>, vector<1000x16xf32> -> vector<1000x16xf32>
    %swap3A_18 = arith.constant 0 : index
    %swap3A_19 = arith.constant 0 : index
    %swap3A_20 = vector.load %arg6[%swap3A_18, %swap3A_19] : memref<1000x16xf32, #tpu.memory_space<vmem>>, vector<1000x16xf32>
    tpu.vector_store %arg6[%swap3A_18, %swap3A_19], %dot_general3A_17 {strides = array<i32>} : memref<1000x16xf32, #tpu.memory_space<vmem>>, vector<1000x16xf32>,
    %eq3A = arith.constant 0 : i32
    %eq3A_21 = arith.cmpi eq, %arg0, %eq3A : i32
    %convert_element_type3A = arith.extui %eq3A_21 : i1 to i32
    %cond3A = arith.constant 0 : i32
    %cond3A_22 = arith.cmpi ne, %convert_element_type3A, %cond3A : i32
    scf.if %cond3A_22 {
      %broadcast_in_dim3A_30 = arith.constant -1.000000e+30 : f32
      %broadcast_in_dim3A_31 = vector.broadcast %broadcast_in_dim3A_30 : f32 to vector<1x16xf32>
      %swap3A_32 = arith.constant 0 : index
      %swap3A_33 = arith.constant 0 : index
      %swap3A_34 = vector.load %arg7[%swap3A_32, %swap3A_33] : memref<1x16xf32, #tpu.memory_space<vmem>>, vector<1x16xf32>
      tpu.vector_store %arg7[%swap3A_32, %swap3A_33], %broadcast_in_dim3A_31 {strides = array<i32>} : memref<1x16xf32, #tpu.memory_space<vmem>>, vector<1x16xf32>,
    } else {
    }
    %get3A_23 = arith.constant 0 : index
    %get3A_24 = arith.constant 0 : index
    %get3A_25 = vector.load %arg7[%get3A_23, %get3A_24] : memref<1x16xf32, #tpu.memory_space<vmem>>, vector<1x16xf32>
    %reduce_max3A = arith.constant dense<0xFF800000> : vector<16xf32>
    %reduce_max3A_26 = vector.multi_reduction <maximumf>, %dot_general3A_10, %reduce_max3A [0] : vector<1000x16xf32> to vector<16xf32>
    %broadcast_in_dim3A = vector.shape_cast %reduce_max3A_26 : vector<16xf32> to vector<1x16xf32>
    %max3A = arith.maximumf %get3A_25, %broadcast_in_dim3A : vector<1x16xf32>
    %swap3A_27 = arith.constant 0 : index
    %swap3A_28 = arith.constant 0 : index
    %swap3A_29 = vector.load %arg7[%swap3A_27, %swap3A_28] : memref<1x16xf32, #tpu.memory_space<vmem>>, vector<1x16xf32>
    tpu.vector_store %arg7[%swap3A_27, %swap3A_28], %max3A {strides = array<i32>} : memref<1x16xf32, #tpu.memory_space<vmem>>, vector<1x16xf32>,
    return
  }
  func.func @transform_0(%arg0: i32) -> (i32, i32) {
    %c0_i32 = arith.constant 0 : i32
    %c0_i32_0 = arith.constant 0 : i32
    return %arg0, %c0_i32 : i32, i32
  }
  func.func @transform_1(%arg0: i32) -> (i32, i32) {
    %c0_i32 = arith.constant 0 : i32
    %c0_i32_0 = arith.constant 0 : i32
    %c0_i32_1 = arith.constant 0 : i32
    return %c0_i32, %c0_i32_0 : i32, i32
  }
  func.func @transform_2(%arg0: i32) -> (i32, i32) {
    %c0_i32 = arith.constant 0 : i32
    %c0_i32_0 = arith.constant 0 : i32
    %c0_i32_1 = arith.constant 0 : i32
    return %c0_i32, %c0_i32_0 : i32, i32
  }
  func.func @transform_3(%arg0: i32) -> (i32, i32) {
    %c0_i32 = arith.constant 0 : i32
    %c0_i32_0 = arith.constant 0 : i32
    %c0_i32_1 = arith.constant 0 : i32
    return %c0_i32, %c0_i32_0 : i32, i32
  }
  func.func @transform_4(%arg0: i32) -> (i32, i32) {
    %c0_i32 = arith.constant 0 : i32
    %c0_i32_0 = arith.constant 0 : i32
    return %arg0, %c0_i32 : i32, i32
  }
  func.func @transform_5(%arg0: i32) -> (i32, i32) {
    %c0_i32 = arith.constant 0 : i32
    %c0_i32_0 = arith.constant 0 : i32
    return %arg0, %c0_i32 : i32, i32
  }
  func.func @transform_6(%arg0: i32) -> (i32, i32) {
    %c0_i32 = arith.constant 0 : i32
    %c0_i32_0 = arith.constant 0 : i32
    %c0_i32_1 = arith.constant 0 : i32
    return %c0_i32, %c0_i32_0 : i32, i32
  }
}

module attributes {stable_mosaic.version = 14 : i64} {
  func.func @_tc2_body(%arg0: i32, %arg1: memref<2x1000x144xf32, #tpu.memory_space<vmem>>, %arg2: memref<128x16xf32, #tpu.memory_space<vmem>>, %arg3: memref<16x128xf32, #tpu.memory_space<vmem>>, %arg4: memref<1x128xf32, #tpu.memory_space<vmem>>, %arg5: memref<16x16xf32, #tpu.memory_space<vmem>>, %arg6: memref<16x16xf32, #tpu.memory_space<vmem>>, %arg7: memref<1000x32xf32, #tpu.memory_space<vmem>>, %arg8: memref<1000x16xf32, #tpu.memory_space<vmem>>, %arg9: memref<1x16xf32, #tpu.memory_space<vmem>>) attributes {dimension_semantics = [#tpu.dimension_semantics<arbitrary>], iteration_bounds = array<i64: 10>, scalar_prefetch = 0 : i64, scratch_operands = 0 : i64, tpu.core_type = #tpu.core_type<tc>, window_params = [{transform_indices = @transform_0, window_bounds = array<i64: 2, 1000, 144>}, {pipeline_mode = #tpu.pipeline_mode<synchronous>, transform_indices = @transform_1, window_bounds = array<i64: 128, 16>}, {pipeline_mode = #tpu.pipeline_mode<synchronous>, transform_indices = @transform_2, window_bounds = array<i64: 16, 128>}, {pipeline_mode = #tpu.pipeline_mode<synchronous>, transform_indices = @transform_3, window_bounds = array<i64: 1, 128>}, {pipeline_mode = #tpu.pipeline_mode<synchronous>, transform_indices = @transform_4, window_bounds = array<i64: 16, 16>}, {pipeline_mode = #tpu.pipeline_mode<synchronous>, transform_indices = @transform_5, window_bounds = array<i64: 16, 16>}, {transform_indices = @transform_6, window_bounds = array<i64: 1000, 32>}, {transform_indices = @transform_7, window_bounds = array<i64: 1000, 16>}, {pipeline_mode = #tpu.pipeline_mode<synchronous>, transform_indices = @transform_8, window_bounds = array<i64: 1, 16>}]} {
    %get3A = arith.constant 0 : index
    %get3A_0 = arith.constant 0 : index
    %get3A_1 = arith.constant 0 : index
    %get3A_2 = vector.load %arg1[%get3A, %get3A_0, %get3A_1] : memref<2x1000x144xf32, #tpu.memory_space<vmem>>, vector<1x1000x144xf32>
    %get3A_3 = vector.shape_cast %get3A_2 : vector<1x1000x144xf32> to vector<1000x144xf32>
    %get3A_4 = arith.constant 1 : index
    %get3A_5 = arith.constant 0 : index
    %get3A_6 = arith.constant 0 : index
    %get3A_7 = vector.load %arg1[%get3A_4, %get3A_5, %get3A_6] : memref<2x1000x144xf32, #tpu.memory_space<vmem>>, vector<1x1000x144xf32>
    %get3A_8 = vector.shape_cast %get3A_7 : vector<1x1000x144xf32> to vector<1000x144xf32>
    %add3A = arith.addf %get3A_3, %get3A_8 : vector<1000x144xf32>
    %slice3A = vector.extract_strided_slice %add3A {offsets = [0, 0], sizes = [1000, 128], strides = [1, 1]} : vector<1000x144xf32> to vector<1000x128xf32>
    %slice3A_9 = vector.extract_strided_slice %add3A {offsets = [0, 128], sizes = [1000, 16], strides = [1, 1]} : vector<1000x144xf32> to vector<1000x16xf32>
    %get3A_10 = arith.constant 0 : index
    %get3A_11 = arith.constant 0 : index
    %get3A_12 = vector.load %arg3[%get3A_10, %get3A_11] : memref<16x128xf32, #tpu.memory_space<vmem>>, vector<16x128xf32>
    %dot_general3A = arith.constant dense<0.000000e+00> : vector<1000x128xf32>
    %dot_general3A_13 = tpu.matmul %slice3A_9, %get3A_12, %dot_general3A {dimension_numbers = #tpu.dot_dimension_numbers<[1], [0], [0], [1], [0, 0, 1, 1], [], []>, transpose_lhs_hint = false} : vector<1000x16xf32>, vector<16x128xf32>, vector<1000x128xf32> -> vector<1000x128xf32>
    %add3A_14 = arith.constant 9.99999971E-10 : f32
    %add3A_15 = vector.broadcast %add3A_14 : f32 to vector<1000x128xf32>
    %add3A_16 = arith.addf %dot_general3A_13, %add3A_15 : vector<1000x128xf32>
    %div3A = arith.divf %slice3A, %add3A_16 : vector<1000x128xf32>
    %get3A_17 = arith.constant 0 : index
    %get3A_18 = arith.constant 0 : index
    %get3A_19 = vector.load %arg4[%get3A_17, %get3A_18] : memref<1x128xf32, #tpu.memory_space<vmem>>, vector<1x128xf32>
    %add3A_20 = vector.broadcast %get3A_19 : vector<1x128xf32> to vector<1000x128xf32>
    %add3A_21 = arith.addf %div3A, %add3A_20 : vector<1000x128xf32>
    %max3A = arith.constant 0.000000e+00 : f32
    %max3A_22 = vector.broadcast %max3A : f32 to vector<1000x128xf32>
    %max3A_23 = arith.maximumf %add3A_21, %max3A_22 : vector<1000x128xf32>
    %get3A_24 = arith.constant 0 : index
    %get3A_25 = arith.constant 0 : index
    %get3A_26 = vector.load %arg2[%get3A_24, %get3A_25] : memref<128x16xf32, #tpu.memory_space<vmem>>, vector<128x16xf32>
    %dot_general3A_27 = arith.constant dense<0.000000e+00> : vector<1000x16xf32>
    %dot_general3A_28 = tpu.matmul %max3A_23, %get3A_26, %dot_general3A_27 {dimension_numbers = #tpu.dot_dimension_numbers<[1], [0], [0], [1], [0, 0, 1, 1], [], []>, transpose_lhs_hint = false} : vector<1000x128xf32>, vector<128x16xf32>, vector<1000x16xf32> -> vector<1000x16xf32>
    %get3A_29 = arith.constant 0 : index
    %get3A_30 = arith.constant 0 : index
    %get3A_31 = vector.load %arg5[%get3A_29, %get3A_30] : memref<16x16xf32, #tpu.memory_space<vmem>>, vector<16x16xf32>
    %dot_general3A_32 = arith.constant dense<0.000000e+00> : vector<1000x16xf32>
    %dot_general3A_33 = tpu.matmul %dot_general3A_28, %get3A_31, %dot_general3A_32 {dimension_numbers = #tpu.dot_dimension_numbers<[1], [0], [0], [1], [0, 0, 1, 1], [], []>, transpose_lhs_hint = false} : vector<1000x16xf32>, vector<16x16xf32>, vector<1000x16xf32> -> vector<1000x16xf32>
    %concatenate3A = tpu.concatenate %dot_general3A_28, %dot_general3A_33 in 1 : vector<1000x16xf32>, vector<1000x16xf32> -> vector<1000x32xf32>
    %swap3A = arith.constant 0 : index
    %swap3A_34 = arith.constant 0 : index
    %swap3A_35 = vector.load %arg7[%swap3A, %swap3A_34] : memref<1000x32xf32, #tpu.memory_space<vmem>>, vector<1000x32xf32>
    tpu.vector_store %arg7[%swap3A, %swap3A_34], %concatenate3A {strides = array<i32>} : memref<1000x32xf32, #tpu.memory_space<vmem>>, vector<1000x32xf32>,
    %get3A_36 = arith.constant 0 : index
    %get3A_37 = arith.constant 0 : index
    %get3A_38 = vector.load %arg6[%get3A_36, %get3A_37] : memref<16x16xf32, #tpu.memory_space<vmem>>, vector<16x16xf32>
    %dot_general3A_39 = arith.constant dense<0.000000e+00> : vector<1000x16xf32>
    %dot_general3A_40 = tpu.matmul %dot_general3A_28, %get3A_38, %dot_general3A_39 {dimension_numbers = #tpu.dot_dimension_numbers<[1], [0], [0], [1], [0, 0, 1, 1], [], []>, transpose_lhs_hint = false} : vector<1000x16xf32>, vector<16x16xf32>, vector<1000x16xf32> -> vector<1000x16xf32>
    %swap3A_41 = arith.constant 0 : index
    %swap3A_42 = arith.constant 0 : index
    %swap3A_43 = vector.load %arg8[%swap3A_41, %swap3A_42] : memref<1000x16xf32, #tpu.memory_space<vmem>>, vector<1000x16xf32>
    tpu.vector_store %arg8[%swap3A_41, %swap3A_42], %dot_general3A_40 {strides = array<i32>} : memref<1000x16xf32, #tpu.memory_space<vmem>>, vector<1000x16xf32>,
    %eq3A = arith.constant 0 : i32
    %eq3A_44 = arith.cmpi eq, %arg0, %eq3A : i32
    %convert_element_type3A = arith.extui %eq3A_44 : i1 to i32
    %cond3A = arith.constant 0 : i32
    %cond3A_45 = arith.cmpi ne, %convert_element_type3A, %cond3A : i32
    scf.if %cond3A_45 {
      %broadcast_in_dim3A_54 = arith.constant -1.000000e+30 : f32
      %broadcast_in_dim3A_55 = vector.broadcast %broadcast_in_dim3A_54 : f32 to vector<1x16xf32>
      %swap3A_56 = arith.constant 0 : index
      %swap3A_57 = arith.constant 0 : index
      %swap3A_58 = vector.load %arg9[%swap3A_56, %swap3A_57] : memref<1x16xf32, #tpu.memory_space<vmem>>, vector<1x16xf32>
      tpu.vector_store %arg9[%swap3A_56, %swap3A_57], %broadcast_in_dim3A_55 {strides = array<i32>} : memref<1x16xf32, #tpu.memory_space<vmem>>, vector<1x16xf32>,
    } else {
    }
    %get3A_46 = arith.constant 0 : index
    %get3A_47 = arith.constant 0 : index
    %get3A_48 = vector.load %arg9[%get3A_46, %get3A_47] : memref<1x16xf32, #tpu.memory_space<vmem>>, vector<1x16xf32>
    %reduce_max3A = arith.constant dense<0xFF800000> : vector<16xf32>
    %reduce_max3A_49 = vector.multi_reduction <maximumf>, %dot_general3A_33, %reduce_max3A [0] : vector<1000x16xf32> to vector<16xf32>
    %broadcast_in_dim3A = vector.shape_cast %reduce_max3A_49 : vector<16xf32> to vector<1x16xf32>
    %max3A_50 = arith.maximumf %get3A_48, %broadcast_in_dim3A : vector<1x16xf32>
    %swap3A_51 = arith.constant 0 : index
    %swap3A_52 = arith.constant 0 : index
    %swap3A_53 = vector.load %arg9[%swap3A_51, %swap3A_52] : memref<1x16xf32, #tpu.memory_space<vmem>>, vector<1x16xf32>
    tpu.vector_store %arg9[%swap3A_51, %swap3A_52], %max3A_50 {strides = array<i32>} : memref<1x16xf32, #tpu.memory_space<vmem>>, vector<1x16xf32>,
    return
  }
  func.func @transform_0(%arg0: i32) -> (i32, i32, i32) {
    %c0_i32 = arith.constant 0 : i32
    %c0_i32_0 = arith.constant 0 : i32
    %c0_i32_1 = arith.constant 0 : i32
    return %c0_i32, %arg0, %c0_i32_0 : i32, i32, i32
  }
  func.func @transform_1(%arg0: i32) -> (i32, i32) {
    %c0_i32 = arith.constant 0 : i32
    %c0_i32_0 = arith.constant 0 : i32
    %c0_i32_1 = arith.constant 0 : i32
    return %c0_i32, %c0_i32_0 : i32, i32
  }
  func.func @transform_2(%arg0: i32) -> (i32, i32) {
    %c0_i32 = arith.constant 0 : i32
    %c0_i32_0 = arith.constant 0 : i32
    %c0_i32_1 = arith.constant 0 : i32
    return %c0_i32, %c0_i32_0 : i32, i32
  }
  func.func @transform_3(%arg0: i32) -> (i32, i32) {
    %c0_i32 = arith.constant 0 : i32
    %c0_i32_0 = arith.constant 0 : i32
    %c0_i32_1 = arith.constant 0 : i32
    return %c0_i32, %c0_i32_0 : i32, i32
  }
  func.func @transform_4(%arg0: i32) -> (i32, i32) {
    %c0_i32 = arith.constant 0 : i32
    %c0_i32_0 = arith.constant 0 : i32
    %c0_i32_1 = arith.constant 0 : i32
    return %c0_i32, %c0_i32_0 : i32, i32
  }
  func.func @transform_5(%arg0: i32) -> (i32, i32) {
    %c0_i32 = arith.constant 0 : i32
    %c0_i32_0 = arith.constant 0 : i32
    %c0_i32_1 = arith.constant 0 : i32
    return %c0_i32, %c0_i32_0 : i32, i32
  }
  func.func @transform_6(%arg0: i32) -> (i32, i32) {
    %c0_i32 = arith.constant 0 : i32
    %c0_i32_0 = arith.constant 0 : i32
    return %arg0, %c0_i32 : i32, i32
  }
  func.func @transform_7(%arg0: i32) -> (i32, i32) {
    %c0_i32 = arith.constant 0 : i32
    %c0_i32_0 = arith.constant 0 : i32
    return %arg0, %c0_i32 : i32, i32
  }
  func.func @transform_8(%arg0: i32) -> (i32, i32) {
    %c0_i32 = arith.constant 0 : i32
    %c0_i32_0 = arith.constant 0 : i32
    %c0_i32_1 = arith.constant 0 : i32
    return %c0_i32, %c0_i32_0 : i32, i32
  }
}

module attributes {stable_mosaic.version = 14 : i64} {
  func.func @_tc3_body(%arg0: i32, %arg1: memref<2x1000x32xf32, #tpu.memory_space<vmem>>, %arg2: memref<16x16xf32, #tpu.memory_space<vmem>>, %arg3: memref<1x16xf32, #tpu.memory_space<vmem>>, %arg4: memref<1000x16xf32, #tpu.memory_space<vmem>>) attributes {dimension_semantics = [#tpu.dimension_semantics<arbitrary>], iteration_bounds = array<i64: 10>, scalar_prefetch = 0 : i64, scratch_operands = 0 : i64, tpu.core_type = #tpu.core_type<tc>, window_params = [{transform_indices = @transform_0, window_bounds = array<i64: 2, 1000, 32>}, {pipeline_mode = #tpu.pipeline_mode<synchronous>, transform_indices = @transform_1, window_bounds = array<i64: 16, 16>}, {pipeline_mode = #tpu.pipeline_mode<synchronous>, transform_indices = @transform_2, window_bounds = array<i64: 1, 16>}, {transform_indices = @transform_3, window_bounds = array<i64: 1000, 16>}]} {
    %get3A = arith.constant 0 : index
    %get3A_0 = arith.constant 0 : index
    %get3A_1 = arith.constant 0 : index
    %get3A_2 = vector.load %arg1[%get3A, %get3A_0, %get3A_1] : memref<2x1000x32xf32, #tpu.memory_space<vmem>>, vector<1x1000x32xf32>
    %get3A_3 = vector.shape_cast %get3A_2 : vector<1x1000x32xf32> to vector<1000x32xf32>
    %get3A_4 = arith.constant 1 : index
    %get3A_5 = arith.constant 0 : index
    %get3A_6 = arith.constant 0 : index
    %get3A_7 = vector.load %arg1[%get3A_4, %get3A_5, %get3A_6] : memref<2x1000x32xf32, #tpu.memory_space<vmem>>, vector<1x1000x32xf32>
    %get3A_8 = vector.shape_cast %get3A_7 : vector<1x1000x32xf32> to vector<1000x32xf32>
    %add3A = arith.addf %get3A_3, %get3A_8 : vector<1000x32xf32>
    %slice3A = vector.extract_strided_slice %add3A {offsets = [0, 0], sizes = [1000, 16], strides = [1, 1]} : vector<1000x32xf32> to vector<1000x16xf32>
    %slice3A_9 = vector.extract_strided_slice %add3A {offsets = [0, 16], sizes = [1000, 16], strides = [1, 1]} : vector<1000x32xf32> to vector<1000x16xf32>
    %get3A_10 = arith.constant 0 : index
    %get3A_11 = arith.constant 0 : index
    %get3A_12 = vector.load %arg2[%get3A_10, %get3A_11] : memref<16x16xf32, #tpu.memory_space<vmem>>, vector<16x16xf32>
    %dot_general3A = arith.constant dense<0.000000e+00> : vector<1000x16xf32>
    %dot_general3A_13 = tpu.matmul %slice3A_9, %get3A_12, %dot_general3A {dimension_numbers = #tpu.dot_dimension_numbers<[1], [0], [0], [1], [0, 0, 1, 1], [], []>, transpose_lhs_hint = false} : vector<1000x16xf32>, vector<16x16xf32>, vector<1000x16xf32> -> vector<1000x16xf32>
    %add3A_14 = arith.constant 9.99999971E-10 : f32
    %add3A_15 = vector.broadcast %add3A_14 : f32 to vector<1000x16xf32>
    %add3A_16 = arith.addf %dot_general3A_13, %add3A_15 : vector<1000x16xf32>
    %div3A = arith.divf %slice3A, %add3A_16 : vector<1000x16xf32>
    %get3A_17 = arith.constant 0 : index
    %get3A_18 = arith.constant 0 : index
    %get3A_19 = vector.load %arg3[%get3A_17, %get3A_18] : memref<1x16xf32, #tpu.memory_space<vmem>>, vector<1x16xf32>
    %add3A_20 = vector.broadcast %get3A_19 : vector<1x16xf32> to vector<1000x16xf32>
    %add3A_21 = arith.addf %div3A, %add3A_20 : vector<1000x16xf32>
    %swap3A = arith.constant 0 : index
    %swap3A_22 = arith.constant 0 : index
    %swap3A_23 = vector.load %arg4[%swap3A, %swap3A_22] : memref<1000x16xf32, #tpu.memory_space<vmem>>, vector<1000x16xf32>
    tpu.vector_store %arg4[%swap3A, %swap3A_22], %add3A_21 {strides = array<i32>} : memref<1000x16xf32, #tpu.memory_space<vmem>>, vector<1000x16xf32>,
    return
  }
  func.func @transform_0(%arg0: i32) -> (i32, i32, i32) {
    %c0_i32 = arith.constant 0 : i32
    %c0_i32_0 = arith.constant 0 : i32
    %c0_i32_1 = arith.constant 0 : i32
    return %c0_i32, %arg0, %c0_i32_0 : i32, i32, i32
  }
  func.func @transform_1(%arg0: i32) -> (i32, i32) {
    %c0_i32 = arith.constant 0 : i32
    %c0_i32_0 = arith.constant 0 : i32
    %c0_i32_1 = arith.constant 0 : i32
    return %c0_i32, %c0_i32_0 : i32, i32
  }
  func.func @transform_2(%arg0: i32) -> (i32, i32) {
    %c0_i32 = arith.constant 0 : i32
    %c0_i32_0 = arith.constant 0 : i32
    %c0_i32_1 = arith.constant 0 : i32
    return %c0_i32, %c0_i32_0 : i32, i32
  }
  func.func @transform_3(%arg0: i32) -> (i32, i32) {
    %c0_i32 = arith.constant 0 : i32
    %c0_i32_0 = arith.constant 0 : i32
    return %arg0, %c0_i32 : i32, i32
  }
}

</mosaic_0001>

<sc_bundles>
// kernel: kernel.10.cloned.1.call-start
scs
__scs_entry_jumppad:
0x0: {  	(pc) =	sbr.rel $0x88, $3  }
0x1: {  	(tag) =	ssettag $0x0;
	lr =	simm.s32 $0x1  }
0x2: {  	[smem:$0x3F97] =	sst lr;
	_ =	strace $0xD0000000  }
0x3: {  	_ = 	snop  }
0x4: {  	_ = 	snop  }
0x5: {  	_ = 	snop  }
0x6: {  	_ = 	snop  }
0x7: {  	_ = 	snop  }
__scs_overlays_trampoline_lowered:
0x8: {  	[smem:$0x3FA6] =	sst s0  }
0x9: {  	[smem:$0x3FA7] =	sst s1  }
0xa: {  	[smem:$0x3FA8] =	sst s2  }
0xb: {  	[smem:$0x3FA9] =	sst s3  }
0xc: {  	[smem:$0x3FAA] =	sst s4  }
0xd: {  	[smem:$0x3FAB] =	sst s5  }
0xe: {  	[smem:$0x3FAC] =	sst s6  }
0xf: {  	[smem:$0x3FAD] =	sst s7  }
0x10: {  	[smem:$0x3FAE] =	sst s8  }
0x11: {  	[smem:$0x3FAF] =	sst s9;
	s0 =	simm.s32 @!p0 $0x0  }
0x12: {  	s1 =	sld [smem:$0x3F95];
	s0 =	simm.s32 @p0 $0x1  }
0x13: {  	[smem:$0x3FB0] =	sst s0;
	s0 =	simm.s32 @!p1 $0x0  }
0x14: {  	s2 =	sld [smem:$0x3F94];
	s0 =	simm.s32 @p1 $0x1  }
0x15: {  	[smem:$0x3FB1] =	sst s0;
	s0 =	simm.s32 @!p2 $0x0  }
0x16: {  	s3 =	sld [smem:$0x3FDB];
	s0 =	simm.s32 @p2 $0x1  }
0x17: {  	s4 =	simm.s32 $0x1BF5;
	[smem:$0x3FB3] =	sst s0  }
0x18: {  	s0 =	sld [smem:$0x3F96];
	_ =	swait.ge [sflag:s4], $0x0  }
0x19: {  	s7 =	sld [smem:$0x3F97]  }
0x1a: {  	s8 =	sadd.s32 $0xFFFFE003, lr  }
0x1b: {  	s9 =	sadd.s32 $0xFFFFFEF7, lr;
	s5 =	simm.s32 $0xFFFFFFFF;
	p2 =	slt.u32 s8, $0xFFFFF086  }
0x1c: {  	p1 =	slt.u32 s9, $0xF7A;
	s5 =	simm.s32 @!p2 $0x0  }
0x1d: {  	s5 =	simm.s32 @p1 $0x1;
	p0 =	seq.s32 s7, s2  }
0x1e: {  	s7 =	smul.u32 @!p0 $0xF7A, s2;
	p2 =	seq.s32 @!p0 s5, $0x0  }
0x1f: {  	s9 =	smul.u32 $0xF7A, s1;
	s8 =	simm.s32 @!p0 $0x1BF5;
	p2 =	por !p2, p0  }
0x20: {  	[sflag:s8] =	ssyncset.s32 @!p0 $0xFFFFF086;
	s6 =	sadd.s32 @!p0 s3, s7;
	s7 =	simm.s32 @!p0 $0x108  }
0x21: {  	s3 =	sadd.s32 s3, s9;
	s6 =	sadd.s32 @!p0 $0x88, s6;
	s7 =	simm.s32 @p2 $0x1082  }
0x22: {  	[simem:s7], [sflag:s8] =	dma.local @!p0 [hbm:s6], $0xF7A  }
0x23: {  	s9 =	sor.u32 $0xD0000000, s2;
	s6 =	simm.s32 $0x108;
	_ =	swait.ge @!p0 [sflag:s8], $0x0  }
0x24: {  	s3 =	sadd.s32 $0x88, s3;
	s6 =	simm.s32 @!p1 $0x1082;
	[sflag:s4] =	ssyncset.s32 $0xFFFFF086  }
0x25: {  	[simem:s6], [sflag:s4] =	dma.local [hbm:s3], $0xF7A  }
0x26: {  	[smem:$0x3F97] =	sst s1;
	(tag) =	ssettag s2;
	_ =	strace s9  }
0x27: {  	s1 =	sld [smem:$0x3FA7]  }
0x28: {  	s2 =	sld [smem:$0x3FA8]  }
0x29: {  	s4 =	sld [smem:$0x3FAA]  }
0x2a: {  	p0 =	seq.s32 s5, $0x0;
	s5 =	sld [smem:$0x3FAB]  }
0x2b: {  	s6 =	sld [smem:$0x3FAC]  }
0x2c: {  	s7 =	sld [smem:$0x3FAD]  }
0x2d: {  	s3 =	simm.s32 $0x108;
	s8 =	sld [smem:$0x3FAE]  }
0x2e: {  	s3 =	simm.s32 @!p0 $0x1082;
	s9 =	sld [smem:$0x3FAF]  }
0x2f: {  	lr =	sadd.s32 s0, s3;
	s0 =	sld [smem:$0x3FA6]  }
0x30: {  	s3 =	sld [smem:$0x3FA9]  }
0x31: {  	[smem:$0x3FB2] =	sst s10  }
0x32: {  	s10 =	sld [smem:$0x3FB0];
	_ =	sdelay $0x3  }
0x33: {  	p0 =	seq.s32 s10, $0x1;
	s10 =	sld [smem:$0x3FB2];
	_ =	sdelay $0x3  }
0x34: {  	[smem:$0x3FB2] =	sst s10  }
0x35: {  	s10 =	sld [smem:$0x3FB1];
	_ =	sdelay $0x3  }
0x36: {  	p1 =	seq.s32 s10, $0x1;
	s10 =	sld [smem:$0x3FB2];
	_ =	sdelay $0x3  }
0x37: {  	[smem:$0x3FB2] =	sst s10  }
0x38: {  	s10 =	sld [smem:$0x3FB3]  }
0x39: {  	_ = 	snop;
	(pc) =	sbr.ind lr, $3  }
0x3a: {  	_ = 	snop  }
0x3b: {  	_ = 	snop  }
0x3c: {  	p2 =	seq.s32 s10, $0x1;
	s10 =	sld [smem:$0x3FB2]  }
0x3d: {  	_ =	shalt  }
0x3e: {  	_ =	shalt  }
0x3f: {  	_ =	shalt  }
0x40: {  	_ =	shalt  }
0x41: {  	_ =	shalt  }
0x42: {  	_ =	shalt  }
0x43: {  	_ =	shalt  }
0x44: {  	_ =	shalt  }
0x45: {  	_ =	shalt  }
0x46: {  	_ =	shalt  }
0x47: {  	_ =	shalt  }
0x48: {  	_ =	shalt  }
0x49: {  	_ =	shalt  }
0x4a: {  	_ =	shalt  }
0x4b: {  	_ =	shalt  }
0x4c: {  	_ =	shalt  }
0x4d: {  	_ =	shalt  }
0x4e: {  	_ =	shalt  }
0x4f: {  	_ =	shalt  }
0x50: {  	_ =	shalt  }
0x51: {  	_ =	shalt  }
0x52: {  	_ =	shalt  }
0x53: {  	_ =	shalt  }
0x54: {  	_ =	shalt  }
0x55: {  	_ =	shalt  }
0x56: {  	_ =	shalt  }
0x57: {  	_ =	shalt  }
0x58: {  	_ =	shalt  }
0x59: {  	_ =	shalt  }
0x5a: {  	_ =	shalt  }
0x5b: {  	_ =	shalt  }
0x5c: {  	_ =	shalt  }
0x5d: {  	_ =	shalt  }
0x5e: {  	_ =	shalt  }
0x5f: {  	_ =	shalt  }
0x60: {  	_ =	shalt  }
0x61: {  	_ =	shalt  }
0x62: {  	_ =	shalt  }
0x63: {  	_ =	shalt  }
0x64: {  	_ =	shalt  }
0x65: {  	_ =	shalt  }
0x66: {  	_ =	shalt  }
0x67: {  	_ =	shalt  }
0x68: {  	_ =	shalt  }
0x69: {  	_ =	shalt  }
0x6a: {  	_ =	shalt  }
0x6b: {  	_ =	shalt  }
0x6c: {  	_ =	shalt  }
0x6d: {  	_ =	shalt  }
0x6e: {  	_ =	shalt  }
0x6f: {  	_ =	shalt  }
0x70: {  	_ =	shalt  }
0x71: {  	_ =	shalt  }
0x72: {  	_ =	shalt  }
0x73: {  	_ =	shalt  }
0x74: {  	_ =	shalt  }
0x75: {  	_ =	shalt  }
0x76: {  	_ =	shalt  }
0x77: {  	_ =	shalt  }
0x78: {  	_ =	shalt  }
0x79: {  	_ =	shalt  }
0x7a: {  	_ =	shalt  }
0x7b: {  	_ =	shalt  }
0x7c: {  	_ =	shalt  }
0x7d: {  	_ =	shalt  }
0x7e: {  	_ =	shalt  }
0x7f: {  	_ =	shalt  }
0x80: {  	_ =	shalt  }
0x81: {  	_ =	shalt  }
0x82: {  	_ =	shalt  }
0x83: {  	_ =	shalt  }
0x84: {  	_ =	shalt  }
0x85: {  	_ =	shalt  }
0x86: {  	_ =	shalt  }
0x87: {  	_ =	shalt  }
.Lfunc_end0:
.L_simem_size_0:
called_computation.1_lowered:
.L_overlay_start_0:
0x88: {  	s2 =	sld [smem:$0x3FD9]  }
0x89: {  	s3 =	sld [smem:$0x3FFE];
	_ =	sdelay $0x1  }
0x8a: {  	s1 =	srdreg.scid  }
0x8b: {  	s0 =	sand.u32 $0x1, s1  }
0x8c: {  	s17 =	sshll.u32 s0, $0xA;
	s2 =	sadd.s32 s3, s2  }
0x8d: {  	s2 =	sadd.s32 s2, s17  }
0x8e: {  	[smem:$0x3FBE] =	sst s2  }
0x8f: {  	_ = 	snop  }
0x90: {  	s2 =	sld [smem:$0x3FD0];
	(tm) =	ssettm $0x1  }
0x91: {  	s18 =	sld [smem:$0x3FFB];
	_ =	sdelay $0x3  }
0x92: {  	_ =	strace s18  }
0x93: {  	s3 =	sld [smem:$0x3FFC];
	_ =	sdelay $0x3  }
0x94: {  	_ =	strace s3  }
0x95: {  	s3 =	sld [smem:$0x3FFD];
	_ =	sdelay $0x3  }
0x96: {  	_ =	strace s3  }
0x97: {  	_ =	strace $0x8FFFFFFF  }
0x98: {  	s19 =	sld [smem:$0x3FDB];
	_ =	sdelay $0x1  }
0x99: {  	s4 =	simm.s32 $_scs_section_size  }
0x9a: {  	s5 =	simm.s32 $_size__tile_overlayer_lowered;
	s6 =	simm.s32 $_tile_overlayer_lowered  }
0x9b: {  	s22 =	simm.s32 $0x1BFF;
	s21 =	sshll.u32 s6, $0x1;
	s3 =	sadd.s32 s4, s19  }
0x9c: {  	s7 =	simm.s32 $0x0;
	s20 =	sshll.u32 s5, $0x1;
	s5 =	sadd.s32 s21, s3  }
0x9d: {  	[timem:s7], [sflag:s22] =	dma.local [hbm:s5], s20  }
0x9e: {  	_ =	swait.ge [sflag:s22], s20  }
0x9f: {  	s4 =	ssub.s32 $0x0, s20;
	[sflag:s22] =	ssyncset.done $0x0  }
0xa0: {  	[sflag:s22] =	ssyncadd.s32 s4;
	_ =	sdelay $0x1  }
0xa1: {  	s23 =	simm.s32 $0x1B8B  }
0xa2: {  	_ =	swait.ge [sflag:s23], $0x1  }
0xa3: {  	[sflag:s23] =	ssyncset.done $0x0  }
0xa4: {  	s25 =	simm.s32 $0x1B8E;
	s24 =	sld [smem:$0x3FFE];
	[sflag:s23] =	ssyncadd.s32 $0xFFFFFFFF  }
0xa5: {  	s26 =	simm.s32 $execute0_lowered;
	[smem:$0x3FD2] =	sst s25  }
0xa6: {  	s5 =	sshll.u32 s26, $0x1;
	_ =	strace $0x80000049;
	[dreg:$0x1] =	wrdreg $0xFFFFFFFF  }
0xa7: {  	s28 =	simm.s32 $_size_execute0_lowered;
	s3 =	sadd.s32 s3, s5;
	[dreg:$0x0] =	wrdreg $0x0  }
0xa8: {  	s5 =	sshll.u32 s28, $0x1;
	[dreg:$0x2] =	wrdreg s3  }
0xa9: {  	[dreg:$0x3] =	wrdreg s5  }
0xaa: {  	[dreg:$0x4] =	wrdreg $0xC0  }
0xab: {  	_ =	task [dreg:s7], $0x5FFFF  }
0xac: {  	[dreg:$0x1] =	wrdreg $0xFFFFFFFF  }
0xad: {  	[dreg:$0x0] =	wrdreg $0x60  }
0xae: {  	[dreg:$0x2] =	wrdreg s24  }
0xaf: {  	[dreg:$0x3] =	wrdreg s2  }
0xb0: {  	[dreg:$0x4] =	wrdreg $0x0  }
0xb1: {  	[dreg:$0x5] =	wrdreg $0x9  }
0xb2: {  	_ =	task.clear_ibuf [dreg:s7], $0x6FFFF;
	_ =	strace $0x90000049  }
0xb3: {  	s29 =	simm.s32 $0x9;
	_ =	strace $0x8000004B  }
0xb4: {  	_ =	swait.ge [sflag:s29], $0x1  }
0xb5: {  	[sflag:s29] =	ssyncadd.s32 $0xFFFFFFFF  }
0xb6: {  	_ =	strace $0x9000004B  }
0xb7: {  	_ =	sfence  }
0xb8: {  	s30 =	sld [smem:$0x0];
	_ =	sdelay $0x2  }
0xb9: {  	s31 =	sshll.u32 s1, $0xD;
	s1 =	sshrl.u32 s1, $0x2  }
0xba: {  	s3 =	sand.u32 $0x4000, s31;
	s1 =	sadd.s32 s1, s30  }
0xbb: {  	s0 =	sor.u32 s3, s0;
	s1 =	sshll.u32 s1, $0x11  }
0xbc: {  	s0 =	sor.u32 s1, s0  }
0xbd: {  	s0 =	sadd.s32 $0x8F2B, s0  }
0xbe: {  	[sflag:s0] =	ssyncadd.remote.s32 $0x1  }
0xbf: {  	_ =	sfence.sel $0xFFFF  }
0xc0: {  	[dreg:$0x0] =	wrdreg $0xFFFFFFFF;
	(pc) =	sbr.abs _section_cstart, $3  }
0xc1: {  	[dreg:$0x1] =	wrdreg $0xFFFFFFFF  }
0xc2: {  	_ =	task.clear_ibuf [dreg:s7], $0x2FFFF;
	_ =	strace $0x9FFFFFFF  }
0xc3: {  	(tm) =	ssettm $0x7FFFFFFF  }
tec
execute0_lowered:
.L_overlay_start_1:
0x0: {  	(tag) =	ssettag $0x1  }
0x1: {  	s1 =	rddreg [dreg:$0x0]  }
0x2: {  	s0 =	srdreg.scid;
	s2 =	rddreg [dreg:$0x1]  }
0x3: {  	s12 =	stileid.u32;
	s3 =	rddreg [dreg:$0x2]  }
0x4: {  	s5 =	simm.s32 $0x0;
	s29 =	simm.s32 $0x7540;
	s30 =	simm.s32 $0x8E90  }
0x5: {  	s31 =	simm.s32 $0x1;
	s28 =	simm.s32 $0x7590;
	s0 =	sand.u32 $0x1, s0  }
0x6: {  	[smem:$0x7FF] =	sst s5;
	s5 =	sadd.s32 $0x38200, s1;
	s9 =	smul.u32 $0x13800, s12  }
0x7: {  	s10 =	sadd.s32 $0x2200, s1;
	s11 =	smul.u32 $0x4E00, s12;
	p0 =	sne.s32 s12, $0xF  }
0x8: {  	s4 =	sshll.u32 s0, $0x4;
	_ =	strace $0x8000004A;
	s8 =	ssub.s32 $0x2, s0  }
0x9: {  	[dreg:$0x4] =	wrdreg s10;
	s0 =	smul.u32 $0x4E200, s0;
	s4 =	sor.u32 s12, s4  }
0xa: {  	s26 =	sshrl.u32 s8, $0x1;
	s9 =	sshrl.u32 s9, $0x2;
	s14 =	sadd.s32 s11, s3  }
0xb: {  	s12 =	simm.s32 $0x5;
	s6 =	smul.u32 $0x4E2, s4;
	s10 =	ssub.s32 s8, s26  }
0xc: {  	s8 =	smul.u32 $0x2710, s4;
	s13 =	sadd.s32 s9, s3;
	s22 =	sadd.s32 s11, s0  }
0xd: {  	s0 =	sshrl.u32 s0, $0x3;
	[dreg:$0x6] =	wrdreg s14;
	s15 =	sadd.s32 $0xA00, s13  }
0xe: {  	s9 =	simm.s32 $0x8EE0;
	s16 =	sadd.s32 $0x1400, s13;
	[dreg:$0x7] =	wrdreg s15  }
0xf: {  	s11 =	simm.s32 $0x2;
	s17 =	sadd.s32 $0x1E00, s13;
	[dreg:$0x8] =	wrdreg s16  }
0x10: {  	s18 =	sadd.s32 $0x2800, s13;
	s19 =	sadd.s32 $0x3200, s13;
	[dreg:$0x9] =	wrdreg s17  }
0x11: {  	s20 =	sadd.s32 $0x3C00, s13;
	s4 =	sadd.s32 $0x4600, s13;
	[dreg:$0xa] =	wrdreg s18  }
0x12: {  	s24 =	sshrl.u32 s22, $0x3;
	s26 =	smax.u32 s10, $0x1;
	[dreg:$0xb] =	wrdreg s19  }
0x13: {  	s13 =	simm.s32 $0x9DE0;
	s7 =	sadd.s32 s6, s1;
	[dreg:$0xc] =	wrdreg s20  }
0x14: {  	s6 =	sadd.s32 $0x2400, s1;
	s1 =	sadd.s32 $0xC200, s1;
	[dreg:$0xd] =	wrdreg s4  }
0x15: {  	s16 =	sadd.s32 $0x4E000, s3;
	s21 =	sshrl.u32 s8, $0x3;
	[dreg:$0x13] =	wrdreg s26  }
0x16: {  	v0 =	vimm.s32 $0xFEDCBA98;
	s18 =	simm.s32 $0x4E30;
	s26 =	simm.s32 $0x8490;
	s15 =	simm.s32 $0x6  }
0x17: {  	v1 =	vimm.s32 $0x76543210;
	v0 =	vunpack.c.l.s4.s8 v0;
	s17 =	simm.s32 $0x0;
	s7 =	sadd.s32 $0x2E400, s7;
	[dreg:$0xe] =	wrdreg s16  }
0x18: {  	v1 =	vunpack.c.l.s4.s8 v1;
	s23 =	sadd.s32 s5, s21;
	s4 =	sadd.s32 s1, s24;
	[dreg:$0x5] =	wrdreg s7  }
0x19: {  	v0 =	vunpack.c.0.s8.s32 v0;
	s0 =	sadd.s32 s1, s0;
	s1 =	simm.s32 $0x50;
	[dreg:$0xf] =	wrdreg s23  }
0x1a: {  	v1 =	vunpack.c.0.s8.s32 v1;
	s24 =	simm.s32 $0x93E0;
	s25 =	sadd.s32 $0xA, s23;
	[dreg:$0x11] =	wrdreg s4  }
0x1b: {  	vm0 =	vmmov $0x1;
	vm1 =	vmmov $0xff;
	v2 =	vand.u32 $0xF, v0;
	s0 =	sadd.s32 $0x9C00, s0;
	s7 =	simm.s32 $0x4;
	[dreg:$0x10] =	wrdreg s25  }
0x1c: {  	v0 =	vimm.f32 $0.0e+00;
	v1 =	vcombine.low v2, v1;
	v2 =	vimm.s32 $0x0;
	[dreg:$0x12] =	wrdreg s0;
	s25 =	simm.s32 $0x7;
	s0 =	simm.s32 $0x7A90  }
.LBB2_1:
0x1d: {  	[dreg:$0x14] =	wrdreg s17  }
0x1e: {  	s4 =	simm.s32 $0x0;
	s10 =	rddreg [dreg:$0x5]  }
0x1f: {  	[tilespmem:s18], [sflag:$0x7] =	stream.linear.gather [hbm4b:s10+s4], $0x2710, $0x38;
	[tilespmem:$0xA7E0] =	vst v63  }
0x20: {  	_ =	swait.ge [sflag:s25], $0x2710  }
0x21: {  	[sflag:s25] =	ssyncset.done $0x0  }
0x22: {  	s4 =	simm.s32 $0x84D0;
	[sflag:s25] =	ssyncadd.s32 $0xFFFFD8F0  }
0x23: {  	[tilespmem:s4+$0xFFFFFFC0] =	vst v0  }
0x24: {  	[tilespmem:s4+$0x30] =	vst v0  }
0x25: {  	[tilespmem:s4+$0x20] =	vst v0  }
0x26: {  	[tilespmem:s4+$0x10] =	vst v0  }
0x27: {  	[tilespmem:s4+$0x0] =	vst v0  }
0x28: {  	[tilespmem:s4+$0xFFFFFFF0] =	vst v0  }
0x29: {  	s10 =	simm.s32 $0x0;
	[tilespmem:s4+$0xFFFFFFE0] =	vst v0  }
.LBB2_2:
0x2a: {  	s10 =	sadd.s32 $0x4, s10;
	[tilespmem:s4+$0xFFFFFFD0] =	vst v0;
	s4 =	sadd.s32 $0x80, s4  }
0x2b: {  	[tilespmem:s4+$0xFFFFFFC0] =	vst v0;
	p1 =	slt.u32 s10, $0x4C  }
0x2c: {  	[tilespmem:s4+$0x30] =	vst v0  }
.Ltmp0:
0x2d: {  	[tilespmem:s4+$0x20] =	vst v0;
	(pc) =	sbr.rel @p1 .LBB2_2-.Ltmp0, $4  }
0x2e: {  	[tilespmem:s4+$0x10] =	vst v0  }
0x2f: {  	[tilespmem:s4+$0x0] =	vst v0  }
0x30: {  	[tilespmem:s4+$0xFFFFFFF0] =	vst v0  }
0x31: {  	[tilespmem:s4+$0xFFFFFFE0] =	vst v0  }
0x32: {  	[tilespmem:s4+$0xFFFFFFD0] =	vst v0  }
0x33: {  	[spmem:s14] =	stream.linear.scatter [tilespmem:s26], [sflag:$0x7], $0xA00, $0x38;
	[tilespmem:$0xA7E0] =	vst v63  }
0x34: {  	_ =	swait.ge [sflag:s25], $0xA00  }
0x35: {  	[sflag:s25] =	ssyncset.done $0x0  }
0x36: {  	s21 =	rddreg [dreg:$0x7];
	[sflag:s25] =	ssyncadd.s32 $0xFFFFF600  }
0x37: {  	[spmem:s21] =	stream.linear.scatter [tilespmem:s26], [sflag:$0x7], $0xA00, $0x38;
	[tilespmem:$0xA7E0] =	vst v63  }
0x38: {  	_ =	swait.ge [sflag:s25], $0xA00  }
0x39: {  	[sflag:s25] =	ssyncset.done $0x0  }
0x3a: {  	s22 =	rddreg [dreg:$0x8];
	[sflag:s25] =	ssyncadd.s32 $0xFFFFF600  }
0x3b: {  	[spmem:s22] =	stream.linear.scatter [tilespmem:s26], [sflag:$0x7], $0xA00, $0x38;
	[tilespmem:$0xA7E0] =	vst v63  }
0x3c: {  	_ =	swait.ge [sflag:s25], $0xA00  }
0x3d: {  	[sflag:s25] =	ssyncset.done $0x0  }
0x3e: {  	s23 =	rddreg [dreg:$0x9];
	[sflag:s25] =	ssyncadd.s32 $0xFFFFF600  }
0x3f: {  	[spmem:s23] =	stream.linear.scatter [tilespmem:s26], [sflag:$0x7], $0xA00, $0x38;
	[tilespmem:$0xA7E0] =	vst v63  }
0x40: {  	_ =	swait.ge [sflag:s25], $0xA00  }
0x41: {  	[sflag:s25] =	ssyncset.done $0x0  }
0x42: {  	s10 =	rddreg [dreg:$0xa];
	[sflag:s25] =	ssyncadd.s32 $0xFFFFF600  }
0x43: {  	[spmem:s10] =	stream.linear.scatter [tilespmem:s26], [sflag:$0x7], $0xA00, $0x38;
	[tilespmem:$0xA7E0] =	vst v63  }
0x44: {  	_ =	swait.ge [sflag:s25], $0xA00  }
0x45: {  	[sflag:s25] =	ssyncset.done $0x0  }
0x46: {  	s14 =	rddreg [dreg:$0xb];
	[sflag:s25] =	ssyncadd.s32 $0xFFFFF600  }
0x47: {  	[spmem:s14] =	stream.linear.scatter [tilespmem:s26], [sflag:$0x7], $0xA00, $0x38;
	[tilespmem:$0xA7E0] =	vst v63  }
0x48: {  	_ =	swait.ge [sflag:s25], $0xA00  }
0x49: {  	[sflag:s25] =	ssyncset.done $0x0  }
0x4a: {  	s17 =	rddreg [dreg:$0xc];
	[sflag:s25] =	ssyncadd.s32 $0xFFFFF600  }
0x4b: {  	[spmem:s17] =	stream.linear.scatter [tilespmem:s26], [sflag:$0x7], $0xA00, $0x38;
	[tilespmem:$0xA7E0] =	vst v63  }
0x4c: {  	_ =	swait.ge [sflag:s25], $0xA00  }
0x4d: {  	[sflag:s25] =	ssyncset.done $0x0  }
0x4e: {  	s19 =	rddreg [dreg:$0xd];
	[sflag:s25] =	ssyncadd.s32 $0xFFFFF600  }
0x4f: {  	[spmem:s19] =	stream.linear.scatter [tilespmem:s26], [sflag:$0x7], $0x800, $0x38;
	[tilespmem:$0xA7E0] =	vst v63  }
0x50: {  	_ =	swait.ge [sflag:s25], $0x800  }
0x51: {  	[sflag:s25] =	ssyncset.done $0x0  }
0x52: {  	s4 =	simm.s32 @!p0 $0x8490;
	[sflag:s25] =	ssyncadd.s32 $0xFFFFF800  }
0x53: {  	[spmem:s16] =	stream.linear.scatter @!p0 [tilespmem:s4], [sflag:$0x7], $0x200, $0x38;
	[tilespmem:$0xA7E0] =	vst v63  }
0x54: {  	s4 =	simm.s32 @!p0 $0x7  }
0x55: {  	_ =	swait.ge @!p0 [sflag:s4], $0x200  }
0x56: {  	s10 =	simm.s32 $0x4E20;
	[sflag:s4] =	ssyncset.done @!p0 $0x0  }
0x57: {  	s17 =	simm.s32 $0x0;
	s20 =	rddreg [dreg:$0x4];
	[sflag:s4] =	ssyncadd.s32 @!p0 $0xFFFFFE00  }
0x58: {  	[tilespmem:s10], [sflag:$0x7] =	stream.linear.gather [hbm4b:s20+s17], $0x10, $0x38;
	[tilespmem:$0xA7E0] =	vst v63  }
0x59: {  	_ =	swait.ge [sflag:s25], $0x10  }
0x5a: {  	[sflag:s25] =	ssyncset.done $0x0  }
0x5b: {  	[sflag:s25] =	ssyncadd.s32 $0xFFFFFFF0  }
0x5c: {  	[bflag:$0x0] =	sbarrier.arrive $0xFFFF  }
0x5d: {  	s21 =	rddreg [dreg:$0xf]  }
0x5e: {  	v3 =	vld [tilespmem:$0x4E20];
	[tilespmem:s29], [sflag:$0x1] =	stream.linear.gather [hbm4b:s21+s17], $0x50, $0x38  }
0x5f: {  	s22 =	rddreg [dreg:$0x10]  }
0x60: {  	[tilespmem:s30], [sflag:$0x4] =	stream.linear.gather [hbm4b:s22+s17], $0x50, $0x38;
	[tilespmem:$0xA7E0] =	vst v63  }
0x61: {  	_ =	swait.ge [sflag:s31], $0x50  }
0x62: {  	[sflag:s31] =	ssyncset.done $0x0  }
0x63: {  	[sflag:s31] =	ssyncadd.s32 $0xFFFFFFB0  }
0x64: {  	[tilespmem:s28], [sflag:$0x2] =	stream.indirect.gather [hbm4b:s2+s1], $0x10, s18, s1, $0xb8;
	[tilespmem:$0xA7E0] =	vst v63  }
0x65: {  	v4 =	vperm.xlane v3, v1  }
0x66: {  	[tilespmem:s0], [sflag:$0x2] =	stream.indirect.gather [hbm4b:s6+s1], $0x20, s29, s1, $0xb8;
	[tilespmem:$0xA7E0] =	vst v63  }
0x67: {  	v3 =	vadd.f32 v4, v3;
	_ =	swait.ge [sflag:s7], $0x50  }
0x68: {  	[sflag:s7] =	ssyncset.done $0x0  }
0x69: {  	s23 =	simm.s32 $0x4E80;
	v4 =	vmul.f32 $2.000000030e-01, v3;
	[sflag:s7] =	ssyncadd.s32 $0xFFFFFFB0  }
0x6a: {  	vm2 =	vgt.f32 v3, $0.0e+00;
	[tilespmem:s9], [sflag:$0x5] =	stream.indirect.gather [hbm4b:s2+s1], $0x10, s23, s1, $0xb8;
	[tilespmem:$0xA7E0] =	vst v63  }
0x6b: {  	v3 =	vsel vm2, v3, v4  }
0x6c: {  	v3 =	vnsel vm0, $0x7149F2CA, v3;
	[tilespmem:s24], [sflag:$0x5] =	stream.indirect.gather [hbm4b:s6+s1], $0x20, s30, s1, $0xb8;
	[tilespmem:$0xA7E0] =	vst v63  }
.LBB2_4:
0x6d: {  	s21 =	sshll.u32 s17, $0x1  }
0x6e: {  	_ =	swait.ge [sflag:s11], $0x500;
	s22 =	sadd.s32 $0x2, s21  }
0x6f: {  	[sflag:s11] =	ssyncset.done $0x0;
	s4 =	smul.u32 $0x50, s22  }
0x70: {  	[sflag:s11] =	ssyncadd.s32 $0xFFFFFB00  }
0x71: {  	_ =	swait.ge [sflag:s11], $0xA00;
	s4 =	sadd.s32 s8, s4  }
0x72: {  	s10 =	simm.s32 $0x0;
	[sflag:s11] =	ssyncset.done $0x0;
	s4 =	sshrl.u32 s4, $0x3  }
0x73: {  	p1 =	seq.s32 s17, $0x0;
	[sflag:s11] =	ssyncadd.s32 $0xFFFFF600;
	s4 =	sadd.s32 s5, s4  }
0x74: {  	[tilespmem:s29], [sflag:$0x1] =	stream.linear.gather [hbm4b:s4+s10], $0x50, $0x38;
	[tilespmem:$0xA7E0] =	vst v63  }
0x75: {  	s4 =	simm.s32 @!p1 $0x3  }
0x76: {  	_ =	swait.ge @!p1 [sflag:s4], $0xA00  }
0x77: {  	[sflag:s4] =	ssyncset.done @!p1 $0x0  }
0x78: {  	s10 =	simm.s32 $0x7AD0;
	[sflag:s4] =	ssyncadd.s32 @!p1 $0xFFFFF600  }
0x79: {  	s16 =	simm.s32 $0x75B0;
	v4 =	vld [tilespmem:s10+$0x30]  }
0x7a: {  	v5 =	vld [tilespmem:s16+$0x10];
	_ =	sdelay $0x3  }
0x7b: {  	v7 =	vld [tilespmem:s16+$0xFFFFFFF0]  }
0x7c: {  	v9 =	vld [tilespmem:s10+$0x10];
	v4 =	vadd.f32 v5, v4  }
0x7d: {  	v10 =	vld [tilespmem:s16+$0x0]  }
0x7e: {  	v5 =	vld [tilespmem:s10+$0xFFFFFFF0];
	v8 =	vmul.f32 $2.000000030e-01, v4  }
0x7f: {  	v6 =	vld [tilespmem:s16+$0xFFFFFFE0];
	vm2 =	vgt.f32 v4, $0.0e+00  }
0x80: {  	v4 =	vsel vm2, v4, v8;
	v8 =	vld [tilespmem:s10+$0xFFFFFFD0]  }
0x81: {  	v4 =	vsub.f32 v4, v3  }
0x82: {  	s18 =	simm.s32 $0x75F0  }
0x83: {  	s14 =	simm.s32 $0x7B50;
	v9 =	vadd.f32 v10, v9;
	v10 =	vld [tilespmem:s18+$0x10];
	v5 =	vadd.f32 v7, v5;
	v4 =	vmul.f32 $1.442695020e+00, v4  }
0x84: {  	v7 =	vld [tilespmem:s14+$0x30]  }
0x85: {  	v11 =	vld [tilespmem:s18+$0xFFFFFFE0];
	(erf) = vpow2.f32 v4;
	v4 =	vadd.f32 v6, v8;
	v6 =	vmul.f32 $2.000000030e-01, v5  }
0x86: {  	v13 =	vld [tilespmem:s14+$0xFFFFFFD0];
	vm2 =	vgt.f32 v5, $0.0e+00;
	v8 =	vmul.f32 $2.000000030e-01, v9  }
0x87: {  	vm3 =	vgt.f32 v9, $0.0e+00;
	v12 =	vmul.f32 $2.000000030e-01, v4;
	v5 =	vsel vm2, v5, v6;
	v6 =	vld [tilespmem:s14+$0xFFFFFFF0]  }
0x88: {  	vm2 =	vgt.f32 v4, $0.0e+00;
	v8 =	vsel vm3, v9, v8;
	v9 =	vld [tilespmem:s18+$0xFFFFFFF0];
	v5 =	vsub.f32 v5, v3  }
0x89: {  	v7 =	vadd.f32 v10, v7;
	v10 =	vld [tilespmem:s18+$0x0];
	v8 =	vsub.f32 v8, v3;
	v4 =	vsel vm2, v4, v12  }
0x8a: {  	v12 =	vld [tilespmem:s14+$0x10];
	v4 =	vsub.f32 v4, v3;
	v5 =	vmul.f32 $1.442695020e+00, v5  }
0x8b: {  	v14 =	vmul.f32 $2.000000030e-01, v7;
	v8 =	vmul.f32 $1.442695020e+00, v8  }
0x8c: {  	vm2 =	vgt.f32 v7, $0.0e+00;
	v4 =	vmul.f32 $1.442695020e+00, v4;
	(erf) = vpow2.f32 v5  }
0x8d: {  	v5 =	vadd.f32 v9, v6;
	v6 =	vsel vm2, v7, v14;
	(erf) = vpow2.f32 v8  }
0x8e: {  	s19 =	simm.s32 $0x7630;
	v9 =	vadd.f32 v11, v13;
	v7 =	vpop (erf);
	(erf) = vpow2.f32 v4;
	v4 =	vsub.f32 v6, v3  }
0x8f: {  	s20 =	simm.s32 $0x7BD0;
	v16 =	vld [tilespmem:s19+$0x0];
	v8 =	vmul.f32 $2.000000030e-01, v5;
	v6 =	vnsel vm1, $0x0, v7;
	v7 =	vadd.f32 v10, v12  }
0x90: {  	s23 =	simm.s32 $0x84D0;
	vm2 =	vgt.f32 v5, $0.0e+00;
	v13 =	vmul.f32 $2.000000030e-01, v9;
	v12 =	vld [tilespmem:s20+$0x30];
	v4 =	vmul.f32 $1.442695020e+00, v4  }
0x91: {  	[tilespmem:s23+$0x30] =	vst v6;
	v5 =	vsel vm2, v5, v8;
	v8 =	vld [tilespmem:s19+$0x10];
	vm2 =	vgt.f32 v9, $0.0e+00;
	v11 =	vmul.f32 $2.000000030e-01, v7  }
0x92: {  	v10 =	vld [tilespmem:s10+$0x20];
	vm3 =	vgt.f32 v7, $0.0e+00;
	v9 =	vsel vm2, v9, v13  }
0x93: {  	v14 =	vld [tilespmem:s20+$0x10];
	(erf) = vpow2.f32 v4;
	v4 =	vsub.f32 v5, v3;
	v5 =	vsel vm3, v7, v11  }
0x94: {  	v9 =	vsub.f32 v9, v3;
	v7 =	vld [tilespmem:s20+$0xFFFFFFF0];
	v5 =	vsub.f32 v5, v3  }
0x95: {  	v6 =	vperm.xlane v6, v2;
	v11 =	vld [tilespmem:s19+$0xFFFFFFF0];
	v4 =	vmul.f32 $1.442695020e+00, v4;
	v13 =	vpop (erf)  }
0x96: {  	v9 =	vmul.f32 $1.442695020e+00, v9;
	v15 =	vpop (erf);
	v5 =	vmul.f32 $1.442695020e+00, v5  }
0x97: {  	v17 =	vld [tilespmem:s19+$0xFFFFFFE0];
	v6 =	vmul.f32 v6, v10;
	v18 =	vpop (erf);
	(erf) = vpow2.f32 v4;
	v4 =	vadd.f32 v8, v12  }
0x98: {  	v10 =	vnsel vm1, $0x0, v13;
	v12 =	vnsel vm1, $0x0, v15;
	(erf) = vpow2.f32 v5;
	v5 =	vld [tilespmem:s20+$0xFFFFFFD0]  }
0x99: {  	[tilespmem:s23+$0xFFFFFFF0] =	vst v10;
	v8 =	vnsel vm1, $0x0, v18;
	(erf) = vpow2.f32 v9;
	v9 =	vmul.f32 $2.000000030e-01, v4  }
0x9a: {  	v7 =	vadd.f32 v11, v7;
	v11 =	vadd.f32 v16, v14;
	[tilespmem:s23+$0x10] =	vst v12;
	vm2 =	vgt.f32 v4, $0.0e+00  }
0x9b: {  	v10 =	vperm.xlane v10, v2;
	v14 =	vld [tilespmem:s10+$0xFFFFFFE0];
	[tilespmem:s23+$0xFFFFFFD0] =	vst v8;
	v8 =	vperm.xlane v8, v2;
	v4 =	vsel vm2, v4, v9  }
0x9c: {  	v15 =	vld [tilespmem:s10+$0x0];
	v16 =	vmul.f32 $2.000000030e-01, v7;
	vm3 =	vgt.f32 v11, $0.0e+00;
	v4 =	vsub.f32 v4, v3  }
0x9d: {  	v13 =	vld [tilespmem:s10+$0xFFFFFFC0];
	s10 =	simm.s32 $0x7C50;
	vm2 =	vgt.f32 v7, $0.0e+00;
	v9 =	vpop (erf);
	v5 =	vadd.f32 v17, v5;
	v17 =	vmul.f32 $2.000000030e-01, v11  }
0x9e: {  	s16 =	simm.s32 $0x7670;
	s19 =	simm.s32 $0x8550;
	v19 =	vld [tilespmem:s10+$0x30];
	v7 =	vsel vm2, v7, v16;
	v9 =	vnsel vm1, $0x0, v9;
	v4 =	vmul.f32 $1.442695020e+00, v4  }
0x9f: {  	v7 =	vsub.f32 v7, v3;
	[tilespmem:s19+$0x30] =	vst v9;
	v16 =	vmul.f32 $2.000000030e-01, v5;
	v11 =	vsel vm3, v11, v17;
	v17 =	vld [tilespmem:s16+$0x10]  }
0xa0: {  	vm4 =	vgt.f32 v5, $0.0e+00;
	v9 =	vperm.xlane v9, v2;
	v18 =	vld [tilespmem:s14+$0x20];
	(erf) = vpow2.f32 v4  }
0xa1: {  	v22 =	vld [tilespmem:s16+$0xFFFFFFF0];
	v7 =	vmul.f32 $1.442695020e+00, v7;
	v4 =	vsel vm4, v5, v16;
	v5 =	vsub.f32 v11, v3  }
0xa2: {  	v24 =	vld [tilespmem:s16+$0x0];
	v13 =	vmul.f32 v8, v13;
	v20 =	vpop (erf);
	v16 =	vperm.xlane v12, v2;
	v4 =	vsub.f32 v4, v3  }
0xa3: {  	v21 =	vpop (erf);
	v11 =	vld [tilespmem:s10+$0xFFFFFFF0];
	v20 =	vnsel vm1, $0x0, v20;
	(erf) = vpow2.f32 v7;
	v5 =	vmul.f32 $1.442695020e+00, v5  }
0xa4: {  	v25 =	vld [tilespmem:s16+$0xFFFFFFE0];
	v7 =	vperm.xlane v20, v2;
	v23 =	vmul.f32 $1.442695020e+00, v4  }
0xa5: {  	[tilespmem:s23+$0x20] =	vst v6;
	v12 =	vpop (erf);
	v6 =	vadd.f32 v17, v19;
	v9 =	vmul.f32 v9, v18;
	v18 =	vld [tilespmem:s10+$0x10];
	(erf) = vpow2.f32 v5  }
0xa6: {  	[tilespmem:s23+$0xFFFFFFC0] =	vst v13;
	v12 =	vnsel vm1, $0x0, v12;
	v17 =	vnsel vm1, $0x0, v21;
	v19 =	vld [tilespmem:s10+$0xFFFFFFD0];
	(erf) = vpow2.f32 v23  }
0xa7: {  	[tilespmem:s19+$0xFFFFFFF0] =	vst v20;
	v4 =	vperm.xlane v12, v2;
	v20 =	vmul.f32 $2.000000030e-01, v6  }
0xa8: {  	[tilespmem:s19+$0xFFFFFFD0] =	vst v12;
	v5 =	vperm.xlane v17, v2;
	v12 =	vadd.f32 v22, v11;
	vm2 =	vgt.f32 v6, $0.0e+00  }
0xa9: {  	[tilespmem:s19+$0x10] =	vst v17;
	v8 =	vld [tilespmem:s14+$0xFFFFFFC0];
	v11 =	vmul.f32 v16, v15;
	v6 =	vsel vm2, v6, v20;
	v20 =	vmul.f32 v10, v14;
	v17 =	vpop (erf)  }
0xaa: {  	s18 =	simm.s32 $0x85D0;
	[tilespmem:s19+$0x20] =	vst v9;
	v9 =	vld [tilespmem:s14+$0xFFFFFFE0];
	v63 =	vsub.f32 v6, v3;
	v14 =	vadd.f32 v24, v18;
	v10 =	vnsel vm1, $0x0, v17  }
0xab: {  	s4 =	simm.s32 $0x7CD0;
	vm3 =	vgt.f32 v12, $0.0e+00;
	v6 =	vld [tilespmem:s14+$0x0];
	v15 =	vadd.f32 v25, v19;
	s14 =	simm.s32 $0xC;
	v18 =	vmul.f32 $2.000000030e-01, v12;
	[tilespmem:s18+$0x30] =	vst v10  }
0xac: {  	[tilespmem:s23+$0xFFFFFFE0] =	vst v20;
	v17 =	vmul.f32 $1.442695020e+00, v63;
	v16 =	vmul.f32 $2.000000030e-01, v14;
	vm2 =	vgt.f32 v14, $0.0e+00;
	v13 =	vld [tilespmem:s20+$0x20]  }
.LBB2_5:
0xad: {  	v19 =	vld [tilespmem:s4+$0x30];
	vm4 =	vgt.f32 v15, $0.0e+00;
	v21 =	vmul.f32 $2.000000030e-01, v15;
	v12 =	vsel vm3, v12, v18;
	s16 =	sadd.s32 $0x40, s16;
	v18 =	vpop (erf);
	[tilespmem:s23+$0x0] =	vst v11;
	s23 =	smov.u32 s19;
	s19 =	smov.u32 s18  }
0xae: {  	s14 =	sadd.s32 $0x4, s14;
	v11 =	vld [tilespmem:s16+$0x10];
	v12 =	vsub.f32 v12, v3;
	v14 =	vsel vm2, v14, v16;
	(erf) = vpow2.f32 v17;
	v16 =	vpop (erf)  }
0xaf: {  	v10 =	vperm.xlane v10, v2;
	p1 =	slt.u32 s14, $0x4C;
	v17 =	vld [tilespmem:s16+$0xFFFFFFE0];
	v15 =	vsel vm4, v15, v21;
	v14 =	vsub.f32 v14, v3;
	v20 =	vpop (erf)  }
0xb0: {  	v22 =	vmovc v9;
	v21 =	vld [tilespmem:s4+$0xFFFFFFF0];
	v15 =	vsub.f32 v15, v3;
	v12 =	vmul.f32 $1.442695020e+00, v12;
	v20 =	vnsel vm1, $0x0, v20  }
0xb1: {  	v18 =	vnsel vm1, $0x0, v18;
	v9 =	vld [tilespmem:s16+$0xFFFFFFF0];
	v14 =	vmul.f32 $1.442695020e+00, v14;
	[tilespmem:s18+$0xFFFFFFD0] =	vst v20;
	v10 =	vmul.f32 v10, v13  }
0xb2: {  	v13 =	vld [tilespmem:s4+$0x10];
	v15 =	vmul.f32 $1.442695020e+00, v15;
	(erf) = vpow2.f32 v12;
	[tilespmem:s18+$0xFFFFFFF0] =	vst v18;
	v12 =	vnsel vm1, $0x0, v16  }
0xb3: {  	v16 =	vld [tilespmem:s16+$0x0];
	v11 =	vadd.f32 v11, v19;
	(erf) = vpow2.f32 v14;
	v14 =	vperm.xlane v20, v2;
	[tilespmem:s18+$0x20] =	vst v10  }
0xb4: {  	v19 =	vld [tilespmem:s4+$0xFFFFFFD0];
	(erf) = vpow2.f32 v15;
	v15 =	vperm.xlane v18, v2;
	[tilespmem:s18+$0x10] =	vst v12  }
0xb5: {  	v23 =	vperm.xlane v12, v2;
	v10 =	vmul.f32 $2.000000030e-01, v11;
	v20 =	vld [tilespmem:s20+$0xFFFFFFC0]  }
.Ltmp1:
0xb6: {  	v8 =	vmul.f32 v4, v8;
	vm2 =	vgt.f32 v11, $0.0e+00;
	v4 =	vmovc v14;
	v12 =	vadd.f32 v9, v21;
	v9 =	vld [tilespmem:s20+$0xFFFFFFE0];
	(pc) =	sbr.rel @p1 .LBB2_5-.Ltmp1, $4  }
0xb7: {  	v21 =	vmul.f32 v7, v22;
	v10 =	vsel vm2, v11, v10;
	v18 =	vpop (erf);
	v11 =	vmul.f32 v5, v6;
	v6 =	vld [tilespmem:s20+$0x0];
	s20 =	smov.u32 s10;
	s10 =	smov.u32 s4  }
0xb8: {  	s18 =	sadd.s32 $0x80, s18;
	v7 =	vmovc v15;
	v14 =	vadd.f32 v16, v13;
	v13 =	vsub.f32 v10, v3;
	v10 =	vnsel vm1, $0x0, v18;
	[tilespmem:s23+$0xFFFFFFC0] =	vst v8  }
0xb9: {  	v5 =	vmovc v23;
	vm3 =	vgt.f32 v12, $0.0e+00;
	v18 =	vmul.f32 $2.000000030e-01, v12;
	v15 =	vadd.f32 v17, v19;
	[tilespmem:s18+$0x30] =	vst v10  }
0xba: {  	s4 =	sadd.s32 $0x80, s4;
	vm2 =	vgt.f32 v14, $0.0e+00;
	v16 =	vmul.f32 $2.000000030e-01, v14;
	v17 =	vmul.f32 $1.442695020e+00, v13;
	v13 =	vld [tilespmem:s20+$0x20];
	[tilespmem:s23+$0xFFFFFFE0] =	vst v21;
	v8 =	vmovc v20  }
0xbb: {  	v19 =	vmul.f32 $2.000000030e-01, v15;
	v12 =	vsel vm3, v12, v18;
	vm3 =	vgt.f32 v15, $0.0e+00  }
0xbc: {  	v12 =	vsub.f32 v12, v3;
	v14 =	vsel vm2, v14, v16;
	(erf) = vpow2.f32 v17  }
0xbd: {  	v15 =	vsel vm3, v15, v19;
	v14 =	vsub.f32 v14, v3  }
0xbe: {  	v15 =	vsub.f32 v15, v3;
	v12 =	vmul.f32 $1.442695020e+00, v12  }
0xbf: {  	v14 =	vmul.f32 $1.442695020e+00, v14  }
0xc0: {  	v15 =	vmul.f32 $1.442695020e+00, v15  }
0xc1: {  	v10 =	vperm.xlane v10, v2;
	(erf) = vpow2.f32 v12  }
0xc2: {  	v4 =	vmul.f32 v4, v8;
	(erf) = vpow2.f32 v14;
	v12 =	vpop (erf)  }
0xc3: {  	[tilespmem:s23+$0x0] =	vst v11;
	v7 =	vmul.f32 v7, v9;
	(erf) = vpow2.f32 v15;
	v14 =	vpop (erf)  }
0xc4: {  	[tilespmem:s19+$0xFFFFFFC0] =	vst v4;
	v10 =	vmul.f32 v10, v13;
	v15 =	vpop (erf)  }
0xc5: {  	[tilespmem:s19+$0xFFFFFFE0] =	vst v7;
	v13 =	vpop (erf)  }
0xc6: {  	s4 =	sadd.s32 $0x80, s18;
	[tilespmem:s18+$0x20] =	vst v10;
	v10 =	vnsel vm1, $0x0, v13  }
0xc7: {  	v5 =	vmul.f32 v5, v6;
	v11 =	vnsel vm1, $0x0, v15;
	[tilespmem:s4+$0x30] =	vst v10  }
0xc8: {  	[tilespmem:s18+$0xFFFFFFD0] =	vst v11;
	v9 =	vld [tilespmem:s10+$0x20]  }
0xc9: {  	[tilespmem:s19+$0x0] =	vst v5;
	v13 =	vnsel vm1, $0x0, v14;
	v15 =	vld [tilespmem:s20+$0xFFFFFFC0]  }
0xca: {  	v12 =	vnsel vm1, $0x0, v12;
	[tilespmem:s18+$0x10] =	vst v13;
	v8 =	vpop (erf)  }
0xcb: {  	[tilespmem:s18+$0xFFFFFFF0] =	vst v12;
	v10 =	vperm.xlane v10, v2;
	v7 =	vld [tilespmem:s20+$0x0];
	v14 =	vpop (erf);
	v8 =	vnsel vm1, $0x0, v8  }
0xcc: {  	v16 =	vld [tilespmem:s20+$0xFFFFFFE0];
	v11 =	vperm.xlane v11, v2;
	v4 =	vpop (erf);
	[tilespmem:s4+$0xFFFFFFF0] =	vst v8;
	v6 =	vnsel vm1, $0x0, v14  }
0xcd: {  	v4 =	vnsel vm1, $0x0, v4;
	[tilespmem:s4+$0x10] =	vst v6;
	v9 =	vmul.f32 v10, v9;
	v10 =	vld [tilespmem:s10+$0xFFFFFFE0]  }
0xce: {  	v13 =	vperm.xlane v13, v2;
	v5 =	vmul.f32 v11, v15;
	[tilespmem:s4+$0xFFFFFFD0] =	vst v4;
	v11 =	vld [tilespmem:s10+$0x0]  }
0xcf: {  	v12 =	vperm.xlane v12, v2;
	v14 =	vld [tilespmem:s10+$0xFFFFFFC0]  }
0xd0: {  	v8 =	vperm.xlane v8, v2;
	v7 =	vmul.f32 v13, v7;
	[tilespmem:s18+$0xFFFFFFC0] =	vst v5  }
0xd1: {  	v5 =	vperm.xlane v6, v2;
	[tilespmem:s4+$0x20] =	vst v9;
	v9 =	vmul.f32 v12, v16  }
0xd2: {  	v4 =	vperm.xlane v4, v2;
	[tilespmem:s18+$0x0] =	vst v7;
	v6 =	vmul.f32 v8, v10  }
0xd3: {  	s23 =	smul.u32 $0x280, s17;
	[tilespmem:s18+$0xFFFFFFE0] =	vst v9;
	v5 =	vmul.f32 v5, v11  }
0xd4: {  	v4 =	vmul.f32 v4, v14;
	[tilespmem:s4+$0xFFFFFFE0] =	vst v6  }
0xd5: {  	s20 =	sshra.s32 s23, $0x2;
	[tilespmem:s4+$0x0] =	vst v5  }
0xd6: {  	s14 =	smul.u32 $0x140, s22;
	s10 =	sadd.s32 $0x4E30, s20;
	[tilespmem:s4+$0xFFFFFFC0] =	vst v4  }
0xd7: {  	[spmem:s3] =	stream.indirect.scatter.add.f32 [tilespmem:s26], [sflag:$0x3], $0x20, s10, s1, $0xb8;
	[tilespmem:$0xA7E0] =	vst v63  }
0xd8: {  	_ =	swait.ge [sflag:s31], $0x50  }
0xd9: {  	s4 =	sshra.s32 s14, $0x2;
	[sflag:s31] =	ssyncset.done $0x0  }
0xda: {  	s4 =	sadd.s32 $0x4E30, s4;
	[sflag:s31] =	ssyncadd.s32 $0xFFFFFFB0  }
0xdb: {  	[tilespmem:s28], [sflag:$0x2] =	stream.indirect.gather [hbm4b:s2+s1], $0x10, s4, s1, $0xb8;
	[tilespmem:$0xA7E0] =	vst v63  }
0xdc: {  	_ = 	snop  }
0xdd: {  	[tilespmem:s0], [sflag:$0x2] =	stream.indirect.gather [hbm4b:s6+s1], $0x20, s29, s1, $0xb8;
	[tilespmem:$0xA7E0] =	vst v63  }
0xde: {  	s21 =	sadd.s32 $0x3, s21;
	p1 =	seq.s32 s17, $0x3D;
	_ =	swait.ge [sflag:s12], $0x500  }
0xdf: {  	s4 =	smul.u32 @!p1 $0x50, s21;
	[sflag:s12] =	ssyncset.done $0x0  }
0xe0: {  	p2 =	seq.s32 @!p1 s17, $0x0;
	[sflag:s12] =	ssyncadd.s32 $0xFFFFFB00  }
0xe1: {  	p2 =	por p1, !p2;
	s4 =	sadd.s32 @!p1 s8, s4;
	_ =	swait.ge [sflag:s12], $0xA00  }
0xe2: {  	s14 =	simm.s32 @!p1 $0x8E90;
	s4 =	sshrl.u32 @!p1 s4, $0x3;
	[sflag:s12] =	ssyncset.done $0x0  }
0xe3: {  	s10 =	simm.s32 @!p1 $0x0;
	s4 =	sadd.s32 @!p1 s5, s4;
	[sflag:s12] =	ssyncadd.s32 $0xFFFFF600  }
0xe4: {  	[tilespmem:s14], [sflag:$0x4] =	stream.linear.gather @!p1 [hbm4b:s4+s10], $0x50, $0x38;
	[tilespmem:$0xA7E0] =	vst v63  }
0xe5: {  	_ =	swait.ge @p2 [sflag:s15], $0xA00  }
0xe6: {  	[sflag:s15] =	ssyncset.done @p2 $0x0  }
0xe7: {  	s10 =	simm.s32 $0x9420;
	[sflag:s15] =	ssyncadd.s32 @p2 $0xFFFFF600  }
0xe8: {  	s16 =	simm.s32 $0x8F00;
	v4 =	vld [tilespmem:s10+$0x30]  }
0xe9: {  	v5 =	vld [tilespmem:s16+$0x10];
	_ =	sdelay $0x3  }
0xea: {  	v7 =	vld [tilespmem:s16+$0xFFFFFFF0]  }
0xeb: {  	v9 =	vld [tilespmem:s10+$0x10];
	v4 =	vadd.f32 v5, v4  }
0xec: {  	v10 =	vld [tilespmem:s16+$0x0]  }
0xed: {  	v5 =	vld [tilespmem:s10+$0xFFFFFFF0];
	v8 =	vmul.f32 $2.000000030e-01, v4  }
0xee: {  	v6 =	vld [tilespmem:s16+$0xFFFFFFE0];
	vm2 =	vgt.f32 v4, $0.0e+00  }
0xef: {  	v4 =	vsel vm2, v4, v8;
	v8 =	vld [tilespmem:s10+$0xFFFFFFD0]  }
0xf0: {  	v4 =	vsub.f32 v4, v3  }
0xf1: {  	s18 =	simm.s32 $0x8F40  }
0xf2: {  	s14 =	simm.s32 $0x94A0;
	v9 =	vadd.f32 v10, v9;
	v10 =	vld [tilespmem:s18+$0x10];
	v5 =	vadd.f32 v7, v5;
	v4 =	vmul.f32 $1.442695020e+00, v4  }
0xf3: {  	v7 =	vld [tilespmem:s14+$0x30]  }
0xf4: {  	v11 =	vld [tilespmem:s18+$0xFFFFFFE0];
	(erf) = vpow2.f32 v4;
	v4 =	vadd.f32 v6, v8;
	v6 =	vmul.f32 $2.000000030e-01, v5  }
0xf5: {  	v13 =	vld [tilespmem:s14+$0xFFFFFFD0];
	vm2 =	vgt.f32 v5, $0.0e+00;
	v8 =	vmul.f32 $2.000000030e-01, v9  }
0xf6: {  	vm3 =	vgt.f32 v9, $0.0e+00;
	v12 =	vmul.f32 $2.000000030e-01, v4;
	v5 =	vsel vm2, v5, v6;
	v6 =	vld [tilespmem:s14+$0xFFFFFFF0]  }
0xf7: {  	vm2 =	vgt.f32 v4, $0.0e+00;
	v8 =	vsel vm3, v9, v8;
	v9 =	vld [tilespmem:s18+$0xFFFFFFF0];
	v5 =	vsub.f32 v5, v3  }
0xf8: {  	v7 =	vadd.f32 v10, v7;
	v10 =	vld [tilespmem:s18+$0x0];
	v8 =	vsub.f32 v8, v3;
	v4 =	vsel vm2, v4, v12  }
0xf9: {  	v12 =	vld [tilespmem:s14+$0x10];
	v4 =	vsub.f32 v4, v3;
	v5 =	vmul.f32 $1.442695020e+00, v5  }
0xfa: {  	v14 =	vmul.f32 $2.000000030e-01, v7;
	v8 =	vmul.f32 $1.442695020e+00, v8  }
0xfb: {  	vm2 =	vgt.f32 v7, $0.0e+00;
	v4 =	vmul.f32 $1.442695020e+00, v4;
	(erf) = vpow2.f32 v5  }
0xfc: {  	v5 =	vadd.f32 v9, v6;
	v6 =	vsel vm2, v7, v14;
	(erf) = vpow2.f32 v8  }
0xfd: {  	s19 =	simm.s32 $0x8F80;
	v9 =	vadd.f32 v11, v13;
	v7 =	vpop (erf);
	(erf) = vpow2.f32 v4;
	v4 =	vsub.f32 v6, v3  }
0xfe: {  	s22 =	simm.s32 $0x9520;
	v16 =	vld [tilespmem:s19+$0x0];
	v8 =	vmul.f32 $2.000000030e-01, v5;
	v6 =	vnsel vm1, $0x0, v7;
	v7 =	vadd.f32 v10, v12  }
0xff: {  	s23 =	simm.s32 $0x9E20;
	vm2 =	vgt.f32 v5, $0.0e+00;
	v13 =	vmul.f32 $2.000000030e-01, v9;
	v12 =	vld [tilespmem:s22+$0x30];
	v4 =	vmul.f32 $1.442695020e+00, v4  }
0x100: {  	[tilespmem:s23+$0x30] =	vst v6;
	v5 =	vsel vm2, v5, v8;
	v8 =	vld [tilespmem:s19+$0x10];
	vm2 =	vgt.f32 v9, $0.0e+00;
	v11 =	vmul.f32 $2.000000030e-01, v7  }
0x101: {  	v10 =	vld [tilespmem:s10+$0x20];
	vm3 =	vgt.f32 v7, $0.0e+00;
	v9 =	vsel vm2, v9, v13  }
0x102: {  	v14 =	vld [tilespmem:s22+$0x10];
	(erf) = vpow2.f32 v4;
	v4 =	vsub.f32 v5, v3;
	v5 =	vsel vm3, v7, v11  }
0x103: {  	v9 =	vsub.f32 v9, v3;
	v7 =	vld [tilespmem:s22+$0xFFFFFFF0];
	v5 =	vsub.f32 v5, v3  }
0x104: {  	v6 =	vperm.xlane v6, v2;
	v11 =	vld [tilespmem:s19+$0xFFFFFFF0];
	v4 =	vmul.f32 $1.442695020e+00, v4;
	v13 =	vpop (erf)  }
0x105: {  	v9 =	vmul.f32 $1.442695020e+00, v9;
	v15 =	vpop (erf);
	v5 =	vmul.f32 $1.442695020e+00, v5  }
0x106: {  	v17 =	vld [tilespmem:s19+$0xFFFFFFE0];
	v6 =	vmul.f32 v6, v10;
	v18 =	vpop (erf);
	(erf) = vpow2.f32 v4;
	v4 =	vadd.f32 v8, v12  }
0x107: {  	v10 =	vnsel vm1, $0x0, v13;
	v12 =	vnsel vm1, $0x0, v15;
	(erf) = vpow2.f32 v5;
	v5 =	vld [tilespmem:s22+$0xFFFFFFD0]  }
0x108: {  	[tilespmem:s23+$0xFFFFFFF0] =	vst v10;
	v8 =	vnsel vm1, $0x0, v18;
	(erf) = vpow2.f32 v9;
	v9 =	vmul.f32 $2.000000030e-01, v4  }
0x109: {  	v7 =	vadd.f32 v11, v7;
	v11 =	vadd.f32 v16, v14;
	[tilespmem:s23+$0x10] =	vst v12;
	vm2 =	vgt.f32 v4, $0.0e+00  }
0x10a: {  	v10 =	vperm.xlane v10, v2;
	v14 =	vld [tilespmem:s10+$0xFFFFFFE0];
	[tilespmem:s23+$0xFFFFFFD0] =	vst v8;
	v8 =	vperm.xlane v8, v2;
	v4 =	vsel vm2, v4, v9  }
0x10b: {  	v15 =	vld [tilespmem:s10+$0x0];
	v16 =	vmul.f32 $2.000000030e-01, v7;
	vm3 =	vgt.f32 v11, $0.0e+00;
	v4 =	vsub.f32 v4, v3  }
0x10c: {  	v13 =	vld [tilespmem:s10+$0xFFFFFFC0];
	s10 =	simm.s32 $0x95A0;
	vm2 =	vgt.f32 v7, $0.0e+00;
	v9 =	vpop (erf);
	v5 =	vadd.f32 v17, v5;
	v17 =	vmul.f32 $2.000000030e-01, v11  }
0x10d: {  	s16 =	simm.s32 $0x8FC0;
	s19 =	simm.s32 $0x9EA0;
	v19 =	vld [tilespmem:s10+$0x30];
	v7 =	vsel vm2, v7, v16;
	v9 =	vnsel vm1, $0x0, v9;
	v4 =	vmul.f32 $1.442695020e+00, v4  }
0x10e: {  	v7 =	vsub.f32 v7, v3;
	[tilespmem:s19+$0x30] =	vst v9;
	v16 =	vmul.f32 $2.000000030e-01, v5;
	v11 =	vsel vm3, v11, v17;
	v17 =	vld [tilespmem:s16+$0x10]  }
0x10f: {  	vm4 =	vgt.f32 v5, $0.0e+00;
	v9 =	vperm.xlane v9, v2;
	v18 =	vld [tilespmem:s14+$0x20];
	(erf) = vpow2.f32 v4  }
0x110: {  	v22 =	vld [tilespmem:s16+$0xFFFFFFF0];
	v7 =	vmul.f32 $1.442695020e+00, v7;
	v4 =	vsel vm4, v5, v16;
	v5 =	vsub.f32 v11, v3  }
0x111: {  	v24 =	vld [tilespmem:s16+$0x0];
	v13 =	vmul.f32 v8, v13;
	v20 =	vpop (erf);
	v16 =	vperm.xlane v12, v2;
	v4 =	vsub.f32 v4, v3  }
0x112: {  	v21 =	vpop (erf);
	v11 =	vld [tilespmem:s10+$0xFFFFFFF0];
	v20 =	vnsel vm1, $0x0, v20;
	(erf) = vpow2.f32 v7;
	v5 =	vmul.f32 $1.442695020e+00, v5  }
0x113: {  	v25 =	vld [tilespmem:s16+$0xFFFFFFE0];
	v7 =	vperm.xlane v20, v2;
	v23 =	vmul.f32 $1.442695020e+00, v4  }
0x114: {  	[tilespmem:s23+$0x20] =	vst v6;
	v12 =	vpop (erf);
	v6 =	vadd.f32 v17, v19;
	v9 =	vmul.f32 v9, v18;
	v18 =	vld [tilespmem:s10+$0x10];
	(erf) = vpow2.f32 v5  }
0x115: {  	[tilespmem:s23+$0xFFFFFFC0] =	vst v13;
	v12 =	vnsel vm1, $0x0, v12;
	v17 =	vnsel vm1, $0x0, v21;
	v19 =	vld [tilespmem:s10+$0xFFFFFFD0];
	(erf) = vpow2.f32 v23  }
0x116: {  	[tilespmem:s19+$0xFFFFFFF0] =	vst v20;
	v4 =	vperm.xlane v12, v2;
	v20 =	vmul.f32 $2.000000030e-01, v6  }
0x117: {  	[tilespmem:s19+$0xFFFFFFD0] =	vst v12;
	v5 =	vperm.xlane v17, v2;
	v12 =	vadd.f32 v22, v11;
	vm2 =	vgt.f32 v6, $0.0e+00  }
0x118: {  	[tilespmem:s19+$0x10] =	vst v17;
	v8 =	vld [tilespmem:s14+$0xFFFFFFC0];
	v11 =	vmul.f32 v16, v15;
	v6 =	vsel vm2, v6, v20;
	v20 =	vmul.f32 v10, v14;
	v17 =	vpop (erf)  }
0x119: {  	s18 =	simm.s32 $0x9F20;
	[tilespmem:s19+$0x20] =	vst v9;
	v9 =	vld [tilespmem:s14+$0xFFFFFFE0];
	v63 =	vsub.f32 v6, v3;
	v14 =	vadd.f32 v24, v18;
	v10 =	vnsel vm1, $0x0, v17  }
0x11a: {  	s4 =	simm.s32 $0x9620;
	vm3 =	vgt.f32 v12, $0.0e+00;
	v6 =	vld [tilespmem:s14+$0x0];
	v15 =	vadd.f32 v25, v19;
	s14 =	simm.s32 $0xC;
	v18 =	vmul.f32 $2.000000030e-01, v12;
	[tilespmem:s18+$0x30] =	vst v10  }
0x11b: {  	[tilespmem:s23+$0xFFFFFFE0] =	vst v20;
	v17 =	vmul.f32 $1.442695020e+00, v63;
	v16 =	vmul.f32 $2.000000030e-01, v14;
	vm2 =	vgt.f32 v14, $0.0e+00;
	v13 =	vld [tilespmem:s22+$0x20]  }
.LBB2_7:
0x11c: {  	v19 =	vld [tilespmem:s4+$0x30];
	vm4 =	vgt.f32 v15, $0.0e+00;
	v21 =	vmul.f32 $2.000000030e-01, v15;
	v12 =	vsel vm3, v12, v18;
	s16 =	sadd.s32 $0x40, s16;
	v18 =	vpop (erf);
	[tilespmem:s23+$0x0] =	vst v11;
	s23 =	smov.u32 s19;
	s19 =	smov.u32 s18  }
0x11d: {  	s14 =	sadd.s32 $0x4, s14;
	v11 =	vld [tilespmem:s16+$0x10];
	v12 =	vsub.f32 v12, v3;
	v14 =	vsel vm2, v14, v16;
	(erf) = vpow2.f32 v17;
	v16 =	vpop (erf)  }
0x11e: {  	v10 =	vperm.xlane v10, v2;
	p2 =	slt.u32 s14, $0x4C;
	v17 =	vld [tilespmem:s16+$0xFFFFFFE0];
	v15 =	vsel vm4, v15, v21;
	v14 =	vsub.f32 v14, v3;
	v20 =	vpop (erf)  }
0x11f: {  	v22 =	vmovc v9;
	v21 =	vld [tilespmem:s4+$0xFFFFFFF0];
	v15 =	vsub.f32 v15, v3;
	v12 =	vmul.f32 $1.442695020e+00, v12;
	v20 =	vnsel vm1, $0x0, v20  }
0x120: {  	v18 =	vnsel vm1, $0x0, v18;
	v9 =	vld [tilespmem:s16+$0xFFFFFFF0];
	v14 =	vmul.f32 $1.442695020e+00, v14;
	[tilespmem:s18+$0xFFFFFFD0] =	vst v20;
	v10 =	vmul.f32 v10, v13  }
0x121: {  	v13 =	vld [tilespmem:s4+$0x10];
	v15 =	vmul.f32 $1.442695020e+00, v15;
	(erf) = vpow2.f32 v12;
	[tilespmem:s18+$0xFFFFFFF0] =	vst v18;
	v12 =	vnsel vm1, $0x0, v16  }
0x122: {  	v16 =	vld [tilespmem:s16+$0x0];
	v11 =	vadd.f32 v11, v19;
	(erf) = vpow2.f32 v14;
	v14 =	vperm.xlane v20, v2;
	[tilespmem:s18+$0x20] =	vst v10  }
0x123: {  	v19 =	vld [tilespmem:s4+$0xFFFFFFD0];
	(erf) = vpow2.f32 v15;
	v15 =	vperm.xlane v18, v2;
	[tilespmem:s18+$0x10] =	vst v12  }
0x124: {  	v23 =	vperm.xlane v12, v2;
	v10 =	vmul.f32 $2.000000030e-01, v11;
	v20 =	vld [tilespmem:s22+$0xFFFFFFC0]  }
.Ltmp2:
0x125: {  	v8 =	vmul.f32 v4, v8;
	vm2 =	vgt.f32 v11, $0.0e+00;
	v4 =	vmovc v14;
	v12 =	vadd.f32 v9, v21;
	v9 =	vld [tilespmem:s22+$0xFFFFFFE0];
	(pc) =	sbr.rel @p2 .LBB2_7-.Ltmp2, $4  }
0x126: {  	v21 =	vmul.f32 v7, v22;
	v10 =	vsel vm2, v11, v10;
	v18 =	vpop (erf);
	v11 =	vmul.f32 v5, v6;
	v6 =	vld [tilespmem:s22+$0x0];
	s22 =	smov.u32 s10;
	s10 =	smov.u32 s4  }
0x127: {  	s18 =	sadd.s32 $0x80, s18;
	v7 =	vmovc v15;
	v14 =	vadd.f32 v16, v13;
	v13 =	vsub.f32 v10, v3;
	v10 =	vnsel vm1, $0x0, v18;
	[tilespmem:s23+$0xFFFFFFC0] =	vst v8  }
0x128: {  	v5 =	vmovc v23;
	vm3 =	vgt.f32 v12, $0.0e+00;
	v18 =	vmul.f32 $2.000000030e-01, v12;
	v15 =	vadd.f32 v17, v19;
	[tilespmem:s18+$0x30] =	vst v10  }
0x129: {  	s4 =	sadd.s32 $0x80, s4;
	vm2 =	vgt.f32 v14, $0.0e+00;
	v16 =	vmul.f32 $2.000000030e-01, v14;
	v17 =	vmul.f32 $1.442695020e+00, v13;
	v13 =	vld [tilespmem:s22+$0x20];
	[tilespmem:s23+$0xFFFFFFE0] =	vst v21;
	v8 =	vmovc v20  }
0x12a: {  	v19 =	vmul.f32 $2.000000030e-01, v15;
	v12 =	vsel vm3, v12, v18  }
0x12b: {  	vm3 =	vgt.f32 v15, $0.0e+00;
	v12 =	vsub.f32 v12, v3;
	v14 =	vsel vm2, v14, v16  }
0x12c: {  	v15 =	vsel vm3, v15, v19;
	v14 =	vsub.f32 v14, v3  }
0x12d: {  	v15 =	vsub.f32 v15, v3;
	v12 =	vmul.f32 $1.442695020e+00, v12  }
0x12e: {  	(erf) = vpow2.f32 v17;
	v14 =	vmul.f32 $1.442695020e+00, v14  }
0x12f: {  	v15 =	vmul.f32 $1.442695020e+00, v15;
	(erf) = vpow2.f32 v12  }
0x130: {  	(erf) = vpow2.f32 v14  }
0x131: {  	v45 =	vpop (erf);
	v4 =	vmul.f32 v4, v8;
	(erf) = vpow2.f32 v15  }
0x132: {  	[tilespmem:s23+$0x0] =	vst v11;
	v7 =	vmul.f32 v7, v9  }
0x133: {  	v46 =	vpop (erf);
	[tilespmem:s19+$0xFFFFFFC0] =	vst v4  }
0x134: {  	v5 =	vmul.f32 v5, v6;
	v51 =	vnsel vm1, $0x0, v46;
	[tilespmem:s19+$0xFFFFFFE0] =	vst v7  }
0x135: {  	v47 =	vpop (erf);
	[tilespmem:s18+$0x10] =	vst v51  }
0x136: {  	v48 =	vnsel vm1, $0x0, v47;
	[tilespmem:s19+$0x0] =	vst v5  }
0x137: {  	[tilespmem:s18+$0xFFFFFFD0] =	vst v48;
	v57 =	vld [tilespmem:s22+$0x0];
	v12 =	vnsel vm1, $0x0, v45;
	v49 =	vpop (erf)  }
0x138: {  	v10 =	vperm.xlane v10, v2;
	s4 =	sadd.s32 $0x80, s18;
	v55 =	vld [tilespmem:s22+$0xFFFFFFC0];
	[tilespmem:s18+$0xFFFFFFF0] =	vst v12;
	v50 =	vnsel vm1, $0x0, v49;
	v52 =	vpop (erf)  }
0x139: {  	v56 =	vld [tilespmem:s22+$0xFFFFFFE0];
	[tilespmem:s4+$0x30] =	vst v50;
	v54 =	vpop (erf);
	v8 =	vnsel vm1, $0x0, v52  }
0x13a: {  	v10 =	vmul.f32 v10, v13;
	v13 =	vperm.xlane v51, v2;
	v53 =	vld [tilespmem:s10+$0x20];
	v4 =	vpop (erf);
	[tilespmem:s4+$0xFFFFFFF0] =	vst v8;
	v58 =	vnsel vm1, $0x0, v54  }
0x13b: {  	v11 =	vperm.xlane v48, v2;
	v4 =	vnsel vm1, $0x0, v4;
	[tilespmem:s4+$0x10] =	vst v58;
	v60 =	vld [tilespmem:s10+$0xFFFFFFE0]  }
0x13c: {  	v12 =	vperm.xlane v12, v2;
	v7 =	vmul.f32 v13, v57;
	[tilespmem:s4+$0xFFFFFFD0] =	vst v4;
	v61 =	vld [tilespmem:s10+$0x0]  }
0x13d: {  	[tilespmem:s18+$0x20] =	vst v10;
	v5 =	vmul.f32 v11, v55;
	v10 =	vperm.xlane v50, v2;
	v59 =	vld [tilespmem:s10+$0xFFFFFFC0]  }
0x13e: {  	[tilespmem:s18+$0x0] =	vst v7;
	v62 =	vmul.f32 v12, v56;
	v8 =	vperm.xlane v8, v2  }
0x13f: {  	[tilespmem:s18+$0xFFFFFFC0] =	vst v5;
	v5 =	vperm.xlane v58, v2;
	v9 =	vmul.f32 v10, v53  }
0x140: {  	[tilespmem:s18+$0xFFFFFFE0] =	vst v62;
	v4 =	vperm.xlane v4, v2;
	v63 =	vmul.f32 v8, v60  }
.Ltmp3:
0x141: {  	[tilespmem:s4+$0x20] =	vst v9;
	v5 =	vmul.f32 v5, v61;
	(pc) =	sbr.rel @p1 .LBB2_10-.Ltmp3, $4  }
0x142: {  	v4 =	vmul.f32 v4, v59;
	[tilespmem:s4+$0xFFFFFFE0] =	vst v63  }
0x143: {  	[tilespmem:s4+$0x0] =	vst v5  }
0x144: {  	s23 =	sadd.s32 $0x4E80, s20;
	[tilespmem:s4+$0xFFFFFFC0] =	vst v4  }
0x145: {  	[spmem:s3] =	stream.indirect.scatter.add.f32 [tilespmem:s13], [sflag:$0x6], $0x20, s23, s1, $0xb8;
	[tilespmem:$0xA7E0] =	vst v63  }
0x146: {  	s4 =	smul.u32 $0x140, s21  }
0x147: {  	_ =	swait.ge [sflag:s7], $0x50  }
.Ltmp4:
0x148: {  	[sflag:s7] =	ssyncset.done $0x0;
	s4 =	sshra.s32 s4, $0x2;
	(pc) =	sbr.rel .LBB2_4-.Ltmp4, $4  }
0x149: {  	[sflag:s7] =	ssyncadd.s32 $0xFFFFFFB0;
	s4 =	sadd.s32 $0x4E30, s4  }
0x14a: {  	[tilespmem:s9], [sflag:$0x5] =	stream.indirect.gather [hbm4b:s2+s1], $0x10, s4, s1, $0xb8;
	[tilespmem:$0xA7E0] =	vst v63  }
0x14b: {  	s17 =	sadd.s32 $0x1, s17  }
0x14c: {  	[tilespmem:s24], [sflag:$0x5] =	stream.indirect.gather [hbm4b:s6+s1], $0x20, s30, s1, $0xb8;
	[tilespmem:$0xA7E0] =	vst v63  }
.LBB2_10:
0x14d: {  	_ =	swait.ge [sflag:s11], $0x500  }
0x14e: {  	[sflag:s11] =	ssyncset.done $0x0  }
0x14f: {  	[sflag:s11] =	ssyncadd.s32 $0xFFFFFB00  }
0x150: {  	_ =	swait.ge [sflag:s11], $0xA00  }
0x151: {  	[sflag:s11] =	ssyncset.done $0x0  }
0x152: {  	s21 =	simm.s32 $0x3;
	[sflag:s11] =	ssyncadd.s32 $0xFFFFF600  }
0x153: {  	_ =	swait.ge [sflag:s21], $0xA00  }
0x154: {  	[sflag:s21] =	ssyncset.done $0x0  }
0x155: {  	s10 =	simm.s32 $0x7AD0;
	[sflag:s21] =	ssyncadd.s32 $0xFFFFF600  }
0x156: {  	s4 =	simm.s32 $0x75B0;
	v4 =	vld [tilespmem:s10+$0x30]  }
0x157: {  	v5 =	vld [tilespmem:s4+$0x10];
	_ =	sdelay $0x3  }
0x158: {  	v7 =	vld [tilespmem:s4+$0xFFFFFFF0]  }
0x159: {  	v9 =	vld [tilespmem:s10+$0x10];
	v4 =	vadd.f32 v5, v4  }
0x15a: {  	v10 =	vld [tilespmem:s4+$0x0]  }
0x15b: {  	v5 =	vld [tilespmem:s10+$0xFFFFFFF0];
	v8 =	vmul.f32 $2.000000030e-01, v4  }
0x15c: {  	v6 =	vld [tilespmem:s4+$0xFFFFFFE0];
	vm2 =	vgt.f32 v4, $0.0e+00  }
0x15d: {  	v4 =	vsel vm2, v4, v8;
	v8 =	vld [tilespmem:s10+$0xFFFFFFD0]  }
0x15e: {  	v4 =	vsub.f32 v4, v3  }
0x15f: {  	s22 =	simm.s32 $0x75F0  }
0x160: {  	s14 =	simm.s32 $0x7B50;
	v9 =	vadd.f32 v10, v9;
	v10 =	vld [tilespmem:s22+$0x10];
	v5 =	vadd.f32 v7, v5;
	v4 =	vmul.f32 $1.442695020e+00, v4  }
0x161: {  	v7 =	vld [tilespmem:s14+$0x30]  }
0x162: {  	v11 =	vld [tilespmem:s22+$0xFFFFFFE0];
	(erf) = vpow2.f32 v4;
	v4 =	vadd.f32 v6, v8;
	v6 =	vmul.f32 $2.000000030e-01, v5  }
0x163: {  	v13 =	vld [tilespmem:s14+$0xFFFFFFD0];
	vm2 =	vgt.f32 v5, $0.0e+00;
	v8 =	vmul.f32 $2.000000030e-01, v9  }
0x164: {  	vm3 =	vgt.f32 v9, $0.0e+00;
	v12 =	vmul.f32 $2.000000030e-01, v4;
	v5 =	vsel vm2, v5, v6;
	v6 =	vld [tilespmem:s14+$0xFFFFFFF0]  }
0x165: {  	vm2 =	vgt.f32 v4, $0.0e+00;
	v8 =	vsel vm3, v9, v8;
	v9 =	vld [tilespmem:s22+$0xFFFFFFF0];
	v5 =	vsub.f32 v5, v3  }
0x166: {  	v7 =	vadd.f32 v10, v7;
	v10 =	vld [tilespmem:s22+$0x0];
	v8 =	vsub.f32 v8, v3;
	v4 =	vsel vm2, v4, v12  }
0x167: {  	v12 =	vld [tilespmem:s14+$0x10];
	v4 =	vsub.f32 v4, v3;
	v5 =	vmul.f32 $1.442695020e+00, v5  }
0x168: {  	v14 =	vmul.f32 $2.000000030e-01, v7;
	v8 =	vmul.f32 $1.442695020e+00, v8  }
0x169: {  	vm2 =	vgt.f32 v7, $0.0e+00;
	v4 =	vmul.f32 $1.442695020e+00, v4;
	(erf) = vpow2.f32 v5  }
0x16a: {  	v5 =	vadd.f32 v9, v6;
	v6 =	vsel vm2, v7, v14;
	(erf) = vpow2.f32 v8  }
0x16b: {  	s23 =	simm.s32 $0x7630;
	v9 =	vadd.f32 v11, v13;
	v7 =	vpop (erf);
	(erf) = vpow2.f32 v4;
	v4 =	vsub.f32 v6, v3  }
0x16c: {  	s17 =	simm.s32 $0x7BD0;
	v16 =	vld [tilespmem:s23+$0x0];
	v8 =	vmul.f32 $2.000000030e-01, v5;
	v6 =	vnsel vm1, $0x0, v7;
	v7 =	vadd.f32 v10, v12  }
0x16d: {  	s20 =	simm.s32 $0x84D0;
	vm2 =	vgt.f32 v5, $0.0e+00;
	v13 =	vmul.f32 $2.000000030e-01, v9;
	v12 =	vld [tilespmem:s17+$0x30];
	v4 =	vmul.f32 $1.442695020e+00, v4  }
0x16e: {  	[tilespmem:s20+$0x30] =	vst v6;
	v5 =	vsel vm2, v5, v8;
	v8 =	vld [tilespmem:s23+$0x10];
	vm2 =	vgt.f32 v9, $0.0e+00;
	v11 =	vmul.f32 $2.000000030e-01, v7  }
0x16f: {  	v10 =	vld [tilespmem:s10+$0x20];
	vm3 =	vgt.f32 v7, $0.0e+00;
	v9 =	vsel vm2, v9, v13  }
0x170: {  	v14 =	vld [tilespmem:s17+$0x10];
	(erf) = vpow2.f32 v4;
	v4 =	vsub.f32 v5, v3;
	v5 =	vsel vm3, v7, v11  }
0x171: {  	v9 =	vsub.f32 v9, v3;
	v7 =	vld [tilespmem:s17+$0xFFFFFFF0];
	v5 =	vsub.f32 v5, v3  }
0x172: {  	v6 =	vperm.xlane v6, v2;
	v11 =	vld [tilespmem:s23+$0xFFFFFFF0];
	v4 =	vmul.f32 $1.442695020e+00, v4;
	v13 =	vpop (erf)  }
0x173: {  	v9 =	vmul.f32 $1.442695020e+00, v9;
	v15 =	vpop (erf);
	v5 =	vmul.f32 $1.442695020e+00, v5  }
0x174: {  	v17 =	vld [tilespmem:s23+$0xFFFFFFE0];
	v6 =	vmul.f32 v6, v10;
	v18 =	vpop (erf);
	(erf) = vpow2.f32 v4;
	v4 =	vadd.f32 v8, v12  }
0x175: {  	v10 =	vnsel vm1, $0x0, v13;
	v12 =	vnsel vm1, $0x0, v15;
	(erf) = vpow2.f32 v5;
	v5 =	vld [tilespmem:s17+$0xFFFFFFD0]  }
0x176: {  	[tilespmem:s20+$0xFFFFFFF0] =	vst v10;
	v8 =	vnsel vm1, $0x0, v18;
	(erf) = vpow2.f32 v9;
	v9 =	vmul.f32 $2.000000030e-01, v4  }
0x177: {  	v7 =	vadd.f32 v11, v7;
	v11 =	vadd.f32 v16, v14;
	[tilespmem:s20+$0x10] =	vst v12;
	vm2 =	vgt.f32 v4, $0.0e+00  }
0x178: {  	v10 =	vperm.xlane v10, v2;
	v14 =	vld [tilespmem:s10+$0xFFFFFFE0];
	[tilespmem:s20+$0xFFFFFFD0] =	vst v8;
	v8 =	vperm.xlane v8, v2;
	v4 =	vsel vm2, v4, v9  }
0x179: {  	v15 =	vld [tilespmem:s10+$0x0];
	v16 =	vmul.f32 $2.000000030e-01, v7;
	vm3 =	vgt.f32 v11, $0.0e+00;
	v4 =	vsub.f32 v4, v3  }
0x17a: {  	v13 =	vld [tilespmem:s10+$0xFFFFFFC0];
	s10 =	simm.s32 $0x7C50;
	vm2 =	vgt.f32 v7, $0.0e+00;
	v9 =	vpop (erf);
	v5 =	vadd.f32 v17, v5;
	v17 =	vmul.f32 $2.000000030e-01, v11  }
0x17b: {  	s19 =	simm.s32 $0x8550;
	s16 =	simm.s32 $0x7670;
	v19 =	vld [tilespmem:s10+$0x30];
	v7 =	vsel vm2, v7, v16;
	v9 =	vnsel vm1, $0x0, v9;
	v4 =	vmul.f32 $1.442695020e+00, v4  }
0x17c: {  	v7 =	vsub.f32 v7, v3;
	[tilespmem:s19+$0x30] =	vst v9;
	v16 =	vmul.f32 $2.000000030e-01, v5;
	v11 =	vsel vm3, v11, v17;
	v17 =	vld [tilespmem:s16+$0x10]  }
0x17d: {  	vm4 =	vgt.f32 v5, $0.0e+00;
	v9 =	vperm.xlane v9, v2;
	v18 =	vld [tilespmem:s14+$0x20];
	(erf) = vpow2.f32 v4  }
0x17e: {  	v22 =	vld [tilespmem:s16+$0xFFFFFFF0];
	v7 =	vmul.f32 $1.442695020e+00, v7;
	v4 =	vsel vm4, v5, v16;
	v5 =	vsub.f32 v11, v3  }
0x17f: {  	v24 =	vld [tilespmem:s16+$0x0];
	v13 =	vmul.f32 v8, v13;
	v20 =	vpop (erf);
	v16 =	vperm.xlane v12, v2;
	v4 =	vsub.f32 v4, v3  }
0x180: {  	v21 =	vpop (erf);
	v11 =	vld [tilespmem:s10+$0xFFFFFFF0];
	v20 =	vnsel vm1, $0x0, v20;
	(erf) = vpow2.f32 v7;
	v5 =	vmul.f32 $1.442695020e+00, v5  }
0x181: {  	v25 =	vld [tilespmem:s16+$0xFFFFFFE0];
	v7 =	vperm.xlane v20, v2;
	v23 =	vmul.f32 $1.442695020e+00, v4  }
0x182: {  	[tilespmem:s20+$0x20] =	vst v6;
	v12 =	vpop (erf);
	v6 =	vadd.f32 v17, v19;
	v9 =	vmul.f32 v9, v18;
	v18 =	vld [tilespmem:s10+$0x10];
	(erf) = vpow2.f32 v5  }
0x183: {  	[tilespmem:s20+$0xFFFFFFC0] =	vst v13;
	v12 =	vnsel vm1, $0x0, v12;
	v17 =	vnsel vm1, $0x0, v21;
	v19 =	vld [tilespmem:s10+$0xFFFFFFD0];
	(erf) = vpow2.f32 v23  }
0x184: {  	[tilespmem:s19+$0xFFFFFFF0] =	vst v20;
	v4 =	vperm.xlane v12, v2;
	v20 =	vmul.f32 $2.000000030e-01, v6  }
0x185: {  	[tilespmem:s19+$0xFFFFFFD0] =	vst v12;
	v5 =	vperm.xlane v17, v2;
	v12 =	vadd.f32 v22, v11;
	vm2 =	vgt.f32 v6, $0.0e+00  }
0x186: {  	[tilespmem:s19+$0x10] =	vst v17;
	v8 =	vld [tilespmem:s14+$0xFFFFFFC0];
	v11 =	vmul.f32 v16, v15;
	v6 =	vsel vm2, v6, v20;
	v20 =	vmul.f32 v10, v14;
	v17 =	vpop (erf)  }
0x187: {  	s18 =	simm.s32 $0x85D0;
	[tilespmem:s19+$0x20] =	vst v9;
	v9 =	vld [tilespmem:s14+$0xFFFFFFE0];
	v63 =	vsub.f32 v6, v3;
	v14 =	vadd.f32 v24, v18;
	v10 =	vnsel vm1, $0x0, v17  }
0x188: {  	s4 =	simm.s32 $0x7CD0;
	vm3 =	vgt.f32 v12, $0.0e+00;
	v6 =	vld [tilespmem:s14+$0x0];
	v15 =	vadd.f32 v25, v19;
	s14 =	simm.s32 $0xC;
	v18 =	vmul.f32 $2.000000030e-01, v12;
	[tilespmem:s18+$0x30] =	vst v10  }
0x189: {  	[tilespmem:s20+$0xFFFFFFE0] =	vst v20;
	v17 =	vmul.f32 $1.442695020e+00, v63;
	v16 =	vmul.f32 $2.000000030e-01, v14;
	vm2 =	vgt.f32 v14, $0.0e+00;
	v13 =	vld [tilespmem:s17+$0x20]  }
.LBB2_11:
0x18a: {  	v19 =	vld [tilespmem:s4+$0x30];
	vm4 =	vgt.f32 v15, $0.0e+00;
	v21 =	vmul.f32 $2.000000030e-01, v15;
	v12 =	vsel vm3, v12, v18;
	s16 =	sadd.s32 $0x40, s16;
	v18 =	vpop (erf);
	[tilespmem:s20+$0x0] =	vst v11;
	s20 =	smov.u32 s19;
	s19 =	smov.u32 s18  }
0x18b: {  	s14 =	sadd.s32 $0x4, s14;
	v11 =	vld [tilespmem:s16+$0x10];
	v12 =	vsub.f32 v12, v3;
	v14 =	vsel vm2, v14, v16;
	(erf) = vpow2.f32 v17;
	v16 =	vpop (erf)  }
0x18c: {  	v10 =	vperm.xlane v10, v2;
	p1 =	slt.u32 s14, $0x4C;
	v17 =	vld [tilespmem:s16+$0xFFFFFFE0];
	v15 =	vsel vm4, v15, v21;
	v14 =	vsub.f32 v14, v3;
	v20 =	vpop (erf)  }
0x18d: {  	v22 =	vmovc v9;
	v21 =	vld [tilespmem:s4+$0xFFFFFFF0];
	v15 =	vsub.f32 v15, v3;
	v12 =	vmul.f32 $1.442695020e+00, v12;
	v20 =	vnsel vm1, $0x0, v20  }
0x18e: {  	v18 =	vnsel vm1, $0x0, v18;
	v9 =	vld [tilespmem:s16+$0xFFFFFFF0];
	v14 =	vmul.f32 $1.442695020e+00, v14;
	[tilespmem:s18+$0xFFFFFFD0] =	vst v20;
	v10 =	vmul.f32 v10, v13  }
0x18f: {  	v13 =	vld [tilespmem:s4+$0x10];
	v15 =	vmul.f32 $1.442695020e+00, v15;
	(erf) = vpow2.f32 v12;
	[tilespmem:s18+$0xFFFFFFF0] =	vst v18;
	v12 =	vnsel vm1, $0x0, v16  }
0x190: {  	v16 =	vld [tilespmem:s16+$0x0];
	v11 =	vadd.f32 v11, v19;
	(erf) = vpow2.f32 v14;
	v14 =	vperm.xlane v20, v2;
	[tilespmem:s18+$0x20] =	vst v10  }
0x191: {  	v19 =	vld [tilespmem:s4+$0xFFFFFFD0];
	(erf) = vpow2.f32 v15;
	v15 =	vperm.xlane v18, v2;
	[tilespmem:s18+$0x10] =	vst v12  }
0x192: {  	v23 =	vperm.xlane v12, v2;
	v10 =	vmul.f32 $2.000000030e-01, v11;
	v20 =	vld [tilespmem:s17+$0xFFFFFFC0]  }
.Ltmp5:
0x193: {  	v8 =	vmul.f32 v4, v8;
	vm2 =	vgt.f32 v11, $0.0e+00;
	v4 =	vmovc v14;
	v12 =	vadd.f32 v9, v21;
	v9 =	vld [tilespmem:s17+$0xFFFFFFE0];
	(pc) =	sbr.rel @p1 .LBB2_11-.Ltmp5, $4  }
0x194: {  	v21 =	vmul.f32 v7, v22;
	v10 =	vsel vm2, v11, v10;
	v18 =	vpop (erf);
	v11 =	vmul.f32 v5, v6;
	v6 =	vld [tilespmem:s17+$0x0];
	s17 =	smov.u32 s10;
	s10 =	smov.u32 s4  }
0x195: {  	s18 =	sadd.s32 $0x80, s18;
	v7 =	vmovc v15;
	v14 =	vadd.f32 v16, v13;
	v13 =	vsub.f32 v10, v3;
	v10 =	vnsel vm1, $0x0, v18;
	[tilespmem:s20+$0xFFFFFFC0] =	vst v8  }
0x196: {  	v5 =	vmovc v23;
	vm3 =	vgt.f32 v12, $0.0e+00;
	v18 =	vmul.f32 $2.000000030e-01, v12;
	v15 =	vadd.f32 v17, v19;
	[tilespmem:s18+$0x30] =	vst v10  }
0x197: {  	s4 =	sadd.s32 $0x80, s4;
	vm2 =	vgt.f32 v14, $0.0e+00;
	v16 =	vmul.f32 $2.000000030e-01, v14;
	v17 =	vmul.f32 $1.442695020e+00, v13;
	v13 =	vld [tilespmem:s17+$0x20];
	[tilespmem:s20+$0xFFFFFFE0] =	vst v21;
	v8 =	vmovc v20  }
0x198: {  	v19 =	vmul.f32 $2.000000030e-01, v15;
	v12 =	vsel vm3, v12, v18  }
0x199: {  	vm3 =	vgt.f32 v15, $0.0e+00;
	v12 =	vsub.f32 v12, v3;
	v14 =	vsel vm2, v14, v16  }
0x19a: {  	v15 =	vsel vm3, v15, v19;
	v14 =	vsub.f32 v14, v3  }
0x19b: {  	v3 =	vsub.f32 v15, v3;
	v12 =	vmul.f32 $1.442695020e+00, v12  }
0x19c: {  	(erf) = vpow2.f32 v17;
	v14 =	vmul.f32 $1.442695020e+00, v14  }
0x19d: {  	v3 =	vmul.f32 $1.442695020e+00, v3;
	(erf) = vpow2.f32 v12  }
0x19e: {  	(erf) = vpow2.f32 v14  }
0x19f: {  	v45 =	vpop (erf);
	v4 =	vmul.f32 v4, v8;
	(erf) = vpow2.f32 v3  }
0x1a0: {  	[tilespmem:s20+$0x0] =	vst v11;
	v7 =	vmul.f32 v7, v9  }
0x1a1: {  	v5 =	vmul.f32 v5, v6;
	[tilespmem:s19+$0xFFFFFFC0] =	vst v4  }
0x1a2: {  	[tilespmem:s19+$0xFFFFFFE0] =	vst v7  }
0x1a3: {  	[tilespmem:s19+$0x0] =	vst v5;
	v12 =	vnsel vm1, $0x0, v45;
	v3 =	vpop (erf)  }
0x1a4: {  	[tilespmem:s18+$0xFFFFFFF0] =	vst v12;
	v46 =	vpop (erf);
	v3 =	vnsel vm1, $0x0, v3  }
0x1a5: {  	v55 =	vld [tilespmem:s17+$0xFFFFFFE0];
	v47 =	vnsel vm1, $0x0, v46;
	v48 =	vpop (erf);
	[tilespmem:s18+$0x10] =	vst v3  }
0x1a6: {  	s4 =	sadd.s32 $0x80, s18;
	[tilespmem:s18+$0xFFFFFFD0] =	vst v47;
	v49 =	vnsel vm1, $0x0, v48;
	v56 =	vld [tilespmem:s17+$0x0];
	v50 =	vpop (erf)  }
0x1a7: {  	v10 =	vperm.xlane v10, v2;
	[tilespmem:s4+$0x30] =	vst v49;
	v53 =	vld [tilespmem:s17+$0xFFFFFFC0];
	v52 =	vpop (erf);
	v8 =	vnsel vm1, $0x0, v50  }
0x1a8: {  	v12 =	vperm.xlane v12, v2;
	v51 =	vld [tilespmem:s10+$0x20];
	v54 =	vpop (erf);
	[tilespmem:s4+$0xFFFFFFF0] =	vst v8;
	v57 =	vnsel vm1, $0x0, v52  }
0x1a9: {  	v10 =	vmul.f32 v10, v13;
	v3 =	vperm.xlane v3, v2;
	v4 =	vnsel vm1, $0x0, v54;
	[tilespmem:s4+$0x10] =	vst v57;
	v59 =	vld [tilespmem:s10+$0xFFFFFFE0]  }
0x1aa: {  	v11 =	vperm.xlane v47, v2;
	v62 =	vmul.f32 v12, v55;
	[tilespmem:s4+$0xFFFFFFD0] =	vst v4;
	v61 =	vld [tilespmem:s10+$0x0]  }
0x1ab: {  	[tilespmem:s18+$0x20] =	vst v10;
	v10 =	vperm.xlane v49, v2;
	v3 =	vmul.f32 v3, v56;
	v58 =	vld [tilespmem:s10+$0xFFFFFFC0]  }
0x1ac: {  	[tilespmem:s18+$0xFFFFFFE0] =	vst v62;
	v8 =	vperm.xlane v8, v2;
	v60 =	vmul.f32 v11, v53  }
0x1ad: {  	v63 =	vperm.xlane v57, v2;
	v9 =	vmul.f32 v10, v51;
	[tilespmem:s18+$0x0] =	vst v3  }
0x1ae: {  	v4 =	vperm.xlane v4, v2;
	[tilespmem:s18+$0xFFFFFFC0] =	vst v60;
	v3 =	vmul.f32 v8, v59  }
0x1af: {  	[tilespmem:s4+$0x20] =	vst v9;
	v5 =	vmul.f32 v63, v61  }
0x1b0: {  	v4 =	vmul.f32 v4, v58;
	[tilespmem:s4+$0xFFFFFFE0] =	vst v3  }
0x1b1: {  	[tilespmem:s4+$0x0] =	vst v5  }
0x1b2: {  	s19 =	simm.s32 $0x74F0;
	[tilespmem:s4+$0xFFFFFFC0] =	vst v4  }
0x1b3: {  	[spmem:s3] =	stream.indirect.scatter.add.f32 [tilespmem:s26], [sflag:$0x3], $0x20, s19, s1, $0xb8;
	[tilespmem:$0xA7E0] =	vst v63  }
0x1b4: {  	_ =	swait.ge [sflag:s21], $0xA00  }
0x1b5: {  	[sflag:s21] =	ssyncset.done $0x0  }
0x1b6: {  	[sflag:s21] =	ssyncadd.s32 $0xFFFFF600  }
0x1b7: {  	_ =	swait.ge [sflag:s15], $0xA00  }
0x1b8: {  	[sflag:s15] =	ssyncset.done $0x0  }
0x1b9: {  	[sflag:s15] =	ssyncadd.s32 $0xFFFFF600  }
0x1ba: {  	s20 =	stileid.u32;
	[bflag:$0x0] =	sbarrier.arrive $0xFFFF  }
0x1bb: {  	s4 =	sshll.u32 s20, $0x6;
	s14 =	rddreg [dreg:$0x6]  }
0x1bc: {  	s4 =	sor.u32 $0x1C07, s4;
	s16 =	rddreg [dreg:$0x11];
	s21 =	sshrl.u32 s14, $0x3  }
0x1bd: {  	[hbm:s16], [sflag:s4] =	dma.local [spmem:s21], $0x9C0  }
0x1be: {  	_ =	swait.ge [sflag:s25], $0x9C0  }
0x1bf: {  	[sflag:s25] =	ssyncset.done $0x0;
	s16 =	rddreg [dreg:$0xe]  }
0x1c0: {  	s17 =	rddreg [dreg:$0x12];
	[sflag:s25] =	ssyncadd.s32 $0xFFFFF640;
	s10 =	sshrl.u32 @!p0 s16, $0x3  }
0x1c1: {  	[hbm:s17], [sflag:s4] =	dma.local @!p0 [spmem:s10], $0x40  }
0x1c2: {  	s4 =	simm.s32 @!p0 $0x7  }
0x1c3: {  	_ =	swait.ge @!p0 [sflag:s4], $0x40  }
0x1c4: {  	s22 =	rddreg [dreg:$0x14]  }
0x1c5: {  	s23 =	rddreg [dreg:$0x13];
	s17 =	sadd.s32 $0x1, s22  }
0x1c6: {  	p1 =	sne.s32 s17, s23  }
.Ltmp6:
0x1c7: {  	_ = 	snop;
	(pc) =	sbr.rel @p1 .LBB2_1-.Ltmp6, $3  }
0x1c8: {  	_ =	sdelay $0x1  }
0x1c9: {  	[sflag:s4] =	ssyncset.done @!p0 $0x0  }
0x1ca: {  	s18 =	simm.s32 $0x4E30;
	[sflag:s4] =	ssyncadd.s32 @!p0 $0xFFFFFFC0  }
0x1cb: {  	_ =	sfence.sel $0x180000  }
0x1cc: {  	[bflag:$0x0] =	sbarrier.arrive $0xFFFF  }
0x1cd: {  	_ =	strace $0x9000004A  }
0x1ce: {  	s0 =	stileid.u32;
	[bflag:$0x2] =	sbarrier.arrive $0xFFFF  }
0x1cf: {  	p0 =	sne.s32 s0, $0x0;
	s0 =	rddreg [dreg:$0x3]  }
0x1d0: {  	s0 =	sadd.s32 @!p0 $0x100000, s0  }
0x1d1: {  	[sflag:s0] =	ssyncadd.tile.s32 @!p0 $0x1;
	_ =	shalt  }
.Lfunc_end2:
_tile_overlayer_lowered:
.L_overlay_start_2:
0x1d2: {  	(tag) =	ssettag $0x2  }
0x1d3: {  	s0 =	rddreg [dreg:$0x0];
	s2 =	stileid.u32  }
0x1d4: {  	s1 =	rddreg [dreg:$0x1];
	p0 =	sne.s32 s2, $0x0  }
0x1d5: {  	s3 =	rddreg [dreg:$0x2];
	[bflag:$0x3] =	sbarrier.arrive $0xFFFF;
	s2 =	simm.s32 @!p0 $0x1C07  }
0x1d6: {  	[timem:s3], [sflag:s2] =	dma.local @!p0 [hbm:s0], s1  }
0x1d7: {  	s0 =	simm.s32 @!p0 $0x7  }
0x1d8: {  	_ =	swait.ge @!p0 [sflag:s0], s1  }
0x1d9: {  	s1 =	ssub.s32 @!p0 $0x0, s1;
	[sflag:s0] =	ssyncset.done @!p0 $0x0  }
0x1da: {  	[sflag:s0] =	ssyncadd.s32 @!p0 s1  }
0x1db: {  	[bflag:$0x3] =	sbarrier.arrive $0xFFFF  }
0x1dc: {  	_ =	shalt  }

// kernel: kernel.7.cloned.1.call-start
scs
__scs_entry_jumppad:
0x0: {  	(pc) =	sbr.rel $0x88, $3  }
0x1: {  	(tag) =	ssettag $0x0;
	lr =	simm.s32 $0x1  }
0x2: {  	[smem:$0x3F97] =	sst lr;
	_ =	strace $0xD0000000  }
0x3: {  	_ = 	snop  }
0x4: {  	_ = 	snop  }
0x5: {  	_ = 	snop  }
0x6: {  	_ = 	snop  }
0x7: {  	_ = 	snop  }
__scs_overlays_trampoline_lowered:
0x8: {  	[smem:$0x3FA6] =	sst s0  }
0x9: {  	[smem:$0x3FA7] =	sst s1  }
0xa: {  	[smem:$0x3FA8] =	sst s2  }
0xb: {  	[smem:$0x3FA9] =	sst s3  }
0xc: {  	[smem:$0x3FAA] =	sst s4  }
0xd: {  	[smem:$0x3FAB] =	sst s5  }
0xe: {  	[smem:$0x3FAC] =	sst s6  }
0xf: {  	[smem:$0x3FAD] =	sst s7  }
0x10: {  	[smem:$0x3FAE] =	sst s8  }
0x11: {  	[smem:$0x3FAF] =	sst s9;
	s0 =	simm.s32 @!p0 $0x0  }
0x12: {  	s1 =	sld [smem:$0x3F95];
	s0 =	simm.s32 @p0 $0x1  }
0x13: {  	[smem:$0x3FB0] =	sst s0;
	s0 =	simm.s32 @!p1 $0x0  }
0x14: {  	s2 =	sld [smem:$0x3F94];
	s0 =	simm.s32 @p1 $0x1  }
0x15: {  	[smem:$0x3FB1] =	sst s0;
	s0 =	simm.s32 @!p2 $0x0  }
0x16: {  	s3 =	sld [smem:$0x3FDB];
	s0 =	simm.s32 @p2 $0x1  }
0x17: {  	s4 =	simm.s32 $0x1BF5;
	[smem:$0x3FB3] =	sst s0  }
0x18: {  	s0 =	sld [smem:$0x3F96];
	_ =	swait.ge [sflag:s4], $0x0  }
0x19: {  	s7 =	sld [smem:$0x3F97]  }
0x1a: {  	s8 =	sadd.s32 $0xFFFFE003, lr  }
0x1b: {  	s9 =	sadd.s32 $0xFFFFFEF7, lr;
	s5 =	simm.s32 $0xFFFFFFFF;
	p2 =	slt.u32 s8, $0xFFFFF086  }
0x1c: {  	p1 =	slt.u32 s9, $0xF7A;
	s5 =	simm.s32 @!p2 $0x0  }
0x1d: {  	s5 =	simm.s32 @p1 $0x1;
	p0 =	seq.s32 s7, s2  }
0x1e: {  	s7 =	smul.u32 @!p0 $0xF7A, s2;
	p2 =	seq.s32 @!p0 s5, $0x0  }
0x1f: {  	s9 =	smul.u32 $0xF7A, s1;
	s8 =	simm.s32 @!p0 $0x1BF5;
	p2 =	por !p2, p0  }
0x20: {  	[sflag:s8] =	ssyncset.s32 @!p0 $0xFFFFF086;
	s6 =	sadd.s32 @!p0 s3, s7;
	s7 =	simm.s32 @!p0 $0x108  }
0x21: {  	s3 =	sadd.s32 s3, s9;
	s6 =	sadd.s32 @!p0 $0x88, s6;
	s7 =	simm.s32 @p2 $0x1082  }
0x22: {  	[simem:s7], [sflag:s8] =	dma.local @!p0 [hbm:s6], $0xF7A  }
0x23: {  	s9 =	sor.u32 $0xD0000000, s2;
	s6 =	simm.s32 $0x108;
	_ =	swait.ge @!p0 [sflag:s8], $0x0  }
0x24: {  	s3 =	sadd.s32 $0x88, s3;
	s6 =	simm.s32 @!p1 $0x1082;
	[sflag:s4] =	ssyncset.s32 $0xFFFFF086  }
0x25: {  	[simem:s6], [sflag:s4] =	dma.local [hbm:s3], $0xF7A  }
0x26: {  	[smem:$0x3F97] =	sst s1;
	(tag) =	ssettag s2;
	_ =	strace s9  }
0x27: {  	s1 =	sld [smem:$0x3FA7]  }
0x28: {  	s2 =	sld [smem:$0x3FA8]  }
0x29: {  	s4 =	sld [smem:$0x3FAA]  }
0x2a: {  	p0 =	seq.s32 s5, $0x0;
	s5 =	sld [smem:$0x3FAB]  }
0x2b: {  	s6 =	sld [smem:$0x3FAC]  }
0x2c: {  	s7 =	sld [smem:$0x3FAD]  }
0x2d: {  	s3 =	simm.s32 $0x108;
	s8 =	sld [smem:$0x3FAE]  }
0x2e: {  	s3 =	simm.s32 @!p0 $0x1082;
	s9 =	sld [smem:$0x3FAF]  }
0x2f: {  	lr =	sadd.s32 s0, s3;
	s0 =	sld [smem:$0x3FA6]  }
0x30: {  	s3 =	sld [smem:$0x3FA9]  }
0x31: {  	[smem:$0x3FB2] =	sst s10  }
0x32: {  	s10 =	sld [smem:$0x3FB0];
	_ =	sdelay $0x3  }
0x33: {  	p0 =	seq.s32 s10, $0x1;
	s10 =	sld [smem:$0x3FB2];
	_ =	sdelay $0x3  }
0x34: {  	[smem:$0x3FB2] =	sst s10  }
0x35: {  	s10 =	sld [smem:$0x3FB1];
	_ =	sdelay $0x3  }
0x36: {  	p1 =	seq.s32 s10, $0x1;
	s10 =	sld [smem:$0x3FB2];
	_ =	sdelay $0x3  }
0x37: {  	[smem:$0x3FB2] =	sst s10  }
0x38: {  	s10 =	sld [smem:$0x3FB3]  }
0x39: {  	_ = 	snop;
	(pc) =	sbr.ind lr, $3  }
0x3a: {  	_ = 	snop  }
0x3b: {  	_ = 	snop  }
0x3c: {  	p2 =	seq.s32 s10, $0x1;
	s10 =	sld [smem:$0x3FB2]  }
0x3d: {  	_ =	shalt  }
0x3e: {  	_ =	shalt  }
0x3f: {  	_ =	shalt  }
0x40: {  	_ =	shalt  }
0x41: {  	_ =	shalt  }
0x42: {  	_ =	shalt  }
0x43: {  	_ =	shalt  }
0x44: {  	_ =	shalt  }
0x45: {  	_ =	shalt  }
0x46: {  	_ =	shalt  }
0x47: {  	_ =	shalt  }
0x48: {  	_ =	shalt  }
0x49: {  	_ =	shalt  }
0x4a: {  	_ =	shalt  }
0x4b: {  	_ =	shalt  }
0x4c: {  	_ =	shalt  }
0x4d: {  	_ =	shalt  }
0x4e: {  	_ =	shalt  }
0x4f: {  	_ =	shalt  }
0x50: {  	_ =	shalt  }
0x51: {  	_ =	shalt  }
0x52: {  	_ =	shalt  }
0x53: {  	_ =	shalt  }
0x54: {  	_ =	shalt  }
0x55: {  	_ =	shalt  }
0x56: {  	_ =	shalt  }
0x57: {  	_ =	shalt  }
0x58: {  	_ =	shalt  }
0x59: {  	_ =	shalt  }
0x5a: {  	_ =	shalt  }
0x5b: {  	_ =	shalt  }
0x5c: {  	_ =	shalt  }
0x5d: {  	_ =	shalt  }
0x5e: {  	_ =	shalt  }
0x5f: {  	_ =	shalt  }
0x60: {  	_ =	shalt  }
0x61: {  	_ =	shalt  }
0x62: {  	_ =	shalt  }
0x63: {  	_ =	shalt  }
0x64: {  	_ =	shalt  }
0x65: {  	_ =	shalt  }
0x66: {  	_ =	shalt  }
0x67: {  	_ =	shalt  }
0x68: {  	_ =	shalt  }
0x69: {  	_ =	shalt  }
0x6a: {  	_ =	shalt  }
0x6b: {  	_ =	shalt  }
0x6c: {  	_ =	shalt  }
0x6d: {  	_ =	shalt  }
0x6e: {  	_ =	shalt  }
0x6f: {  	_ =	shalt  }
0x70: {  	_ =	shalt  }
0x71: {  	_ =	shalt  }
0x72: {  	_ =	shalt  }
0x73: {  	_ =	shalt  }
0x74: {  	_ =	shalt  }
0x75: {  	_ =	shalt  }
0x76: {  	_ =	shalt  }
0x77: {  	_ =	shalt  }
0x78: {  	_ =	shalt  }
0x79: {  	_ =	shalt  }
0x7a: {  	_ =	shalt  }
0x7b: {  	_ =	shalt  }
0x7c: {  	_ =	shalt  }
0x7d: {  	_ =	shalt  }
0x7e: {  	_ =	shalt  }
0x7f: {  	_ =	shalt  }
0x80: {  	_ =	shalt  }
0x81: {  	_ =	shalt  }
0x82: {  	_ =	shalt  }
0x83: {  	_ =	shalt  }
0x84: {  	_ =	shalt  }
0x85: {  	_ =	shalt  }
0x86: {  	_ =	shalt  }
0x87: {  	_ =	shalt  }
.Lfunc_end0:
.L_simem_size_0:
called_computation_lowered:
.L_overlay_start_0:
0x88: {  	s2 =	sld [smem:$0x3FD9]  }
0x89: {  	s3 =	sld [smem:$0x3FFE];
	_ =	sdelay $0x1  }
0x8a: {  	s1 =	srdreg.scid  }
0x8b: {  	s0 =	sand.u32 $0x1, s1  }
0x8c: {  	s17 =	sshll.u32 s0, $0xA;
	s2 =	sadd.s32 s3, s2  }
0x8d: {  	s2 =	sadd.s32 s2, s17  }
0x8e: {  	[smem:$0x3FBE] =	sst s2  }
0x8f: {  	_ = 	snop  }
0x90: {  	s2 =	sld [smem:$0x3FD0];
	(tm) =	ssettm $0x1  }
0x91: {  	s18 =	sld [smem:$0x3FFB];
	_ =	sdelay $0x3  }
0x92: {  	_ =	strace s18  }
0x93: {  	s3 =	sld [smem:$0x3FFC];
	_ =	sdelay $0x3  }
0x94: {  	_ =	strace s3  }
0x95: {  	s3 =	sld [smem:$0x3FFD];
	_ =	sdelay $0x3  }
0x96: {  	_ =	strace s3  }
0x97: {  	_ =	strace $0x8FFFFFFF  }
0x98: {  	s19 =	sld [smem:$0x3FDB];
	_ =	sdelay $0x1  }
0x99: {  	s4 =	simm.s32 $_scs_section_size  }
0x9a: {  	s5 =	simm.s32 $_size__tile_overlayer_lowered;
	s6 =	simm.s32 $_tile_overlayer_lowered  }
0x9b: {  	s22 =	simm.s32 $0x1BFF;
	s21 =	sshll.u32 s6, $0x1;
	s3 =	sadd.s32 s4, s19  }
0x9c: {  	s7 =	simm.s32 $0x0;
	s20 =	sshll.u32 s5, $0x1;
	s5 =	sadd.s32 s21, s3  }
0x9d: {  	[timem:s7], [sflag:s22] =	dma.local [hbm:s5], s20  }
0x9e: {  	_ =	swait.ge [sflag:s22], s20  }
0x9f: {  	s4 =	ssub.s32 $0x0, s20;
	[sflag:s22] =	ssyncset.done $0x0  }
0xa0: {  	[sflag:s22] =	ssyncadd.s32 s4;
	_ =	sdelay $0x1  }
0xa1: {  	s23 =	simm.s32 $0x1B8B  }
0xa2: {  	_ =	swait.ge [sflag:s23], $0x1  }
0xa3: {  	[sflag:s23] =	ssyncset.done $0x0  }
0xa4: {  	s25 =	simm.s32 $0x1B8E;
	s24 =	sld [smem:$0x3FFE];
	[sflag:s23] =	ssyncadd.s32 $0xFFFFFFFF  }
0xa5: {  	s26 =	simm.s32 $execute0_lowered;
	[smem:$0x3FD2] =	sst s25  }
0xa6: {  	s5 =	sshll.u32 s26, $0x1;
	_ =	strace $0x80000046;
	[dreg:$0x1] =	wrdreg $0xFFFFFFFF  }
0xa7: {  	s28 =	simm.s32 $_size_execute0_lowered;
	s3 =	sadd.s32 s3, s5;
	[dreg:$0x0] =	wrdreg $0x0  }
0xa8: {  	s5 =	sshll.u32 s28, $0x1;
	[dreg:$0x2] =	wrdreg s3  }
0xa9: {  	[dreg:$0x3] =	wrdreg s5  }
0xaa: {  	[dreg:$0x4] =	wrdreg $0xC0  }
0xab: {  	_ =	task [dreg:s7], $0x5FFFF  }
0xac: {  	[dreg:$0x1] =	wrdreg $0xFFFFFFFF  }
0xad: {  	[dreg:$0x0] =	wrdreg $0x60  }
0xae: {  	[dreg:$0x2] =	wrdreg s24  }
0xaf: {  	[dreg:$0x3] =	wrdreg s2  }
0xb0: {  	[dreg:$0x4] =	wrdreg $0x0  }
0xb1: {  	[dreg:$0x5] =	wrdreg $0x9  }
0xb2: {  	_ =	task.clear_ibuf [dreg:s7], $0x6FFFF;
	_ =	strace $0x90000046  }
0xb3: {  	s29 =	simm.s32 $0x9;
	_ =	strace $0x80000048  }
0xb4: {  	_ =	swait.ge [sflag:s29], $0x1  }
0xb5: {  	[sflag:s29] =	ssyncadd.s32 $0xFFFFFFFF  }
0xb6: {  	_ =	strace $0x90000048  }
0xb7: {  	_ =	sfence  }
0xb8: {  	s30 =	sld [smem:$0x0];
	_ =	sdelay $0x2  }
0xb9: {  	s31 =	sshll.u32 s1, $0xD;
	s1 =	sshrl.u32 s1, $0x2  }
0xba: {  	s3 =	sand.u32 $0x4000, s31;
	s1 =	sadd.s32 s1, s30  }
0xbb: {  	s0 =	sor.u32 s3, s0;
	s1 =	sshll.u32 s1, $0x11  }
0xbc: {  	s0 =	sor.u32 s1, s0  }
0xbd: {  	s0 =	sadd.s32 $0x8F2B, s0  }
0xbe: {  	[sflag:s0] =	ssyncadd.remote.s32 $0x1  }
0xbf: {  	_ =	sfence.sel $0xFFFF  }
0xc0: {  	[dreg:$0x0] =	wrdreg $0xFFFFFFFF;
	(pc) =	sbr.abs _section_cstart, $3  }
0xc1: {  	[dreg:$0x1] =	wrdreg $0xFFFFFFFF  }
0xc2: {  	_ =	task.clear_ibuf [dreg:s7], $0x2FFFF;
	_ =	strace $0x9FFFFFFF  }
0xc3: {  	(tm) =	ssettm $0x7FFFFFFF  }
tec
execute0_lowered:
.L_overlay_start_1:
0x0: {  	(tag) =	ssettag $0x1  }
0x1: {  	s1 =	rddreg [dreg:$0x0]  }
0x2: {  	s0 =	srdreg.scid;
	s2 =	rddreg [dreg:$0x1]  }
0x3: {  	s13 =	stileid.u32;
	s3 =	rddreg [dreg:$0x2];
	s5 =	simm.s32 $0x0  }
0x4: {  	s0 =	sand.u32 $0x1, s0;
	[smem:$0x7FF] =	sst s5;
	s9 =	smul.u32 $0x57C00, s13  }
0x5: {  	s5 =	sadd.s32 $0x38200, s1;
	s10 =	sadd.s32 $0x2200, s1;
	s12 =	smul.u32 $0x15F00, s13  }
0x6: {  	p0 =	sne.s32 s13, $0xF;
	s4 =	sshll.u32 s0, $0x4;
	s9 =	sshrl.u32 s9, $0x2  }
0x7: {  	_ =	strace $0x80000047;
	s8 =	ssub.s32 $0x2, s0;
	s31 =	sadd.s32 s9, s3  }
0x8: {  	[dreg:$0x4] =	wrdreg s10;
	s0 =	smul.u32 $0x15F900, s0;
	s9 =	sadd.s32 $0x1680, s31  }
0x9: {  	s4 =	sor.u32 s13, s4;
	s14 =	sadd.s32 $0x2D00, s31;
	[dreg:$0x6] =	wrdreg s9  }
0xa: {  	s29 =	sshrl.u32 s8, $0x1;
	s15 =	sadd.s32 $0x4380, s31;
	[dreg:$0x7] =	wrdreg s14  }
0xb: {  	s10 =	sadd.s32 s12, s3;
	s16 =	sadd.s32 $0x5A00, s31;
	[dreg:$0x8] =	wrdreg s15  }
0xc: {  	s13 =	simm.s32 $0x28;
	s17 =	sadd.s32 $0x7080, s31;
	[dreg:$0x9] =	wrdreg s16  }
0xd: {  	s6 =	smul.u32 $0x4E2, s4;
	s18 =	sadd.s32 $0x8700, s31;
	[dreg:$0xa] =	wrdreg s17  }
0xe: {  	s11 =	ssub.s32 s8, s29;
	s19 =	sadd.s32 $0x9D80, s31;
	[dreg:$0xb] =	wrdreg s18  }
0xf: {  	s8 =	smul.u32 $0x2710, s4;
	s20 =	sadd.s32 $0xB400, s31;
	[dreg:$0xc] =	wrdreg s19  }
0x10: {  	s22 =	sadd.s32 s12, s0;
	s21 =	sadd.s32 $0xCA80, s31;
	[dreg:$0xd] =	wrdreg s20  }
0x11: {  	s0 =	sshrl.u32 s0, $0x3;
	s24 =	sadd.s32 $0xF780, s31;
	[dreg:$0xe] =	wrdreg s21  }
0x12: {  	s25 =	sadd.s32 $0x10E00, s31;
	s26 =	sadd.s32 $0x12480, s31;
	[dreg:$0x11] =	wrdreg s24  }
0x13: {  	s28 =	sadd.s32 $0x13B00, s31;
	s4 =	sadd.s32 $0x15180, s31;
	[dreg:$0x12] =	wrdreg s25  }
0x14: {  	s7 =	sadd.s32 s6, s1;
	s6 =	sadd.s32 $0x2400, s1;
	[dreg:$0x13] =	wrdreg s26  }
0x15: {  	s1 =	sadd.s32 $0x42000, s1;
	s9 =	sadd.s32 $0xE100, s31;
	[dreg:$0x14] =	wrdreg s28  }
0x16: {  	s23 =	sadd.s32 $0x28, s8;
	s29 =	sshrl.u32 s8, $0x3;
	[dreg:$0x15] =	wrdreg s4  }
0x17: {  	s31 =	smax.u32 s11, $0x1;
	s11 =	simm.s32 $0x1B658;
	s14 =	simm.s32 $0x4  }
0x18: {  	s15 =	simm.s32 $0x1B680;
	s4 =	simm.s32 $0x1B900;
	s16 =	simm.s32 $0x2  }
0x19: {  	s17 =	simm.s32 $0x5;
	s18 =	simm.s32 $0x1CF80;
	s19 =	simm.s32 $0x3  }
0x1a: {  	v0 =	vimm.s32 $0xFEDCBA98;
	s20 =	simm.s32 $0x0;
	s30 =	sadd.s32 $0x2E400, s7;
	[dreg:$0xf] =	wrdreg s9  }
0x1b: {  	v1 =	vimm.s32 $0x76543210;
	v0 =	vunpack.c.l.s4.s8 v0;
	s7 =	sshrl.u32 s22, $0x3;
	s0 =	sadd.s32 s1, s0;
	[dreg:$0x19] =	wrdreg s31  }
.Ltmp0:
0x1c: {  	vm0 =	vmmov $0xff;
	v3 =	vimm.s32 $0x1;
	v1 =	vunpack.c.l.s4.s8 v1;
	[dreg:$0x5] =	wrdreg s30;
	s7 =	sadd.s32 s1, s7;
	(pc) =	sbr.rel .LBB2_1-.Ltmp0, $4  }
0x1d: {  	v4 =	vimm.s32 $0x2;
	v5 =	vimm.s32 $0x3;
	v0 =	vunpack.c.0.s8.s32 v0;
	s22 =	simm.s32 $0x15FA0;
	s30 =	sadd.s32 s5, s29;
	[dreg:$0x10] =	wrdreg s7  }
0x1e: {  	v6 =	vimm.s32 $0x4;
	v7 =	vimm.s32 $0x5;
	v1 =	vunpack.c.0.s8.s32 v1;
	s1 =	sshrl.u32 s23, $0x3;
	s0 =	sadd.s32 $0x2BE00, s0;
	[dreg:$0x16] =	wrdreg s30  }
0x1f: {  	v8 =	vimm.s32 $0x6;
	v9 =	vimm.s32 $0x7;
	v2 =	vand.u32 $0xF, v0;
	s1 =	sadd.s32 s5, s1;
	[dreg:$0x18] =	wrdreg s0;
	s0 =	simm.s32 $0x7  }
0x20: {  	v0 =	vimm.f32 $0.0e+00;
	v1 =	vcombine.low v2, v1;
	v2 =	vimm.s32 $0x0;
	s7 =	simm.s32 $0x19FD8;
	[dreg:$0x17] =	wrdreg s1;
	s1 =	sadd.s32 $0x15F000, s3  }
.LBB2_13:
0x21: {  	_ =	swait.ge [sflag:s19], $0x1680  }
0x22: {  	[sflag:s19] =	ssyncset.done $0x0  }
0x23: {  	s9 =	simm.s32 $0x6;
	[sflag:s19] =	ssyncadd.s32 $0xFFFFE980  }
0x24: {  	_ =	swait.ge [sflag:s9], $0x1680  }
0x25: {  	[sflag:s9] =	ssyncset.done $0x0  }
0x26: {  	s30 =	stileid.u32;
	[sflag:s9] =	ssyncadd.s32 $0xFFFFE980  }
0x27: {  	s9 =	sshll.u32 s30, $0x6;
	[bflag:$0x0] =	sbarrier.arrive $0xFFFF  }
0x28: {  	s12 =	sshrl.u32 s10, $0x3;
	s9 =	sor.u32 $0x1C07, s9;
	s21 =	rddreg [dreg:$0x10]  }
0x29: {  	[hbm:s21], [sflag:s9] =	dma.local [spmem:s12], $0x2BE0  }
0x2a: {  	_ =	swait.ge [sflag:s0], $0x2BE0  }
0x2b: {  	[sflag:s0] =	ssyncset.done $0x0  }
0x2c: {  	s12 =	sshrl.u32 @!p0 s1, $0x3;
	s21 =	rddreg [dreg:$0x18];
	[sflag:s0] =	ssyncadd.s32 $0xFFFFD420  }
0x2d: {  	[hbm:s21], [sflag:s9] =	dma.local @!p0 [spmem:s12], $0x120  }
0x2e: {  	s9 =	simm.s32 @!p0 $0x7  }
0x2f: {  	_ =	swait.ge @!p0 [sflag:s9], $0x120  }
0x30: {  	s20 =	sadd.s32 $0x1, s20;
	s31 =	rddreg [dreg:$0x19]  }
0x31: {  	p1 =	sne.s32 s20, s31  }
.Ltmp1:
0x32: {  	_ = 	snop;
	(pc) =	sbr.rel @!p1 .LBB2_14-.Ltmp1, $3  }
0x33: {  	_ =	sdelay $0x1  }
0x34: {  	[sflag:s9] =	ssyncset.done @!p0 $0x0  }
0x35: {  	s22 =	simm.s32 $0x15FA0;
	[sflag:s9] =	ssyncadd.s32 @!p0 $0xFFFFFEE0  }
.LBB2_1:
0x36: {  	s9 =	simm.s32 $0x0;
	s12 =	rddreg [dreg:$0x5]  }
0x37: {  	[tilespmem:s22], [sflag:$0x7] =	stream.linear.gather [hbm4b:s12+s9], $0x2710, $0x38;
	[tilespmem:$0x1E600] =	vst v63  }
0x38: {  	_ =	swait.ge [sflag:s0], $0x2710  }
0x39: {  	[sflag:s0] =	ssyncset.done $0x0  }
0x3a: {  	s9 =	simm.s32 $0x1A0F8;
	[sflag:s0] =	ssyncadd.s32 $0xFFFFD8F0  }
0x3b: {  	[tilespmem:s9+$0xFFFFFEE0] =	vst v0  }
0x3c: {  	[tilespmem:s9+$0x110] =	vst v0  }
0x3d: {  	[tilespmem:s9+$0x100] =	vst v0  }
0x3e: {  	[tilespmem:s9+$0xF0] =	vst v0  }
0x3f: {  	[tilespmem:s9+$0xE0] =	vst v0  }
0x40: {  	[tilespmem:s9+$0xD0] =	vst v0  }
0x41: {  	[tilespmem:s9+$0xC0] =	vst v0  }
0x42: {  	[tilespmem:s9+$0xB0] =	vst v0  }
0x43: {  	[tilespmem:s9+$0xA0] =	vst v0  }
0x44: {  	[tilespmem:s9+$0x90] =	vst v0  }
0x45: {  	[tilespmem:s9+$0x80] =	vst v0  }
0x46: {  	[tilespmem:s9+$0x70] =	vst v0  }
0x47: {  	[tilespmem:s9+$0x60] =	vst v0  }
0x48: {  	[tilespmem:s9+$0x50] =	vst v0  }
0x49: {  	[tilespmem:s9+$0x40] =	vst v0  }
0x4a: {  	[tilespmem:s9+$0x30] =	vst v0  }
0x4b: {  	[tilespmem:s9+$0x20] =	vst v0  }
0x4c: {  	[tilespmem:s9+$0x10] =	vst v0  }
0x4d: {  	[tilespmem:s9+$0x0] =	vst v0  }
0x4e: {  	[tilespmem:s9+$0xFFFFFFF0] =	vst v0  }
0x4f: {  	[tilespmem:s9+$0xFFFFFFE0] =	vst v0  }
0x50: {  	[tilespmem:s9+$0xFFFFFFD0] =	vst v0  }
0x51: {  	[tilespmem:s9+$0xFFFFFFC0] =	vst v0  }
0x52: {  	[tilespmem:s9+$0xFFFFFFB0] =	vst v0  }
0x53: {  	[tilespmem:s9+$0xFFFFFFA0] =	vst v0  }
0x54: {  	[tilespmem:s9+$0xFFFFFF90] =	vst v0  }
0x55: {  	[tilespmem:s9+$0xFFFFFF80] =	vst v0  }
0x56: {  	[tilespmem:s9+$0xFFFFFF70] =	vst v0  }
0x57: {  	[tilespmem:s9+$0xFFFFFF60] =	vst v0  }
0x58: {  	[tilespmem:s9+$0xFFFFFF50] =	vst v0  }
0x59: {  	[tilespmem:s9+$0xFFFFFF40] =	vst v0  }
0x5a: {  	[tilespmem:s9+$0xFFFFFF30] =	vst v0  }
0x5b: {  	[tilespmem:s9+$0xFFFFFF20] =	vst v0  }
0x5c: {  	[tilespmem:s9+$0xFFFFFF10] =	vst v0  }
0x5d: {  	s12 =	simm.s32 $0x0;
	[tilespmem:s9+$0xFFFFFF00] =	vst v0  }
.LBB2_2:
0x5e: {  	s12 =	sadd.s32 $0x4, s12;
	[tilespmem:s9+$0xFFFFFEF0] =	vst v0;
	s9 =	sadd.s32 $0x240, s9  }
0x5f: {  	[tilespmem:s9+$0xFFFFFEE0] =	vst v0;
	p1 =	slt.u32 s12, $0x24  }
0x60: {  	[tilespmem:s9+$0x110] =	vst v0  }
0x61: {  	[tilespmem:s9+$0x100] =	vst v0  }
0x62: {  	[tilespmem:s9+$0xF0] =	vst v0  }
0x63: {  	[tilespmem:s9+$0xE0] =	vst v0  }
0x64: {  	[tilespmem:s9+$0xD0] =	vst v0  }
0x65: {  	[tilespmem:s9+$0xC0] =	vst v0  }
0x66: {  	[tilespmem:s9+$0xB0] =	vst v0  }
0x67: {  	[tilespmem:s9+$0xA0] =	vst v0  }
0x68: {  	[tilespmem:s9+$0x90] =	vst v0  }
0x69: {  	[tilespmem:s9+$0x80] =	vst v0  }
0x6a: {  	[tilespmem:s9+$0x70] =	vst v0  }
0x6b: {  	[tilespmem:s9+$0x60] =	vst v0  }
0x6c: {  	[tilespmem:s9+$0x50] =	vst v0  }
0x6d: {  	[tilespmem:s9+$0x40] =	vst v0  }
0x6e: {  	[tilespmem:s9+$0x30] =	vst v0  }
0x6f: {  	[tilespmem:s9+$0x20] =	vst v0  }
0x70: {  	[tilespmem:s9+$0x10] =	vst v0  }
0x71: {  	[tilespmem:s9+$0x0] =	vst v0  }
0x72: {  	[tilespmem:s9+$0xFFFFFFF0] =	vst v0  }
0x73: {  	[tilespmem:s9+$0xFFFFFFE0] =	vst v0  }
0x74: {  	[tilespmem:s9+$0xFFFFFFD0] =	vst v0  }
0x75: {  	[tilespmem:s9+$0xFFFFFFC0] =	vst v0  }
0x76: {  	[tilespmem:s9+$0xFFFFFFB0] =	vst v0  }
0x77: {  	[tilespmem:s9+$0xFFFFFFA0] =	vst v0  }
0x78: {  	[tilespmem:s9+$0xFFFFFF90] =	vst v0  }
0x79: {  	[tilespmem:s9+$0xFFFFFF80] =	vst v0  }
0x7a: {  	[tilespmem:s9+$0xFFFFFF70] =	vst v0  }
0x7b: {  	[tilespmem:s9+$0xFFFFFF60] =	vst v0  }
0x7c: {  	[tilespmem:s9+$0xFFFFFF50] =	vst v0  }
.Ltmp2:
0x7d: {  	[tilespmem:s9+$0xFFFFFF40] =	vst v0;
	(pc) =	sbr.rel @p1 .LBB2_2-.Ltmp2, $4  }
0x7e: {  	[tilespmem:s9+$0xFFFFFF30] =	vst v0  }
0x7f: {  	[tilespmem:s9+$0xFFFFFF20] =	vst v0  }
0x80: {  	[tilespmem:s9+$0xFFFFFF10] =	vst v0  }
0x81: {  	[tilespmem:s9+$0xFFFFFF00] =	vst v0  }
0x82: {  	[tilespmem:s9+$0xFFFFFEF0] =	vst v0  }
0x83: {  	[spmem:s10] =	stream.linear.scatter [tilespmem:s7], [sflag:$0x7], $0x1680, $0x38;
	[tilespmem:$0x1E600] =	vst v63  }
0x84: {  	_ =	swait.ge [sflag:s0], $0x1680  }
0x85: {  	[sflag:s0] =	ssyncset.done $0x0  }
0x86: {  	s29 =	rddreg [dreg:$0x6];
	[sflag:s0] =	ssyncadd.s32 $0xFFFFE980  }
0x87: {  	[spmem:s29] =	stream.linear.scatter [tilespmem:s7], [sflag:$0x7], $0x1680, $0x38;
	[tilespmem:$0x1E600] =	vst v63  }
0x88: {  	_ =	swait.ge [sflag:s0], $0x1680  }
0x89: {  	[sflag:s0] =	ssyncset.done $0x0  }
0x8a: {  	s30 =	rddreg [dreg:$0x7];
	[sflag:s0] =	ssyncadd.s32 $0xFFFFE980  }
0x8b: {  	[spmem:s30] =	stream.linear.scatter [tilespmem:s7], [sflag:$0x7], $0x1680, $0x38;
	[tilespmem:$0x1E600] =	vst v63  }
0x8c: {  	_ =	swait.ge [sflag:s0], $0x1680  }
0x8d: {  	[sflag:s0] =	ssyncset.done $0x0  }
0x8e: {  	s31 =	rddreg [dreg:$0x8];
	[sflag:s0] =	ssyncadd.s32 $0xFFFFE980  }
0x8f: {  	[spmem:s31] =	stream.linear.scatter [tilespmem:s7], [sflag:$0x7], $0x1680, $0x38;
	[tilespmem:$0x1E600] =	vst v63  }
0x90: {  	_ =	swait.ge [sflag:s0], $0x1680  }
0x91: {  	[sflag:s0] =	ssyncset.done $0x0  }
0x92: {  	s12 =	rddreg [dreg:$0x9];
	[sflag:s0] =	ssyncadd.s32 $0xFFFFE980  }
0x93: {  	[spmem:s12] =	stream.linear.scatter [tilespmem:s7], [sflag:$0x7], $0x1680, $0x38;
	[tilespmem:$0x1E600] =	vst v63  }
0x94: {  	_ =	swait.ge [sflag:s0], $0x1680  }
0x95: {  	[sflag:s0] =	ssyncset.done $0x0  }
0x96: {  	s21 =	rddreg [dreg:$0xa];
	[sflag:s0] =	ssyncadd.s32 $0xFFFFE980  }
0x97: {  	[spmem:s21] =	stream.linear.scatter [tilespmem:s7], [sflag:$0x7], $0x1680, $0x38;
	[tilespmem:$0x1E600] =	vst v63  }
0x98: {  	_ =	swait.ge [sflag:s0], $0x1680  }
0x99: {  	[sflag:s0] =	ssyncset.done $0x0  }
0x9a: {  	s23 =	rddreg [dreg:$0xb];
	[sflag:s0] =	ssyncadd.s32 $0xFFFFE980  }
0x9b: {  	[spmem:s23] =	stream.linear.scatter [tilespmem:s7], [sflag:$0x7], $0x1680, $0x38;
	[tilespmem:$0x1E600] =	vst v63  }
0x9c: {  	_ =	swait.ge [sflag:s0], $0x1680  }
0x9d: {  	[sflag:s0] =	ssyncset.done $0x0  }
0x9e: {  	s24 =	rddreg [dreg:$0xc];
	[sflag:s0] =	ssyncadd.s32 $0xFFFFE980  }
0x9f: {  	[spmem:s24] =	stream.linear.scatter [tilespmem:s7], [sflag:$0x7], $0x1680, $0x38;
	[tilespmem:$0x1E600] =	vst v63  }
0xa0: {  	_ =	swait.ge [sflag:s0], $0x1680  }
0xa1: {  	[sflag:s0] =	ssyncset.done $0x0  }
0xa2: {  	s25 =	rddreg [dreg:$0xd];
	[sflag:s0] =	ssyncadd.s32 $0xFFFFE980  }
0xa3: {  	[spmem:s25] =	stream.linear.scatter [tilespmem:s7], [sflag:$0x7], $0x1680, $0x38;
	[tilespmem:$0x1E600] =	vst v63  }
0xa4: {  	_ =	swait.ge [sflag:s0], $0x1680  }
0xa5: {  	[sflag:s0] =	ssyncset.done $0x0  }
0xa6: {  	s26 =	rddreg [dreg:$0xe];
	[sflag:s0] =	ssyncadd.s32 $0xFFFFE980  }
0xa7: {  	[spmem:s26] =	stream.linear.scatter [tilespmem:s7], [sflag:$0x7], $0x1680, $0x38;
	[tilespmem:$0x1E600] =	vst v63  }
0xa8: {  	_ =	swait.ge [sflag:s0], $0x1680  }
0xa9: {  	[sflag:s0] =	ssyncset.done $0x0  }
0xaa: {  	s28 =	rddreg [dreg:$0xf];
	[sflag:s0] =	ssyncadd.s32 $0xFFFFE980  }
0xab: {  	[spmem:s28] =	stream.linear.scatter [tilespmem:s7], [sflag:$0x7], $0x1680, $0x38;
	[tilespmem:$0x1E600] =	vst v63  }
0xac: {  	_ =	swait.ge [sflag:s0], $0x1680  }
0xad: {  	[sflag:s0] =	ssyncset.done $0x0  }
0xae: {  	s29 =	rddreg [dreg:$0x11];
	[sflag:s0] =	ssyncadd.s32 $0xFFFFE980  }
0xaf: {  	[spmem:s29] =	stream.linear.scatter [tilespmem:s7], [sflag:$0x7], $0x1680, $0x38;
	[tilespmem:$0x1E600] =	vst v63  }
0xb0: {  	_ =	swait.ge [sflag:s0], $0x1680  }
0xb1: {  	[sflag:s0] =	ssyncset.done $0x0  }
0xb2: {  	s30 =	rddreg [dreg:$0x12];
	[sflag:s0] =	ssyncadd.s32 $0xFFFFE980  }
0xb3: {  	[spmem:s30] =	stream.linear.scatter [tilespmem:s7], [sflag:$0x7], $0x1680, $0x38;
	[tilespmem:$0x1E600] =	vst v63  }
0xb4: {  	_ =	swait.ge [sflag:s0], $0x1680  }
0xb5: {  	[sflag:s0] =	ssyncset.done $0x0  }
0xb6: {  	s31 =	rddreg [dreg:$0x13];
	[sflag:s0] =	ssyncadd.s32 $0xFFFFE980  }
0xb7: {  	[spmem:s31] =	stream.linear.scatter [tilespmem:s7], [sflag:$0x7], $0x1680, $0x38;
	[tilespmem:$0x1E600] =	vst v63  }
0xb8: {  	_ =	swait.ge [sflag:s0], $0x1680  }
0xb9: {  	[sflag:s0] =	ssyncset.done $0x0  }
0xba: {  	s12 =	rddreg [dreg:$0x14];
	[sflag:s0] =	ssyncadd.s32 $0xFFFFE980  }
0xbb: {  	[spmem:s12] =	stream.linear.scatter [tilespmem:s7], [sflag:$0x7], $0x1680, $0x38;
	[tilespmem:$0x1E600] =	vst v63  }
0xbc: {  	_ =	swait.ge [sflag:s0], $0x1680  }
0xbd: {  	[sflag:s0] =	ssyncset.done $0x0  }
0xbe: {  	s21 =	rddreg [dreg:$0x15];
	[sflag:s0] =	ssyncadd.s32 $0xFFFFE980  }
0xbf: {  	[spmem:s21] =	stream.linear.scatter [tilespmem:s7], [sflag:$0x7], $0xD80, $0x38;
	[tilespmem:$0x1E600] =	vst v63  }
0xc0: {  	_ =	swait.ge [sflag:s0], $0xD80  }
0xc1: {  	[sflag:s0] =	ssyncset.done $0x0  }
0xc2: {  	s9 =	simm.s32 @!p0 $0x19FD8;
	[sflag:s0] =	ssyncadd.s32 $0xFFFFF280  }
0xc3: {  	[spmem:s1] =	stream.linear.scatter @!p0 [tilespmem:s9], [sflag:$0x7], $0x900, $0x38;
	[tilespmem:$0x1E600] =	vst v63  }
0xc4: {  	s9 =	simm.s32 @!p0 $0x7  }
0xc5: {  	_ =	swait.ge @!p0 [sflag:s9], $0x900  }
0xc6: {  	s12 =	simm.s32 $0x15F90;
	[sflag:s9] =	ssyncset.done @!p0 $0x0  }
0xc7: {  	s21 =	simm.s32 $0x0;
	s23 =	rddreg [dreg:$0x4];
	[sflag:s9] =	ssyncadd.s32 @!p0 $0xFFFFF700  }
0xc8: {  	[tilespmem:s12], [sflag:$0x7] =	stream.linear.gather [hbm4b:s23+s21], $0x10, $0x38;
	[tilespmem:$0x1E600] =	vst v63  }
0xc9: {  	_ =	swait.ge [sflag:s0], $0x10  }
0xca: {  	[sflag:s0] =	ssyncset.done $0x0  }
0xcb: {  	[sflag:s0] =	ssyncadd.s32 $0xFFFFFFF0  }
0xcc: {  	[bflag:$0x0] =	sbarrier.arrive $0xFFFF  }
0xcd: {  	s25 =	simm.s32 $0x186B0;
	s24 =	rddreg [dreg:$0x16]  }
0xce: {  	v10 =	vld [tilespmem:$0x15F90];
	[tilespmem:s25], [sflag:$0x1] =	stream.linear.gather [hbm4b:s24+s21], $0x28, $0x38  }
0xcf: {  	s28 =	simm.s32 $0x1;
	s26 =	rddreg [dreg:$0x17]  }
0xd0: {  	[tilespmem:s11], [sflag:$0x4] =	stream.linear.gather [hbm4b:s26+s21], $0x28, $0x38;
	[tilespmem:$0x1E600] =	vst v63  }
0xd1: {  	_ =	swait.ge [sflag:s28], $0x28  }
0xd2: {  	[sflag:s28] =	ssyncset.done $0x0  }
0xd3: {  	s29 =	simm.s32 $0x186D8;
	[sflag:s28] =	ssyncadd.s32 $0xFFFFFFD8  }
0xd4: {  	[tilespmem:s29], [sflag:$0x2] =	stream.indirect.gather [hbm4b:s2+s13], $0x10, s22, s13, $0xb8;
	[tilespmem:$0x1E600] =	vst v63  }
0xd5: {  	s30 =	simm.s32 $0x18958;
	v11 =	vperm.xlane v10, v1  }
0xd6: {  	[tilespmem:s30], [sflag:$0x2] =	stream.indirect.gather [hbm4b:s6+s13], $0x90, s25, s13, $0xb8;
	[tilespmem:$0x1E600] =	vst v63  }
0xd7: {  	v10 =	vadd.f32 v11, v10;
	_ =	swait.ge [sflag:s14], $0x28  }
0xd8: {  	[sflag:s14] =	ssyncset.done $0x0  }
0xd9: {  	s31 =	simm.s32 $0x15FC8;
	v11 =	vmul.f32 $2.000000030e-01, v10;
	[sflag:s14] =	ssyncadd.s32 $0xFFFFFFD8  }
0xda: {  	vm1 =	vgt.f32 v10, $0.0e+00;
	[tilespmem:s15], [sflag:$0x5] =	stream.indirect.gather [hbm4b:s2+s13], $0x10, s31, s13, $0xb8;
	[tilespmem:$0x1E600] =	vst v63  }
0xdb: {  	v10 =	vsel vm1, v10, v11  }
0xdc: {  	v10 =	vnsel vm0, $0x7149F2CA, v10;
	[tilespmem:s4], [sflag:$0x5] =	stream.indirect.gather [hbm4b:s6+s13], $0x90, s11, s13, $0xb8;
	[tilespmem:$0x1E600] =	vst v63  }
.LBB2_4:
0xdd: {  	s22 =	sshll.u32 s21, $0x1;
	p1 =	seq.s32 s21, $0x7C  }
0xde: {  	_ =	swait.ge [sflag:s16], $0x280;
	s24 =	sadd.s32 $0x2, s22;
	p2 =	seq.s32 @!p1 s21, $0x0  }
0xdf: {  	[sflag:s16] =	ssyncset.done $0x0;
	s9 =	smul.u32 @!p1 $0x28, s24;
	p2 =	por p1, !p2  }
.Ltmp3:
0xe0: {  	[sflag:s16] =	ssyncadd.s32 $0xFFFFFD80;
	(pc) =	sbr.rel @!p2 .LBB2_5-.Ltmp3, $4  }
0xe1: {  	_ =	swait.ge [sflag:s16], $0x1680;
	s9 =	sadd.s32 @!p1 s8, s9  }
0xe2: {  	s12 =	simm.s32 @!p1 $0x0;
	[sflag:s16] =	ssyncset.done $0x0;
	s9 =	sshrl.u32 @!p1 s9, $0x3  }
0xe3: {  	s23 =	simm.s32 @!p1 $0x186B0;
	[sflag:s16] =	ssyncadd.s32 $0xFFFFE980;
	s9 =	sadd.s32 @!p1 s5, s9  }
0xe4: {  	[tilespmem:s23], [sflag:$0x1] =	stream.linear.gather @!p1 [hbm4b:s9+s12], $0x28, $0x38;
	[tilespmem:$0x1E600] =	vst v63  }
.Ltmp4:
0xe5: {  	(pc) =	sbr.rel .LBB2_7-.Ltmp4, $4  }
0xe6: {  	_ = 	snop  }
0xe7: {  	_ =	swait.ge [sflag:s19], $0x1680  }
0xe8: {  	[sflag:s19] =	ssyncset.done $0x0  }
0xe9: {  	p2 =	por $0x0, $0x0;
	[sflag:s19] =	ssyncadd.s32 $0xFFFFE980  }
.LBB2_5:
0xea: {  	p2 =	por @!p1 $0x1, $0x1  }
.LBB2_7:
0xeb: {  	s9 =	simm.s32 $0x186F8  }
0xec: {  	s28 =	simm.s32 $0x18A78;
	v11 =	vld [tilespmem:s9+$0x10]  }
0xed: {  	v12 =	vld [tilespmem:s28+$0x110]  }
0xee: {  	v13 =	vld [tilespmem:s9+$0x0]  }
0xef: {  	v14 =	vld [tilespmem:s28+$0x80];
	_ =	sdelay $0x3  }
0xf0: {  	v11 =	vadd.f32 v11, v12  }
0xf1: {  	v16 =	vld [tilespmem:s28+$0xFFFFFFF0];
	v13 =	vadd.f32 v13, v14  }
0xf2: {  	v12 =	vld [tilespmem:s9+$0xFFFFFFF0];
	v15 =	vmul.f32 $2.000000030e-01, v11  }
0xf3: {  	v14 =	vld [tilespmem:s28+$0xFFFFFF60];
	vm1 =	vgt.f32 v11, $0.0e+00;
	v17 =	vmul.f32 $2.000000030e-01, v13  }
0xf4: {  	v11 =	vsel vm1, v11, v15;
	v15 =	vld [tilespmem:s9+$0xFFFFFFE0];
	vm1 =	vgt.f32 v13, $0.0e+00  }
0xf5: {  	v11 =	vsub.f32 v11, v10;
	v13 =	vsel vm1, v13, v17  }
0xf6: {  	v13 =	vsub.f32 v13, v10  }
0xf7: {  	v12 =	vadd.f32 v12, v16;
	v11 =	vmul.f32 $1.442695020e+00, v11  }
0xf8: {  	v13 =	vmul.f32 $1.442695020e+00, v13  }
0xf9: {  	(erf) = vpow2.f32 v11;
	v11 =	vadd.f32 v15, v14;
	v14 =	vmul.f32 $2.000000030e-01, v12  }
0xfa: {  	vm1 =	vgt.f32 v12, $0.0e+00  }
0xfb: {  	(erf) = vpow2.f32 v13;
	v15 =	vmul.f32 $2.000000030e-01, v11;
	v12 =	vsel vm1, v12, v14  }
0xfc: {  	vm1 =	vgt.f32 v11, $0.0e+00;
	v12 =	vsub.f32 v12, v10  }
0xfd: {  	v11 =	vsel vm1, v11, v15  }
0xfe: {  	v11 =	vsub.f32 v11, v10;
	v12 =	vmul.f32 $1.442695020e+00, v12;
	_ =	sdelay $0x1  }
0xff: {  	v11 =	vmul.f32 $1.442695020e+00, v11;
	(erf) = vpow2.f32 v12;
	_ =	sdelay $0x1  }
0x100: {  	v12 =	vpop (erf);
	(erf) = vpow2.f32 v11  }
0x101: {  	s26 =	simm.s32 $0x1A0F8;
	v13 =	vnsel vm0, $0x0, v12  }
0x102: {  	[tilespmem:s26+$0x110] =	vst v13;
	v11 =	vpop (erf)  }
0x103: {  	v12 =	vld [tilespmem:s28+$0x90];
	v19 =	vnsel vm0, $0x0, v11  }
0x104: {  	[tilespmem:s26+$0x80] =	vst v19  }
0x105: {  	s25 =	simm.s32 $0x18738;
	v14 =	vperm.xlane v13, v2;
	v11 =	vld [tilespmem:s28+$0x0]  }
0x106: {  	s23 =	simm.s32 $0x18CB8;
	v16 =	vld [tilespmem:s25+$0x10]  }
0x107: {  	v17 =	vld [tilespmem:s23+$0x110];
	v15 =	vpop (erf)  }
0x108: {  	v12 =	vmul.f32 v14, v12;
	v20 =	vnsel vm0, $0x0, v15;
	v15 =	vperm.xlane v19, v2  }
0x109: {  	v14 =	vpop (erf);
	[tilespmem:s26+$0xFFFFFFF0] =	vst v20  }
0x10a: {  	[tilespmem:s26+$0x90] =	vst v12;
	v14 =	vnsel vm0, $0x0, v14;
	v12 =	vld [tilespmem:s28+$0xFFFFFF70];
	v11 =	vmul.f32 v15, v11  }
0x10b: {  	v15 =	vld [tilespmem:s28+$0xA0];
	[tilespmem:s26+$0xFFFFFF60] =	vst v14  }
0x10c: {  	v16 =	vadd.f32 v16, v17;
	v18 =	vld [tilespmem:s28+$0xFFFFFEE0];
	[tilespmem:s26+$0x0] =	vst v11  }
0x10d: {  	v11 =	vperm.xlane v20, v2;
	v21 =	vld [tilespmem:s28+$0x10]  }
0x10e: {  	v22 =	vld [tilespmem:s25+$0xFFFFFFF0];
	v26 =	vmul.f32 $2.000000030e-01, v16;
	v23 =	vperm.xlane v13, v3  }
0x10f: {  	v24 =	vld [tilespmem:s25+$0x0];
	v17 =	vperm.xlane v14, v2;
	v11 =	vmul.f32 v11, v12  }
0x110: {  	v12 =	vld [tilespmem:s23+$0x80];
	v15 =	vmul.f32 v23, v15;
	v23 =	vperm.xlane v19, v3  }
0x111: {  	v25 =	vld [tilespmem:s23+$0xFFFFFFF0];
	vm1 =	vgt.f32 v16, $0.0e+00;
	v17 =	vmul.f32 v17, v18;
	[tilespmem:s26+$0xFFFFFF70] =	vst v11  }
0x112: {  	v16 =	vsel vm1, v16, v26;
	v11 =	vld [tilespmem:s28+$0xFFFFFF80];
	[tilespmem:s26+$0xA0] =	vst v15;
	v15 =	vmul.f32 v23, v21  }
0x113: {  	v16 =	vsub.f32 v16, v10;
	[tilespmem:s26+$0xFFFFFEE0] =	vst v17;
	v17 =	vld [tilespmem:s28+$0xB0]  }
0x114: {  	v18 =	vld [tilespmem:s28+$0xFFFFFEF0];
	[tilespmem:s26+$0x10] =	vst v15  }
0x115: {  	v16 =	vmul.f32 $1.442695020e+00, v16;
	v21 =	vperm.xlane v20, v3;
	v12 =	vadd.f32 v24, v12;
	v23 =	vld [tilespmem:s28+$0x20]  }
0x116: {  	v27 =	vld [tilespmem:s25+$0xFFFFFFE0];
	v26 =	vperm.xlane v14, v3;
	v15 =	vperm.xlane v13, v4  }
0x117: {  	v24 =	vld [tilespmem:s23+$0xFFFFFF60];
	v11 =	vmul.f32 v21, v11;
	v21 =	vmul.f32 $2.000000030e-01, v12  }
0x118: {  	vm1 =	vgt.f32 v12, $0.0e+00;
	v15 =	vmul.f32 v15, v17;
	v17 =	vperm.xlane v19, v4  }
0x119: {  	s25 =	simm.s32 $0x18EF8;
	(erf) = vpow2.f32 v16;
	v18 =	vmul.f32 v26, v18;
	[tilespmem:s26+$0xFFFFFF80] =	vst v11;
	v11 =	vsel vm1, v12, v21  }
0x11a: {  	v32 =	vld [tilespmem:s25+$0x110];
	v16 =	vadd.f32 v22, v25;
	[tilespmem:s26+$0xB0] =	vst v15;
	v11 =	vsub.f32 v11, v10;
	v15 =	vmul.f32 v17, v23  }
0x11b: {  	v12 =	vld [tilespmem:s28+$0xFFFFFF90];
	[tilespmem:s26+$0xFFFFFEF0] =	vst v18  }
0x11c: {  	v23 =	vadd.f32 v27, v24;
	v18 =	vld [tilespmem:s28+$0xFFFFFF00];
	v11 =	vmul.f32 $1.442695020e+00, v11;
	[tilespmem:s26+$0x20] =	vst v15;
	v15 =	vmul.f32 $2.000000030e-01, v16  }
0x11d: {  	vm1 =	vgt.f32 v16, $0.0e+00;
	v24 =	vperm.xlane v20, v4;
	v25 =	vld [tilespmem:s28+$0x30]  }
0x11e: {  	s12 =	simm.s32 $0x18778;
	v44 =	vld [tilespmem:s25+$0x80];
	v26 =	vmul.f32 $2.000000030e-01, v23;
	v15 =	vsel vm1, v16, v15;
	(erf) = vpow2.f32 v11  }
0x11f: {  	v22 =	vld [tilespmem:s12+$0xFFFFFFF0];
	v11 =	vperm.xlane v14, v4;
	vm1 =	vgt.f32 v23, $0.0e+00;
	v15 =	vsub.f32 v15, v10  }
0x120: {  	v21 =	vld [tilespmem:s25+$0xFFFFFF60];
	v16 =	vperm.xlane v19, v5;
	v12 =	vmul.f32 v24, v12;
	v23 =	vsel vm1, v23, v26  }
0x121: {  	v17 =	vld [tilespmem:s28+$0xC0];
	v11 =	vmul.f32 v11, v18;
	v18 =	vsub.f32 v23, v10;
	v15 =	vmul.f32 $1.442695020e+00, v15  }
0x122: {  	v31 =	vperm.xlane v13, v8;
	v24 =	vld [tilespmem:s12+$0x10];
	[tilespmem:s26+$0xFFFFFF90] =	vst v12;
	v12 =	vmul.f32 v16, v25  }
0x123: {  	v26 =	vld [tilespmem:s12+$0x0];
	v18 =	vmul.f32 $1.442695020e+00, v18;
	(erf) = vpow2.f32 v15  }
0x124: {  	v37 =	vperm.xlane v13, v7;
	v38 =	vperm.xlane v19, v7;
	[tilespmem:s26+$0xFFFFFF00] =	vst v11;
	v15 =	vld [tilespmem:s28+$0xFFFFFFA0]  }
0x125: {  	v27 =	vperm.xlane v13, v5;
	v16 =	vpop (erf);
	[tilespmem:s26+$0x30] =	vst v12;
	v28 =	vld [tilespmem:s28+$0xFFFFFF10];
	(erf) = vpow2.f32 v18  }
0x126: {  	s29 =	simm.s32 $0x1A338;
	v34 =	vperm.xlane v14, v5;
	v43 =	vperm.xlane v14, v6;
	v11 =	vnsel vm0, $0x0, v16;
	v29 =	vld [tilespmem:s28+$0x40]  }
0x127: {  	v23 =	vld [tilespmem:s25+$0xFFFFFFF0];
	v25 =	vmul.f32 v27, v17;
	v27 =	vperm.xlane v20, v5;
	[tilespmem:s29+$0x110] =	vst v11  }
0x128: {  	v52 =	vperm.xlane v14, v7;
	v17 =	vperm.xlane v13, v9;
	v30 =	vld [tilespmem:s23+$0x90];
	v12 =	vpop (erf)  }
0x129: {  	[tilespmem:s26+$0xC0] =	vst v25;
	v25 =	vld [tilespmem:s12+$0xFFFFFFE0];
	v12 =	vnsel vm0, $0x0, v12;
	v15 =	vmul.f32 v27, v15;
	v27 =	vperm.xlane v19, v6  }
0x12a: {  	v16 =	vperm.xlane v20, v9;
	v58 =	vld [tilespmem:s28+$0xD0];
	[tilespmem:s29+$0x80] =	vst v12;
	v28 =	vmul.f32 v34, v28  }
0x12b: {  	v33 =	vperm.xlane v11, v2;
	v35 =	vld [tilespmem:s23+$0x0];
	[tilespmem:s26+$0xFFFFFFA0] =	vst v15;
	v15 =	vmul.f32 v27, v29  }
0x12c: {  	v42 =	vperm.xlane v11, v3;
	v54 =	vperm.xlane v11, v4;
	[tilespmem:s26+$0xFFFFFF10] =	vst v28;
	v28 =	vld [tilespmem:s28+$0xFFFFFFB0];
	v59 =	vpop (erf)  }
0x12d: {  	v27 =	vmul.f32 v33, v30;
	v36 =	vld [tilespmem:s28+$0xFFFFFF20];
	[tilespmem:s26+$0x40] =	vst v15;
	v15 =	vperm.xlane v13, v6;
	v13 =	vnsel vm0, $0x0, v59  }
0x12e: {  	v18 =	vperm.xlane v12, v5;
	v40 =	vperm.xlane v12, v2;
	v60 =	vld [tilespmem:s28+$0x50];
	v39 =	vpop (erf);
	[tilespmem:s29+$0xFFFFFFF0] =	vst v13  }
0x12f: {  	[tilespmem:s29+$0x90] =	vst v27;
	v27 =	vperm.xlane v20, v6;
	v34 =	vmul.f32 v15, v58;
	v15 =	vnsel vm0, $0x0, v39;
	v61 =	vld [tilespmem:s23+$0xFFFFFF70]  }
0x130: {  	v50 =	vperm.xlane v12, v3;
	v41 =	vld [tilespmem:s23+$0xA0];
	v35 =	vmul.f32 v40, v35;
	[tilespmem:s29+$0xFFFFFF60] =	vst v15  }
0x131: {  	v29 =	vperm.xlane v19, v9;
	v27 =	vmul.f32 v27, v28;
	[tilespmem:s26+$0xD0] =	vst v34;
	v28 =	vld [tilespmem:s23+$0xFFFFFEE0]  }
0x132: {  	v62 =	vperm.xlane v13, v2;
	v36 =	vmul.f32 v43, v36;
	[tilespmem:s29+$0x0] =	vst v35;
	v63 =	vld [tilespmem:s28+$0xE0]  }
0x133: {  	v24 =	vadd.f32 v24, v32;
	v30 =	vperm.xlane v20, v8;
	v33 =	vmul.f32 v38, v60;
	v45 =	vld [tilespmem:s23+$0x10];
	[tilespmem:s26+$0xFFFFFFB0] =	vst v27  }
0x134: {  	v47 =	vperm.xlane v15, v2;
	[tilespmem:s26+$0xFFFFFF20] =	vst v36;
	v49 =	vld [tilespmem:s28+$0xFFFFFFC0];
	v34 =	vmul.f32 v62, v61  }
0x135: {  	v46 =	vmul.f32 v42, v41;
	v27 =	vmul.f32 $2.000000030e-01, v24;
	v48 =	vld [tilespmem:s28+$0xFFFFFF30];
	[tilespmem:s26+$0x50] =	vst v33  }
0x136: {  	vm1 =	vgt.f32 v24, $0.0e+00;
	v19 =	vperm.xlane v19, v8;
	v51 =	vld [tilespmem:s28+$0x60];
	v28 =	vmul.f32 v47, v28;
	[tilespmem:s29+$0xFFFFFF70] =	vst v34  }
0x137: {  	v20 =	vperm.xlane v20, v7;
	v24 =	vsel vm1, v24, v27;
	[tilespmem:s29+$0xA0] =	vst v46;
	v35 =	vmul.f32 v37, v63;
	v27 =	vld [tilespmem:s23+$0xFFFFFF80]  }
0x138: {  	v56 =	vperm.xlane v13, v3;
	v53 =	vld [tilespmem:s23+$0xB0];
	[tilespmem:s29+$0xFFFFFEE0] =	vst v28;
	v28 =	vmul.f32 v50, v45  }
0x139: {  	v58 =	vperm.xlane v11, v5;
	[tilespmem:s26+$0xE0] =	vst v35;
	v20 =	vmul.f32 v20, v49;
	v55 =	vld [tilespmem:s23+$0xFFFFFEF0]  }
0x13a: {  	v26 =	vadd.f32 v26, v44;
	v40 =	vperm.xlane v14, v8;
	v36 =	vmul.f32 v52, v48;
	[tilespmem:s29+$0x10] =	vst v28;
	v28 =	vld [tilespmem:s28+$0xF0]  }
0x13b: {  	v59 =	vperm.xlane v15, v3;
	v24 =	vsub.f32 v24, v10;
	v19 =	vmul.f32 v19, v51;
	[tilespmem:s26+$0xFFFFFFC0] =	vst v20;
	v57 =	vld [tilespmem:s23+$0x20]  }
0x13c: {  	v20 =	vmul.f32 $2.000000030e-01, v26;
	[tilespmem:s26+$0xFFFFFF30] =	vst v36;
	v60 =	vld [tilespmem:s28+$0xFFFFFFD0];
	v27 =	vmul.f32 v56, v27  }
0x13d: {  	vm1 =	vgt.f32 v26, $0.0e+00;
	v24 =	vmul.f32 $1.442695020e+00, v24;
	v32 =	vmul.f32 v54, v53;
	v36 =	vld [tilespmem:s28+$0xFFFFFF40];
	[tilespmem:s26+$0x60] =	vst v19  }
0x13e: {  	v20 =	vsel vm1, v26, v20;
	v61 =	vld [tilespmem:s28+$0x70];
	v19 =	vmul.f32 v59, v55;
	[tilespmem:s29+$0xFFFFFF80] =	vst v27;
	v27 =	vperm.xlane v12, v4  }
0x13f: {  	(erf) = vpow2.f32 v24;
	[tilespmem:s29+$0xB0] =	vst v32;
	v20 =	vsub.f32 v20, v10;
	v24 =	vld [tilespmem:s23+$0xFFFFFF90];
	v26 =	vmul.f32 v31, v28  }
0x140: {  	v21 =	vadd.f32 v25, v21;
	v32 =	vld [tilespmem:s23+$0xC0];
	v28 =	vperm.xlane v15, v4;
	[tilespmem:s29+$0xFFFFFEF0] =	vst v19;
	v31 =	vmul.f32 v27, v57  }
0x141: {  	v62 =	vadd.f32 v22, v23;
	v20 =	vmul.f32 $1.442695020e+00, v20;
	v25 =	vmul.f32 v30, v60;
	v27 =	vld [tilespmem:s23+$0xFFFFFF00];
	[tilespmem:s26+$0xF0] =	vst v26  }
0x142: {  	v19 =	vperm.xlane v13, v4;
	v22 =	vmul.f32 v40, v36;
	[tilespmem:s29+$0x20] =	vst v31;
	v26 =	vld [tilespmem:s28+$0x100]  }
0x143: {  	v31 =	vmul.f32 $2.000000030e-01, v62;
	v63 =	vmul.f32 v29, v61;
	[tilespmem:s26+$0xFFFFFFD0] =	vst v25;
	v23 =	vld [tilespmem:s23+$0x30]  }
0x144: {  	s30 =	simm.s32 $0x8;
	vm2 =	vgt.f32 v62, $0.0e+00;
	[tilespmem:s26+$0xFFFFFF40] =	vst v22;
	v22 =	vmul.f32 $2.000000030e-01, v21;
	v25 =	vld [tilespmem:s28+$0xFFFFFFE0];
	v30 =	vmul.f32 v19, v24  }
0x145: {  	s31 =	simm.s32 $0x187B8;
	s12 =	simm.s32 $0x19138;
	vm1 =	vgt.f32 v21, $0.0e+00;
	v29 =	vmul.f32 v58, v32;
	v24 =	vld [tilespmem:s28+$0xFFFFFF50];
	v31 =	vsel vm2, v62, v31;
	[tilespmem:s26+$0x70] =	vst v63;
	s28 =	simm.s32 $0x1A338  }
.LBB2_8:
0x146: {  	v19 =	vld [tilespmem:s12+$0xFFFFFF60];
	s30 =	sadd.s32 $0x4, s30;
	v21 =	vsel vm1, v21, v22;
	(erf) = vpow2.f32 v20;
	v22 =	vmul.f32 v28, v27;
	[tilespmem:s29+$0xFFFFFF90] =	vst v30;
	s9 =	smov.u32 s25;
	s25 =	smov.u32 s12  }
0x147: {  	v27 =	vsub.f32 v31, v10;
	v20 =	vld [tilespmem:s31+$0xFFFFFFF0];
	p3 =	slt.u32 s30, $0x24;
	v21 =	vsub.f32 v21, v10;
	[tilespmem:s29+$0xC0] =	vst v29;
	v17 =	vmul.f32 v17, v26  }
0x148: {  	v28 =	vld [tilespmem:s31+$0x10];
	v26 =	vpop (erf);
	[tilespmem:s29+$0xFFFFFF00] =	vst v22;
	v18 =	vmul.f32 v18, v23;
	v22 =	vperm.xlane v14, v9;
	v14 =	vmov v15  }
0x149: {  	v27 =	vmul.f32 $1.442695020e+00, v27;
	v23 =	vld [tilespmem:s31+$0x0];
	v15 =	vmul.f32 $1.442695020e+00, v21;
	v29 =	vnsel vm0, $0x0, v26;
	[tilespmem:s26+$0x100] =	vst v17  }
0x14a: {  	s29 =	sadd.s32 $0x240, s29;
	v26 =	vperm.xlane v13, v5;
	v21 =	vld [tilespmem:s12+$0xFFFFFFF0];
	[tilespmem:s28+$0x30] =	vst v18;
	v17 =	vmul.f32 v22, v24  }
0x14b: {  	v16 =	vmul.f32 v16, v25;
	[tilespmem:s29+$0x110] =	vst v29;
	(erf) = vpow2.f32 v27;
	v18 =	vld [tilespmem:s23+$0xFFFFFFA0]  }
0x14c: {  	(erf) = vpow2.f32 v15;
	v15 =	vld [tilespmem:s23+$0xFFFFFF10];
	[tilespmem:s26+$0xFFFFFF50] =	vst v17  }
0x14d: {  	v17 =	vperm.xlane v11, v9;
	v24 =	vld [tilespmem:s23+$0x40];
	[tilespmem:s26+$0xFFFFFFE0] =	vst v16;
	s26 =	smov.u32 s28;
	s28 =	smov.u32 s29  }
0x14e: {  	v25 =	vperm.xlane v11, v8;
	v16 =	vperm.xlane v13, v9;
	v27 =	vld [tilespmem:s9+$0x90]  }
0x14f: {  	v33 =	vperm.xlane v14, v5;
	v31 =	vperm.xlane v29, v2;
	v30 =	vld [tilespmem:s12+$0x110];
	v32 =	vpop (erf)  }
0x150: {  	v34 =	vperm.xlane v12, v6;
	v22 =	vld [tilespmem:s31+$0xFFFFFFE0];
	v32 =	vnsel vm0, $0x0, v32;
	v26 =	vmul.f32 v26, v18  }
0x151: {  	[tilespmem:s29+$0x80] =	vst v32;
	v18 =	vperm.xlane v32, v5;
	v36 =	vmul.f32 v33, v15;
	v33 =	vld [tilespmem:s23+$0xD0]  }
0x152: {  	v35 =	vld [tilespmem:s9+$0x0];
	[tilespmem:s26+$0xFFFFFFA0] =	vst v26;
	v34 =	vmul.f32 v34, v24;
	v24 =	vperm.xlane v12, v9  }
0x153: {  	v26 =	vperm.xlane v13, v8;
	v27 =	vmul.f32 v31, v27;
	[tilespmem:s26+$0xFFFFFF10] =	vst v36;
	v31 =	vld [tilespmem:s23+$0xFFFFFFB0]  }
0x154: {  	v37 =	vperm.xlane v11, v7;
	v15 =	vpop (erf);
	v36 =	vld [tilespmem:s23+$0xFFFFFF20];
	[tilespmem:s26+$0x40] =	vst v34;
	v34 =	vperm.xlane v11, v6;
	v11 =	vmov v29  }
0x155: {  	v39 =	vperm.xlane v12, v7;
	v29 =	vnsel vm0, $0x0, v15;
	[tilespmem:s29+$0x90] =	vst v27;
	v15 =	vpop (erf);
	v27 =	vperm.xlane v13, v6;
	v38 =	vld [tilespmem:s23+$0x50]  }
0x156: {  	v40 =	vperm.xlane v32, v2;
	v15 =	vnsel vm0, $0x0, v15;
	[tilespmem:s29+$0xFFFFFFF0] =	vst v29;
	v41 =	vld [tilespmem:s9+$0xA0];
	v33 =	vmul.f32 v34, v33  }
0x157: {  	v43 =	vperm.xlane v14, v6;
	v42 =	vperm.xlane v11, v3;
	v34 =	vld [tilespmem:s9+$0xFFFFFF70]  }
0x158: {  	v35 =	vmul.f32 v40, v35;
	v44 =	vld [tilespmem:s12+$0x80];
	[tilespmem:s29+$0xFFFFFF60] =	vst v15;
	v27 =	vmul.f32 v27, v31  }
0x159: {  	v40 =	vperm.xlane v14, v8;
	v31 =	vld [tilespmem:s9+$0xFFFFFEE0];
	v36 =	vmul.f32 v43, v36;
	[tilespmem:s26+$0xD0] =	vst v33  }
0x15a: {  	v33 =	vperm.xlane v29, v2;
	[tilespmem:s29+$0x0] =	vst v35;
	v35 =	vmul.f32 v39, v38;
	v38 =	vld [tilespmem:s23+$0xE0]  }
0x15b: {  	v28 =	vadd.f32 v28, v30;
	v30 =	vld [tilespmem:s9+$0x10];
	v39 =	vmul.f32 v42, v41;
	[tilespmem:s26+$0xFFFFFF20] =	vst v36;
	v36 =	vperm.xlane v12, v8  }
0x15c: {  	v41 =	vperm.xlane v15, v2;
	v12 =	vmov v32;
	v33 =	vmul.f32 v33, v34;
	v34 =	vld [tilespmem:s23+$0xFFFFFF30];
	[tilespmem:s26+$0xFFFFFFB0] =	vst v27  }
0x15d: {  	v42 =	vperm.xlane v13, v7;
	v13 =	vmov v29;
	v27 =	vmul.f32 $2.000000030e-01, v28;
	v32 =	vld [tilespmem:s23+$0xFFFFFFC0];
	[tilespmem:s26+$0x50] =	vst v35  }
0x15e: {  	vm1 =	vgt.f32 v28, $0.0e+00;
	v29 =	vmul.f32 v41, v31;
	[tilespmem:s29+$0xFFFFFF70] =	vst v33;
	v31 =	vperm.xlane v12, v3;
	v33 =	vld [tilespmem:s23+$0x60]  }
0x15f: {  	v35 =	vperm.xlane v14, v7;
	v27 =	vsel vm1, v28, v27;
	v28 =	vld [tilespmem:s9+$0xFFFFFF80];
	[tilespmem:s29+$0xA0] =	vst v39;
	v37 =	vmul.f32 v37, v38  }
0x160: {  	v27 =	vsub.f32 v27, v10;
	[tilespmem:s29+$0xFFFFFEE0] =	vst v29;
	v29 =	vmul.f32 v31, v30;
	v30 =	vld [tilespmem:s9+$0xB0];
	v31 =	vperm.xlane v11, v4  }
0x161: {  	v39 =	vperm.xlane v13, v3;
	v38 =	vld [tilespmem:s9+$0xFFFFFEF0];
	v34 =	vmul.f32 v35, v34;
	[tilespmem:s26+$0xE0] =	vst v37  }
0x162: {  	v27 =	vmul.f32 $1.442695020e+00, v27;
	[tilespmem:s29+$0x10] =	vst v29;
	v29 =	vmul.f32 v42, v32;
	v32 =	vld [tilespmem:s23+$0xF0]  }
0x163: {  	v23 =	vadd.f32 v23, v44;
	v37 =	vperm.xlane v11, v5;
	v35 =	vld [tilespmem:s9+$0x20];
	[tilespmem:s26+$0xFFFFFF30] =	vst v34;
	v33 =	vmul.f32 v36, v33  }
0x164: {  	v34 =	vperm.xlane v15, v3;
	v28 =	vmul.f32 v39, v28;
	v36 =	vld [tilespmem:s23+$0xFFFFFF40];
	[tilespmem:s26+$0xFFFFFFC0] =	vst v29  }
0x165: {  	vm1 =	vgt.f32 v23, $0.0e+00;
	v29 =	vmul.f32 $2.000000030e-01, v23;
	v30 =	vmul.f32 v31, v30;
	v31 =	vld [tilespmem:s23+$0xFFFFFFD0];
	[tilespmem:s26+$0x60] =	vst v33  }
0x166: {  	v33 =	vmul.f32 v34, v38;
	[tilespmem:s29+$0xFFFFFF80] =	vst v28;
	v28 =	vperm.xlane v12, v4;
	v34 =	vld [tilespmem:s23+$0x70]  }
0x167: {  	v23 =	vsel vm1, v23, v29;
	(erf) = vpow2.f32 v27;
	v29 =	vld [tilespmem:s9+$0xFFFFFF90];
	[tilespmem:s29+$0xB0] =	vst v30;
	v25 =	vmul.f32 v25, v32  }
0x168: {  	v23 =	vsub.f32 v23, v10;
	v30 =	vperm.xlane v13, v4;
	[tilespmem:s29+$0xFFFFFEF0] =	vst v33;
	v32 =	vmul.f32 v28, v35;
	v33 =	vld [tilespmem:s9+$0xC0]  }
.Ltmp5:
0x169: {  	v35 =	vadd.f32 v20, v21;
	v28 =	vperm.xlane v15, v4;
	v27 =	vld [tilespmem:s9+$0xFFFFFF00];
	v36 =	vmul.f32 v40, v36;
	[tilespmem:s26+$0xF0] =	vst v25;
	(pc) =	sbr.rel @p3 .LBB2_8-.Ltmp5, $4  }
0x16a: {  	v21 =	vadd.f32 v22, v19;
	v20 =	vmul.f32 $1.442695020e+00, v23;
	[tilespmem:s29+$0x20] =	vst v32;
	v19 =	vmul.f32 v26, v31;
	v26 =	vld [tilespmem:s23+$0x100]  }
0x16b: {  	v25 =	vmul.f32 $2.000000030e-01, v35;
	v23 =	vld [tilespmem:s9+$0x30];
	[tilespmem:s26+$0xFFFFFF40] =	vst v36;
	v32 =	vmul.f32 v24, v34  }
0x16c: {  	v22 =	vmul.f32 $2.000000030e-01, v21;
	vm2 =	vgt.f32 v35, $0.0e+00;
	v30 =	vmul.f32 v30, v29;
	v24 =	vld [tilespmem:s23+$0xFFFFFF50];
	[tilespmem:s26+$0xFFFFFFD0] =	vst v19  }
0x16d: {  	s31 =	sadd.s32 $0x40, s31;
	s12 =	sadd.s32 $0x240, s12;
	vm1 =	vgt.f32 v21, $0.0e+00;
	v31 =	vsel vm2, v35, v25;
	v29 =	vmul.f32 v37, v33;
	v25 =	vld [tilespmem:s23+$0xFFFFFFE0];
	[tilespmem:s26+$0x70] =	vst v32;
	s23 =	smov.u32 s9  }
0x16e: {  	v19 =	vsel vm1, v21, v22;
	v21 =	vsub.f32 v31, v10  }
0x16f: {  	v19 =	vsub.f32 v19, v10  }
0x170: {  	v21 =	vmul.f32 $1.442695020e+00, v21  }
0x171: {  	(erf) = vpow2.f32 v20;
	v19 =	vmul.f32 $1.442695020e+00, v19  }
0x172: {  	(erf) = vpow2.f32 v21  }
0x173: {  	(erf) = vpow2.f32 v19;
	_ =	sdelay $0x5  }
0x174: {  	v19 =	vpop (erf)  }
0x175: {  	v20 =	vpop (erf)  }
0x176: {  	s12 =	sadd.s32 $0x240, s29;
	v20 =	vnsel vm0, $0x0, v20;
	v21 =	vpop (erf)  }
0x177: {  	v19 =	vnsel vm0, $0x0, v19;
	[tilespmem:s12+$0x80] =	vst v20;
	v22 =	vpop (erf)  }
0x178: {  	[tilespmem:s12+$0x110] =	vst v19;
	v31 =	vld [tilespmem:s25+$0x0];
	v22 =	vnsel vm0, $0x0, v22  }
0x179: {  	v32 =	vld [tilespmem:s25+$0x90];
	v21 =	vnsel vm0, $0x0, v21;
	[tilespmem:s12+$0xFFFFFF60] =	vst v22  }
0x17a: {  	[tilespmem:s12+$0xFFFFFFF0] =	vst v21;
	v33 =	vld [tilespmem:s25+$0xFFFFFEE0]  }
0x17b: {  	v34 =	vperm.xlane v20, v2;
	v35 =	vld [tilespmem:s25+$0xFFFFFF70]  }
0x17c: {  	v36 =	vperm.xlane v19, v2  }
0x17d: {  	v41 =	vperm.xlane v22, v2;
	v31 =	vmul.f32 v34, v31  }
0x17e: {  	v32 =	vmul.f32 v36, v32;
	v42 =	vperm.xlane v21, v2  }
0x17f: {  	[tilespmem:s12+$0x0] =	vst v31;
	v31 =	vmul.f32 v41, v33  }
0x180: {  	[tilespmem:s12+$0x90] =	vst v32;
	v43 =	vld [tilespmem:s25+$0x10];
	v44 =	vmul.f32 v42, v35  }
0x181: {  	v45 =	vld [tilespmem:s25+$0xA0];
	[tilespmem:s12+$0xFFFFFEE0] =	vst v31  }
0x182: {  	[tilespmem:s12+$0xFFFFFF70] =	vst v44;
	v31 =	vld [tilespmem:s25+$0xFFFFFEF0]  }
0x183: {  	v46 =	vperm.xlane v20, v3;
	v47 =	vld [tilespmem:s25+$0xFFFFFF80]  }
0x184: {  	v48 =	vperm.xlane v19, v3  }
0x185: {  	v49 =	vperm.xlane v22, v3;
	v32 =	vmul.f32 v46, v43  }
0x186: {  	[tilespmem:s29+$0xFFFFFF90] =	vst v30;
	v50 =	vperm.xlane v21, v3;
	v30 =	vmul.f32 v48, v45  }
0x187: {  	[tilespmem:s12+$0x10] =	vst v32;
	v31 =	vmul.f32 v49, v31  }
0x188: {  	[tilespmem:s12+$0xA0] =	vst v30;
	v30 =	vld [tilespmem:s25+$0x20];
	v51 =	vmul.f32 v50, v47  }
0x189: {  	v52 =	vld [tilespmem:s25+$0xB0];
	[tilespmem:s12+$0xFFFFFEF0] =	vst v31  }
0x18a: {  	v27 =	vmul.f32 v28, v27;
	[tilespmem:s12+$0xFFFFFF80] =	vst v51;
	v28 =	vld [tilespmem:s25+$0xFFFFFF00]  }
0x18b: {  	[tilespmem:s29+$0xC0] =	vst v29;
	v17 =	vmul.f32 v17, v26;
	v26 =	vperm.xlane v20, v4;
	v29 =	vld [tilespmem:s25+$0xFFFFFF90]  }
0x18c: {  	[tilespmem:s29+$0xFFFFFF00] =	vst v27;
	v18 =	vmul.f32 v18, v23;
	v23 =	vperm.xlane v19, v4  }
0x18d: {  	[tilespmem:s26+$0x100] =	vst v17;
	v17 =	vmul.f32 v26, v30;
	v26 =	vperm.xlane v22, v4  }
0x18e: {  	[tilespmem:s28+$0x30] =	vst v18;
	v18 =	vld [tilespmem:s23+$0xFFFFFF10];
	v27 =	vperm.xlane v21, v4;
	v23 =	vmul.f32 v23, v52  }
0x18f: {  	v14 =	vperm.xlane v14, v9;
	v30 =	vld [tilespmem:s23+$0xFFFFFFA0];
	[tilespmem:s12+$0x20] =	vst v17;
	v17 =	vmul.f32 v26, v28  }
0x190: {  	[tilespmem:s12+$0xB0] =	vst v23;
	v23 =	vld [tilespmem:s25+$0x30];
	v26 =	vmul.f32 v27, v29  }
0x191: {  	v14 =	vmul.f32 v14, v24;
	v24 =	vperm.xlane v15, v5;
	v27 =	vld [tilespmem:s25+$0xC0];
	[tilespmem:s12+$0xFFFFFF00] =	vst v17  }
0x192: {  	v16 =	vmul.f32 v16, v25;
	v17 =	vperm.xlane v13, v5;
	[tilespmem:s12+$0xFFFFFF90] =	vst v26;
	v25 =	vld [tilespmem:s25+$0xFFFFFF10]  }
0x193: {  	[tilespmem:s26+$0xFFFFFF50] =	vst v14;
	v18 =	vmul.f32 v24, v18;
	v14 =	vperm.xlane v20, v5;
	v24 =	vld [tilespmem:s25+$0xFFFFFFA0]  }
0x194: {  	[tilespmem:s26+$0xFFFFFFE0] =	vst v16;
	v26 =	vld [tilespmem:s23+$0x40];
	v16 =	vmul.f32 v17, v30;
	v17 =	vperm.xlane v19, v5  }
0x195: {  	[tilespmem:s28+$0xFFFFFF10] =	vst v18;
	v18 =	vperm.xlane v22, v5;
	v28 =	vld [tilespmem:s23+$0xD0];
	v14 =	vmul.f32 v14, v23  }
0x196: {  	v23 =	vperm.xlane v21, v5;
	[tilespmem:s28+$0xFFFFFFA0] =	vst v16;
	v16 =	vld [tilespmem:s23+$0xFFFFFF20];
	v17 =	vmul.f32 v17, v27  }
0x197: {  	[tilespmem:s12+$0x30] =	vst v14;
	v27 =	vperm.xlane v12, v6;
	v29 =	vld [tilespmem:s23+$0xFFFFFFB0];
	v14 =	vmul.f32 v18, v25  }
0x198: {  	v18 =	vperm.xlane v11, v6;
	[tilespmem:s12+$0xC0] =	vst v17;
	v17 =	vld [tilespmem:s25+$0x40];
	v23 =	vmul.f32 v23, v24  }
0x199: {  	v24 =	vmul.f32 v27, v26;
	v25 =	vperm.xlane v15, v6;
	v26 =	vld [tilespmem:s25+$0xD0];
	[tilespmem:s12+$0xFFFFFF10] =	vst v14  }
0x19a: {  	v14 =	vperm.xlane v13, v6;
	v18 =	vmul.f32 v18, v28;
	[tilespmem:s12+$0xFFFFFFA0] =	vst v23;
	v23 =	vld [tilespmem:s25+$0xFFFFFF20]  }
0x19b: {  	[tilespmem:s28+$0x40] =	vst v24;
	v24 =	vperm.xlane v20, v6;
	v16 =	vmul.f32 v25, v16;
	v25 =	vld [tilespmem:s25+$0xFFFFFFB0]  }
0x19c: {  	v27 =	vld [tilespmem:s23+$0x50];
	v14 =	vmul.f32 v14, v29;
	[tilespmem:s28+$0xD0] =	vst v18;
	v18 =	vperm.xlane v19, v6  }
0x19d: {  	v28 =	vld [tilespmem:s23+$0xE0];
	[tilespmem:s28+$0xFFFFFF20] =	vst v16;
	v16 =	vmul.f32 v24, v17;
	v17 =	vperm.xlane v22, v6  }
0x19e: {  	v24 =	vld [tilespmem:s23+$0xFFFFFF30];
	[tilespmem:s28+$0xFFFFFFB0] =	vst v14;
	v14 =	vperm.xlane v21, v6;
	v18 =	vmul.f32 v18, v26  }
0x19f: {  	v26 =	vperm.xlane v12, v7;
	v29 =	vld [tilespmem:s23+$0xFFFFFFC0];
	[tilespmem:s12+$0x40] =	vst v16;
	v16 =	vmul.f32 v17, v23  }
0x1a0: {  	v17 =	vperm.xlane v11, v7;
	v23 =	vld [tilespmem:s25+$0x50];
	v14 =	vmul.f32 v14, v25;
	[tilespmem:s12+$0xD0] =	vst v18  }
0x1a1: {  	v18 =	vmul.f32 v26, v27;
	v25 =	vperm.xlane v15, v7;
	v26 =	vld [tilespmem:s25+$0xE0];
	[tilespmem:s12+$0xFFFFFF20] =	vst v16  }
0x1a2: {  	v16 =	vperm.xlane v13, v7;
	v17 =	vmul.f32 v17, v28;
	[tilespmem:s12+$0xFFFFFFB0] =	vst v14;
	v27 =	vld [tilespmem:s25+$0xFFFFFF30]  }
0x1a3: {  	[tilespmem:s28+$0x50] =	vst v18;
	v18 =	vperm.xlane v20, v7;
	v14 =	vmul.f32 v25, v24;
	v24 =	vld [tilespmem:s25+$0xFFFFFFC0]  }
0x1a4: {  	v25 =	vld [tilespmem:s23+$0x60];
	[tilespmem:s28+$0xE0] =	vst v17;
	v16 =	vmul.f32 v16, v29;
	v17 =	vperm.xlane v19, v7  }
0x1a5: {  	v28 =	vld [tilespmem:s23+$0xF0];
	[tilespmem:s28+$0xFFFFFF30] =	vst v14;
	v14 =	vmul.f32 v18, v23;
	v18 =	vperm.xlane v22, v7  }
0x1a6: {  	v23 =	vld [tilespmem:s23+$0xFFFFFF40];
	[tilespmem:s28+$0xFFFFFFC0] =	vst v16;
	v16 =	vperm.xlane v21, v7;
	v17 =	vmul.f32 v17, v26  }
0x1a7: {  	v26 =	vperm.xlane v12, v8;
	v29 =	vld [tilespmem:s23+$0xFFFFFFD0];
	[tilespmem:s12+$0x50] =	vst v14;
	v14 =	vmul.f32 v18, v27  }
0x1a8: {  	v18 =	vperm.xlane v11, v8;
	v27 =	vld [tilespmem:s25+$0x60];
	[tilespmem:s12+$0xE0] =	vst v17;
	v16 =	vmul.f32 v16, v24  }
0x1a9: {  	v17 =	vperm.xlane v15, v8;
	v24 =	vmul.f32 v26, v25;
	v25 =	vld [tilespmem:s25+$0xF0];
	[tilespmem:s12+$0xFFFFFF30] =	vst v14  }
0x1aa: {  	v14 =	vperm.xlane v13, v8;
	v18 =	vmul.f32 v18, v28;
	[tilespmem:s12+$0xFFFFFFC0] =	vst v16;
	v26 =	vld [tilespmem:s25+$0xFFFFFF40]  }
0x1ab: {  	[tilespmem:s28+$0x60] =	vst v24;
	v16 =	vmul.f32 v17, v23;
	v17 =	vperm.xlane v20, v8;
	v23 =	vld [tilespmem:s25+$0xFFFFFFD0]  }
0x1ac: {  	v24 =	vld [tilespmem:s23+$0x70];
	[tilespmem:s28+$0xF0] =	vst v18;
	v14 =	vmul.f32 v14, v29;
	v18 =	vperm.xlane v19, v8  }
0x1ad: {  	v28 =	vld [tilespmem:s23+$0x100];
	[tilespmem:s28+$0xFFFFFF40] =	vst v16;
	v16 =	vperm.xlane v22, v8;
	v17 =	vmul.f32 v17, v27  }
0x1ae: {  	v27 =	vld [tilespmem:s23+$0xFFFFFF50];
	[tilespmem:s28+$0xFFFFFFD0] =	vst v14;
	v14 =	vperm.xlane v21, v8;
	v18 =	vmul.f32 v18, v25  }
0x1af: {  	v12 =	vperm.xlane v12, v9;
	v25 =	vld [tilespmem:s23+$0xFFFFFFE0];
	[tilespmem:s12+$0x60] =	vst v17;
	v16 =	vmul.f32 v16, v26  }
0x1b0: {  	v11 =	vperm.xlane v11, v9;
	v17 =	vld [tilespmem:s25+$0x70];
	[tilespmem:s12+$0xF0] =	vst v18;
	v14 =	vmul.f32 v14, v23  }
0x1b1: {  	v15 =	vperm.xlane v15, v9;
	v12 =	vmul.f32 v12, v24;
	v18 =	vld [tilespmem:s25+$0x100];
	[tilespmem:s12+$0xFFFFFF40] =	vst v16  }
0x1b2: {  	v13 =	vperm.xlane v13, v9;
	v11 =	vmul.f32 v11, v28;
	[tilespmem:s12+$0xFFFFFFD0] =	vst v14;
	v16 =	vld [tilespmem:s25+$0xFFFFFF50]  }
0x1b3: {  	[tilespmem:s28+$0x70] =	vst v12;
	v14 =	vperm.xlane v20, v9;
	v12 =	vmul.f32 v15, v27;
	v15 =	vld [tilespmem:s25+$0xFFFFFFE0]  }
0x1b4: {  	[tilespmem:s28+$0x100] =	vst v11;
	v11 =	vmul.f32 v13, v25;
	v13 =	vperm.xlane v19, v9  }
0x1b5: {  	[tilespmem:s28+$0xFFFFFF50] =	vst v12;
	v12 =	vmul.f32 v14, v17;
	v14 =	vperm.xlane v22, v9  }
0x1b6: {  	[tilespmem:s28+$0xFFFFFFE0] =	vst v11;
	v11 =	vperm.xlane v21, v9;
	v13 =	vmul.f32 v13, v18  }
0x1b7: {  	s9 =	smul.u32 $0x140, s21;
	[tilespmem:s12+$0x70] =	vst v12;
	v12 =	vmul.f32 v14, v16  }
0x1b8: {  	[tilespmem:s12+$0x100] =	vst v13;
	v11 =	vmul.f32 v11, v15  }
0x1b9: {  	s23 =	sshra.s32 s9, $0x2;
	[tilespmem:s12+$0xFFFFFF50] =	vst v12  }
0x1ba: {  	s9 =	sadd.s32 $0x15FA0, s23;
	[tilespmem:s12+$0xFFFFFFE0] =	vst v11  }
0x1bb: {  	[spmem:s3] =	stream.indirect.scatter.add.f32 [tilespmem:s7], [sflag:$0x3], $0x90, s9, s13, $0xb8;
	[tilespmem:$0x1E600] =	vst v63  }
0x1bc: {  	s9 =	simm.s32 @!p1 $0x1  }
0x1bd: {  	s12 =	smul.u32 @!p1 $0xA0, s24;
	_ =	swait.ge @!p1 [sflag:s9], $0x28  }
0x1be: {  	[sflag:s9] =	ssyncset.done @!p1 $0x0  }
0x1bf: {  	[sflag:s9] =	ssyncadd.s32 @!p1 $0xFFFFFFD8;
	s9 =	sshra.s32 @!p1 s12, $0x2  }
0x1c0: {  	s24 =	simm.s32 @!p1 $0x186D8;
	s12 =	simm.s32 @!p1 $0x28;
	s9 =	sadd.s32 @!p1 $0x15FA0, s9  }
0x1c1: {  	[tilespmem:s24], [sflag:$0x2] =	stream.indirect.gather @!p1 [hbm4b:s2+s12], $0x10, s9, s12, $0xb8;
	[tilespmem:$0x1E600] =	vst v63  }
0x1c2: {  	s9 =	simm.s32 @!p1 $0x186B0;
	s24 =	simm.s32 @!p1 $0x18958  }
0x1c3: {  	[tilespmem:s24], [sflag:$0x2] =	stream.indirect.gather @!p1 [hbm4b:s6+s12], $0x90, s9, s12, $0xb8;
	[tilespmem:$0x1E600] =	vst v63  }
0x1c4: {  	s22 =	sadd.s32 $0x3, s22;
	_ =	swait.ge [sflag:s17], $0x280  }
0x1c5: {  	s9 =	smul.u32 @!p1 $0x28, s22;
	[sflag:s17] =	ssyncset.done $0x0  }
0x1c6: {  	[sflag:s17] =	ssyncadd.s32 $0xFFFFFD80  }
0x1c7: {  	s9 =	sadd.s32 @!p1 s8, s9;
	_ =	swait.ge [sflag:s17], $0x1680  }
0x1c8: {  	s12 =	simm.s32 @!p1 $0x0;
	s9 =	sshrl.u32 @!p1 s9, $0x3;
	[sflag:s17] =	ssyncset.done $0x0  }
0x1c9: {  	s24 =	simm.s32 @!p1 $0x1B658;
	s9 =	sadd.s32 @!p1 s5, s9;
	[sflag:s17] =	ssyncadd.s32 $0xFFFFE980  }
0x1ca: {  	[tilespmem:s24], [sflag:$0x4] =	stream.linear.gather @!p1 [hbm4b:s9+s12], $0x28, $0x38;
	[tilespmem:$0x1E600] =	vst v63  }
0x1cb: {  	s9 =	simm.s32 @!p2 $0x6  }
0x1cc: {  	_ =	swait.ge @!p2 [sflag:s9], $0x1680  }
0x1cd: {  	[sflag:s9] =	ssyncset.done @!p2 $0x0  }
0x1ce: {  	s24 =	simm.s32 $0x1B6A0;
	[sflag:s9] =	ssyncadd.s32 @!p2 $0xFFFFE980  }
0x1cf: {  	s28 =	simm.s32 $0x1BA20;
	v11 =	vld [tilespmem:s24+$0x10]  }
0x1d0: {  	v12 =	vld [tilespmem:s28+$0x110]  }
0x1d1: {  	v13 =	vld [tilespmem:s24+$0x0]  }
0x1d2: {  	v14 =	vld [tilespmem:s28+$0x80];
	_ =	sdelay $0x3  }
0x1d3: {  	v11 =	vadd.f32 v11, v12  }
0x1d4: {  	v16 =	vld [tilespmem:s28+$0xFFFFFFF0];
	v13 =	vadd.f32 v13, v14  }
0x1d5: {  	v12 =	vld [tilespmem:s24+$0xFFFFFFF0];
	v15 =	vmul.f32 $2.000000030e-01, v11  }
0x1d6: {  	v14 =	vld [tilespmem:s28+$0xFFFFFF60];
	vm1 =	vgt.f32 v11, $0.0e+00;
	v17 =	vmul.f32 $2.000000030e-01, v13  }
0x1d7: {  	v11 =	vsel vm1, v11, v15;
	v15 =	vld [tilespmem:s24+$0xFFFFFFE0];
	vm1 =	vgt.f32 v13, $0.0e+00  }
0x1d8: {  	v11 =	vsub.f32 v11, v10;
	v13 =	vsel vm1, v13, v17  }
0x1d9: {  	v13 =	vsub.f32 v13, v10  }
0x1da: {  	v12 =	vadd.f32 v12, v16;
	v11 =	vmul.f32 $1.442695020e+00, v11  }
0x1db: {  	v13 =	vmul.f32 $1.442695020e+00, v13  }
0x1dc: {  	(erf) = vpow2.f32 v11;
	v11 =	vadd.f32 v15, v14;
	v14 =	vmul.f32 $2.000000030e-01, v12  }
0x1dd: {  	vm1 =	vgt.f32 v12, $0.0e+00  }
0x1de: {  	(erf) = vpow2.f32 v13;
	v15 =	vmul.f32 $2.000000030e-01, v11;
	v12 =	vsel vm1, v12, v14  }
0x1df: {  	vm1 =	vgt.f32 v11, $0.0e+00;
	v12 =	vsub.f32 v12, v10  }
0x1e0: {  	v11 =	vsel vm1, v11, v15  }
0x1e1: {  	v11 =	vsub.f32 v11, v10;
	v12 =	vmul.f32 $1.442695020e+00, v12;
	_ =	sdelay $0x1  }
0x1e2: {  	v11 =	vmul.f32 $1.442695020e+00, v11;
	(erf) = vpow2.f32 v12;
	_ =	sdelay $0x1  }
0x1e3: {  	v12 =	vpop (erf);
	(erf) = vpow2.f32 v11  }
0x1e4: {  	s26 =	simm.s32 $0x1D0A0;
	v13 =	vnsel vm0, $0x0, v12  }
0x1e5: {  	[tilespmem:s26+$0x110] =	vst v13;
	v11 =	vpop (erf)  }
0x1e6: {  	v12 =	vld [tilespmem:s28+$0x90];
	v19 =	vnsel vm0, $0x0, v11  }
0x1e7: {  	[tilespmem:s26+$0x80] =	vst v19  }
0x1e8: {  	s25 =	simm.s32 $0x1B6E0;
	v14 =	vperm.xlane v13, v2;
	v11 =	vld [tilespmem:s28+$0x0]  }
0x1e9: {  	s24 =	simm.s32 $0x1BC60;
	v16 =	vld [tilespmem:s25+$0x10]  }
0x1ea: {  	v17 =	vld [tilespmem:s24+$0x110];
	v15 =	vpop (erf)  }
0x1eb: {  	v12 =	vmul.f32 v14, v12;
	v20 =	vnsel vm0, $0x0, v15;
	v15 =	vperm.xlane v19, v2  }
0x1ec: {  	v14 =	vpop (erf);
	[tilespmem:s26+$0xFFFFFFF0] =	vst v20  }
0x1ed: {  	[tilespmem:s26+$0x90] =	vst v12;
	v14 =	vnsel vm0, $0x0, v14;
	v12 =	vld [tilespmem:s28+$0xFFFFFF70];
	v11 =	vmul.f32 v15, v11  }
0x1ee: {  	v15 =	vld [tilespmem:s28+$0xA0];
	[tilespmem:s26+$0xFFFFFF60] =	vst v14  }
0x1ef: {  	v16 =	vadd.f32 v16, v17;
	v18 =	vld [tilespmem:s28+$0xFFFFFEE0];
	[tilespmem:s26+$0x0] =	vst v11  }
0x1f0: {  	v11 =	vperm.xlane v20, v2;
	v21 =	vld [tilespmem:s28+$0x10]  }
0x1f1: {  	v22 =	vld [tilespmem:s25+$0xFFFFFFF0];
	v26 =	vmul.f32 $2.000000030e-01, v16;
	v23 =	vperm.xlane v13, v3  }
0x1f2: {  	v24 =	vld [tilespmem:s25+$0x0];
	v17 =	vperm.xlane v14, v2;
	v11 =	vmul.f32 v11, v12  }
0x1f3: {  	v12 =	vld [tilespmem:s24+$0x80];
	v15 =	vmul.f32 v23, v15;
	v23 =	vperm.xlane v19, v3  }
0x1f4: {  	v25 =	vld [tilespmem:s24+$0xFFFFFFF0];
	vm1 =	vgt.f32 v16, $0.0e+00;
	v17 =	vmul.f32 v17, v18;
	[tilespmem:s26+$0xFFFFFF70] =	vst v11  }
0x1f5: {  	v16 =	vsel vm1, v16, v26;
	v11 =	vld [tilespmem:s28+$0xFFFFFF80];
	[tilespmem:s26+$0xA0] =	vst v15;
	v15 =	vmul.f32 v23, v21  }
0x1f6: {  	v16 =	vsub.f32 v16, v10;
	[tilespmem:s26+$0xFFFFFEE0] =	vst v17;
	v17 =	vld [tilespmem:s28+$0xB0]  }
0x1f7: {  	v18 =	vld [tilespmem:s28+$0xFFFFFEF0];
	[tilespmem:s26+$0x10] =	vst v15  }
0x1f8: {  	v16 =	vmul.f32 $1.442695020e+00, v16;
	v21 =	vperm.xlane v20, v3;
	v12 =	vadd.f32 v24, v12;
	v23 =	vld [tilespmem:s28+$0x20]  }
0x1f9: {  	v27 =	vld [tilespmem:s25+$0xFFFFFFE0];
	v26 =	vperm.xlane v14, v3;
	v15 =	vperm.xlane v13, v4  }
0x1fa: {  	v24 =	vld [tilespmem:s24+$0xFFFFFF60];
	v11 =	vmul.f32 v21, v11;
	v21 =	vmul.f32 $2.000000030e-01, v12  }
0x1fb: {  	vm1 =	vgt.f32 v12, $0.0e+00;
	v15 =	vmul.f32 v15, v17;
	v17 =	vperm.xlane v19, v4  }
0x1fc: {  	s25 =	simm.s32 $0x1BEA0;
	(erf) = vpow2.f32 v16;
	v18 =	vmul.f32 v26, v18;
	[tilespmem:s26+$0xFFFFFF80] =	vst v11;
	v11 =	vsel vm1, v12, v21  }
0x1fd: {  	v53 =	vld [tilespmem:s25+$0x110];
	v16 =	vadd.f32 v22, v25;
	[tilespmem:s26+$0xB0] =	vst v15;
	v11 =	vsub.f32 v11, v10;
	v15 =	vmul.f32 v17, v23  }
0x1fe: {  	v12 =	vld [tilespmem:s28+$0xFFFFFF90];
	[tilespmem:s26+$0xFFFFFEF0] =	vst v18  }
0x1ff: {  	v23 =	vadd.f32 v27, v24;
	v18 =	vld [tilespmem:s28+$0xFFFFFF00];
	v11 =	vmul.f32 $1.442695020e+00, v11;
	[tilespmem:s26+$0x20] =	vst v15;
	v15 =	vmul.f32 $2.000000030e-01, v16  }
0x200: {  	vm1 =	vgt.f32 v16, $0.0e+00;
	v24 =	vperm.xlane v20, v4;
	v25 =	vld [tilespmem:s28+$0x30]  }
0x201: {  	s12 =	simm.s32 $0x1B720;
	v44 =	vld [tilespmem:s25+$0x80];
	v26 =	vmul.f32 $2.000000030e-01, v23;
	v15 =	vsel vm1, v16, v15;
	(erf) = vpow2.f32 v11  }
0x202: {  	v22 =	vld [tilespmem:s12+$0xFFFFFFF0];
	v11 =	vperm.xlane v14, v4;
	vm1 =	vgt.f32 v23, $0.0e+00;
	v15 =	vsub.f32 v15, v10  }
0x203: {  	v21 =	vld [tilespmem:s25+$0xFFFFFF60];
	v16 =	vperm.xlane v19, v5;
	v12 =	vmul.f32 v24, v12;
	v23 =	vsel vm1, v23, v26  }
0x204: {  	v17 =	vld [tilespmem:s28+$0xC0];
	v11 =	vmul.f32 v11, v18;
	v18 =	vsub.f32 v23, v10;
	v15 =	vmul.f32 $1.442695020e+00, v15  }
0x205: {  	v31 =	vperm.xlane v13, v8;
	v24 =	vld [tilespmem:s12+$0x10];
	[tilespmem:s26+$0xFFFFFF90] =	vst v12;
	v12 =	vmul.f32 v16, v25  }
0x206: {  	v26 =	vld [tilespmem:s12+$0x0];
	v18 =	vmul.f32 $1.442695020e+00, v18;
	(erf) = vpow2.f32 v15  }
0x207: {  	v37 =	vperm.xlane v13, v7;
	v38 =	vperm.xlane v19, v7;
	[tilespmem:s26+$0xFFFFFF00] =	vst v11;
	v15 =	vld [tilespmem:s28+$0xFFFFFFA0]  }
0x208: {  	v27 =	vperm.xlane v13, v5;
	v16 =	vpop (erf);
	[tilespmem:s26+$0x30] =	vst v12;
	v28 =	vld [tilespmem:s28+$0xFFFFFF10];
	(erf) = vpow2.f32 v18  }
0x209: {  	s29 =	simm.s32 $0x1D2E0;
	v55 =	vperm.xlane v14, v5;
	v43 =	vperm.xlane v14, v6;
	v11 =	vnsel vm0, $0x0, v16;
	v29 =	vld [tilespmem:s28+$0x40]  }
0x20a: {  	v23 =	vld [tilespmem:s25+$0xFFFFFFF0];
	v25 =	vmul.f32 v27, v17;
	v27 =	vperm.xlane v20, v5;
	[tilespmem:s29+$0x110] =	vst v11  }
0x20b: {  	v52 =	vperm.xlane v14, v7;
	v17 =	vperm.xlane v13, v9;
	v30 =	vld [tilespmem:s24+$0x90];
	v12 =	vpop (erf)  }
0x20c: {  	[tilespmem:s26+$0xC0] =	vst v25;
	v25 =	vld [tilespmem:s12+$0xFFFFFFE0];
	v12 =	vnsel vm0, $0x0, v12;
	v15 =	vmul.f32 v27, v15;
	v27 =	vperm.xlane v19, v6  }
0x20d: {  	v16 =	vperm.xlane v20, v9;
	v56 =	vld [tilespmem:s28+$0xD0];
	[tilespmem:s29+$0x80] =	vst v12;
	v28 =	vmul.f32 v55, v28  }
0x20e: {  	v54 =	vperm.xlane v11, v2;
	v57 =	vld [tilespmem:s24+$0x0];
	[tilespmem:s26+$0xFFFFFFA0] =	vst v15;
	v15 =	vmul.f32 v27, v29  }
0x20f: {  	v42 =	vperm.xlane v11, v3;
	v18 =	vperm.xlane v12, v5;
	[tilespmem:s26+$0xFFFFFF10] =	vst v28;
	v28 =	vld [tilespmem:s28+$0xFFFFFFB0];
	v58 =	vpop (erf)  }
0x210: {  	v27 =	vmul.f32 v54, v30;
	v59 =	vld [tilespmem:s28+$0xFFFFFF20];
	[tilespmem:s26+$0x40] =	vst v15;
	v15 =	vperm.xlane v13, v6;
	v13 =	vnsel vm0, $0x0, v58  }
0x211: {  	v40 =	vperm.xlane v12, v2;
	v50 =	vperm.xlane v12, v3;
	v60 =	vld [tilespmem:s28+$0x50];
	v39 =	vpop (erf);
	[tilespmem:s29+$0xFFFFFFF0] =	vst v13  }
0x212: {  	[tilespmem:s29+$0x90] =	vst v27;
	v27 =	vperm.xlane v20, v6;
	v34 =	vmul.f32 v15, v56;
	v15 =	vnsel vm0, $0x0, v39;
	v61 =	vld [tilespmem:s24+$0xFFFFFF70]  }
0x213: {  	v29 =	vperm.xlane v19, v9;
	v41 =	vld [tilespmem:s24+$0xA0];
	v35 =	vmul.f32 v40, v57;
	[tilespmem:s29+$0xFFFFFF60] =	vst v15  }
0x214: {  	v30 =	vperm.xlane v20, v8;
	v27 =	vmul.f32 v27, v28;
	[tilespmem:s26+$0xD0] =	vst v34;
	v28 =	vld [tilespmem:s24+$0xFFFFFEE0]  }
0x215: {  	v62 =	vperm.xlane v13, v2;
	v36 =	vmul.f32 v43, v59;
	[tilespmem:s29+$0x0] =	vst v35;
	v63 =	vld [tilespmem:s28+$0xE0]  }
0x216: {  	v24 =	vadd.f32 v24, v53;
	v19 =	vperm.xlane v19, v8;
	v33 =	vmul.f32 v38, v60;
	v45 =	vld [tilespmem:s24+$0x10];
	[tilespmem:s26+$0xFFFFFFB0] =	vst v27  }
0x217: {  	v47 =	vperm.xlane v15, v2;
	[tilespmem:s26+$0xFFFFFF20] =	vst v36;
	v49 =	vld [tilespmem:s28+$0xFFFFFFC0];
	v34 =	vmul.f32 v62, v61  }
0x218: {  	v46 =	vmul.f32 v42, v41;
	v27 =	vmul.f32 $2.000000030e-01, v24;
	v48 =	vld [tilespmem:s28+$0xFFFFFF30];
	[tilespmem:s26+$0x50] =	vst v33  }
0x219: {  	vm1 =	vgt.f32 v24, $0.0e+00;
	v54 =	vperm.xlane v11, v4;
	v51 =	vld [tilespmem:s28+$0x60];
	v28 =	vmul.f32 v47, v28;
	[tilespmem:s29+$0xFFFFFF70] =	vst v34  }
0x21a: {  	v20 =	vperm.xlane v20, v7;
	v24 =	vsel vm1, v24, v27;
	[tilespmem:s29+$0xA0] =	vst v46;
	v35 =	vmul.f32 v37, v63;
	v27 =	vld [tilespmem:s24+$0xFFFFFF80]  }
0x21b: {  	v58 =	vperm.xlane v11, v5;
	v53 =	vld [tilespmem:s24+$0xB0];
	[tilespmem:s29+$0xFFFFFEE0] =	vst v28;
	v28 =	vmul.f32 v50, v45  }
0x21c: {  	v56 =	vperm.xlane v13, v3;
	[tilespmem:s26+$0xE0] =	vst v35;
	v20 =	vmul.f32 v20, v49;
	v55 =	vld [tilespmem:s24+$0xFFFFFEF0]  }
0x21d: {  	v26 =	vadd.f32 v26, v44;
	v40 =	vperm.xlane v14, v8;
	v36 =	vmul.f32 v52, v48;
	[tilespmem:s29+$0x10] =	vst v28;
	v28 =	vld [tilespmem:s28+$0xF0]  }
0x21e: {  	v59 =	vperm.xlane v15, v3;
	v24 =	vsub.f32 v24, v10;
	v19 =	vmul.f32 v19, v51;
	[tilespmem:s26+$0xFFFFFFC0] =	vst v20;
	v57 =	vld [tilespmem:s24+$0x20]  }
0x21f: {  	v20 =	vmul.f32 $2.000000030e-01, v26;
	[tilespmem:s26+$0xFFFFFF30] =	vst v36;
	v60 =	vld [tilespmem:s28+$0xFFFFFFD0];
	v27 =	vmul.f32 v56, v27  }
0x220: {  	vm1 =	vgt.f32 v26, $0.0e+00;
	v24 =	vmul.f32 $1.442695020e+00, v24;
	v32 =	vmul.f32 v54, v53;
	v36 =	vld [tilespmem:s28+$0xFFFFFF40];
	[tilespmem:s26+$0x60] =	vst v19  }
0x221: {  	v20 =	vsel vm1, v26, v20;
	v61 =	vld [tilespmem:s28+$0x70];
	v19 =	vmul.f32 v59, v55;
	[tilespmem:s29+$0xFFFFFF80] =	vst v27;
	v27 =	vperm.xlane v12, v4  }
0x222: {  	(erf) = vpow2.f32 v24;
	[tilespmem:s29+$0xB0] =	vst v32;
	v20 =	vsub.f32 v20, v10;
	v24 =	vld [tilespmem:s24+$0xFFFFFF90];
	v26 =	vmul.f32 v31, v28  }
0x223: {  	v21 =	vadd.f32 v25, v21;
	v32 =	vld [tilespmem:s24+$0xC0];
	v28 =	vperm.xlane v15, v4;
	[tilespmem:s29+$0xFFFFFEF0] =	vst v19;
	v31 =	vmul.f32 v27, v57  }
0x224: {  	v62 =	vadd.f32 v22, v23;
	v20 =	vmul.f32 $1.442695020e+00, v20;
	v25 =	vmul.f32 v30, v60;
	v27 =	vld [tilespmem:s24+$0xFFFFFF00];
	[tilespmem:s26+$0xF0] =	vst v26  }
0x225: {  	v19 =	vperm.xlane v13, v4;
	v22 =	vmul.f32 v40, v36;
	[tilespmem:s29+$0x20] =	vst v31;
	v26 =	vld [tilespmem:s28+$0x100]  }
0x226: {  	v31 =	vmul.f32 $2.000000030e-01, v62;
	v63 =	vmul.f32 v29, v61;
	[tilespmem:s26+$0xFFFFFFD0] =	vst v25;
	v23 =	vld [tilespmem:s24+$0x30]  }
0x227: {  	s30 =	simm.s32 $0x8;
	vm2 =	vgt.f32 v62, $0.0e+00;
	[tilespmem:s26+$0xFFFFFF40] =	vst v22;
	v22 =	vmul.f32 $2.000000030e-01, v21;
	v25 =	vld [tilespmem:s28+$0xFFFFFFE0];
	v30 =	vmul.f32 v19, v24  }
0x228: {  	s31 =	simm.s32 $0x1B760;
	s12 =	simm.s32 $0x1C0E0;
	vm1 =	vgt.f32 v21, $0.0e+00;
	v29 =	vmul.f32 v58, v32;
	v24 =	vld [tilespmem:s28+$0xFFFFFF50];
	v31 =	vsel vm2, v62, v31;
	[tilespmem:s26+$0x70] =	vst v63;
	s28 =	simm.s32 $0x1D2E0  }
.LBB2_10:
0x229: {  	v19 =	vld [tilespmem:s12+$0xFFFFFF60];
	s30 =	sadd.s32 $0x4, s30;
	v21 =	vsel vm1, v21, v22;
	(erf) = vpow2.f32 v20;
	v22 =	vmul.f32 v28, v27;
	[tilespmem:s29+$0xFFFFFF90] =	vst v30;
	s9 =	smov.u32 s25;
	s25 =	smov.u32 s12  }
0x22a: {  	v27 =	vsub.f32 v31, v10;
	v20 =	vld [tilespmem:s31+$0xFFFFFFF0];
	p2 =	slt.u32 s30, $0x24;
	v21 =	vsub.f32 v21, v10;
	[tilespmem:s29+$0xC0] =	vst v29;
	v17 =	vmul.f32 v17, v26  }
0x22b: {  	v28 =	vld [tilespmem:s31+$0x10];
	v26 =	vpop (erf);
	[tilespmem:s29+$0xFFFFFF00] =	vst v22;
	v18 =	vmul.f32 v18, v23;
	v22 =	vperm.xlane v14, v9;
	v14 =	vmov v15  }
0x22c: {  	v27 =	vmul.f32 $1.442695020e+00, v27;
	v23 =	vld [tilespmem:s31+$0x0];
	v15 =	vmul.f32 $1.442695020e+00, v21;
	v29 =	vnsel vm0, $0x0, v26;
	[tilespmem:s26+$0x100] =	vst v17  }
0x22d: {  	s29 =	sadd.s32 $0x240, s29;
	v26 =	vperm.xlane v13, v5;
	v21 =	vld [tilespmem:s12+$0xFFFFFFF0];
	[tilespmem:s28+$0x30] =	vst v18;
	v17 =	vmul.f32 v22, v24  }
0x22e: {  	v16 =	vmul.f32 v16, v25;
	[tilespmem:s29+$0x110] =	vst v29;
	(erf) = vpow2.f32 v27;
	v18 =	vld [tilespmem:s24+$0xFFFFFFA0]  }
0x22f: {  	(erf) = vpow2.f32 v15;
	v15 =	vld [tilespmem:s24+$0xFFFFFF10];
	[tilespmem:s26+$0xFFFFFF50] =	vst v17  }
0x230: {  	v17 =	vperm.xlane v11, v9;
	v24 =	vld [tilespmem:s24+$0x40];
	[tilespmem:s26+$0xFFFFFFE0] =	vst v16;
	s26 =	smov.u32 s28;
	s28 =	smov.u32 s29  }
0x231: {  	v25 =	vperm.xlane v11, v8;
	v16 =	vperm.xlane v13, v9;
	v27 =	vld [tilespmem:s9+$0x90]  }
0x232: {  	v33 =	vperm.xlane v14, v5;
	v31 =	vperm.xlane v29, v2;
	v30 =	vld [tilespmem:s12+$0x110];
	v32 =	vpop (erf)  }
0x233: {  	v34 =	vperm.xlane v12, v6;
	v22 =	vld [tilespmem:s31+$0xFFFFFFE0];
	v32 =	vnsel vm0, $0x0, v32;
	v26 =	vmul.f32 v26, v18  }
0x234: {  	[tilespmem:s29+$0x80] =	vst v32;
	v18 =	vperm.xlane v32, v5;
	v36 =	vmul.f32 v33, v15;
	v33 =	vld [tilespmem:s24+$0xD0]  }
0x235: {  	v35 =	vld [tilespmem:s9+$0x0];
	[tilespmem:s26+$0xFFFFFFA0] =	vst v26;
	v34 =	vmul.f32 v34, v24;
	v24 =	vperm.xlane v12, v9  }
0x236: {  	v26 =	vperm.xlane v13, v8;
	v27 =	vmul.f32 v31, v27;
	[tilespmem:s26+$0xFFFFFF10] =	vst v36;
	v31 =	vld [tilespmem:s24+$0xFFFFFFB0]  }
0x237: {  	v37 =	vperm.xlane v11, v7;
	v15 =	vpop (erf);
	v36 =	vld [tilespmem:s24+$0xFFFFFF20];
	[tilespmem:s26+$0x40] =	vst v34;
	v34 =	vperm.xlane v11, v6;
	v11 =	vmov v29  }
0x238: {  	v39 =	vperm.xlane v12, v7;
	v29 =	vnsel vm0, $0x0, v15;
	[tilespmem:s29+$0x90] =	vst v27;
	v15 =	vpop (erf);
	v27 =	vperm.xlane v13, v6;
	v38 =	vld [tilespmem:s24+$0x50]  }
0x239: {  	v40 =	vperm.xlane v32, v2;
	v15 =	vnsel vm0, $0x0, v15;
	[tilespmem:s29+$0xFFFFFFF0] =	vst v29;
	v41 =	vld [tilespmem:s9+$0xA0];
	v33 =	vmul.f32 v34, v33  }
0x23a: {  	v43 =	vperm.xlane v14, v6;
	v42 =	vperm.xlane v11, v3;
	v34 =	vld [tilespmem:s9+$0xFFFFFF70]  }
0x23b: {  	v35 =	vmul.f32 v40, v35;
	v44 =	vld [tilespmem:s12+$0x80];
	[tilespmem:s29+$0xFFFFFF60] =	vst v15;
	v27 =	vmul.f32 v27, v31  }
0x23c: {  	v40 =	vperm.xlane v14, v8;
	v31 =	vld [tilespmem:s9+$0xFFFFFEE0];
	v36 =	vmul.f32 v43, v36;
	[tilespmem:s26+$0xD0] =	vst v33  }
0x23d: {  	v33 =	vperm.xlane v29, v2;
	[tilespmem:s29+$0x0] =	vst v35;
	v35 =	vmul.f32 v39, v38;
	v38 =	vld [tilespmem:s24+$0xE0]  }
0x23e: {  	v28 =	vadd.f32 v28, v30;
	v30 =	vld [tilespmem:s9+$0x10];
	v39 =	vmul.f32 v42, v41;
	[tilespmem:s26+$0xFFFFFF20] =	vst v36;
	v36 =	vperm.xlane v12, v8  }
0x23f: {  	v41 =	vperm.xlane v15, v2;
	v12 =	vmov v32;
	v33 =	vmul.f32 v33, v34;
	v34 =	vld [tilespmem:s24+$0xFFFFFF30];
	[tilespmem:s26+$0xFFFFFFB0] =	vst v27  }
0x240: {  	v42 =	vperm.xlane v13, v7;
	v13 =	vmov v29;
	v27 =	vmul.f32 $2.000000030e-01, v28;
	v32 =	vld [tilespmem:s24+$0xFFFFFFC0];
	[tilespmem:s26+$0x50] =	vst v35  }
0x241: {  	vm1 =	vgt.f32 v28, $0.0e+00;
	v29 =	vmul.f32 v41, v31;
	[tilespmem:s29+$0xFFFFFF70] =	vst v33;
	v31 =	vperm.xlane v12, v3;
	v33 =	vld [tilespmem:s24+$0x60]  }
0x242: {  	v35 =	vperm.xlane v14, v7;
	v27 =	vsel vm1, v28, v27;
	v28 =	vld [tilespmem:s9+$0xFFFFFF80];
	[tilespmem:s29+$0xA0] =	vst v39;
	v37 =	vmul.f32 v37, v38  }
0x243: {  	v27 =	vsub.f32 v27, v10;
	[tilespmem:s29+$0xFFFFFEE0] =	vst v29;
	v29 =	vmul.f32 v31, v30;
	v30 =	vld [tilespmem:s9+$0xB0];
	v31 =	vperm.xlane v11, v4  }
0x244: {  	v39 =	vperm.xlane v13, v3;
	v38 =	vld [tilespmem:s9+$0xFFFFFEF0];
	v34 =	vmul.f32 v35, v34;
	[tilespmem:s26+$0xE0] =	vst v37  }
0x245: {  	v27 =	vmul.f32 $1.442695020e+00, v27;
	[tilespmem:s29+$0x10] =	vst v29;
	v29 =	vmul.f32 v42, v32;
	v32 =	vld [tilespmem:s24+$0xF0]  }
0x246: {  	v23 =	vadd.f32 v23, v44;
	v37 =	vperm.xlane v11, v5;
	v35 =	vld [tilespmem:s9+$0x20];
	[tilespmem:s26+$0xFFFFFF30] =	vst v34;
	v33 =	vmul.f32 v36, v33  }
0x247: {  	v34 =	vperm.xlane v15, v3;
	v28 =	vmul.f32 v39, v28;
	v36 =	vld [tilespmem:s24+$0xFFFFFF40];
	[tilespmem:s26+$0xFFFFFFC0] =	vst v29  }
0x248: {  	vm1 =	vgt.f32 v23, $0.0e+00;
	v29 =	vmul.f32 $2.000000030e-01, v23;
	v30 =	vmul.f32 v31, v30;
	v31 =	vld [tilespmem:s24+$0xFFFFFFD0];
	[tilespmem:s26+$0x60] =	vst v33  }
0x249: {  	v33 =	vmul.f32 v34, v38;
	[tilespmem:s29+$0xFFFFFF80] =	vst v28;
	v28 =	vperm.xlane v12, v4;
	v34 =	vld [tilespmem:s24+$0x70]  }
0x24a: {  	v23 =	vsel vm1, v23, v29;
	(erf) = vpow2.f32 v27;
	v29 =	vld [tilespmem:s9+$0xFFFFFF90];
	[tilespmem:s29+$0xB0] =	vst v30;
	v25 =	vmul.f32 v25, v32  }
0x24b: {  	v23 =	vsub.f32 v23, v10;
	v30 =	vperm.xlane v13, v4;
	[tilespmem:s29+$0xFFFFFEF0] =	vst v33;
	v32 =	vmul.f32 v28, v35;
	v33 =	vld [tilespmem:s9+$0xC0]  }
.Ltmp6:
0x24c: {  	v35 =	vadd.f32 v20, v21;
	v28 =	vperm.xlane v15, v4;
	v27 =	vld [tilespmem:s9+$0xFFFFFF00];
	v36 =	vmul.f32 v40, v36;
	[tilespmem:s26+$0xF0] =	vst v25;
	(pc) =	sbr.rel @p2 .LBB2_10-.Ltmp6, $4  }
0x24d: {  	v21 =	vadd.f32 v22, v19;
	v20 =	vmul.f32 $1.442695020e+00, v23;
	[tilespmem:s29+$0x20] =	vst v32;
	v19 =	vmul.f32 v26, v31;
	v26 =	vld [tilespmem:s24+$0x100]  }
0x24e: {  	v25 =	vmul.f32 $2.000000030e-01, v35;
	v23 =	vld [tilespmem:s9+$0x30];
	[tilespmem:s26+$0xFFFFFF40] =	vst v36;
	v32 =	vmul.f32 v24, v34  }
0x24f: {  	v22 =	vmul.f32 $2.000000030e-01, v21;
	vm2 =	vgt.f32 v35, $0.0e+00;
	v30 =	vmul.f32 v30, v29;
	v24 =	vld [tilespmem:s24+$0xFFFFFF50];
	[tilespmem:s26+$0xFFFFFFD0] =	vst v19  }
0x250: {  	s31 =	sadd.s32 $0x40, s31;
	s12 =	sadd.s32 $0x240, s12;
	vm1 =	vgt.f32 v21, $0.0e+00;
	v31 =	vsel vm2, v35, v25;
	v29 =	vmul.f32 v37, v33;
	v25 =	vld [tilespmem:s24+$0xFFFFFFE0];
	[tilespmem:s26+$0x70] =	vst v32;
	s24 =	smov.u32 s9  }
0x251: {  	v19 =	vsel vm1, v21, v22;
	v46 =	vsub.f32 v31, v10  }
0x252: {  	v19 =	vsub.f32 v19, v10  }
0x253: {  	v21 =	vmul.f32 $1.442695020e+00, v46  }
0x254: {  	(erf) = vpow2.f32 v20;
	v19 =	vmul.f32 $1.442695020e+00, v19  }
0x255: {  	(erf) = vpow2.f32 v21  }
0x256: {  	(erf) = vpow2.f32 v19;
	_ =	sdelay $0x5  }
0x257: {  	v47 =	vpop (erf)  }
0x258: {  	s12 =	sadd.s32 $0x240, s29;
	v19 =	vnsel vm0, $0x0, v47;
	v20 =	vpop (erf)  }
0x259: {  	[tilespmem:s12+$0x110] =	vst v19;
	v20 =	vnsel vm0, $0x0, v20;
	v21 =	vpop (erf)  }
0x25a: {  	v32 =	vld [tilespmem:s25+$0x90];
	[tilespmem:s12+$0x80] =	vst v20;
	v48 =	vpop (erf);
	v21 =	vnsel vm0, $0x0, v21  }
0x25b: {  	v49 =	vld [tilespmem:s25+$0x0];
	v22 =	vnsel vm0, $0x0, v48;
	[tilespmem:s12+$0xFFFFFFF0] =	vst v21  }
0x25c: {  	[tilespmem:s12+$0xFFFFFF60] =	vst v22;
	v35 =	vld [tilespmem:s25+$0xFFFFFF70]  }
0x25d: {  	v36 =	vperm.xlane v19, v2;
	v33 =	vld [tilespmem:s25+$0xFFFFFEE0]  }
0x25e: {  	v34 =	vperm.xlane v20, v2  }
0x25f: {  	v32 =	vmul.f32 v36, v32;
	v51 =	vperm.xlane v21, v2  }
0x260: {  	v50 =	vperm.xlane v22, v2;
	v31 =	vmul.f32 v34, v49  }
0x261: {  	[tilespmem:s12+$0x90] =	vst v32;
	v54 =	vmul.f32 v51, v35  }
0x262: {  	v55 =	vld [tilespmem:s25+$0xA0];
	[tilespmem:s12+$0x0] =	vst v31;
	v52 =	vmul.f32 v50, v33  }
0x263: {  	v53 =	vld [tilespmem:s25+$0x10];
	[tilespmem:s12+$0xFFFFFF70] =	vst v54  }
0x264: {  	[tilespmem:s12+$0xFFFFFEE0] =	vst v52;
	v57 =	vld [tilespmem:s25+$0xFFFFFF80]  }
0x265: {  	v58 =	vperm.xlane v19, v3;
	v31 =	vld [tilespmem:s25+$0xFFFFFEF0]  }
0x266: {  	v56 =	vperm.xlane v20, v3  }
0x267: {  	v61 =	vperm.xlane v21, v3;
	v60 =	vmul.f32 v58, v55  }
0x268: {  	[tilespmem:s29+$0xFFFFFF90] =	vst v30;
	v59 =	vperm.xlane v22, v3;
	v32 =	vmul.f32 v56, v53  }
0x269: {  	[tilespmem:s12+$0xA0] =	vst v60;
	v63 =	vmul.f32 v61, v57  }
0x26a: {  	v36 =	vld [tilespmem:s25+$0xB0];
	[tilespmem:s12+$0x10] =	vst v32;
	v31 =	vmul.f32 v59, v31  }
0x26b: {  	v62 =	vld [tilespmem:s25+$0x20];
	[tilespmem:s12+$0xFFFFFF80] =	vst v63  }
0x26c: {  	v27 =	vmul.f32 v28, v27;
	[tilespmem:s12+$0xFFFFFEF0] =	vst v31;
	v39 =	vld [tilespmem:s25+$0xFFFFFF90]  }
0x26d: {  	[tilespmem:s29+$0xC0] =	vst v29;
	v17 =	vmul.f32 v17, v26;
	v40 =	vperm.xlane v19, v4;
	v37 =	vld [tilespmem:s25+$0xFFFFFF00]  }
0x26e: {  	[tilespmem:s29+$0xFFFFFF00] =	vst v27;
	v18 =	vmul.f32 v18, v23;
	v38 =	vperm.xlane v20, v4  }
0x26f: {  	[tilespmem:s26+$0x100] =	vst v17;
	v44 =	vperm.xlane v21, v4;
	v23 =	vmul.f32 v40, v36  }
0x270: {  	v45 =	vld [tilespmem:s24+$0xFFFFFFA0];
	[tilespmem:s28+$0x30] =	vst v18;
	v42 =	vperm.xlane v22, v4;
	v41 =	vmul.f32 v38, v62  }
0x271: {  	v14 =	vperm.xlane v14, v9;
	v43 =	vld [tilespmem:s24+$0xFFFFFF10];
	[tilespmem:s12+$0xB0] =	vst v23;
	v48 =	vmul.f32 v44, v39  }
0x272: {  	v50 =	vld [tilespmem:s25+$0xC0];
	[tilespmem:s12+$0x20] =	vst v41;
	v46 =	vmul.f32 v42, v37  }
0x273: {  	v14 =	vmul.f32 v14, v24;
	v51 =	vperm.xlane v13, v5;
	v47 =	vld [tilespmem:s25+$0x30];
	[tilespmem:s12+$0xFFFFFF90] =	vst v48  }
0x274: {  	v16 =	vmul.f32 v16, v25;
	v49 =	vperm.xlane v15, v5;
	[tilespmem:s12+$0xFFFFFF00] =	vst v46;
	v54 =	vld [tilespmem:s25+$0xFFFFFFA0]  }
0x275: {  	[tilespmem:s26+$0xFFFFFF50] =	vst v14;
	v56 =	vmul.f32 v51, v45;
	v57 =	vperm.xlane v19, v5;
	v52 =	vld [tilespmem:s25+$0xFFFFFF10]  }
0x276: {  	[tilespmem:s26+$0xFFFFFFE0] =	vst v16;
	v18 =	vmul.f32 v49, v43;
	v58 =	vld [tilespmem:s24+$0xD0];
	v53 =	vperm.xlane v20, v5  }
0x277: {  	v55 =	vld [tilespmem:s24+$0x40];
	[tilespmem:s28+$0xFFFFFFA0] =	vst v56;
	v61 =	vperm.xlane v21, v5;
	v17 =	vmul.f32 v57, v50  }
0x278: {  	[tilespmem:s28+$0xFFFFFF10] =	vst v18;
	v59 =	vperm.xlane v22, v5;
	v63 =	vld [tilespmem:s24+$0xFFFFFFB0];
	v14 =	vmul.f32 v53, v47  }
0x279: {  	v60 =	vld [tilespmem:s24+$0xFFFFFF20];
	v31 =	vperm.xlane v11, v6;
	[tilespmem:s12+$0xC0] =	vst v17;
	v23 =	vmul.f32 v61, v54  }
0x27a: {  	v62 =	vperm.xlane v12, v6;
	v35 =	vld [tilespmem:s25+$0xD0];
	[tilespmem:s12+$0x30] =	vst v14;
	v30 =	vmul.f32 v59, v52  }
0x27b: {  	v36 =	vperm.xlane v13, v6;
	v18 =	vmul.f32 v31, v58;
	v32 =	vld [tilespmem:s25+$0x40];
	[tilespmem:s12+$0xFFFFFFA0] =	vst v23  }
0x27c: {  	v34 =	vperm.xlane v15, v6;
	v33 =	vmul.f32 v62, v55;
	[tilespmem:s12+$0xFFFFFF10] =	vst v30;
	v39 =	vld [tilespmem:s25+$0xFFFFFFB0]  }
0x27d: {  	v41 =	vperm.xlane v19, v6;
	[tilespmem:s28+$0xD0] =	vst v18;
	v14 =	vmul.f32 v36, v63;
	v37 =	vld [tilespmem:s25+$0xFFFFFF20]  }
0x27e: {  	v16 =	vmul.f32 v34, v60;
	v38 =	vperm.xlane v20, v6;
	[tilespmem:s28+$0x40] =	vst v33;
	v42 =	vld [tilespmem:s24+$0xE0]  }
0x27f: {  	v40 =	vld [tilespmem:s24+$0x50];
	v46 =	vperm.xlane v21, v6;
	v18 =	vmul.f32 v41, v35;
	[tilespmem:s28+$0xFFFFFFB0] =	vst v14  }
0x280: {  	[tilespmem:s28+$0xFFFFFF20] =	vst v16;
	v44 =	vperm.xlane v22, v6;
	v48 =	vld [tilespmem:s24+$0xFFFFFFC0];
	v43 =	vmul.f32 v38, v32  }
0x281: {  	v45 =	vld [tilespmem:s24+$0xFFFFFF30];
	v50 =	vperm.xlane v11, v7;
	[tilespmem:s12+$0xD0] =	vst v18;
	v14 =	vmul.f32 v46, v39  }
0x282: {  	v47 =	vperm.xlane v12, v7;
	v54 =	vld [tilespmem:s25+$0xE0];
	[tilespmem:s12+$0x40] =	vst v43;
	v49 =	vmul.f32 v44, v37  }
0x283: {  	v55 =	vperm.xlane v13, v7;
	v17 =	vmul.f32 v50, v42;
	v51 =	vld [tilespmem:s25+$0x50];
	[tilespmem:s12+$0xFFFFFFB0] =	vst v14  }
0x284: {  	v53 =	vperm.xlane v15, v7;
	v52 =	vmul.f32 v47, v40;
	[tilespmem:s12+$0xFFFFFF20] =	vst v49;
	v59 =	vld [tilespmem:s25+$0xFFFFFFC0]  }
0x285: {  	[tilespmem:s28+$0xE0] =	vst v17;
	v61 =	vperm.xlane v19, v7;
	v16 =	vmul.f32 v55, v48;
	v56 =	vld [tilespmem:s25+$0xFFFFFF30]  }
0x286: {  	v58 =	vperm.xlane v20, v7;
	v57 =	vmul.f32 v53, v45;
	v62 =	vld [tilespmem:s24+$0xF0];
	[tilespmem:s28+$0x50] =	vst v52  }
0x287: {  	v34 =	vperm.xlane v21, v7;
	v60 =	vld [tilespmem:s24+$0x60];
	v17 =	vmul.f32 v61, v54;
	[tilespmem:s28+$0xFFFFFFC0] =	vst v16  }
0x288: {  	[tilespmem:s28+$0xFFFFFF30] =	vst v57;
	v32 =	vperm.xlane v22, v7;
	v36 =	vld [tilespmem:s24+$0xFFFFFFD0];
	v63 =	vmul.f32 v58, v51  }
0x289: {  	v33 =	vld [tilespmem:s24+$0xFFFFFF40];
	v38 =	vperm.xlane v11, v8;
	[tilespmem:s12+$0xE0] =	vst v17;
	v16 =	vmul.f32 v34, v59  }
0x28a: {  	v35 =	vperm.xlane v12, v8;
	v42 =	vld [tilespmem:s25+$0xF0];
	[tilespmem:s12+$0x50] =	vst v63;
	v37 =	vmul.f32 v32, v56  }
0x28b: {  	v43 =	vperm.xlane v13, v8;
	v18 =	vmul.f32 v38, v62;
	v39 =	vld [tilespmem:s25+$0x60];
	[tilespmem:s12+$0xFFFFFFC0] =	vst v16  }
0x28c: {  	v40 =	vperm.xlane v15, v8;
	v41 =	vmul.f32 v35, v60;
	[tilespmem:s12+$0xFFFFFF30] =	vst v37;
	v47 =	vld [tilespmem:s25+$0xFFFFFFD0]  }
0x28d: {  	v48 =	vperm.xlane v19, v8;
	[tilespmem:s28+$0xF0] =	vst v18;
	v14 =	vmul.f32 v43, v36;
	v44 =	vld [tilespmem:s25+$0xFFFFFF40]  }
0x28e: {  	v45 =	vmul.f32 v40, v33;
	v46 =	vperm.xlane v20, v8;
	[tilespmem:s28+$0x60] =	vst v41;
	v49 =	vld [tilespmem:s24+$0x100]  }
0x28f: {  	v52 =	vperm.xlane v21, v8;
	v24 =	vld [tilespmem:s24+$0x70];
	v18 =	vmul.f32 v48, v42;
	[tilespmem:s28+$0xFFFFFFD0] =	vst v14  }
0x290: {  	v50 =	vperm.xlane v22, v8;
	[tilespmem:s28+$0xFFFFFF40] =	vst v45;
	v54 =	vld [tilespmem:s24+$0xFFFFFFE0];
	v17 =	vmul.f32 v46, v39  }
0x291: {  	v11 =	vperm.xlane v11, v9;
	v51 =	vld [tilespmem:s24+$0xFFFFFF50];
	[tilespmem:s12+$0xF0] =	vst v18;
	v14 =	vmul.f32 v52, v47  }
0x292: {  	v53 =	vperm.xlane v12, v9;
	v18 =	vld [tilespmem:s25+$0x100];
	[tilespmem:s12+$0x60] =	vst v17;
	v16 =	vmul.f32 v50, v44  }
0x293: {  	v11 =	vmul.f32 v11, v49;
	v56 =	vperm.xlane v13, v9;
	v17 =	vld [tilespmem:s25+$0x70];
	[tilespmem:s12+$0xFFFFFFD0] =	vst v14  }
0x294: {  	v55 =	vperm.xlane v15, v9;
	v12 =	vmul.f32 v53, v24;
	[tilespmem:s12+$0xFFFFFF40] =	vst v16;
	v59 =	vld [tilespmem:s25+$0xFFFFFFE0]  }
0x295: {  	v60 =	vperm.xlane v19, v9;
	[tilespmem:s28+$0x100] =	vst v11;
	v11 =	vmul.f32 v56, v54;
	v16 =	vld [tilespmem:s25+$0xFFFFFF50]  }
0x296: {  	v58 =	vperm.xlane v20, v9;
	v57 =	vmul.f32 v55, v51;
	[tilespmem:s28+$0x70] =	vst v12  }
0x297: {  	v13 =	vmul.f32 v60, v18;
	[tilespmem:s28+$0xFFFFFFE0] =	vst v11;
	v11 =	vperm.xlane v21, v9  }
0x298: {  	v62 =	vperm.xlane v22, v9;
	[tilespmem:s28+$0xFFFFFF50] =	vst v57;
	v61 =	vmul.f32 v58, v17  }
.Ltmp7:
0x299: {  	[tilespmem:s12+$0x100] =	vst v13;
	v11 =	vmul.f32 v11, v59;
	(pc) =	sbr.rel @p1 .LBB2_13-.Ltmp7, $4  }
0x29a: {  	[tilespmem:s12+$0x70] =	vst v61;
	v63 =	vmul.f32 v62, v16  }
0x29b: {  	[tilespmem:s12+$0xFFFFFFE0] =	vst v11  }
0x29c: {  	s9 =	sadd.s32 $0x15FC8, s23;
	[tilespmem:s12+$0xFFFFFF50] =	vst v63  }
0x29d: {  	[spmem:s3] =	stream.indirect.scatter.add.f32 [tilespmem:s18], [sflag:$0x6], $0x90, s9, s13, $0xb8;
	[tilespmem:$0x1E600] =	vst v63  }
0x29e: {  	s9 =	smul.u32 $0xA0, s22  }
0x29f: {  	_ =	swait.ge [sflag:s14], $0x28  }
.Ltmp8:
0x2a0: {  	[sflag:s14] =	ssyncset.done $0x0;
	s9 =	sshra.s32 s9, $0x2;
	(pc) =	sbr.rel .LBB2_4-.Ltmp8, $4  }
0x2a1: {  	[sflag:s14] =	ssyncadd.s32 $0xFFFFFFD8;
	s9 =	sadd.s32 $0x15FA0, s9  }
0x2a2: {  	[tilespmem:s15], [sflag:$0x5] =	stream.indirect.gather [hbm4b:s2+s13], $0x10, s9, s13, $0xb8;
	[tilespmem:$0x1E600] =	vst v63  }
0x2a3: {  	s21 =	sadd.s32 $0x1, s21  }
0x2a4: {  	[tilespmem:s4], [sflag:$0x5] =	stream.indirect.gather [hbm4b:s6+s13], $0x90, s11, s13, $0xb8;
	[tilespmem:$0x1E600] =	vst v63  }
.LBB2_14:
0x2a5: {  	_ =	sfence.sel $0x180000  }
0x2a6: {  	[bflag:$0x0] =	sbarrier.arrive $0xFFFF  }
0x2a7: {  	_ =	strace $0x90000047  }
0x2a8: {  	s0 =	stileid.u32;
	[bflag:$0x2] =	sbarrier.arrive $0xFFFF  }
0x2a9: {  	p0 =	sne.s32 s0, $0x0;
	s0 =	rddreg [dreg:$0x3]  }
0x2aa: {  	s0 =	sadd.s32 @!p0 $0x100000, s0  }
0x2ab: {  	[sflag:s0] =	ssyncadd.tile.s32 @!p0 $0x1;
	_ =	shalt  }
.Lfunc_end2:
_tile_overlayer_lowered:
.L_overlay_start_2:
0x2ac: {  	(tag) =	ssettag $0x2  }
0x2ad: {  	s0 =	rddreg [dreg:$0x0];
	s2 =	stileid.u32  }
0x2ae: {  	s1 =	rddreg [dreg:$0x1];
	p0 =	sne.s32 s2, $0x0  }
0x2af: {  	s3 =	rddreg [dreg:$0x2];
	[bflag:$0x3] =	sbarrier.arrive $0xFFFF;
	s2 =	simm.s32 @!p0 $0x1C07  }
0x2b0: {  	[timem:s3], [sflag:s2] =	dma.local @!p0 [hbm:s0], s1  }
0x2b1: {  	s0 =	simm.s32 @!p0 $0x7  }
0x2b2: {  	_ =	swait.ge @!p0 [sflag:s0], s1  }
0x2b3: {  	s1 =	ssub.s32 @!p0 $0x0, s1;
	[sflag:s0] =	ssyncset.done @!p0 $0x0  }
0x2b4: {  	[sflag:s0] =	ssyncadd.s32 @!p0 s1  }
0x2b5: {  	[bflag:$0x3] =	sbarrier.arrive $0xFFFF  }
0x2b6: {  	_ =	shalt  }

</sc_bundles>
